<compile_context>
chip_gen: v7x
topology: tpu7x:2x2x1
jax: 0.10.2.dev20260603
libtpu: 0.0.44.dev20260713+nightly
codegen_flags: <defaults>
</compile_context>

<pallas_src>
import functools

import jax
import jax.numpy as jnp
from jax import lax
from jax.experimental import pallas as pl
from jax.experimental.pallas import tpu as pltpu
from jax.experimental.pallas import tpu_sc as plsc

NC = 2
NS = 16
NW = NC * NS
LANES = 16

CH = 80
NR = 4
NP = 6
UNROLL = 12


def _phase1(N, D, E_pad, tpc):
    main = (N // NS) // 8 * 8
    rem = N - main * NS
    outer = -(-(tpc + 1) // UNROLL)
    mesh = plsc.VectorSubcoreMesh(core_axis_name="c", subcore_axis_name="s")

    @functools.partial(
        pl.kernel,
        out_type=jax.ShapeDtypeStruct((NC, N, D), jnp.float32),
        mesh=mesh,
        compiler_params=pltpu.CompilerParams(needs_layout_passes=False),
        scratch_types=(
            [pltpu.VMEM((3, CH), jnp.int32) for _ in range(NP)]
            + [pltpu.VMEM((CH, D), jnp.float32) for _ in range(NR)]
            + [pltpu.VMEM_SHARED((N, D), jnp.float32)]
            + [pltpu.SemaphoreType.DMA for _ in range(NP + 2 * NR)]
        ),
    )
    def p1(pk_hbm, x_hbm, out_hbm, *scratch):
        pk = list(scratch[:NP])
        rows = list(scratch[NP:NP + NR])
        acc = scratch[NP + NR]
        psem = list(scratch[NP + NR + 1:NP + NR + 1 + NP])
        gsem = list(scratch[NP + NR + 1 + NP:NP + NR + 1 + NP + NR])
        ssem = list(scratch[NP + NR + 1 + NP + NR:])

        cid = lax.axis_index("c")
        sid = lax.axis_index("s")
        wid = cid * NS + sid

        def pk_start(c, bp):
            pltpu.async_copy(pk_hbm.at[wid + c * NW], pk[bp], psem[bp])

        def pk_wait(c, bp):
            pltpu.make_async_copy(pk_hbm.at[wid + c * NW], pk[bp],
                                  psem[bp]).wait()

        def g_start(br, bp):
            pltpu.async_copy(x_hbm.at[pk[bp].at[0]], rows[br], gsem[br])

        def g_wait(br, bp):
            pltpu.make_async_copy(x_hbm.at[pk[bp].at[0]], rows[br],
                                  gsem[br]).wait()

        def s_start(br, bp):
            pltpu.async_copy(rows[br], acc.at[pk[bp].at[1]], ssem[br],
                             add=True)

        def s_wait(br, bp):
            pltpu.make_async_copy(rows[br], acc.at[pk[bp].at[1]],
                                  ssem[br]).wait()

        two = jnp.full((LANES,), 2, jnp.int32)

        def scale(br, bp):
            def sbody(i, carry):
                v = plsc.bitcast(
                    plsc.load_gather(
                        pk[bp], [two, jnp.full((LANES,), i, jnp.int32)]),
                    jnp.float32)
                for kk in range(D // LANES):
                    sl = pl.ds(kk * LANES, LANES)
                    rows[br][i, sl] = rows[br][i, sl] * v
                return carry

            lax.fori_loop(0, CH, sbody, 0)

        for c in range(5):
            pk_start(c, c)
        for c in range(3):
            pk_wait(c, c)
            g_start(c, c)

        zero = jnp.zeros((LANES,), jnp.float32)

        def zbody(r, carry):
            for kk in range(D // LANES):
                rows[3][r, pl.ds(kk * LANES, LANES)] = zero
            return carry

        lax.fori_loop(0, CH, zbody, 0)
        done = 0
        while done < main:
            n = min(CH, main - done)
            pltpu.sync_copy(rows[3].at[pl.ds(0, n)],
                            acc.at[pl.ds(sid * main + done, n)])
            done += n

        @pl.when(sid * 8 < rem)
        def _():
            pltpu.sync_copy(rows[3].at[pl.ds(0, 8)],
                            acc.at[pl.ds(NS * main + sid * 8, 8)])

        plsc.subcore_barrier()

        def obody(it, carry):
            for j in range(UNROLL):
                k = it * UNROLL + j
                br, bp = j % NR, j % NP

                @pl.when(jnp.logical_and(k >= 1, k <= tpc))
                def _():
                    s_wait((j - 1) % NR, (j - 1) % NP)

                @pl.when(k + 3 < tpc)
                def _():
                    pk_wait(k + 3, (j + 3) % NP)
                    g_start((j + 3) % NR, (j + 3) % NP)

                @pl.when(k + 5 < tpc)
                def _():
                    pk_start(k + 5, (j + 5) % NP)

                @pl.when(k < tpc)
                def _():
                    g_wait(br, bp)
                    scale(br, bp)
                    s_start(br, bp)

            return carry

        lax.fori_loop(0, outer, obody, 0)

        plsc.subcore_barrier()
        pltpu.sync_copy(acc.at[pl.ds(sid * main, main)],
                        out_hbm.at[cid, pl.ds(sid * main, main)])

        @pl.when(sid * 8 < rem)
        def _():
            pltpu.sync_copy(acc.at[pl.ds(NS * main + sid * 8, 8)],
                            out_hbm.at[cid, pl.ds(NS * main + sid * 8, 8)])

    return p1


def _combine_body(p_ref, m_ref, o_ref):
    o_ref[...] = (p_ref[0] + p_ref[1]) * m_ref[...]


def kernel(a_indices, a_values, X, X0_mask):
    N, D = X.shape
    E = a_values.shape[0]
    tpc = -(-E // (NW * CH))
    E_pad = NW * CH * tpc
    pad = E_pad - E

    dst = jnp.concatenate([a_indices[0], jnp.zeros((pad,), a_indices.dtype)])
    src = jnp.concatenate([a_indices[1], jnp.zeros((pad,), a_indices.dtype)])
    vbits = lax.bitcast_convert_type(
        jnp.concatenate([a_values, jnp.zeros((pad,), a_values.dtype)]),
        jnp.int32)
    pk = jnp.stack([src.reshape(-1, CH), dst.reshape(-1, CH),
                    vbits.reshape(-1, CH)], axis=1)
    mask_f = X0_mask.astype(jnp.float32).reshape(N, 1)

    partial = _phase1(N, D, E_pad, tpc)(pk, X)

    rb = 2000
    out = pl.pallas_call(
        _combine_body,
        grid=(N // rb,),
        in_specs=[
            pl.BlockSpec((NC, rb, D), lambda i: (0, i, 0)),
            pl.BlockSpec((rb, 1), lambda i: (i, 0)),
        ],
        out_specs=pl.BlockSpec((rb, D), lambda i: (i, 0)),
        out_shape=jax.ShapeDtypeStruct((N, D), jnp.float32),
    )(partial, mask_f)
    return out

# --- scband reference (transcript-rebuilt; emitter-appended) ---
"""Pipeline reference for scband-op-message-passing-23184233463944 (READ-ONLY COPY).

The authoritative reference and input builder live on the scoring server;
editing this copy changes nothing except your own understanding.
"""

import jax, jax.numpy as jnp
import numpy as np

N = 10000
E = 320000
D = 128

def setup_inputs(seed: int = 0) -> dict:
    key = jax.random.key(seed)
    k1, k2, k3 = jax.random.split(key, 3)
    # sparse adjacency A in COO form: row 0 = dst node index, row 1 = src node index
    a_indices = jax.random.randint(k1, (2, E), 0, N)
    # edge weights (SparseTensor values of A)
    a_values = jax.random.uniform(k2, (E,), dtype=jnp.float32)
    # dense node features X (MaskedTensor data, assumed already zero-filled at masked slots)
    X = jax.random.normal(k3, (N, D), dtype=jnp.float32)
    # mask of the target MaskedTensor X0 (all valid here)
    X0_mask = jnp.ones((N,), dtype=bool)
    return {"a_indices": a_indices, "a_values": a_values, "X": X, "X0_mask": X0_mask}

def reference(a_indices, a_values, X, X0_mask):
    # Faithful translation of OpMessagePassing in mode='SD', aggr='sum':
    # out[j, :] = sum_{e : dst(e)=j} A_val[e] * X[src(e), :]
    # (contract dim1=1 of sparse A with dim2=0 of dense X, broadcast feature dim),
    # then apply the mask of the target tensor X0.
    dst = a_indices[0]
    src = a_indices[1]
    messages = jnp.take(X, src, axis=0) * a_values[:, None]  # gather E x D
    out = jax.ops.segment_sum(messages, dst, num_segments=N)  # scatter-add over dst
    out = jnp.where(X0_mask[:, None], out, jnp.zeros_like(out))  # MaskedTensor fill
    return out

if __name__ == "__main__":
    import jax
    _d = setup_inputs()
    print(jax.jit(kernel)(*tuple(_d.values())))

</pallas_src>

<mosaic_0001>
#map = affine_map<(d0, d1) -> (0, 0, 0)>
#map1 = affine_map<(d0, d1) -> (0, 0)>
module attributes {stable_mosaic.version = 14 : i64} {
  func.func @p1(%arg0: i32, %arg1: i32, %arg2: memref<4000x3x80xi32, #tpu.memory_space<hbm>>, %arg3: memref<10000x128xf32, #tpu.memory_space<hbm>>, %arg4: memref<2x10000x128xf32, #tpu.memory_space<hbm>>, %arg5: memref<3x80xi32, #tpu.memory_space<vmem>>, %arg6: memref<3x80xi32, #tpu.memory_space<vmem>>, %arg7: memref<3x80xi32, #tpu.memory_space<vmem>>, %arg8: memref<3x80xi32, #tpu.memory_space<vmem>>, %arg9: memref<3x80xi32, #tpu.memory_space<vmem>>, %arg10: memref<3x80xi32, #tpu.memory_space<vmem>>, %arg11: memref<80x128xf32, #tpu.memory_space<vmem>>, %arg12: memref<80x128xf32, #tpu.memory_space<vmem>>, %arg13: memref<80x128xf32, #tpu.memory_space<vmem>>, %arg14: memref<80x128xf32, #tpu.memory_space<vmem>>, %arg15: memref<10000x128xf32, #tpu.memory_space<vmem_shared>>, %arg16: memref<!tpu.dma_semaphore, #tpu.memory_space<semaphore_mem>>, %arg17: memref<!tpu.dma_semaphore, #tpu.memory_space<semaphore_mem>>, %arg18: memref<!tpu.dma_semaphore, #tpu.memory_space<semaphore_mem>>, %arg19: memref<!tpu.dma_semaphore, #tpu.memory_space<semaphore_mem>>, %arg20: memref<!tpu.dma_semaphore, #tpu.memory_space<semaphore_mem>>, %arg21: memref<!tpu.dma_semaphore, #tpu.memory_space<semaphore_mem>>, %arg22: memref<!tpu.dma_semaphore, #tpu.memory_space<semaphore_mem>>, %arg23: memref<!tpu.dma_semaphore, #tpu.memory_space<semaphore_mem>>, %arg24: memref<!tpu.dma_semaphore, #tpu.memory_space<semaphore_mem>>, %arg25: memref<!tpu.dma_semaphore, #tpu.memory_space<semaphore_mem>>, %arg26: memref<!tpu.dma_semaphore, #tpu.memory_space<semaphore_mem>>, %arg27: memref<!tpu.dma_semaphore, #tpu.memory_space<semaphore_mem>>, %arg28: memref<!tpu.dma_semaphore, #tpu.memory_space<semaphore_mem>>, %arg29: memref<!tpu.dma_semaphore, #tpu.memory_space<semaphore_mem>>) attributes {dimension_semantics = [#tpu.dimension_semantics<core_parallel>, #tpu.dimension_semantics<subcore_parallel>], iteration_bounds = array<i64: 2, 16>, scalar_prefetch = 0 : i64, scratch_operands = 25 : i64, tpu.core_type = #tpu.core_type<sc_vector_subcore>, window_params = [{transform_indices = #map}, {transform_indices = #map1}, {transform_indices = #map}]} {
    %mul3A = arith.constant 16 : i32
    %mul3A_0 = arith.muli %arg0, %mul3A : i32
    %add3A = arith.addi %mul3A_0, %arg1 : i32
    %broadcast_in_dim3A = arith.constant 2 : i32
    %broadcast_in_dim3A_1 = vector.broadcast %broadcast_in_dim3A : i32 to vector<16xi32>
    %add3A_2 = arith.constant 0 : i32
    %add3A_3 = arith.addi %add3A, %add3A_2 : i32
    %dma_start3A = arith.constant 0 : i32
    %dma_start3A_4 = arith.constant 0 : i32
    %dma_start3A_5 = tpu.memref_slice %arg2[%add3A_3, %dma_start3A, %dma_start3A_4] : memref<4000x3x80xi32, #tpu.memory_space<hbm>> -> memref<1x3x80xi32, #tpu.memory_space<hbm>>
    %dma_start3A_6 = tpu.memref_squeeze %dma_start3A_5 : memref<1x3x80xi32, #tpu.memory_space<hbm>> -> memref<3x80xi32, #tpu.memory_space<hbm>>
    %dma_start3A_7 = arith.constant 0 : i32
    %dma_start3A_8 = arith.constant 0 : i32
    %dma_start3A_9 = tpu.memref_slice %arg2[%add3A_3, %dma_start3A_7, %dma_start3A_8] : memref<4000x3x80xi32, #tpu.memory_space<hbm>> -> memref<1x3x80xi32, #tpu.memory_space<hbm>>
    %dma_start3A_10 = tpu.memref_squeeze %dma_start3A_9 : memref<1x3x80xi32, #tpu.memory_space<hbm>> -> memref<3x80xi32, #tpu.memory_space<hbm>>
    tpu.enqueue_dma source(%dma_start3A_10 : memref<3x80xi32, #tpu.memory_space<hbm>>) target(%arg5 : memref<3x80xi32, #tpu.memory_space<vmem>>) target_semaphore(%arg16 : memref<!tpu.dma_semaphore, #tpu.memory_space<semaphore_mem>>)
    %add3A_11 = arith.constant 32 : i32
    %add3A_12 = arith.addi %add3A, %add3A_11 : i32
    %dma_start3A_13 = arith.constant 0 : i32
    %dma_start3A_14 = arith.constant 0 : i32
    %dma_start3A_15 = tpu.memref_slice %arg2[%add3A_12, %dma_start3A_13, %dma_start3A_14] : memref<4000x3x80xi32, #tpu.memory_space<hbm>> -> memref<1x3x80xi32, #tpu.memory_space<hbm>>
    %dma_start3A_16 = tpu.memref_squeeze %dma_start3A_15 : memref<1x3x80xi32, #tpu.memory_space<hbm>> -> memref<3x80xi32, #tpu.memory_space<hbm>>
    %dma_start3A_17 = arith.constant 0 : i32
    %dma_start3A_18 = arith.constant 0 : i32
    %dma_start3A_19 = tpu.memref_slice %arg2[%add3A_12, %dma_start3A_17, %dma_start3A_18] : memref<4000x3x80xi32, #tpu.memory_space<hbm>> -> memref<1x3x80xi32, #tpu.memory_space<hbm>>
    %dma_start3A_20 = tpu.memref_squeeze %dma_start3A_19 : memref<1x3x80xi32, #tpu.memory_space<hbm>> -> memref<3x80xi32, #tpu.memory_space<hbm>>
    tpu.enqueue_dma source(%dma_start3A_20 : memref<3x80xi32, #tpu.memory_space<hbm>>) target(%arg6 : memref<3x80xi32, #tpu.memory_space<vmem>>) target_semaphore(%arg17 : memref<!tpu.dma_semaphore, #tpu.memory_space<semaphore_mem>>)
    %add3A_21 = arith.constant 64 : i32
    %add3A_22 = arith.addi %add3A, %add3A_21 : i32
    %dma_start3A_23 = arith.constant 0 : i32
    %dma_start3A_24 = arith.constant 0 : i32
    %dma_start3A_25 = tpu.memref_slice %arg2[%add3A_22, %dma_start3A_23, %dma_start3A_24] : memref<4000x3x80xi32, #tpu.memory_space<hbm>> -> memref<1x3x80xi32, #tpu.memory_space<hbm>>
    %dma_start3A_26 = tpu.memref_squeeze %dma_start3A_25 : memref<1x3x80xi32, #tpu.memory_space<hbm>> -> memref<3x80xi32, #tpu.memory_space<hbm>>
    %dma_start3A_27 = arith.constant 0 : i32
    %dma_start3A_28 = arith.constant 0 : i32
    %dma_start3A_29 = tpu.memref_slice %arg2[%add3A_22, %dma_start3A_27, %dma_start3A_28] : memref<4000x3x80xi32, #tpu.memory_space<hbm>> -> memref<1x3x80xi32, #tpu.memory_space<hbm>>
    %dma_start3A_30 = tpu.memref_squeeze %dma_start3A_29 : memref<1x3x80xi32, #tpu.memory_space<hbm>> -> memref<3x80xi32, #tpu.memory_space<hbm>>
    tpu.enqueue_dma source(%dma_start3A_30 : memref<3x80xi32, #tpu.memory_space<hbm>>) target(%arg7 : memref<3x80xi32, #tpu.memory_space<vmem>>) target_semaphore(%arg18 : memref<!tpu.dma_semaphore, #tpu.memory_space<semaphore_mem>>)
    %add3A_31 = arith.constant 96 : i32
    %add3A_32 = arith.addi %add3A, %add3A_31 : i32
    %dma_start3A_33 = arith.constant 0 : i32
    %dma_start3A_34 = arith.constant 0 : i32
    %dma_start3A_35 = tpu.memref_slice %arg2[%add3A_32, %dma_start3A_33, %dma_start3A_34] : memref<4000x3x80xi32, #tpu.memory_space<hbm>> -> memref<1x3x80xi32, #tpu.memory_space<hbm>>
    %dma_start3A_36 = tpu.memref_squeeze %dma_start3A_35 : memref<1x3x80xi32, #tpu.memory_space<hbm>> -> memref<3x80xi32, #tpu.memory_space<hbm>>
    %dma_start3A_37 = arith.constant 0 : i32
    %dma_start3A_38 = arith.constant 0 : i32
    %dma_start3A_39 = tpu.memref_slice %arg2[%add3A_32, %dma_start3A_37, %dma_start3A_38] : memref<4000x3x80xi32, #tpu.memory_space<hbm>> -> memref<1x3x80xi32, #tpu.memory_space<hbm>>
    %dma_start3A_40 = tpu.memref_squeeze %dma_start3A_39 : memref<1x3x80xi32, #tpu.memory_space<hbm>> -> memref<3x80xi32, #tpu.memory_space<hbm>>
    tpu.enqueue_dma source(%dma_start3A_40 : memref<3x80xi32, #tpu.memory_space<hbm>>) target(%arg8 : memref<3x80xi32, #tpu.memory_space<vmem>>) target_semaphore(%arg19 : memref<!tpu.dma_semaphore, #tpu.memory_space<semaphore_mem>>)
    %add3A_41 = arith.constant 128 : i32
    %add3A_42 = arith.addi %add3A, %add3A_41 : i32
    %dma_start3A_43 = arith.constant 0 : i32
    %dma_start3A_44 = arith.constant 0 : i32
    %dma_start3A_45 = tpu.memref_slice %arg2[%add3A_42, %dma_start3A_43, %dma_start3A_44] : memref<4000x3x80xi32, #tpu.memory_space<hbm>> -> memref<1x3x80xi32, #tpu.memory_space<hbm>>
    %dma_start3A_46 = tpu.memref_squeeze %dma_start3A_45 : memref<1x3x80xi32, #tpu.memory_space<hbm>> -> memref<3x80xi32, #tpu.memory_space<hbm>>
    %dma_start3A_47 = arith.constant 0 : i32
    %dma_start3A_48 = arith.constant 0 : i32
    %dma_start3A_49 = tpu.memref_slice %arg2[%add3A_42, %dma_start3A_47, %dma_start3A_48] : memref<4000x3x80xi32, #tpu.memory_space<hbm>> -> memref<1x3x80xi32, #tpu.memory_space<hbm>>
    %dma_start3A_50 = tpu.memref_squeeze %dma_start3A_49 : memref<1x3x80xi32, #tpu.memory_space<hbm>> -> memref<3x80xi32, #tpu.memory_space<hbm>>
    tpu.enqueue_dma source(%dma_start3A_50 : memref<3x80xi32, #tpu.memory_space<hbm>>) target(%arg9 : memref<3x80xi32, #tpu.memory_space<vmem>>) target_semaphore(%arg20 : memref<!tpu.dma_semaphore, #tpu.memory_space<semaphore_mem>>)
    %add3A_51 = arith.constant 0 : i32
    %add3A_52 = arith.addi %add3A, %add3A_51 : i32
    %dma_wait3A = arith.constant 0 : i32
    %dma_wait3A_53 = arith.constant 0 : i32
    %dma_wait3A_54 = tpu.memref_slice %arg2[%add3A_52, %dma_wait3A, %dma_wait3A_53] : memref<4000x3x80xi32, #tpu.memory_space<hbm>> -> memref<1x3x80xi32, #tpu.memory_space<hbm>>
    %dma_wait3A_55 = tpu.memref_squeeze %dma_wait3A_54 : memref<1x3x80xi32, #tpu.memory_space<hbm>> -> memref<3x80xi32, #tpu.memory_space<hbm>>
    %dma_wait3A_56 = arith.constant 0 : i32
    %dma_wait3A_57 = arith.constant 0 : i32
    %dma_wait3A_58 = tpu.memref_slice %arg2[%add3A_52, %dma_wait3A_56, %dma_wait3A_57] : memref<4000x3x80xi32, #tpu.memory_space<hbm>> -> memref<1x3x80xi32, #tpu.memory_space<hbm>>
    %dma_wait3A_59 = tpu.memref_squeeze %dma_wait3A_58 : memref<1x3x80xi32, #tpu.memory_space<hbm>> -> memref<3x80xi32, #tpu.memory_space<hbm>>
    tpu.wait_dma2 semaphore(%arg16 : memref<!tpu.dma_semaphore, #tpu.memory_space<semaphore_mem>>) src(%dma_wait3A_59 : memref<3x80xi32, #tpu.memory_space<hbm>>) dst(%arg5 : memref<3x80xi32, #tpu.memory_space<vmem>>)
    %dma_start3A_60 = arith.constant 0 : i32
    %dma_start3A_61 = arith.constant 0 : i32
    %dma_start3A_62 = tpu.memref_slice %arg5[%dma_start3A_60, %dma_start3A_61] : memref<3x80xi32, #tpu.memory_space<vmem>> -> memref<1x80xi32, #tpu.memory_space<vmem>>
    %dma_start3A_63 = tpu.memref_squeeze %dma_start3A_62 : memref<1x80xi32, #tpu.memory_space<vmem>> -> memref<80xi32, #tpu.memory_space<vmem>>
    %dma_start3A_64 = arith.constant 0 : i32
    %dma_start3A_65 = arith.constant 0 : i32
    %dma_start3A_66 = tpu.memref_slice %arg3[%dma_start3A_64, %dma_start3A_65] : memref<10000x128xf32, #tpu.memory_space<hbm>> -> memref<10000x128xf32, #tpu.memory_space<hbm>>
    tpu.enqueue_indirect_dma source(%dma_start3A_66 : memref<10000x128xf32, #tpu.memory_space<hbm>>) target(%arg11 : memref<80x128xf32, #tpu.memory_space<vmem>>) offsets(%dma_start3A_63 : memref<80xi32, #tpu.memory_space<vmem>>) semaphore(%arg22 : memref<!tpu.dma_semaphore, #tpu.memory_space<semaphore_mem>>)
    %add3A_67 = arith.constant 32 : i32
    %add3A_68 = arith.addi %add3A, %add3A_67 : i32
    %dma_wait3A_69 = arith.constant 0 : i32
    %dma_wait3A_70 = arith.constant 0 : i32
    %dma_wait3A_71 = tpu.memref_slice %arg2[%add3A_68, %dma_wait3A_69, %dma_wait3A_70] : memref<4000x3x80xi32, #tpu.memory_space<hbm>> -> memref<1x3x80xi32, #tpu.memory_space<hbm>>
    %dma_wait3A_72 = tpu.memref_squeeze %dma_wait3A_71 : memref<1x3x80xi32, #tpu.memory_space<hbm>> -> memref<3x80xi32, #tpu.memory_space<hbm>>
    %dma_wait3A_73 = arith.constant 0 : i32
    %dma_wait3A_74 = arith.constant 0 : i32
    %dma_wait3A_75 = tpu.memref_slice %arg2[%add3A_68, %dma_wait3A_73, %dma_wait3A_74] : memref<4000x3x80xi32, #tpu.memory_space<hbm>> -> memref<1x3x80xi32, #tpu.memory_space<hbm>>
    %dma_wait3A_76 = tpu.memref_squeeze %dma_wait3A_75 : memref<1x3x80xi32, #tpu.memory_space<hbm>> -> memref<3x80xi32, #tpu.memory_space<hbm>>
    tpu.wait_dma2 semaphore(%arg17 : memref<!tpu.dma_semaphore, #tpu.memory_space<semaphore_mem>>) src(%dma_wait3A_76 : memref<3x80xi32, #tpu.memory_space<hbm>>) dst(%arg6 : memref<3x80xi32, #tpu.memory_space<vmem>>)
    %dma_start3A_77 = arith.constant 0 : i32
    %dma_start3A_78 = arith.constant 0 : i32
    %dma_start3A_79 = tpu.memref_slice %arg6[%dma_start3A_77, %dma_start3A_78] : memref<3x80xi32, #tpu.memory_space<vmem>> -> memref<1x80xi32, #tpu.memory_space<vmem>>
    %dma_start3A_80 = tpu.memref_squeeze %dma_start3A_79 : memref<1x80xi32, #tpu.memory_space<vmem>> -> memref<80xi32, #tpu.memory_space<vmem>>
    %dma_start3A_81 = arith.constant 0 : i32
    %dma_start3A_82 = arith.constant 0 : i32
    %dma_start3A_83 = tpu.memref_slice %arg3[%dma_start3A_81, %dma_start3A_82] : memref<10000x128xf32, #tpu.memory_space<hbm>> -> memref<10000x128xf32, #tpu.memory_space<hbm>>
    tpu.enqueue_indirect_dma source(%dma_start3A_83 : memref<10000x128xf32, #tpu.memory_space<hbm>>) target(%arg12 : memref<80x128xf32, #tpu.memory_space<vmem>>) offsets(%dma_start3A_80 : memref<80xi32, #tpu.memory_space<vmem>>) semaphore(%arg23 : memref<!tpu.dma_semaphore, #tpu.memory_space<semaphore_mem>>)
    %add3A_84 = arith.constant 64 : i32
    %add3A_85 = arith.addi %add3A, %add3A_84 : i32
    %dma_wait3A_86 = arith.constant 0 : i32
    %dma_wait3A_87 = arith.constant 0 : i32
    %dma_wait3A_88 = tpu.memref_slice %arg2[%add3A_85, %dma_wait3A_86, %dma_wait3A_87] : memref<4000x3x80xi32, #tpu.memory_space<hbm>> -> memref<1x3x80xi32, #tpu.memory_space<hbm>>
    %dma_wait3A_89 = tpu.memref_squeeze %dma_wait3A_88 : memref<1x3x80xi32, #tpu.memory_space<hbm>> -> memref<3x80xi32, #tpu.memory_space<hbm>>
    %dma_wait3A_90 = arith.constant 0 : i32
    %dma_wait3A_91 = arith.constant 0 : i32
    %dma_wait3A_92 = tpu.memref_slice %arg2[%add3A_85, %dma_wait3A_90, %dma_wait3A_91] : memref<4000x3x80xi32, #tpu.memory_space<hbm>> -> memref<1x3x80xi32, #tpu.memory_space<hbm>>
    %dma_wait3A_93 = tpu.memref_squeeze %dma_wait3A_92 : memref<1x3x80xi32, #tpu.memory_space<hbm>> -> memref<3x80xi32, #tpu.memory_space<hbm>>
    tpu.wait_dma2 semaphore(%arg18 : memref<!tpu.dma_semaphore, #tpu.memory_space<semaphore_mem>>) src(%dma_wait3A_93 : memref<3x80xi32, #tpu.memory_space<hbm>>) dst(%arg7 : memref<3x80xi32, #tpu.memory_space<vmem>>)
    %dma_start3A_94 = arith.constant 0 : i32
    %dma_start3A_95 = arith.constant 0 : i32
    %dma_start3A_96 = tpu.memref_slice %arg7[%dma_start3A_94, %dma_start3A_95] : memref<3x80xi32, #tpu.memory_space<vmem>> -> memref<1x80xi32, #tpu.memory_space<vmem>>
    %dma_start3A_97 = tpu.memref_squeeze %dma_start3A_96 : memref<1x80xi32, #tpu.memory_space<vmem>> -> memref<80xi32, #tpu.memory_space<vmem>>
    %dma_start3A_98 = arith.constant 0 : i32
    %dma_start3A_99 = arith.constant 0 : i32
    %dma_start3A_100 = tpu.memref_slice %arg3[%dma_start3A_98, %dma_start3A_99] : memref<10000x128xf32, #tpu.memory_space<hbm>> -> memref<10000x128xf32, #tpu.memory_space<hbm>>
    tpu.enqueue_indirect_dma source(%dma_start3A_100 : memref<10000x128xf32, #tpu.memory_space<hbm>>) target(%arg13 : memref<80x128xf32, #tpu.memory_space<vmem>>) offsets(%dma_start3A_97 : memref<80xi32, #tpu.memory_space<vmem>>) semaphore(%arg24 : memref<!tpu.dma_semaphore, #tpu.memory_space<semaphore_mem>>)
    %broadcast_in_dim3A_101 = arith.constant 0.000000e+00 : f32
    %broadcast_in_dim3A_102 = vector.broadcast %broadcast_in_dim3A_101 : f32 to vector<16xf32>
    %scan3A = arith.constant 0 : i32
    %scan3A_103 = arith.constant 0 : i32
    %scan3A_104 = arith.constant 80 : i32
    %scan3A_105 = arith.addi %scan3A_103, %scan3A_104 : i32
    %scan3A_106 = arith.constant 1 : i32
    scf.for %scan3A_162 = %scan3A_103 to %scan3A_105 step %scan3A_106  : i32 {
      %swap3A = arith.index_cast %scan3A_162 : i32 to index
      %swap3A_163 = arith.constant 0 : index
      %swap3A_164 = tpu.vector_load %arg14[%swap3A, %swap3A_163] {strides = array<i32>} : memref<80x128xf32, #tpu.memory_space<vmem>>, vector<16xf32>,
      tpu.vector_store %arg14[%swap3A, %swap3A_163], %broadcast_in_dim3A_102 {strides = array<i32>} : memref<80x128xf32, #tpu.memory_space<vmem>>, vector<16xf32>,
      %swap3A_165 = arith.index_cast %scan3A_162 : i32 to index
      %swap3A_166 = arith.constant 16 : index
      %swap3A_167 = tpu.vector_load %arg14[%swap3A_165, %swap3A_166] {strides = array<i32>} : memref<80x128xf32, #tpu.memory_space<vmem>>, vector<16xf32>,
      tpu.vector_store %arg14[%swap3A_165, %swap3A_166], %broadcast_in_dim3A_102 {strides = array<i32>} : memref<80x128xf32, #tpu.memory_space<vmem>>, vector<16xf32>,
      %swap3A_168 = arith.index_cast %scan3A_162 : i32 to index
      %swap3A_169 = arith.constant 32 : index
      %swap3A_170 = tpu.vector_load %arg14[%swap3A_168, %swap3A_169] {strides = array<i32>} : memref<80x128xf32, #tpu.memory_space<vmem>>, vector<16xf32>,
      tpu.vector_store %arg14[%swap3A_168, %swap3A_169], %broadcast_in_dim3A_102 {strides = array<i32>} : memref<80x128xf32, #tpu.memory_space<vmem>>, vector<16xf32>,
      %swap3A_171 = arith.index_cast %scan3A_162 : i32 to index
      %swap3A_172 = arith.constant 48 : index
      %swap3A_173 = tpu.vector_load %arg14[%swap3A_171, %swap3A_172] {strides = array<i32>} : memref<80x128xf32, #tpu.memory_space<vmem>>, vector<16xf32>,
      tpu.vector_store %arg14[%swap3A_171, %swap3A_172], %broadcast_in_dim3A_102 {strides = array<i32>} : memref<80x128xf32, #tpu.memory_space<vmem>>, vector<16xf32>,
      %swap3A_174 = arith.index_cast %scan3A_162 : i32 to index
      %swap3A_175 = arith.constant 64 : index
      %swap3A_176 = tpu.vector_load %arg14[%swap3A_174, %swap3A_175] {strides = array<i32>} : memref<80x128xf32, #tpu.memory_space<vmem>>, vector<16xf32>,
      tpu.vector_store %arg14[%swap3A_174, %swap3A_175], %broadcast_in_dim3A_102 {strides = array<i32>} : memref<80x128xf32, #tpu.memory_space<vmem>>, vector<16xf32>,
      %swap3A_177 = arith.index_cast %scan3A_162 : i32 to index
      %swap3A_178 = arith.constant 80 : index
      %swap3A_179 = tpu.vector_load %arg14[%swap3A_177, %swap3A_178] {strides = array<i32>} : memref<80x128xf32, #tpu.memory_space<vmem>>, vector<16xf32>,
      tpu.vector_store %arg14[%swap3A_177, %swap3A_178], %broadcast_in_dim3A_102 {strides = array<i32>} : memref<80x128xf32, #tpu.memory_space<vmem>>, vector<16xf32>,
      %swap3A_180 = arith.index_cast %scan3A_162 : i32 to index
      %swap3A_181 = arith.constant 96 : index
      %swap3A_182 = tpu.vector_load %arg14[%swap3A_180, %swap3A_181] {strides = array<i32>} : memref<80x128xf32, #tpu.memory_space<vmem>>, vector<16xf32>,
      tpu.vector_store %arg14[%swap3A_180, %swap3A_181], %broadcast_in_dim3A_102 {strides = array<i32>} : memref<80x128xf32, #tpu.memory_space<vmem>>, vector<16xf32>,
      %swap3A_183 = arith.index_cast %scan3A_162 : i32 to index
      %swap3A_184 = arith.constant 112 : index
      %swap3A_185 = tpu.vector_load %arg14[%swap3A_183, %swap3A_184] {strides = array<i32>} : memref<80x128xf32, #tpu.memory_space<vmem>>, vector<16xf32>,
      tpu.vector_store %arg14[%swap3A_183, %swap3A_184], %broadcast_in_dim3A_102 {strides = array<i32>} : memref<80x128xf32, #tpu.memory_space<vmem>>, vector<16xf32>,
    }
    %scan3A_107 = arith.constant 80 : i32
    %mul3A_108 = arith.constant 624 : i32
    %mul3A_109 = arith.muli %arg1, %mul3A_108 : i32
    %add3A_110 = arith.constant 0 : i32
    %add3A_111 = arith.addi %mul3A_109, %add3A_110 : i32
    "tpu.region"() ({
      %run_scoped3A = tpu.sem_alloc : memref<!tpu.dma_semaphore, #tpu.memory_space<semaphore_mem>>
      %dma_start3A_162 = arith.constant 0 : i32
      %dma_start3A_163 = arith.constant 0 : i32
      %dma_start3A_164 = tpu.memref_slice %arg14[%dma_start3A_162, %dma_start3A_163] : memref<80x128xf32, #tpu.memory_space<vmem>> -> memref<80x128xf32, #tpu.memory_space<vmem>>
      %dma_start3A_165 = arith.constant 0 : i32
      %dma_start3A_166 = tpu.memref_slice %arg15[%add3A_111, %dma_start3A_165] : memref<10000x128xf32, #tpu.memory_space<vmem_shared>> -> memref<80x128xf32, #tpu.memory_space<vmem_shared>>
      %dma_start3A_167 = arith.constant 0 : i32
      %dma_start3A_168 = tpu.memref_slice %arg15[%add3A_111, %dma_start3A_167] : memref<10000x128xf32, #tpu.memory_space<vmem_shared>> -> memref<80x128xf32, #tpu.memory_space<vmem_shared>>
      %dma_start3A_169 = arith.constant 0 : i32
      %dma_start3A_170 = arith.constant 0 : i32
      %dma_start3A_171 = tpu.memref_slice %arg14[%dma_start3A_169, %dma_start3A_170] : memref<80x128xf32, #tpu.memory_space<vmem>> -> memref<80x128xf32, #tpu.memory_space<vmem>>
      tpu.enqueue_dma source(%dma_start3A_171 : memref<80x128xf32, #tpu.memory_space<vmem>>) target(%dma_start3A_168 : memref<80x128xf32, #tpu.memory_space<vmem_shared>>) target_semaphore(%run_scoped3A : memref<!tpu.dma_semaphore, #tpu.memory_space<semaphore_mem>>)
      %dma_wait3A_172 = arith.constant 0 : i32
      %dma_wait3A_173 = arith.constant 0 : i32
      %dma_wait3A_174 = tpu.memref_slice %arg14[%dma_wait3A_172, %dma_wait3A_173] : memref<80x128xf32, #tpu.memory_space<vmem>> -> memref<80x128xf32, #tpu.memory_space<vmem>>
      %dma_wait3A_175 = arith.constant 0 : i32
      %dma_wait3A_176 = tpu.memref_slice %arg15[%add3A_111, %dma_wait3A_175] : memref<10000x128xf32, #tpu.memory_space<vmem_shared>> -> memref<80x128xf32, #tpu.memory_space<vmem_shared>>
      %dma_wait3A_177 = arith.constant 0 : i32
      %dma_wait3A_178 = tpu.memref_slice %arg15[%add3A_111, %dma_wait3A_177] : memref<10000x128xf32, #tpu.memory_space<vmem_shared>> -> memref<80x128xf32, #tpu.memory_space<vmem_shared>>
      %dma_wait3A_179 = arith.constant 0 : i32
      %dma_wait3A_180 = arith.constant 0 : i32
      %dma_wait3A_181 = tpu.memref_slice %arg14[%dma_wait3A_179, %dma_wait3A_180] : memref<80x128xf32, #tpu.memory_space<vmem>> -> memref<80x128xf32, #tpu.memory_space<vmem>>
      tpu.wait_dma2 semaphore(%run_scoped3A : memref<!tpu.dma_semaphore, #tpu.memory_space<semaphore_mem>>) src(%dma_wait3A_181 : memref<80x128xf32, #tpu.memory_space<vmem>>) dst(%dma_wait3A_178 : memref<80x128xf32, #tpu.memory_space<vmem_shared>>)
      tpu.yield
    }) : () -> ()
    %mul3A_112 = arith.constant 624 : i32
    %mul3A_113 = arith.muli %arg1, %mul3A_112 : i32
    %add3A_114 = arith.constant 80 : i32
    %add3A_115 = arith.addi %mul3A_113, %add3A_114 : i32
    "tpu.region"() ({
      %run_scoped3A = tpu.sem_alloc : memref<!tpu.dma_semaphore, #tpu.memory_space<semaphore_mem>>
      %dma_start3A_162 = arith.constant 0 : i32
      %dma_start3A_163 = arith.constant 0 : i32
      %dma_start3A_164 = tpu.memref_slice %arg14[%dma_start3A_162, %dma_start3A_163] : memref<80x128xf32, #tpu.memory_space<vmem>> -> memref<80x128xf32, #tpu.memory_space<vmem>>
      %dma_start3A_165 = arith.constant 0 : i32
      %dma_start3A_166 = tpu.memref_slice %arg15[%add3A_115, %dma_start3A_165] : memref<10000x128xf32, #tpu.memory_space<vmem_shared>> -> memref<80x128xf32, #tpu.memory_space<vmem_shared>>
      %dma_start3A_167 = arith.constant 0 : i32
      %dma_start3A_168 = tpu.memref_slice %arg15[%add3A_115, %dma_start3A_167] : memref<10000x128xf32, #tpu.memory_space<vmem_shared>> -> memref<80x128xf32, #tpu.memory_space<vmem_shared>>
      %dma_start3A_169 = arith.constant 0 : i32
      %dma_start3A_170 = arith.constant 0 : i32
      %dma_start3A_171 = tpu.memref_slice %arg14[%dma_start3A_169, %dma_start3A_170] : memref<80x128xf32, #tpu.memory_space<vmem>> -> memref<80x128xf32, #tpu.memory_space<vmem>>
      tpu.enqueue_dma source(%dma_start3A_171 : memref<80x128xf32, #tpu.memory_space<vmem>>) target(%dma_start3A_168 : memref<80x128xf32, #tpu.memory_space<vmem_shared>>) target_semaphore(%run_scoped3A : memref<!tpu.dma_semaphore, #tpu.memory_space<semaphore_mem>>)
      %dma_wait3A_172 = arith.constant 0 : i32
      %dma_wait3A_173 = arith.constant 0 : i32
      %dma_wait3A_174 = tpu.memref_slice %arg14[%dma_wait3A_172, %dma_wait3A_173] : memref<80x128xf32, #tpu.memory_space<vmem>> -> memref<80x128xf32, #tpu.memory_space<vmem>>
      %dma_wait3A_175 = arith.constant 0 : i32
      %dma_wait3A_176 = tpu.memref_slice %arg15[%add3A_115, %dma_wait3A_175] : memref<10000x128xf32, #tpu.memory_space<vmem_shared>> -> memref<80x128xf32, #tpu.memory_space<vmem_shared>>
      %dma_wait3A_177 = arith.constant 0 : i32
      %dma_wait3A_178 = tpu.memref_slice %arg15[%add3A_115, %dma_wait3A_177] : memref<10000x128xf32, #tpu.memory_space<vmem_shared>> -> memref<80x128xf32, #tpu.memory_space<vmem_shared>>
      %dma_wait3A_179 = arith.constant 0 : i32
      %dma_wait3A_180 = arith.constant 0 : i32
      %dma_wait3A_181 = tpu.memref_slice %arg14[%dma_wait3A_179, %dma_wait3A_180] : memref<80x128xf32, #tpu.memory_space<vmem>> -> memref<80x128xf32, #tpu.memory_space<vmem>>
      tpu.wait_dma2 semaphore(%run_scoped3A : memref<!tpu.dma_semaphore, #tpu.memory_space<semaphore_mem>>) src(%dma_wait3A_181 : memref<80x128xf32, #tpu.memory_space<vmem>>) dst(%dma_wait3A_178 : memref<80x128xf32, #tpu.memory_space<vmem_shared>>)
      tpu.yield
    }) : () -> ()
    %mul3A_116 = arith.constant 624 : i32
    %mul3A_117 = arith.muli %arg1, %mul3A_116 : i32
    %add3A_118 = arith.constant 160 : i32
    %add3A_119 = arith.addi %mul3A_117, %add3A_118 : i32
    "tpu.region"() ({
      %run_scoped3A = tpu.sem_alloc : memref<!tpu.dma_semaphore, #tpu.memory_space<semaphore_mem>>
      %dma_start3A_162 = arith.constant 0 : i32
      %dma_start3A_163 = arith.constant 0 : i32
      %dma_start3A_164 = tpu.memref_slice %arg14[%dma_start3A_162, %dma_start3A_163] : memref<80x128xf32, #tpu.memory_space<vmem>> -> memref<80x128xf32, #tpu.memory_space<vmem>>
      %dma_start3A_165 = arith.constant 0 : i32
      %dma_start3A_166 = tpu.memref_slice %arg15[%add3A_119, %dma_start3A_165] : memref<10000x128xf32, #tpu.memory_space<vmem_shared>> -> memref<80x128xf32, #tpu.memory_space<vmem_shared>>
      %dma_start3A_167 = arith.constant 0 : i32
      %dma_start3A_168 = tpu.memref_slice %arg15[%add3A_119, %dma_start3A_167] : memref<10000x128xf32, #tpu.memory_space<vmem_shared>> -> memref<80x128xf32, #tpu.memory_space<vmem_shared>>
      %dma_start3A_169 = arith.constant 0 : i32
      %dma_start3A_170 = arith.constant 0 : i32
      %dma_start3A_171 = tpu.memref_slice %arg14[%dma_start3A_169, %dma_start3A_170] : memref<80x128xf32, #tpu.memory_space<vmem>> -> memref<80x128xf32, #tpu.memory_space<vmem>>
      tpu.enqueue_dma source(%dma_start3A_171 : memref<80x128xf32, #tpu.memory_space<vmem>>) target(%dma_start3A_168 : memref<80x128xf32, #tpu.memory_space<vmem_shared>>) target_semaphore(%run_scoped3A : memref<!tpu.dma_semaphore, #tpu.memory_space<semaphore_mem>>)
      %dma_wait3A_172 = arith.constant 0 : i32
      %dma_wait3A_173 = arith.constant 0 : i32
      %dma_wait3A_174 = tpu.memref_slice %arg14[%dma_wait3A_172, %dma_wait3A_173] : memref<80x128xf32, #tpu.memory_space<vmem>> -> memref<80x128xf32, #tpu.memory_space<vmem>>
      %dma_wait3A_175 = arith.constant 0 : i32
      %dma_wait3A_176 = tpu.memref_slice %arg15[%add3A_119, %dma_wait3A_175] : memref<10000x128xf32, #tpu.memory_space<vmem_shared>> -> memref<80x128xf32, #tpu.memory_space<vmem_shared>>
      %dma_wait3A_177 = arith.constant 0 : i32
      %dma_wait3A_178 = tpu.memref_slice %arg15[%add3A_119, %dma_wait3A_177] : memref<10000x128xf32, #tpu.memory_space<vmem_shared>> -> memref<80x128xf32, #tpu.memory_space<vmem_shared>>
      %dma_wait3A_179 = arith.constant 0 : i32
      %dma_wait3A_180 = arith.constant 0 : i32
      %dma_wait3A_181 = tpu.memref_slice %arg14[%dma_wait3A_179, %dma_wait3A_180] : memref<80x128xf32, #tpu.memory_space<vmem>> -> memref<80x128xf32, #tpu.memory_space<vmem>>
      tpu.wait_dma2 semaphore(%run_scoped3A : memref<!tpu.dma_semaphore, #tpu.memory_space<semaphore_mem>>) src(%dma_wait3A_181 : memref<80x128xf32, #tpu.memory_space<vmem>>) dst(%dma_wait3A_178 : memref<80x128xf32, #tpu.memory_space<vmem_shared>>)
      tpu.yield
    }) : () -> ()
    %mul3A_120 = arith.constant 624 : i32
    %mul3A_121 = arith.muli %arg1, %mul3A_120 : i32
    %add3A_122 = arith.constant 240 : i32
    %add3A_123 = arith.addi %mul3A_121, %add3A_122 : i32
    "tpu.region"() ({
      %run_scoped3A = tpu.sem_alloc : memref<!tpu.dma_semaphore, #tpu.memory_space<semaphore_mem>>
      %dma_start3A_162 = arith.constant 0 : i32
      %dma_start3A_163 = arith.constant 0 : i32
      %dma_start3A_164 = tpu.memref_slice %arg14[%dma_start3A_162, %dma_start3A_163] : memref<80x128xf32, #tpu.memory_space<vmem>> -> memref<80x128xf32, #tpu.memory_space<vmem>>
      %dma_start3A_165 = arith.constant 0 : i32
      %dma_start3A_166 = tpu.memref_slice %arg15[%add3A_123, %dma_start3A_165] : memref<10000x128xf32, #tpu.memory_space<vmem_shared>> -> memref<80x128xf32, #tpu.memory_space<vmem_shared>>
      %dma_start3A_167 = arith.constant 0 : i32
      %dma_start3A_168 = tpu.memref_slice %arg15[%add3A_123, %dma_start3A_167] : memref<10000x128xf32, #tpu.memory_space<vmem_shared>> -> memref<80x128xf32, #tpu.memory_space<vmem_shared>>
      %dma_start3A_169 = arith.constant 0 : i32
      %dma_start3A_170 = arith.constant 0 : i32
      %dma_start3A_171 = tpu.memref_slice %arg14[%dma_start3A_169, %dma_start3A_170] : memref<80x128xf32, #tpu.memory_space<vmem>> -> memref<80x128xf32, #tpu.memory_space<vmem>>
      tpu.enqueue_dma source(%dma_start3A_171 : memref<80x128xf32, #tpu.memory_space<vmem>>) target(%dma_start3A_168 : memref<80x128xf32, #tpu.memory_space<vmem_shared>>) target_semaphore(%run_scoped3A : memref<!tpu.dma_semaphore, #tpu.memory_space<semaphore_mem>>)
      %dma_wait3A_172 = arith.constant 0 : i32
      %dma_wait3A_173 = arith.constant 0 : i32
      %dma_wait3A_174 = tpu.memref_slice %arg14[%dma_wait3A_172, %dma_wait3A_173] : memref<80x128xf32, #tpu.memory_space<vmem>> -> memref<80x128xf32, #tpu.memory_space<vmem>>
      %dma_wait3A_175 = arith.constant 0 : i32
      %dma_wait3A_176 = tpu.memref_slice %arg15[%add3A_123, %dma_wait3A_175] : memref<10000x128xf32, #tpu.memory_space<vmem_shared>> -> memref<80x128xf32, #tpu.memory_space<vmem_shared>>
      %dma_wait3A_177 = arith.constant 0 : i32
      %dma_wait3A_178 = tpu.memref_slice %arg15[%add3A_123, %dma_wait3A_177] : memref<10000x128xf32, #tpu.memory_space<vmem_shared>> -> memref<80x128xf32, #tpu.memory_space<vmem_shared>>
      %dma_wait3A_179 = arith.constant 0 : i32
      %dma_wait3A_180 = arith.constant 0 : i32
      %dma_wait3A_181 = tpu.memref_slice %arg14[%dma_wait3A_179, %dma_wait3A_180] : memref<80x128xf32, #tpu.memory_space<vmem>> -> memref<80x128xf32, #tpu.memory_space<vmem>>
      tpu.wait_dma2 semaphore(%run_scoped3A : memref<!tpu.dma_semaphore, #tpu.memory_space<semaphore_mem>>) src(%dma_wait3A_181 : memref<80x128xf32, #tpu.memory_space<vmem>>) dst(%dma_wait3A_178 : memref<80x128xf32, #tpu.memory_space<vmem_shared>>)
      tpu.yield
    }) : () -> ()
    %mul3A_124 = arith.constant 624 : i32
    %mul3A_125 = arith.muli %arg1, %mul3A_124 : i32
    %add3A_126 = arith.constant 320 : i32
    %add3A_127 = arith.addi %mul3A_125, %add3A_126 : i32
    "tpu.region"() ({
      %run_scoped3A = tpu.sem_alloc : memref<!tpu.dma_semaphore, #tpu.memory_space<semaphore_mem>>
      %dma_start3A_162 = arith.constant 0 : i32
      %dma_start3A_163 = arith.constant 0 : i32
      %dma_start3A_164 = tpu.memref_slice %arg14[%dma_start3A_162, %dma_start3A_163] : memref<80x128xf32, #tpu.memory_space<vmem>> -> memref<80x128xf32, #tpu.memory_space<vmem>>
      %dma_start3A_165 = arith.constant 0 : i32
      %dma_start3A_166 = tpu.memref_slice %arg15[%add3A_127, %dma_start3A_165] : memref<10000x128xf32, #tpu.memory_space<vmem_shared>> -> memref<80x128xf32, #tpu.memory_space<vmem_shared>>
      %dma_start3A_167 = arith.constant 0 : i32
      %dma_start3A_168 = tpu.memref_slice %arg15[%add3A_127, %dma_start3A_167] : memref<10000x128xf32, #tpu.memory_space<vmem_shared>> -> memref<80x128xf32, #tpu.memory_space<vmem_shared>>
      %dma_start3A_169 = arith.constant 0 : i32
      %dma_start3A_170 = arith.constant 0 : i32
      %dma_start3A_171 = tpu.memref_slice %arg14[%dma_start3A_169, %dma_start3A_170] : memref<80x128xf32, #tpu.memory_space<vmem>> -> memref<80x128xf32, #tpu.memory_space<vmem>>
      tpu.enqueue_dma source(%dma_start3A_171 : memref<80x128xf32, #tpu.memory_space<vmem>>) target(%dma_start3A_168 : memref<80x128xf32, #tpu.memory_space<vmem_shared>>) target_semaphore(%run_scoped3A : memref<!tpu.dma_semaphore, #tpu.memory_space<semaphore_mem>>)
      %dma_wait3A_172 = arith.constant 0 : i32
      %dma_wait3A_173 = arith.constant 0 : i32
      %dma_wait3A_174 = tpu.memref_slice %arg14[%dma_wait3A_172, %dma_wait3A_173] : memref<80x128xf32, #tpu.memory_space<vmem>> -> memref<80x128xf32, #tpu.memory_space<vmem>>
      %dma_wait3A_175 = arith.constant 0 : i32
      %dma_wait3A_176 = tpu.memref_slice %arg15[%add3A_127, %dma_wait3A_175] : memref<10000x128xf32, #tpu.memory_space<vmem_shared>> -> memref<80x128xf32, #tpu.memory_space<vmem_shared>>
      %dma_wait3A_177 = arith.constant 0 : i32
      %dma_wait3A_178 = tpu.memref_slice %arg15[%add3A_127, %dma_wait3A_177] : memref<10000x128xf32, #tpu.memory_space<vmem_shared>> -> memref<80x128xf32, #tpu.memory_space<vmem_shared>>
      %dma_wait3A_179 = arith.constant 0 : i32
      %dma_wait3A_180 = arith.constant 0 : i32
      %dma_wait3A_181 = tpu.memref_slice %arg14[%dma_wait3A_179, %dma_wait3A_180] : memref<80x128xf32, #tpu.memory_space<vmem>> -> memref<80x128xf32, #tpu.memory_space<vmem>>
      tpu.wait_dma2 semaphore(%run_scoped3A : memref<!tpu.dma_semaphore, #tpu.memory_space<semaphore_mem>>) src(%dma_wait3A_181 : memref<80x128xf32, #tpu.memory_space<vmem>>) dst(%dma_wait3A_178 : memref<80x128xf32, #tpu.memory_space<vmem_shared>>)
      tpu.yield
    }) : () -> ()
    %mul3A_128 = arith.constant 624 : i32
    %mul3A_129 = arith.muli %arg1, %mul3A_128 : i32
    %add3A_130 = arith.constant 400 : i32
    %add3A_131 = arith.addi %mul3A_129, %add3A_130 : i32
    "tpu.region"() ({
      %run_scoped3A = tpu.sem_alloc : memref<!tpu.dma_semaphore, #tpu.memory_space<semaphore_mem>>
      %dma_start3A_162 = arith.constant 0 : i32
      %dma_start3A_163 = arith.constant 0 : i32
      %dma_start3A_164 = tpu.memref_slice %arg14[%dma_start3A_162, %dma_start3A_163] : memref<80x128xf32, #tpu.memory_space<vmem>> -> memref<80x128xf32, #tpu.memory_space<vmem>>
      %dma_start3A_165 = arith.constant 0 : i32
      %dma_start3A_166 = tpu.memref_slice %arg15[%add3A_131, %dma_start3A_165] : memref<10000x128xf32, #tpu.memory_space<vmem_shared>> -> memref<80x128xf32, #tpu.memory_space<vmem_shared>>
      %dma_start3A_167 = arith.constant 0 : i32
      %dma_start3A_168 = tpu.memref_slice %arg15[%add3A_131, %dma_start3A_167] : memref<10000x128xf32, #tpu.memory_space<vmem_shared>> -> memref<80x128xf32, #tpu.memory_space<vmem_shared>>
      %dma_start3A_169 = arith.constant 0 : i32
      %dma_start3A_170 = arith.constant 0 : i32
      %dma_start3A_171 = tpu.memref_slice %arg14[%dma_start3A_169, %dma_start3A_170] : memref<80x128xf32, #tpu.memory_space<vmem>> -> memref<80x128xf32, #tpu.memory_space<vmem>>
      tpu.enqueue_dma source(%dma_start3A_171 : memref<80x128xf32, #tpu.memory_space<vmem>>) target(%dma_start3A_168 : memref<80x128xf32, #tpu.memory_space<vmem_shared>>) target_semaphore(%run_scoped3A : memref<!tpu.dma_semaphore, #tpu.memory_space<semaphore_mem>>)
      %dma_wait3A_172 = arith.constant 0 : i32
      %dma_wait3A_173 = arith.constant 0 : i32
      %dma_wait3A_174 = tpu.memref_slice %arg14[%dma_wait3A_172, %dma_wait3A_173] : memref<80x128xf32, #tpu.memory_space<vmem>> -> memref<80x128xf32, #tpu.memory_space<vmem>>
      %dma_wait3A_175 = arith.constant 0 : i32
      %dma_wait3A_176 = tpu.memref_slice %arg15[%add3A_131, %dma_wait3A_175] : memref<10000x128xf32, #tpu.memory_space<vmem_shared>> -> memref<80x128xf32, #tpu.memory_space<vmem_shared>>
      %dma_wait3A_177 = arith.constant 0 : i32
      %dma_wait3A_178 = tpu.memref_slice %arg15[%add3A_131, %dma_wait3A_177] : memref<10000x128xf32, #tpu.memory_space<vmem_shared>> -> memref<80x128xf32, #tpu.memory_space<vmem_shared>>
      %dma_wait3A_179 = arith.constant 0 : i32
      %dma_wait3A_180 = arith.constant 0 : i32
      %dma_wait3A_181 = tpu.memref_slice %arg14[%dma_wait3A_179, %dma_wait3A_180] : memref<80x128xf32, #tpu.memory_space<vmem>> -> memref<80x128xf32, #tpu.memory_space<vmem>>
      tpu.wait_dma2 semaphore(%run_scoped3A : memref<!tpu.dma_semaphore, #tpu.memory_space<semaphore_mem>>) src(%dma_wait3A_181 : memref<80x128xf32, #tpu.memory_space<vmem>>) dst(%dma_wait3A_178 : memref<80x128xf32, #tpu.memory_space<vmem_shared>>)
      tpu.yield
    }) : () -> ()
    %mul3A_132 = arith.constant 624 : i32
    %mul3A_133 = arith.muli %arg1, %mul3A_132 : i32
    %add3A_134 = arith.constant 480 : i32
    %add3A_135 = arith.addi %mul3A_133, %add3A_134 : i32
    "tpu.region"() ({
      %run_scoped3A = tpu.sem_alloc : memref<!tpu.dma_semaphore, #tpu.memory_space<semaphore_mem>>
      %dma_start3A_162 = arith.constant 0 : i32
      %dma_start3A_163 = arith.constant 0 : i32
      %dma_start3A_164 = tpu.memref_slice %arg14[%dma_start3A_162, %dma_start3A_163] : memref<80x128xf32, #tpu.memory_space<vmem>> -> memref<80x128xf32, #tpu.memory_space<vmem>>
      %dma_start3A_165 = arith.constant 0 : i32
      %dma_start3A_166 = tpu.memref_slice %arg15[%add3A_135, %dma_start3A_165] : memref<10000x128xf32, #tpu.memory_space<vmem_shared>> -> memref<80x128xf32, #tpu.memory_space<vmem_shared>>
      %dma_start3A_167 = arith.constant 0 : i32
      %dma_start3A_168 = tpu.memref_slice %arg15[%add3A_135, %dma_start3A_167] : memref<10000x128xf32, #tpu.memory_space<vmem_shared>> -> memref<80x128xf32, #tpu.memory_space<vmem_shared>>
      %dma_start3A_169 = arith.constant 0 : i32
      %dma_start3A_170 = arith.constant 0 : i32
      %dma_start3A_171 = tpu.memref_slice %arg14[%dma_start3A_169, %dma_start3A_170] : memref<80x128xf32, #tpu.memory_space<vmem>> -> memref<80x128xf32, #tpu.memory_space<vmem>>
      tpu.enqueue_dma source(%dma_start3A_171 : memref<80x128xf32, #tpu.memory_space<vmem>>) target(%dma_start3A_168 : memref<80x128xf32, #tpu.memory_space<vmem_shared>>) target_semaphore(%run_scoped3A : memref<!tpu.dma_semaphore, #tpu.memory_space<semaphore_mem>>)
      %dma_wait3A_172 = arith.constant 0 : i32
      %dma_wait3A_173 = arith.constant 0 : i32
      %dma_wait3A_174 = tpu.memref_slice %arg14[%dma_wait3A_172, %dma_wait3A_173] : memref<80x128xf32, #tpu.memory_space<vmem>> -> memref<80x128xf32, #tpu.memory_space<vmem>>
      %dma_wait3A_175 = arith.constant 0 : i32
      %dma_wait3A_176 = tpu.memref_slice %arg15[%add3A_135, %dma_wait3A_175] : memref<10000x128xf32, #tpu.memory_space<vmem_shared>> -> memref<80x128xf32, #tpu.memory_space<vmem_shared>>
      %dma_wait3A_177 = arith.constant 0 : i32
      %dma_wait3A_178 = tpu.memref_slice %arg15[%add3A_135, %dma_wait3A_177] : memref<10000x128xf32, #tpu.memory_space<vmem_shared>> -> memref<80x128xf32, #tpu.memory_space<vmem_shared>>
      %dma_wait3A_179 = arith.constant 0 : i32
      %dma_wait3A_180 = arith.constant 0 : i32
      %dma_wait3A_181 = tpu.memref_slice %arg14[%dma_wait3A_179, %dma_wait3A_180] : memref<80x128xf32, #tpu.memory_space<vmem>> -> memref<80x128xf32, #tpu.memory_space<vmem>>
      tpu.wait_dma2 semaphore(%run_scoped3A : memref<!tpu.dma_semaphore, #tpu.memory_space<semaphore_mem>>) src(%dma_wait3A_181 : memref<80x128xf32, #tpu.memory_space<vmem>>) dst(%dma_wait3A_178 : memref<80x128xf32, #tpu.memory_space<vmem_shared>>)
      tpu.yield
    }) : () -> ()
    %mul3A_136 = arith.constant 624 : i32
    %mul3A_137 = arith.muli %arg1, %mul3A_136 : i32
    %add3A_138 = arith.constant 560 : i32
    %add3A_139 = arith.addi %mul3A_137, %add3A_138 : i32
    "tpu.region"() ({
      %run_scoped3A = tpu.sem_alloc : memref<!tpu.dma_semaphore, #tpu.memory_space<semaphore_mem>>
      %dma_start3A_162 = arith.constant 0 : i32
      %dma_start3A_163 = arith.constant 0 : i32
      %dma_start3A_164 = tpu.memref_slice %arg14[%dma_start3A_162, %dma_start3A_163] : memref<80x128xf32, #tpu.memory_space<vmem>> -> memref<64x128xf32, #tpu.memory_space<vmem>>
      %dma_start3A_165 = arith.constant 0 : i32
      %dma_start3A_166 = tpu.memref_slice %arg15[%add3A_139, %dma_start3A_165] : memref<10000x128xf32, #tpu.memory_space<vmem_shared>> -> memref<64x128xf32, #tpu.memory_space<vmem_shared>>
      %dma_start3A_167 = arith.constant 0 : i32
      %dma_start3A_168 = tpu.memref_slice %arg15[%add3A_139, %dma_start3A_167] : memref<10000x128xf32, #tpu.memory_space<vmem_shared>> -> memref<64x128xf32, #tpu.memory_space<vmem_shared>>
      %dma_start3A_169 = arith.constant 0 : i32
      %dma_start3A_170 = arith.constant 0 : i32
      %dma_start3A_171 = tpu.memref_slice %arg14[%dma_start3A_169, %dma_start3A_170] : memref<80x128xf32, #tpu.memory_space<vmem>> -> memref<64x128xf32, #tpu.memory_space<vmem>>
      tpu.enqueue_dma source(%dma_start3A_171 : memref<64x128xf32, #tpu.memory_space<vmem>>) target(%dma_start3A_168 : memref<64x128xf32, #tpu.memory_space<vmem_shared>>) target_semaphore(%run_scoped3A : memref<!tpu.dma_semaphore, #tpu.memory_space<semaphore_mem>>)
      %dma_wait3A_172 = arith.constant 0 : i32
      %dma_wait3A_173 = arith.constant 0 : i32
      %dma_wait3A_174 = tpu.memref_slice %arg14[%dma_wait3A_172, %dma_wait3A_173] : memref<80x128xf32, #tpu.memory_space<vmem>> -> memref<64x128xf32, #tpu.memory_space<vmem>>
      %dma_wait3A_175 = arith.constant 0 : i32
      %dma_wait3A_176 = tpu.memref_slice %arg15[%add3A_139, %dma_wait3A_175] : memref<10000x128xf32, #tpu.memory_space<vmem_shared>> -> memref<64x128xf32, #tpu.memory_space<vmem_shared>>
      %dma_wait3A_177 = arith.constant 0 : i32
      %dma_wait3A_178 = tpu.memref_slice %arg15[%add3A_139, %dma_wait3A_177] : memref<10000x128xf32, #tpu.memory_space<vmem_shared>> -> memref<64x128xf32, #tpu.memory_space<vmem_shared>>
      %dma_wait3A_179 = arith.constant 0 : i32
      %dma_wait3A_180 = arith.constant 0 : i32
      %dma_wait3A_181 = tpu.memref_slice %arg14[%dma_wait3A_179, %dma_wait3A_180] : memref<80x128xf32, #tpu.memory_space<vmem>> -> memref<64x128xf32, #tpu.memory_space<vmem>>
      tpu.wait_dma2 semaphore(%run_scoped3A : memref<!tpu.dma_semaphore, #tpu.memory_space<semaphore_mem>>) src(%dma_wait3A_181 : memref<64x128xf32, #tpu.memory_space<vmem>>) dst(%dma_wait3A_178 : memref<64x128xf32, #tpu.memory_space<vmem_shared>>)
      tpu.yield
    }) : () -> ()
    %mul3A_140 = arith.constant 8 : i32
    %mul3A_141 = arith.muli %arg1, %mul3A_140 : i32
    %lt3A = arith.constant 16 : i32
    %lt3A_142 = arith.cmpi slt, %mul3A_141, %lt3A : i32
    %convert_element_type3A = arith.extui %lt3A_142 : i1 to i32
    %cond3A = arith.constant 0 : i32
    %cond3A_143 = arith.cmpi ne, %convert_element_type3A, %cond3A : i32
    scf.if %cond3A_143 {
      %mul3A_162 = arith.constant 8 : i32
      %mul3A_163 = arith.muli %arg1, %mul3A_162 : i32
      %add3A_164 = arith.constant 9984 : i32
      %add3A_165 = arith.addi %add3A_164, %mul3A_163 : i32
      "tpu.region"() ({
        %run_scoped3A = tpu.sem_alloc : memref<!tpu.dma_semaphore, #tpu.memory_space<semaphore_mem>>
        %dma_start3A_166 = arith.constant 0 : i32
        %dma_start3A_167 = arith.constant 0 : i32
        %dma_start3A_168 = tpu.memref_slice %arg14[%dma_start3A_166, %dma_start3A_167] : memref<80x128xf32, #tpu.memory_space<vmem>> -> memref<8x128xf32, #tpu.memory_space<vmem>>
        %dma_start3A_169 = arith.constant 0 : i32
        %dma_start3A_170 = tpu.memref_slice %arg15[%add3A_165, %dma_start3A_169] : memref<10000x128xf32, #tpu.memory_space<vmem_shared>> -> memref<8x128xf32, #tpu.memory_space<vmem_shared>>
        %dma_start3A_171 = arith.constant 0 : i32
        %dma_start3A_172 = tpu.memref_slice %arg15[%add3A_165, %dma_start3A_171] : memref<10000x128xf32, #tpu.memory_space<vmem_shared>> -> memref<8x128xf32, #tpu.memory_space<vmem_shared>>
        %dma_start3A_173 = arith.constant 0 : i32
        %dma_start3A_174 = arith.constant 0 : i32
        %dma_start3A_175 = tpu.memref_slice %arg14[%dma_start3A_173, %dma_start3A_174] : memref<80x128xf32, #tpu.memory_space<vmem>> -> memref<8x128xf32, #tpu.memory_space<vmem>>
        tpu.enqueue_dma source(%dma_start3A_175 : memref<8x128xf32, #tpu.memory_space<vmem>>) target(%dma_start3A_172 : memref<8x128xf32, #tpu.memory_space<vmem_shared>>) target_semaphore(%run_scoped3A : memref<!tpu.dma_semaphore, #tpu.memory_space<semaphore_mem>>)
        %dma_wait3A_176 = arith.constant 0 : i32
        %dma_wait3A_177 = arith.constant 0 : i32
        %dma_wait3A_178 = tpu.memref_slice %arg14[%dma_wait3A_176, %dma_wait3A_177] : memref<80x128xf32, #tpu.memory_space<vmem>> -> memref<8x128xf32, #tpu.memory_space<vmem>>
        %dma_wait3A_179 = arith.constant 0 : i32
        %dma_wait3A_180 = tpu.memref_slice %arg15[%add3A_165, %dma_wait3A_179] : memref<10000x128xf32, #tpu.memory_space<vmem_shared>> -> memref<8x128xf32, #tpu.memory_space<vmem_shared>>
        %dma_wait3A_181 = arith.constant 0 : i32
        %dma_wait3A_182 = tpu.memref_slice %arg15[%add3A_165, %dma_wait3A_181] : memref<10000x128xf32, #tpu.memory_space<vmem_shared>> -> memref<8x128xf32, #tpu.memory_space<vmem_shared>>
        %dma_wait3A_183 = arith.constant 0 : i32
        %dma_wait3A_184 = arith.constant 0 : i32
        %dma_wait3A_185 = tpu.memref_slice %arg14[%dma_wait3A_183, %dma_wait3A_184] : memref<80x128xf32, #tpu.memory_space<vmem>> -> memref<8x128xf32, #tpu.memory_space<vmem>>
        tpu.wait_dma2 semaphore(%run_scoped3A : memref<!tpu.dma_semaphore, #tpu.memory_space<semaphore_mem>>) src(%dma_wait3A_185 : memref<8x128xf32, #tpu.memory_space<vmem>>) dst(%dma_wait3A_182 : memref<8x128xf32, #tpu.memory_space<vmem_shared>>)
        tpu.yield
      }) : () -> ()
    } else {
    }
    %barrier3A = arith.constant 0 : index
    tpu.barrier barrier_id(%barrier3A)
    %scan3A_144 = arith.constant 0 : i32
    %scan3A_145 = arith.constant 0 : i32
    %scan3A_146 = arith.constant 11 : i32
    %scan3A_147 = arith.addi %scan3A_145, %scan3A_146 : i32
    %scan3A_148 = arith.constant 1 : i32
    scf.for %scan3A_162 = %scan3A_145 to %scan3A_147 step %scan3A_148  : i32 {
      %mul3A_163 = arith.constant 12 : i32
      %mul3A_164 = arith.muli %scan3A_162, %mul3A_163 : i32
      %add3A_165 = arith.constant 0 : i32
      %add3A_166 = arith.addi %mul3A_164, %add3A_165 : i32
      %ge3A = arith.constant 1 : i32
      %ge3A_167 = arith.cmpi sge, %add3A_166, %ge3A : i32
      %le3A = arith.constant 125 : i32
      %le3A_168 = arith.cmpi sle, %add3A_166, %le3A : i32
      %and3A = arith.andi %ge3A_167, %le3A_168 : i1
      %convert_element_type3A_169 = arith.extui %and3A : i1 to i32
      %cond3A_170 = arith.constant 0 : i32
      %cond3A_171 = arith.cmpi ne, %convert_element_type3A_169, %cond3A_170 : i32
      scf.if %cond3A_171 {
        %dma_wait3A_532 = arith.constant 1 : i32
        %dma_wait3A_533 = arith.constant 0 : i32
        %dma_wait3A_534 = tpu.memref_slice %arg10[%dma_wait3A_532, %dma_wait3A_533] : memref<3x80xi32, #tpu.memory_space<vmem>> -> memref<1x80xi32, #tpu.memory_space<vmem>>
        %dma_wait3A_535 = tpu.memref_squeeze %dma_wait3A_534 : memref<1x80xi32, #tpu.memory_space<vmem>> -> memref<80xi32, #tpu.memory_space<vmem>>
        %dma_wait3A_536 = arith.constant 0 : i32
        %dma_wait3A_537 = arith.constant 0 : i32
        %dma_wait3A_538 = tpu.memref_slice %arg15[%dma_wait3A_536, %dma_wait3A_537] : memref<10000x128xf32, #tpu.memory_space<vmem_shared>> -> memref<10000x128xf32, #tpu.memory_space<vmem_shared>>
        tpu.wait_indirect_dma semaphore(%arg29 : memref<!tpu.dma_semaphore, #tpu.memory_space<semaphore_mem>>) src(%arg14 : memref<80x128xf32, #tpu.memory_space<vmem>>) dst(%dma_wait3A_538 : memref<10000x128xf32, #tpu.memory_space<vmem_shared>>)
      } else {
      }
      %add3A_172 = arith.constant 3 : i32
      %add3A_173 = arith.addi %add3A_166, %add3A_172 : i32
      %lt3A_174 = arith.constant 125 : i32
      %lt3A_175 = arith.cmpi slt, %add3A_173, %lt3A_174 : i32
      %convert_element_type3A_176 = arith.extui %lt3A_175 : i1 to i32
      %cond3A_177 = arith.constant 0 : i32
      %cond3A_178 = arith.cmpi ne, %convert_element_type3A_176, %cond3A_177 : i32
      scf.if %cond3A_178 {
        %add3A_532 = arith.constant 3 : i32
        %add3A_533 = arith.addi %add3A_166, %add3A_532 : i32
        %mul3A_534 = arith.constant 32 : i32
        %mul3A_535 = arith.muli %add3A_533, %mul3A_534 : i32
        %add3A_536 = arith.addi %add3A, %mul3A_535 : i32
        %dma_wait3A_537 = arith.constant 0 : i32
        %dma_wait3A_538 = arith.constant 0 : i32
        %dma_wait3A_539 = tpu.memref_slice %arg2[%add3A_536, %dma_wait3A_537, %dma_wait3A_538] : memref<4000x3x80xi32, #tpu.memory_space<hbm>> -> memref<1x3x80xi32, #tpu.memory_space<hbm>>
        %dma_wait3A_540 = tpu.memref_squeeze %dma_wait3A_539 : memref<1x3x80xi32, #tpu.memory_space<hbm>> -> memref<3x80xi32, #tpu.memory_space<hbm>>
        %dma_wait3A_541 = arith.constant 0 : i32
        %dma_wait3A_542 = arith.constant 0 : i32
        %dma_wait3A_543 = tpu.memref_slice %arg2[%add3A_536, %dma_wait3A_541, %dma_wait3A_542] : memref<4000x3x80xi32, #tpu.memory_space<hbm>> -> memref<1x3x80xi32, #tpu.memory_space<hbm>>
        %dma_wait3A_544 = tpu.memref_squeeze %dma_wait3A_543 : memref<1x3x80xi32, #tpu.memory_space<hbm>> -> memref<3x80xi32, #tpu.memory_space<hbm>>
        tpu.wait_dma2 semaphore(%arg19 : memref<!tpu.dma_semaphore, #tpu.memory_space<semaphore_mem>>) src(%dma_wait3A_544 : memref<3x80xi32, #tpu.memory_space<hbm>>) dst(%arg8 : memref<3x80xi32, #tpu.memory_space<vmem>>)
        %dma_start3A_545 = arith.constant 0 : i32
        %dma_start3A_546 = arith.constant 0 : i32
        %dma_start3A_547 = tpu.memref_slice %arg8[%dma_start3A_545, %dma_start3A_546] : memref<3x80xi32, #tpu.memory_space<vmem>> -> memref<1x80xi32, #tpu.memory_space<vmem>>
        %dma_start3A_548 = tpu.memref_squeeze %dma_start3A_547 : memref<1x80xi32, #tpu.memory_space<vmem>> -> memref<80xi32, #tpu.memory_space<vmem>>
        %dma_start3A_549 = arith.constant 0 : i32
        %dma_start3A_550 = arith.constant 0 : i32
        %dma_start3A_551 = tpu.memref_slice %arg3[%dma_start3A_549, %dma_start3A_550] : memref<10000x128xf32, #tpu.memory_space<hbm>> -> memref<10000x128xf32, #tpu.memory_space<hbm>>
        tpu.enqueue_indirect_dma source(%dma_start3A_551 : memref<10000x128xf32, #tpu.memory_space<hbm>>) target(%arg14 : memref<80x128xf32, #tpu.memory_space<vmem>>) offsets(%dma_start3A_548 : memref<80xi32, #tpu.memory_space<vmem>>) semaphore(%arg25 : memref<!tpu.dma_semaphore, #tpu.memory_space<semaphore_mem>>)
      } else {
      }
      %add3A_179 = arith.constant 5 : i32
      %add3A_180 = arith.addi %add3A_166, %add3A_179 : i32
      %lt3A_181 = arith.constant 125 : i32
      %lt3A_182 = arith.cmpi slt, %add3A_180, %lt3A_181 : i32
      %convert_element_type3A_183 = arith.extui %lt3A_182 : i1 to i32
      %cond3A_184 = arith.constant 0 : i32
      %cond3A_185 = arith.cmpi ne, %convert_element_type3A_183, %cond3A_184 : i32
      scf.if %cond3A_185 {
        %add3A_532 = arith.constant 5 : i32
        %add3A_533 = arith.addi %add3A_166, %add3A_532 : i32
        %mul3A_534 = arith.constant 32 : i32
        %mul3A_535 = arith.muli %add3A_533, %mul3A_534 : i32
        %add3A_536 = arith.addi %add3A, %mul3A_535 : i32
        %dma_start3A_537 = arith.constant 0 : i32
        %dma_start3A_538 = arith.constant 0 : i32
        %dma_start3A_539 = tpu.memref_slice %arg2[%add3A_536, %dma_start3A_537, %dma_start3A_538] : memref<4000x3x80xi32, #tpu.memory_space<hbm>> -> memref<1x3x80xi32, #tpu.memory_space<hbm>>
        %dma_start3A_540 = tpu.memref_squeeze %dma_start3A_539 : memref<1x3x80xi32, #tpu.memory_space<hbm>> -> memref<3x80xi32, #tpu.memory_space<hbm>>
        %dma_start3A_541 = arith.constant 0 : i32
        %dma_start3A_542 = arith.constant 0 : i32
        %dma_start3A_543 = tpu.memref_slice %arg2[%add3A_536, %dma_start3A_541, %dma_start3A_542] : memref<4000x3x80xi32, #tpu.memory_space<hbm>> -> memref<1x3x80xi32, #tpu.memory_space<hbm>>
        %dma_start3A_544 = tpu.memref_squeeze %dma_start3A_543 : memref<1x3x80xi32, #tpu.memory_space<hbm>> -> memref<3x80xi32, #tpu.memory_space<hbm>>
        tpu.enqueue_dma source(%dma_start3A_544 : memref<3x80xi32, #tpu.memory_space<hbm>>) target(%arg10 : memref<3x80xi32, #tpu.memory_space<vmem>>) target_semaphore(%arg21 : memref<!tpu.dma_semaphore, #tpu.memory_space<semaphore_mem>>)
      } else {
      }
      %lt3A_186 = arith.constant 125 : i32
      %lt3A_187 = arith.cmpi slt, %add3A_166, %lt3A_186 : i32
      %convert_element_type3A_188 = arith.extui %lt3A_187 : i1 to i32
      %cond3A_189 = arith.constant 0 : i32
      %cond3A_190 = arith.cmpi ne, %convert_element_type3A_188, %cond3A_189 : i32
      scf.if %cond3A_190 {
        %dma_wait3A_532 = arith.constant 0 : i32
        %dma_wait3A_533 = arith.constant 0 : i32
        %dma_wait3A_534 = tpu.memref_slice %arg5[%dma_wait3A_532, %dma_wait3A_533] : memref<3x80xi32, #tpu.memory_space<vmem>> -> memref<1x80xi32, #tpu.memory_space<vmem>>
        %dma_wait3A_535 = tpu.memref_squeeze %dma_wait3A_534 : memref<1x80xi32, #tpu.memory_space<vmem>> -> memref<80xi32, #tpu.memory_space<vmem>>
        %dma_wait3A_536 = arith.constant 0 : i32
        %dma_wait3A_537 = arith.constant 0 : i32
        %dma_wait3A_538 = tpu.memref_slice %arg3[%dma_wait3A_536, %dma_wait3A_537] : memref<10000x128xf32, #tpu.memory_space<hbm>> -> memref<10000x128xf32, #tpu.memory_space<hbm>>
        tpu.wait_indirect_dma semaphore(%arg22 : memref<!tpu.dma_semaphore, #tpu.memory_space<semaphore_mem>>) src(%dma_wait3A_538 : memref<10000x128xf32, #tpu.memory_space<hbm>>) dst(%arg11 : memref<80x128xf32, #tpu.memory_space<vmem>>)
        %scan3A_539 = arith.constant 0 : i32
        %scan3A_540 = arith.constant 0 : i32
        %scan3A_541 = arith.constant 80 : i32
        %scan3A_542 = arith.addi %scan3A_540, %scan3A_541 : i32
        %scan3A_543 = arith.constant 1 : i32
        scf.for %scan3A_552 = %scan3A_540 to %scan3A_542 step %scan3A_543  : i32 {
          %broadcast_in_dim3A_553 = vector.broadcast %scan3A_552 : i32 to vector<16xi32>
          %gather3A = tpu.vector_load_idx %arg5[%broadcast_in_dim3A_1, %broadcast_in_dim3A_553] : memref<3x80xi32, #tpu.memory_space<vmem>>[vector<16xi32>, vector<16xi32>], vector<16xi32>,
          %bitcast3A = vector.bitcast %gather3A : vector<16xi32> to vector<16xf32>
          %get3A = arith.index_cast %scan3A_552 : i32 to index
          %get3A_554 = arith.constant 0 : index
          %get3A_555 = tpu.vector_load %arg11[%get3A, %get3A_554] {strides = array<i32>} : memref<80x128xf32, #tpu.memory_space<vmem>>, vector<16xf32>,
          %mul3A_556 = arith.mulf %get3A_555, %bitcast3A : vector<16xf32>
          %swap3A = arith.index_cast %scan3A_552 : i32 to index
          %swap3A_557 = arith.constant 0 : index
          %swap3A_558 = tpu.vector_load %arg11[%swap3A, %swap3A_557] {strides = array<i32>} : memref<80x128xf32, #tpu.memory_space<vmem>>, vector<16xf32>,
          tpu.vector_store %arg11[%swap3A, %swap3A_557], %mul3A_556 {strides = array<i32>} : memref<80x128xf32, #tpu.memory_space<vmem>>, vector<16xf32>,
          %get3A_559 = arith.index_cast %scan3A_552 : i32 to index
          %get3A_560 = arith.constant 16 : index
          %get3A_561 = tpu.vector_load %arg11[%get3A_559, %get3A_560] {strides = array<i32>} : memref<80x128xf32, #tpu.memory_space<vmem>>, vector<16xf32>,
          %mul3A_562 = arith.mulf %get3A_561, %bitcast3A : vector<16xf32>
          %swap3A_563 = arith.index_cast %scan3A_552 : i32 to index
          %swap3A_564 = arith.constant 16 : index
          %swap3A_565 = tpu.vector_load %arg11[%swap3A_563, %swap3A_564] {strides = array<i32>} : memref<80x128xf32, #tpu.memory_space<vmem>>, vector<16xf32>,
          tpu.vector_store %arg11[%swap3A_563, %swap3A_564], %mul3A_562 {strides = array<i32>} : memref<80x128xf32, #tpu.memory_space<vmem>>, vector<16xf32>,
          %get3A_566 = arith.index_cast %scan3A_552 : i32 to index
          %get3A_567 = arith.constant 32 : index
          %get3A_568 = tpu.vector_load %arg11[%get3A_566, %get3A_567] {strides = array<i32>} : memref<80x128xf32, #tpu.memory_space<vmem>>, vector<16xf32>,
          %mul3A_569 = arith.mulf %get3A_568, %bitcast3A : vector<16xf32>
          %swap3A_570 = arith.index_cast %scan3A_552 : i32 to index
          %swap3A_571 = arith.constant 32 : index
          %swap3A_572 = tpu.vector_load %arg11[%swap3A_570, %swap3A_571] {strides = array<i32>} : memref<80x128xf32, #tpu.memory_space<vmem>>, vector<16xf32>,
          tpu.vector_store %arg11[%swap3A_570, %swap3A_571], %mul3A_569 {strides = array<i32>} : memref<80x128xf32, #tpu.memory_space<vmem>>, vector<16xf32>,
          %get3A_573 = arith.index_cast %scan3A_552 : i32 to index
          %get3A_574 = arith.constant 48 : index
          %get3A_575 = tpu.vector_load %arg11[%get3A_573, %get3A_574] {strides = array<i32>} : memref<80x128xf32, #tpu.memory_space<vmem>>, vector<16xf32>,
          %mul3A_576 = arith.mulf %get3A_575, %bitcast3A : vector<16xf32>
          %swap3A_577 = arith.index_cast %scan3A_552 : i32 to index
          %swap3A_578 = arith.constant 48 : index
          %swap3A_579 = tpu.vector_load %arg11[%swap3A_577, %swap3A_578] {strides = array<i32>} : memref<80x128xf32, #tpu.memory_space<vmem>>, vector<16xf32>,
          tpu.vector_store %arg11[%swap3A_577, %swap3A_578], %mul3A_576 {strides = array<i32>} : memref<80x128xf32, #tpu.memory_space<vmem>>, vector<16xf32>,
          %get3A_580 = arith.index_cast %scan3A_552 : i32 to index
          %get3A_581 = arith.constant 64 : index
          %get3A_582 = tpu.vector_load %arg11[%get3A_580, %get3A_581] {strides = array<i32>} : memref<80x128xf32, #tpu.memory_space<vmem>>, vector<16xf32>,
          %mul3A_583 = arith.mulf %get3A_582, %bitcast3A : vector<16xf32>
          %swap3A_584 = arith.index_cast %scan3A_552 : i32 to index
          %swap3A_585 = arith.constant 64 : index
          %swap3A_586 = tpu.vector_load %arg11[%swap3A_584, %swap3A_585] {strides = array<i32>} : memref<80x128xf32, #tpu.memory_space<vmem>>, vector<16xf32>,
          tpu.vector_store %arg11[%swap3A_584, %swap3A_585], %mul3A_583 {strides = array<i32>} : memref<80x128xf32, #tpu.memory_space<vmem>>, vector<16xf32>,
          %get3A_587 = arith.index_cast %scan3A_552 : i32 to index
          %get3A_588 = arith.constant 80 : index
          %get3A_589 = tpu.vector_load %arg11[%get3A_587, %get3A_588] {strides = array<i32>} : memref<80x128xf32, #tpu.memory_space<vmem>>, vector<16xf32>,
          %mul3A_590 = arith.mulf %get3A_589, %bitcast3A : vector<16xf32>
          %swap3A_591 = arith.index_cast %scan3A_552 : i32 to index
          %swap3A_592 = arith.constant 80 : index
          %swap3A_593 = tpu.vector_load %arg11[%swap3A_591, %swap3A_592] {strides = array<i32>} : memref<80x128xf32, #tpu.memory_space<vmem>>, vector<16xf32>,
          tpu.vector_store %arg11[%swap3A_591, %swap3A_592], %mul3A_590 {strides = array<i32>} : memref<80x128xf32, #tpu.memory_space<vmem>>, vector<16xf32>,
          %get3A_594 = arith.index_cast %scan3A_552 : i32 to index
          %get3A_595 = arith.constant 96 : index
          %get3A_596 = tpu.vector_load %arg11[%get3A_594, %get3A_595] {strides = array<i32>} : memref<80x128xf32, #tpu.memory_space<vmem>>, vector<16xf32>,
          %mul3A_597 = arith.mulf %get3A_596, %bitcast3A : vector<16xf32>
          %swap3A_598 = arith.index_cast %scan3A_552 : i32 to index
          %swap3A_599 = arith.constant 96 : index
          %swap3A_600 = tpu.vector_load %arg11[%swap3A_598, %swap3A_599] {strides = array<i32>} : memref<80x128xf32, #tpu.memory_space<vmem>>, vector<16xf32>,
          tpu.vector_store %arg11[%swap3A_598, %swap3A_599], %mul3A_597 {strides = array<i32>} : memref<80x128xf32, #tpu.memory_space<vmem>>, vector<16xf32>,
          %get3A_601 = arith.index_cast %scan3A_552 : i32 to index
          %get3A_602 = arith.constant 112 : index
          %get3A_603 = tpu.vector_load %arg11[%get3A_601, %get3A_602] {strides = array<i32>} : memref<80x128xf32, #tpu.memory_space<vmem>>, vector<16xf32>,
          %mul3A_604 = arith.mulf %get3A_603, %bitcast3A : vector<16xf32>
          %swap3A_605 = arith.index_cast %scan3A_552 : i32 to index
          %swap3A_606 = arith.constant 112 : index
          %swap3A_607 = tpu.vector_load %arg11[%swap3A_605, %swap3A_606] {strides = array<i32>} : memref<80x128xf32, #tpu.memory_space<vmem>>, vector<16xf32>,
          tpu.vector_store %arg11[%swap3A_605, %swap3A_606], %mul3A_604 {strides = array<i32>} : memref<80x128xf32, #tpu.memory_space<vmem>>, vector<16xf32>,
        }
        %scan3A_544 = arith.constant 80 : i32
        %dma_start3A_545 = arith.constant 1 : i32
        %dma_start3A_546 = arith.constant 0 : i32
        %dma_start3A_547 = tpu.memref_slice %arg5[%dma_start3A_545, %dma_start3A_546] : memref<3x80xi32, #tpu.memory_space<vmem>> -> memref<1x80xi32, #tpu.memory_space<vmem>>
        %dma_start3A_548 = tpu.memref_squeeze %dma_start3A_547 : memref<1x80xi32, #tpu.memory_space<vmem>> -> memref<80xi32, #tpu.memory_space<vmem>>
        %dma_start3A_549 = arith.constant 0 : i32
        %dma_start3A_550 = arith.constant 0 : i32
        %dma_start3A_551 = tpu.memref_slice %arg15[%dma_start3A_549, %dma_start3A_550] : memref<10000x128xf32, #tpu.memory_space<vmem_shared>> -> memref<10000x128xf32, #tpu.memory_space<vmem_shared>>
        tpu.enqueue_indirect_dma source(%arg11 : memref<80x128xf32, #tpu.memory_space<vmem>>) target(%dma_start3A_551 : memref<10000x128xf32, #tpu.memory_space<vmem_shared>>) offsets(%dma_start3A_548 : memref<80xi32, #tpu.memory_space<vmem>>) semaphore(%arg26 : memref<!tpu.dma_semaphore, #tpu.memory_space<semaphore_mem>>) {add = true}
      } else {
      }
      %mul3A_191 = arith.constant 12 : i32
      %mul3A_192 = arith.muli %scan3A_162, %mul3A_191 : i32
      %add3A_193 = arith.constant 1 : i32
      %add3A_194 = arith.addi %mul3A_192, %add3A_193 : i32
      %ge3A_195 = arith.constant 1 : i32
      %ge3A_196 = arith.cmpi sge, %add3A_194, %ge3A_195 : i32
      %le3A_197 = arith.constant 125 : i32
      %le3A_198 = arith.cmpi sle, %add3A_194, %le3A_197 : i32
      %and3A_199 = arith.andi %ge3A_196, %le3A_198 : i1
      %convert_element_type3A_200 = arith.extui %and3A_199 : i1 to i32
      %cond3A_201 = arith.constant 0 : i32
      %cond3A_202 = arith.cmpi ne, %convert_element_type3A_200, %cond3A_201 : i32
      scf.if %cond3A_202 {
        %dma_wait3A_532 = arith.constant 1 : i32
        %dma_wait3A_533 = arith.constant 0 : i32
        %dma_wait3A_534 = tpu.memref_slice %arg5[%dma_wait3A_532, %dma_wait3A_533] : memref<3x80xi32, #tpu.memory_space<vmem>> -> memref<1x80xi32, #tpu.memory_space<vmem>>
        %dma_wait3A_535 = tpu.memref_squeeze %dma_wait3A_534 : memref<1x80xi32, #tpu.memory_space<vmem>> -> memref<80xi32, #tpu.memory_space<vmem>>
        %dma_wait3A_536 = arith.constant 0 : i32
        %dma_wait3A_537 = arith.constant 0 : i32
        %dma_wait3A_538 = tpu.memref_slice %arg15[%dma_wait3A_536, %dma_wait3A_537] : memref<10000x128xf32, #tpu.memory_space<vmem_shared>> -> memref<10000x128xf32, #tpu.memory_space<vmem_shared>>
        tpu.wait_indirect_dma semaphore(%arg26 : memref<!tpu.dma_semaphore, #tpu.memory_space<semaphore_mem>>) src(%arg11 : memref<80x128xf32, #tpu.memory_space<vmem>>) dst(%dma_wait3A_538 : memref<10000x128xf32, #tpu.memory_space<vmem_shared>>)
      } else {
      }
      %add3A_203 = arith.constant 3 : i32
      %add3A_204 = arith.addi %add3A_194, %add3A_203 : i32
      %lt3A_205 = arith.constant 125 : i32
      %lt3A_206 = arith.cmpi slt, %add3A_204, %lt3A_205 : i32
      %convert_element_type3A_207 = arith.extui %lt3A_206 : i1 to i32
      %cond3A_208 = arith.constant 0 : i32
      %cond3A_209 = arith.cmpi ne, %convert_element_type3A_207, %cond3A_208 : i32
      scf.if %cond3A_209 {
        %add3A_532 = arith.constant 3 : i32
        %add3A_533 = arith.addi %add3A_194, %add3A_532 : i32
        %mul3A_534 = arith.constant 32 : i32
        %mul3A_535 = arith.muli %add3A_533, %mul3A_534 : i32
        %add3A_536 = arith.addi %add3A, %mul3A_535 : i32
        %dma_wait3A_537 = arith.constant 0 : i32
        %dma_wait3A_538 = arith.constant 0 : i32
        %dma_wait3A_539 = tpu.memref_slice %arg2[%add3A_536, %dma_wait3A_537, %dma_wait3A_538] : memref<4000x3x80xi32, #tpu.memory_space<hbm>> -> memref<1x3x80xi32, #tpu.memory_space<hbm>>
        %dma_wait3A_540 = tpu.memref_squeeze %dma_wait3A_539 : memref<1x3x80xi32, #tpu.memory_space<hbm>> -> memref<3x80xi32, #tpu.memory_space<hbm>>
        %dma_wait3A_541 = arith.constant 0 : i32
        %dma_wait3A_542 = arith.constant 0 : i32
        %dma_wait3A_543 = tpu.memref_slice %arg2[%add3A_536, %dma_wait3A_541, %dma_wait3A_542] : memref<4000x3x80xi32, #tpu.memory_space<hbm>> -> memref<1x3x80xi32, #tpu.memory_space<hbm>>
        %dma_wait3A_544 = tpu.memref_squeeze %dma_wait3A_543 : memref<1x3x80xi32, #tpu.memory_space<hbm>> -> memref<3x80xi32, #tpu.memory_space<hbm>>
        tpu.wait_dma2 semaphore(%arg20 : memref<!tpu.dma_semaphore, #tpu.memory_space<semaphore_mem>>) src(%dma_wait3A_544 : memref<3x80xi32, #tpu.memory_space<hbm>>) dst(%arg9 : memref<3x80xi32, #tpu.memory_space<vmem>>)
        %dma_start3A_545 = arith.constant 0 : i32
        %dma_start3A_546 = arith.constant 0 : i32
        %dma_start3A_547 = tpu.memref_slice %arg9[%dma_start3A_545, %dma_start3A_546] : memref<3x80xi32, #tpu.memory_space<vmem>> -> memref<1x80xi32, #tpu.memory_space<vmem>>
        %dma_start3A_548 = tpu.memref_squeeze %dma_start3A_547 : memref<1x80xi32, #tpu.memory_space<vmem>> -> memref<80xi32, #tpu.memory_space<vmem>>
        %dma_start3A_549 = arith.constant 0 : i32
        %dma_start3A_550 = arith.constant 0 : i32
        %dma_start3A_551 = tpu.memref_slice %arg3[%dma_start3A_549, %dma_start3A_550] : memref<10000x128xf32, #tpu.memory_space<hbm>> -> memref<10000x128xf32, #tpu.memory_space<hbm>>
        tpu.enqueue_indirect_dma source(%dma_start3A_551 : memref<10000x128xf32, #tpu.memory_space<hbm>>) target(%arg11 : memref<80x128xf32, #tpu.memory_space<vmem>>) offsets(%dma_start3A_548 : memref<80xi32, #tpu.memory_space<vmem>>) semaphore(%arg22 : memref<!tpu.dma_semaphore, #tpu.memory_space<semaphore_mem>>)
      } else {
      }
      %add3A_210 = arith.constant 5 : i32
      %add3A_211 = arith.addi %add3A_194, %add3A_210 : i32
      %lt3A_212 = arith.constant 125 : i32
      %lt3A_213 = arith.cmpi slt, %add3A_211, %lt3A_212 : i32
      %convert_element_type3A_214 = arith.extui %lt3A_213 : i1 to i32
      %cond3A_215 = arith.constant 0 : i32
      %cond3A_216 = arith.cmpi ne, %convert_element_type3A_214, %cond3A_215 : i32
      scf.if %cond3A_216 {
        %add3A_532 = arith.constant 5 : i32
        %add3A_533 = arith.addi %add3A_194, %add3A_532 : i32
        %mul3A_534 = arith.constant 32 : i32
        %mul3A_535 = arith.muli %add3A_533, %mul3A_534 : i32
        %add3A_536 = arith.addi %add3A, %mul3A_535 : i32
        %dma_start3A_537 = arith.constant 0 : i32
        %dma_start3A_538 = arith.constant 0 : i32
        %dma_start3A_539 = tpu.memref_slice %arg2[%add3A_536, %dma_start3A_537, %dma_start3A_538] : memref<4000x3x80xi32, #tpu.memory_space<hbm>> -> memref<1x3x80xi32, #tpu.memory_space<hbm>>
        %dma_start3A_540 = tpu.memref_squeeze %dma_start3A_539 : memref<1x3x80xi32, #tpu.memory_space<hbm>> -> memref<3x80xi32, #tpu.memory_space<hbm>>
        %dma_start3A_541 = arith.constant 0 : i32
        %dma_start3A_542 = arith.constant 0 : i32
        %dma_start3A_543 = tpu.memref_slice %arg2[%add3A_536, %dma_start3A_541, %dma_start3A_542] : memref<4000x3x80xi32, #tpu.memory_space<hbm>> -> memref<1x3x80xi32, #tpu.memory_space<hbm>>
        %dma_start3A_544 = tpu.memref_squeeze %dma_start3A_543 : memref<1x3x80xi32, #tpu.memory_space<hbm>> -> memref<3x80xi32, #tpu.memory_space<hbm>>
        tpu.enqueue_dma source(%dma_start3A_544 : memref<3x80xi32, #tpu.memory_space<hbm>>) target(%arg5 : memref<3x80xi32, #tpu.memory_space<vmem>>) target_semaphore(%arg16 : memref<!tpu.dma_semaphore, #tpu.memory_space<semaphore_mem>>)
      } else {
      }
      %lt3A_217 = arith.constant 125 : i32
      %lt3A_218 = arith.cmpi slt, %add3A_194, %lt3A_217 : i32
      %convert_element_type3A_219 = arith.extui %lt3A_218 : i1 to i32
      %cond3A_220 = arith.constant 0 : i32
      %cond3A_221 = arith.cmpi ne, %convert_element_type3A_219, %cond3A_220 : i32
      scf.if %cond3A_221 {
        %dma_wait3A_532 = arith.constant 0 : i32
        %dma_wait3A_533 = arith.constant 0 : i32
        %dma_wait3A_534 = tpu.memref_slice %arg6[%dma_wait3A_532, %dma_wait3A_533] : memref<3x80xi32, #tpu.memory_space<vmem>> -> memref<1x80xi32, #tpu.memory_space<vmem>>
        %dma_wait3A_535 = tpu.memref_squeeze %dma_wait3A_534 : memref<1x80xi32, #tpu.memory_space<vmem>> -> memref<80xi32, #tpu.memory_space<vmem>>
        %dma_wait3A_536 = arith.constant 0 : i32
        %dma_wait3A_537 = arith.constant 0 : i32
        %dma_wait3A_538 = tpu.memref_slice %arg3[%dma_wait3A_536, %dma_wait3A_537] : memref<10000x128xf32, #tpu.memory_space<hbm>> -> memref<10000x128xf32, #tpu.memory_space<hbm>>
        tpu.wait_indirect_dma semaphore(%arg23 : memref<!tpu.dma_semaphore, #tpu.memory_space<semaphore_mem>>) src(%dma_wait3A_538 : memref<10000x128xf32, #tpu.memory_space<hbm>>) dst(%arg12 : memref<80x128xf32, #tpu.memory_space<vmem>>)
        %scan3A_539 = arith.constant 0 : i32
        %scan3A_540 = arith.constant 0 : i32
        %scan3A_541 = arith.constant 80 : i32
        %scan3A_542 = arith.addi %scan3A_540, %scan3A_541 : i32
        %scan3A_543 = arith.constant 1 : i32
        scf.for %scan3A_552 = %scan3A_540 to %scan3A_542 step %scan3A_543  : i32 {
          %broadcast_in_dim3A_553 = vector.broadcast %scan3A_552 : i32 to vector<16xi32>
          %gather3A = tpu.vector_load_idx %arg6[%broadcast_in_dim3A_1, %broadcast_in_dim3A_553] : memref<3x80xi32, #tpu.memory_space<vmem>>[vector<16xi32>, vector<16xi32>], vector<16xi32>,
          %bitcast3A = vector.bitcast %gather3A : vector<16xi32> to vector<16xf32>
          %get3A = arith.index_cast %scan3A_552 : i32 to index
          %get3A_554 = arith.constant 0 : index
          %get3A_555 = tpu.vector_load %arg12[%get3A, %get3A_554] {strides = array<i32>} : memref<80x128xf32, #tpu.memory_space<vmem>>, vector<16xf32>,
          %mul3A_556 = arith.mulf %get3A_555, %bitcast3A : vector<16xf32>
          %swap3A = arith.index_cast %scan3A_552 : i32 to index
          %swap3A_557 = arith.constant 0 : index
          %swap3A_558 = tpu.vector_load %arg12[%swap3A, %swap3A_557] {strides = array<i32>} : memref<80x128xf32, #tpu.memory_space<vmem>>, vector<16xf32>,
          tpu.vector_store %arg12[%swap3A, %swap3A_557], %mul3A_556 {strides = array<i32>} : memref<80x128xf32, #tpu.memory_space<vmem>>, vector<16xf32>,
          %get3A_559 = arith.index_cast %scan3A_552 : i32 to index
          %get3A_560 = arith.constant 16 : index
          %get3A_561 = tpu.vector_load %arg12[%get3A_559, %get3A_560] {strides = array<i32>} : memref<80x128xf32, #tpu.memory_space<vmem>>, vector<16xf32>,
          %mul3A_562 = arith.mulf %get3A_561, %bitcast3A : vector<16xf32>
          %swap3A_563 = arith.index_cast %scan3A_552 : i32 to index
          %swap3A_564 = arith.constant 16 : index
          %swap3A_565 = tpu.vector_load %arg12[%swap3A_563, %swap3A_564] {strides = array<i32>} : memref<80x128xf32, #tpu.memory_space<vmem>>, vector<16xf32>,
          tpu.vector_store %arg12[%swap3A_563, %swap3A_564], %mul3A_562 {strides = array<i32>} : memref<80x128xf32, #tpu.memory_space<vmem>>, vector<16xf32>,
          %get3A_566 = arith.index_cast %scan3A_552 : i32 to index
          %get3A_567 = arith.constant 32 : index
          %get3A_568 = tpu.vector_load %arg12[%get3A_566, %get3A_567] {strides = array<i32>} : memref<80x128xf32, #tpu.memory_space<vmem>>, vector<16xf32>,
          %mul3A_569 = arith.mulf %get3A_568, %bitcast3A : vector<16xf32>
          %swap3A_570 = arith.index_cast %scan3A_552 : i32 to index
          %swap3A_571 = arith.constant 32 : index
          %swap3A_572 = tpu.vector_load %arg12[%swap3A_570, %swap3A_571] {strides = array<i32>} : memref<80x128xf32, #tpu.memory_space<vmem>>, vector<16xf32>,
          tpu.vector_store %arg12[%swap3A_570, %swap3A_571], %mul3A_569 {strides = array<i32>} : memref<80x128xf32, #tpu.memory_space<vmem>>, vector<16xf32>,
          %get3A_573 = arith.index_cast %scan3A_552 : i32 to index
          %get3A_574 = arith.constant 48 : index
          %get3A_575 = tpu.vector_load %arg12[%get3A_573, %get3A_574] {strides = array<i32>} : memref<80x128xf32, #tpu.memory_space<vmem>>, vector<16xf32>,
          %mul3A_576 = arith.mulf %get3A_575, %bitcast3A : vector<16xf32>
          %swap3A_577 = arith.index_cast %scan3A_552 : i32 to index
          %swap3A_578 = arith.constant 48 : index
          %swap3A_579 = tpu.vector_load %arg12[%swap3A_577, %swap3A_578] {strides = array<i32>} : memref<80x128xf32, #tpu.memory_space<vmem>>, vector<16xf32>,
          tpu.vector_store %arg12[%swap3A_577, %swap3A_578], %mul3A_576 {strides = array<i32>} : memref<80x128xf32, #tpu.memory_space<vmem>>, vector<16xf32>,
          %get3A_580 = arith.index_cast %scan3A_552 : i32 to index
          %get3A_581 = arith.constant 64 : index
          %get3A_582 = tpu.vector_load %arg12[%get3A_580, %get3A_581] {strides = array<i32>} : memref<80x128xf32, #tpu.memory_space<vmem>>, vector<16xf32>,
          %mul3A_583 = arith.mulf %get3A_582, %bitcast3A : vector<16xf32>
          %swap3A_584 = arith.index_cast %scan3A_552 : i32 to index
          %swap3A_585 = arith.constant 64 : index
          %swap3A_586 = tpu.vector_load %arg12[%swap3A_584, %swap3A_585] {strides = array<i32>} : memref<80x128xf32, #tpu.memory_space<vmem>>, vector<16xf32>,
          tpu.vector_store %arg12[%swap3A_584, %swap3A_585], %mul3A_583 {strides = array<i32>} : memref<80x128xf32, #tpu.memory_space<vmem>>, vector<16xf32>,
          %get3A_587 = arith.index_cast %scan3A_552 : i32 to index
          %get3A_588 = arith.constant 80 : index
          %get3A_589 = tpu.vector_load %arg12[%get3A_587, %get3A_588] {strides = array<i32>} : memref<80x128xf32, #tpu.memory_space<vmem>>, vector<16xf32>,
          %mul3A_590 = arith.mulf %get3A_589, %bitcast3A : vector<16xf32>
          %swap3A_591 = arith.index_cast %scan3A_552 : i32 to index
          %swap3A_592 = arith.constant 80 : index
          %swap3A_593 = tpu.vector_load %arg12[%swap3A_591, %swap3A_592] {strides = array<i32>} : memref<80x128xf32, #tpu.memory_space<vmem>>, vector<16xf32>,
          tpu.vector_store %arg12[%swap3A_591, %swap3A_592], %mul3A_590 {strides = array<i32>} : memref<80x128xf32, #tpu.memory_space<vmem>>, vector<16xf32>,
          %get3A_594 = arith.index_cast %scan3A_552 : i32 to index
          %get3A_595 = arith.constant 96 : index
          %get3A_596 = tpu.vector_load %arg12[%get3A_594, %get3A_595] {strides = array<i32>} : memref<80x128xf32, #tpu.memory_space<vmem>>, vector<16xf32>,
          %mul3A_597 = arith.mulf %get3A_596, %bitcast3A : vector<16xf32>
          %swap3A_598 = arith.index_cast %scan3A_552 : i32 to index
          %swap3A_599 = arith.constant 96 : index
          %swap3A_600 = tpu.vector_load %arg12[%swap3A_598, %swap3A_599] {strides = array<i32>} : memref<80x128xf32, #tpu.memory_space<vmem>>, vector<16xf32>,
          tpu.vector_store %arg12[%swap3A_598, %swap3A_599], %mul3A_597 {strides = array<i32>} : memref<80x128xf32, #tpu.memory_space<vmem>>, vector<16xf32>,
          %get3A_601 = arith.index_cast %scan3A_552 : i32 to index
          %get3A_602 = arith.constant 112 : index
          %get3A_603 = tpu.vector_load %arg12[%get3A_601, %get3A_602] {strides = array<i32>} : memref<80x128xf32, #tpu.memory_space<vmem>>, vector<16xf32>,
          %mul3A_604 = arith.mulf %get3A_603, %bitcast3A : vector<16xf32>
          %swap3A_605 = arith.index_cast %scan3A_552 : i32 to index
          %swap3A_606 = arith.constant 112 : index
          %swap3A_607 = tpu.vector_load %arg12[%swap3A_605, %swap3A_606] {strides = array<i32>} : memref<80x128xf32, #tpu.memory_space<vmem>>, vector<16xf32>,
          tpu.vector_store %arg12[%swap3A_605, %swap3A_606], %mul3A_604 {strides = array<i32>} : memref<80x128xf32, #tpu.memory_space<vmem>>, vector<16xf32>,
        }
        %scan3A_544 = arith.constant 80 : i32
        %dma_start3A_545 = arith.constant 1 : i32
        %dma_start3A_546 = arith.constant 0 : i32
        %dma_start3A_547 = tpu.memref_slice %arg6[%dma_start3A_545, %dma_start3A_546] : memref<3x80xi32, #tpu.memory_space<vmem>> -> memref<1x80xi32, #tpu.memory_space<vmem>>
        %dma_start3A_548 = tpu.memref_squeeze %dma_start3A_547 : memref<1x80xi32, #tpu.memory_space<vmem>> -> memref<80xi32, #tpu.memory_space<vmem>>
        %dma_start3A_549 = arith.constant 0 : i32
        %dma_start3A_550 = arith.constant 0 : i32
        %dma_start3A_551 = tpu.memref_slice %arg15[%dma_start3A_549, %dma_start3A_550] : memref<10000x128xf32, #tpu.memory_space<vmem_shared>> -> memref<10000x128xf32, #tpu.memory_space<vmem_shared>>
        tpu.enqueue_indirect_dma source(%arg12 : memref<80x128xf32, #tpu.memory_space<vmem>>) target(%dma_start3A_551 : memref<10000x128xf32, #tpu.memory_space<vmem_shared>>) offsets(%dma_start3A_548 : memref<80xi32, #tpu.memory_space<vmem>>) semaphore(%arg27 : memref<!tpu.dma_semaphore, #tpu.memory_space<semaphore_mem>>) {add = true}
      } else {
      }
      %mul3A_222 = arith.constant 12 : i32
      %mul3A_223 = arith.muli %scan3A_162, %mul3A_222 : i32
      %add3A_224 = arith.constant 2 : i32
      %add3A_225 = arith.addi %mul3A_223, %add3A_224 : i32
      %ge3A_226 = arith.constant 1 : i32
      %ge3A_227 = arith.cmpi sge, %add3A_225, %ge3A_226 : i32
      %le3A_228 = arith.constant 125 : i32
      %le3A_229 = arith.cmpi sle, %add3A_225, %le3A_228 : i32
      %and3A_230 = arith.andi %ge3A_227, %le3A_229 : i1
      %convert_element_type3A_231 = arith.extui %and3A_230 : i1 to i32
      %cond3A_232 = arith.constant 0 : i32
      %cond3A_233 = arith.cmpi ne, %convert_element_type3A_231, %cond3A_232 : i32
      scf.if %cond3A_233 {
        %dma_wait3A_532 = arith.constant 1 : i32
        %dma_wait3A_533 = arith.constant 0 : i32
        %dma_wait3A_534 = tpu.memref_slice %arg6[%dma_wait3A_532, %dma_wait3A_533] : memref<3x80xi32, #tpu.memory_space<vmem>> -> memref<1x80xi32, #tpu.memory_space<vmem>>
        %dma_wait3A_535 = tpu.memref_squeeze %dma_wait3A_534 : memref<1x80xi32, #tpu.memory_space<vmem>> -> memref<80xi32, #tpu.memory_space<vmem>>
        %dma_wait3A_536 = arith.constant 0 : i32
        %dma_wait3A_537 = arith.constant 0 : i32
        %dma_wait3A_538 = tpu.memref_slice %arg15[%dma_wait3A_536, %dma_wait3A_537] : memref<10000x128xf32, #tpu.memory_space<vmem_shared>> -> memref<10000x128xf32, #tpu.memory_space<vmem_shared>>
        tpu.wait_indirect_dma semaphore(%arg27 : memref<!tpu.dma_semaphore, #tpu.memory_space<semaphore_mem>>) src(%arg12 : memref<80x128xf32, #tpu.memory_space<vmem>>) dst(%dma_wait3A_538 : memref<10000x128xf32, #tpu.memory_space<vmem_shared>>)
      } else {
      }
      %add3A_234 = arith.constant 3 : i32
      %add3A_235 = arith.addi %add3A_225, %add3A_234 : i32
      %lt3A_236 = arith.constant 125 : i32
      %lt3A_237 = arith.cmpi slt, %add3A_235, %lt3A_236 : i32
      %convert_element_type3A_238 = arith.extui %lt3A_237 : i1 to i32
      %cond3A_239 = arith.constant 0 : i32
      %cond3A_240 = arith.cmpi ne, %convert_element_type3A_238, %cond3A_239 : i32
      scf.if %cond3A_240 {
        %add3A_532 = arith.constant 3 : i32
        %add3A_533 = arith.addi %add3A_225, %add3A_532 : i32
        %mul3A_534 = arith.constant 32 : i32
        %mul3A_535 = arith.muli %add3A_533, %mul3A_534 : i32
        %add3A_536 = arith.addi %add3A, %mul3A_535 : i32
        %dma_wait3A_537 = arith.constant 0 : i32
        %dma_wait3A_538 = arith.constant 0 : i32
        %dma_wait3A_539 = tpu.memref_slice %arg2[%add3A_536, %dma_wait3A_537, %dma_wait3A_538] : memref<4000x3x80xi32, #tpu.memory_space<hbm>> -> memref<1x3x80xi32, #tpu.memory_space<hbm>>
        %dma_wait3A_540 = tpu.memref_squeeze %dma_wait3A_539 : memref<1x3x80xi32, #tpu.memory_space<hbm>> -> memref<3x80xi32, #tpu.memory_space<hbm>>
        %dma_wait3A_541 = arith.constant 0 : i32
        %dma_wait3A_542 = arith.constant 0 : i32
        %dma_wait3A_543 = tpu.memref_slice %arg2[%add3A_536, %dma_wait3A_541, %dma_wait3A_542] : memref<4000x3x80xi32, #tpu.memory_space<hbm>> -> memref<1x3x80xi32, #tpu.memory_space<hbm>>
        %dma_wait3A_544 = tpu.memref_squeeze %dma_wait3A_543 : memref<1x3x80xi32, #tpu.memory_space<hbm>> -> memref<3x80xi32, #tpu.memory_space<hbm>>
        tpu.wait_dma2 semaphore(%arg21 : memref<!tpu.dma_semaphore, #tpu.memory_space<semaphore_mem>>) src(%dma_wait3A_544 : memref<3x80xi32, #tpu.memory_space<hbm>>) dst(%arg10 : memref<3x80xi32, #tpu.memory_space<vmem>>)
        %dma_start3A_545 = arith.constant 0 : i32
        %dma_start3A_546 = arith.constant 0 : i32
        %dma_start3A_547 = tpu.memref_slice %arg10[%dma_start3A_545, %dma_start3A_546] : memref<3x80xi32, #tpu.memory_space<vmem>> -> memref<1x80xi32, #tpu.memory_space<vmem>>
        %dma_start3A_548 = tpu.memref_squeeze %dma_start3A_547 : memref<1x80xi32, #tpu.memory_space<vmem>> -> memref<80xi32, #tpu.memory_space<vmem>>
        %dma_start3A_549 = arith.constant 0 : i32
        %dma_start3A_550 = arith.constant 0 : i32
        %dma_start3A_551 = tpu.memref_slice %arg3[%dma_start3A_549, %dma_start3A_550] : memref<10000x128xf32, #tpu.memory_space<hbm>> -> memref<10000x128xf32, #tpu.memory_space<hbm>>
        tpu.enqueue_indirect_dma source(%dma_start3A_551 : memref<10000x128xf32, #tpu.memory_space<hbm>>) target(%arg12 : memref<80x128xf32, #tpu.memory_space<vmem>>) offsets(%dma_start3A_548 : memref<80xi32, #tpu.memory_space<vmem>>) semaphore(%arg23 : memref<!tpu.dma_semaphore, #tpu.memory_space<semaphore_mem>>)
      } else {
      }
      %add3A_241 = arith.constant 5 : i32
      %add3A_242 = arith.addi %add3A_225, %add3A_241 : i32
      %lt3A_243 = arith.constant 125 : i32
      %lt3A_244 = arith.cmpi slt, %add3A_242, %lt3A_243 : i32
      %convert_element_type3A_245 = arith.extui %lt3A_244 : i1 to i32
      %cond3A_246 = arith.constant 0 : i32
      %cond3A_247 = arith.cmpi ne, %convert_element_type3A_245, %cond3A_246 : i32
      scf.if %cond3A_247 {
        %add3A_532 = arith.constant 5 : i32
        %add3A_533 = arith.addi %add3A_225, %add3A_532 : i32
        %mul3A_534 = arith.constant 32 : i32
        %mul3A_535 = arith.muli %add3A_533, %mul3A_534 : i32
        %add3A_536 = arith.addi %add3A, %mul3A_535 : i32
        %dma_start3A_537 = arith.constant 0 : i32
        %dma_start3A_538 = arith.constant 0 : i32
        %dma_start3A_539 = tpu.memref_slice %arg2[%add3A_536, %dma_start3A_537, %dma_start3A_538] : memref<4000x3x80xi32, #tpu.memory_space<hbm>> -> memref<1x3x80xi32, #tpu.memory_space<hbm>>
        %dma_start3A_540 = tpu.memref_squeeze %dma_start3A_539 : memref<1x3x80xi32, #tpu.memory_space<hbm>> -> memref<3x80xi32, #tpu.memory_space<hbm>>
        %dma_start3A_541 = arith.constant 0 : i32
        %dma_start3A_542 = arith.constant 0 : i32
        %dma_start3A_543 = tpu.memref_slice %arg2[%add3A_536, %dma_start3A_541, %dma_start3A_542] : memref<4000x3x80xi32, #tpu.memory_space<hbm>> -> memref<1x3x80xi32, #tpu.memory_space<hbm>>
        %dma_start3A_544 = tpu.memref_squeeze %dma_start3A_543 : memref<1x3x80xi32, #tpu.memory_space<hbm>> -> memref<3x80xi32, #tpu.memory_space<hbm>>
        tpu.enqueue_dma source(%dma_start3A_544 : memref<3x80xi32, #tpu.memory_space<hbm>>) target(%arg6 : memref<3x80xi32, #tpu.memory_space<vmem>>) target_semaphore(%arg17 : memref<!tpu.dma_semaphore, #tpu.memory_space<semaphore_mem>>)
      } else {
      }
      %lt3A_248 = arith.constant 125 : i32
      %lt3A_249 = arith.cmpi slt, %add3A_225, %lt3A_248 : i32
      %convert_element_type3A_250 = arith.extui %lt3A_249 : i1 to i32
      %cond3A_251 = arith.constant 0 : i32
      %cond3A_252 = arith.cmpi ne, %convert_element_type3A_250, %cond3A_251 : i32
      scf.if %cond3A_252 {
        %dma_wait3A_532 = arith.constant 0 : i32
        %dma_wait3A_533 = arith.constant 0 : i32
        %dma_wait3A_534 = tpu.memref_slice %arg7[%dma_wait3A_532, %dma_wait3A_533] : memref<3x80xi32, #tpu.memory_space<vmem>> -> memref<1x80xi32, #tpu.memory_space<vmem>>
        %dma_wait3A_535 = tpu.memref_squeeze %dma_wait3A_534 : memref<1x80xi32, #tpu.memory_space<vmem>> -> memref<80xi32, #tpu.memory_space<vmem>>
        %dma_wait3A_536 = arith.constant 0 : i32
        %dma_wait3A_537 = arith.constant 0 : i32
        %dma_wait3A_538 = tpu.memref_slice %arg3[%dma_wait3A_536, %dma_wait3A_537] : memref<10000x128xf32, #tpu.memory_space<hbm>> -> memref<10000x128xf32, #tpu.memory_space<hbm>>
        tpu.wait_indirect_dma semaphore(%arg24 : memref<!tpu.dma_semaphore, #tpu.memory_space<semaphore_mem>>) src(%dma_wait3A_538 : memref<10000x128xf32, #tpu.memory_space<hbm>>) dst(%arg13 : memref<80x128xf32, #tpu.memory_space<vmem>>)
        %scan3A_539 = arith.constant 0 : i32
        %scan3A_540 = arith.constant 0 : i32
        %scan3A_541 = arith.constant 80 : i32
        %scan3A_542 = arith.addi %scan3A_540, %scan3A_541 : i32
        %scan3A_543 = arith.constant 1 : i32
        scf.for %scan3A_552 = %scan3A_540 to %scan3A_542 step %scan3A_543  : i32 {
          %broadcast_in_dim3A_553 = vector.broadcast %scan3A_552 : i32 to vector<16xi32>
          %gather3A = tpu.vector_load_idx %arg7[%broadcast_in_dim3A_1, %broadcast_in_dim3A_553] : memref<3x80xi32, #tpu.memory_space<vmem>>[vector<16xi32>, vector<16xi32>], vector<16xi32>,
          %bitcast3A = vector.bitcast %gather3A : vector<16xi32> to vector<16xf32>
          %get3A = arith.index_cast %scan3A_552 : i32 to index
          %get3A_554 = arith.constant 0 : index
          %get3A_555 = tpu.vector_load %arg13[%get3A, %get3A_554] {strides = array<i32>} : memref<80x128xf32, #tpu.memory_space<vmem>>, vector<16xf32>,
          %mul3A_556 = arith.mulf %get3A_555, %bitcast3A : vector<16xf32>
          %swap3A = arith.index_cast %scan3A_552 : i32 to index
          %swap3A_557 = arith.constant 0 : index
          %swap3A_558 = tpu.vector_load %arg13[%swap3A, %swap3A_557] {strides = array<i32>} : memref<80x128xf32, #tpu.memory_space<vmem>>, vector<16xf32>,
          tpu.vector_store %arg13[%swap3A, %swap3A_557], %mul3A_556 {strides = array<i32>} : memref<80x128xf32, #tpu.memory_space<vmem>>, vector<16xf32>,
          %get3A_559 = arith.index_cast %scan3A_552 : i32 to index
          %get3A_560 = arith.constant 16 : index
          %get3A_561 = tpu.vector_load %arg13[%get3A_559, %get3A_560] {strides = array<i32>} : memref<80x128xf32, #tpu.memory_space<vmem>>, vector<16xf32>,
          %mul3A_562 = arith.mulf %get3A_561, %bitcast3A : vector<16xf32>
          %swap3A_563 = arith.index_cast %scan3A_552 : i32 to index
          %swap3A_564 = arith.constant 16 : index
          %swap3A_565 = tpu.vector_load %arg13[%swap3A_563, %swap3A_564] {strides = array<i32>} : memref<80x128xf32, #tpu.memory_space<vmem>>, vector<16xf32>,
          tpu.vector_store %arg13[%swap3A_563, %swap3A_564], %mul3A_562 {strides = array<i32>} : memref<80x128xf32, #tpu.memory_space<vmem>>, vector<16xf32>,
          %get3A_566 = arith.index_cast %scan3A_552 : i32 to index
          %get3A_567 = arith.constant 32 : index
          %get3A_568 = tpu.vector_load %arg13[%get3A_566, %get3A_567] {strides = array<i32>} : memref<80x128xf32, #tpu.memory_space<vmem>>, vector<16xf32>,
          %mul3A_569 = arith.mulf %get3A_568, %bitcast3A : vector<16xf32>
          %swap3A_570 = arith.index_cast %scan3A_552 : i32 to index
          %swap3A_571 = arith.constant 32 : index
          %swap3A_572 = tpu.vector_load %arg13[%swap3A_570, %swap3A_571] {strides = array<i32>} : memref<80x128xf32, #tpu.memory_space<vmem>>, vector<16xf32>,
          tpu.vector_store %arg13[%swap3A_570, %swap3A_571], %mul3A_569 {strides = array<i32>} : memref<80x128xf32, #tpu.memory_space<vmem>>, vector<16xf32>,
          %get3A_573 = arith.index_cast %scan3A_552 : i32 to index
          %get3A_574 = arith.constant 48 : index
          %get3A_575 = tpu.vector_load %arg13[%get3A_573, %get3A_574] {strides = array<i32>} : memref<80x128xf32, #tpu.memory_space<vmem>>, vector<16xf32>,
          %mul3A_576 = arith.mulf %get3A_575, %bitcast3A : vector<16xf32>
          %swap3A_577 = arith.index_cast %scan3A_552 : i32 to index
          %swap3A_578 = arith.constant 48 : index
          %swap3A_579 = tpu.vector_load %arg13[%swap3A_577, %swap3A_578] {strides = array<i32>} : memref<80x128xf32, #tpu.memory_space<vmem>>, vector<16xf32>,
          tpu.vector_store %arg13[%swap3A_577, %swap3A_578], %mul3A_576 {strides = array<i32>} : memref<80x128xf32, #tpu.memory_space<vmem>>, vector<16xf32>,
          %get3A_580 = arith.index_cast %scan3A_552 : i32 to index
          %get3A_581 = arith.constant 64 : index
          %get3A_582 = tpu.vector_load %arg13[%get3A_580, %get3A_581] {strides = array<i32>} : memref<80x128xf32, #tpu.memory_space<vmem>>, vector<16xf32>,
          %mul3A_583 = arith.mulf %get3A_582, %bitcast3A : vector<16xf32>
          %swap3A_584 = arith.index_cast %scan3A_552 : i32 to index
          %swap3A_585 = arith.constant 64 : index
          %swap3A_586 = tpu.vector_load %arg13[%swap3A_584, %swap3A_585] {strides = array<i32>} : memref<80x128xf32, #tpu.memory_space<vmem>>, vector<16xf32>,
          tpu.vector_store %arg13[%swap3A_584, %swap3A_585], %mul3A_583 {strides = array<i32>} : memref<80x128xf32, #tpu.memory_space<vmem>>, vector<16xf32>,
          %get3A_587 = arith.index_cast %scan3A_552 : i32 to index
          %get3A_588 = arith.constant 80 : index
          %get3A_589 = tpu.vector_load %arg13[%get3A_587, %get3A_588] {strides = array<i32>} : memref<80x128xf32, #tpu.memory_space<vmem>>, vector<16xf32>,
          %mul3A_590 = arith.mulf %get3A_589, %bitcast3A : vector<16xf32>
          %swap3A_591 = arith.index_cast %scan3A_552 : i32 to index
          %swap3A_592 = arith.constant 80 : index
          %swap3A_593 = tpu.vector_load %arg13[%swap3A_591, %swap3A_592] {strides = array<i32>} : memref<80x128xf32, #tpu.memory_space<vmem>>, vector<16xf32>,
          tpu.vector_store %arg13[%swap3A_591, %swap3A_592], %mul3A_590 {strides = array<i32>} : memref<80x128xf32, #tpu.memory_space<vmem>>, vector<16xf32>,
          %get3A_594 = arith.index_cast %scan3A_552 : i32 to index
          %get3A_595 = arith.constant 96 : index
          %get3A_596 = tpu.vector_load %arg13[%get3A_594, %get3A_595] {strides = array<i32>} : memref<80x128xf32, #tpu.memory_space<vmem>>, vector<16xf32>,
          %mul3A_597 = arith.mulf %get3A_596, %bitcast3A : vector<16xf32>
          %swap3A_598 = arith.index_cast %scan3A_552 : i32 to index
          %swap3A_599 = arith.constant 96 : index
          %swap3A_600 = tpu.vector_load %arg13[%swap3A_598, %swap3A_599] {strides = array<i32>} : memref<80x128xf32, #tpu.memory_space<vmem>>, vector<16xf32>,
          tpu.vector_store %arg13[%swap3A_598, %swap3A_599], %mul3A_597 {strides = array<i32>} : memref<80x128xf32, #tpu.memory_space<vmem>>, vector<16xf32>,
          %get3A_601 = arith.index_cast %scan3A_552 : i32 to index
          %get3A_602 = arith.constant 112 : index
          %get3A_603 = tpu.vector_load %arg13[%get3A_601, %get3A_602] {strides = array<i32>} : memref<80x128xf32, #tpu.memory_space<vmem>>, vector<16xf32>,
          %mul3A_604 = arith.mulf %get3A_603, %bitcast3A : vector<16xf32>
          %swap3A_605 = arith.index_cast %scan3A_552 : i32 to index
          %swap3A_606 = arith.constant 112 : index
          %swap3A_607 = tpu.vector_load %arg13[%swap3A_605, %swap3A_606] {strides = array<i32>} : memref<80x128xf32, #tpu.memory_space<vmem>>, vector<16xf32>,
          tpu.vector_store %arg13[%swap3A_605, %swap3A_606], %mul3A_604 {strides = array<i32>} : memref<80x128xf32, #tpu.memory_space<vmem>>, vector<16xf32>,
        }
        %scan3A_544 = arith.constant 80 : i32
        %dma_start3A_545 = arith.constant 1 : i32
        %dma_start3A_546 = arith.constant 0 : i32
        %dma_start3A_547 = tpu.memref_slice %arg7[%dma_start3A_545, %dma_start3A_546] : memref<3x80xi32, #tpu.memory_space<vmem>> -> memref<1x80xi32, #tpu.memory_space<vmem>>
        %dma_start3A_548 = tpu.memref_squeeze %dma_start3A_547 : memref<1x80xi32, #tpu.memory_space<vmem>> -> memref<80xi32, #tpu.memory_space<vmem>>
        %dma_start3A_549 = arith.constant 0 : i32
        %dma_start3A_550 = arith.constant 0 : i32
        %dma_start3A_551 = tpu.memref_slice %arg15[%dma_start3A_549, %dma_start3A_550] : memref<10000x128xf32, #tpu.memory_space<vmem_shared>> -> memref<10000x128xf32, #tpu.memory_space<vmem_shared>>
        tpu.enqueue_indirect_dma source(%arg13 : memref<80x128xf32, #tpu.memory_space<vmem>>) target(%dma_start3A_551 : memref<10000x128xf32, #tpu.memory_space<vmem_shared>>) offsets(%dma_start3A_548 : memref<80xi32, #tpu.memory_space<vmem>>) semaphore(%arg28 : memref<!tpu.dma_semaphore, #tpu.memory_space<semaphore_mem>>) {add = true}
      } else {
      }
      %mul3A_253 = arith.constant 12 : i32
      %mul3A_254 = arith.muli %scan3A_162, %mul3A_253 : i32
      %add3A_255 = arith.constant 3 : i32
      %add3A_256 = arith.addi %mul3A_254, %add3A_255 : i32
      %ge3A_257 = arith.constant 1 : i32
      %ge3A_258 = arith.cmpi sge, %add3A_256, %ge3A_257 : i32
      %le3A_259 = arith.constant 125 : i32
      %le3A_260 = arith.cmpi sle, %add3A_256, %le3A_259 : i32
      %and3A_261 = arith.andi %ge3A_258, %le3A_260 : i1
      %convert_element_type3A_262 = arith.extui %and3A_261 : i1 to i32
      %cond3A_263 = arith.constant 0 : i32
      %cond3A_264 = arith.cmpi ne, %convert_element_type3A_262, %cond3A_263 : i32
      scf.if %cond3A_264 {
        %dma_wait3A_532 = arith.constant 1 : i32
        %dma_wait3A_533 = arith.constant 0 : i32
        %dma_wait3A_534 = tpu.memref_slice %arg7[%dma_wait3A_532, %dma_wait3A_533] : memref<3x80xi32, #tpu.memory_space<vmem>> -> memref<1x80xi32, #tpu.memory_space<vmem>>
        %dma_wait3A_535 = tpu.memref_squeeze %dma_wait3A_534 : memref<1x80xi32, #tpu.memory_space<vmem>> -> memref<80xi32, #tpu.memory_space<vmem>>
        %dma_wait3A_536 = arith.constant 0 : i32
        %dma_wait3A_537 = arith.constant 0 : i32
        %dma_wait3A_538 = tpu.memref_slice %arg15[%dma_wait3A_536, %dma_wait3A_537] : memref<10000x128xf32, #tpu.memory_space<vmem_shared>> -> memref<10000x128xf32, #tpu.memory_space<vmem_shared>>
        tpu.wait_indirect_dma semaphore(%arg28 : memref<!tpu.dma_semaphore, #tpu.memory_space<semaphore_mem>>) src(%arg13 : memref<80x128xf32, #tpu.memory_space<vmem>>) dst(%dma_wait3A_538 : memref<10000x128xf32, #tpu.memory_space<vmem_shared>>)
      } else {
      }
      %add3A_265 = arith.constant 3 : i32
      %add3A_266 = arith.addi %add3A_256, %add3A_265 : i32
      %lt3A_267 = arith.constant 125 : i32
      %lt3A_268 = arith.cmpi slt, %add3A_266, %lt3A_267 : i32
      %convert_element_type3A_269 = arith.extui %lt3A_268 : i1 to i32
      %cond3A_270 = arith.constant 0 : i32
      %cond3A_271 = arith.cmpi ne, %convert_element_type3A_269, %cond3A_270 : i32
      scf.if %cond3A_271 {
        %add3A_532 = arith.constant 3 : i32
        %add3A_533 = arith.addi %add3A_256, %add3A_532 : i32
        %mul3A_534 = arith.constant 32 : i32
        %mul3A_535 = arith.muli %add3A_533, %mul3A_534 : i32
        %add3A_536 = arith.addi %add3A, %mul3A_535 : i32
        %dma_wait3A_537 = arith.constant 0 : i32
        %dma_wait3A_538 = arith.constant 0 : i32
        %dma_wait3A_539 = tpu.memref_slice %arg2[%add3A_536, %dma_wait3A_537, %dma_wait3A_538] : memref<4000x3x80xi32, #tpu.memory_space<hbm>> -> memref<1x3x80xi32, #tpu.memory_space<hbm>>
        %dma_wait3A_540 = tpu.memref_squeeze %dma_wait3A_539 : memref<1x3x80xi32, #tpu.memory_space<hbm>> -> memref<3x80xi32, #tpu.memory_space<hbm>>
        %dma_wait3A_541 = arith.constant 0 : i32
        %dma_wait3A_542 = arith.constant 0 : i32
        %dma_wait3A_543 = tpu.memref_slice %arg2[%add3A_536, %dma_wait3A_541, %dma_wait3A_542] : memref<4000x3x80xi32, #tpu.memory_space<hbm>> -> memref<1x3x80xi32, #tpu.memory_space<hbm>>
        %dma_wait3A_544 = tpu.memref_squeeze %dma_wait3A_543 : memref<1x3x80xi32, #tpu.memory_space<hbm>> -> memref<3x80xi32, #tpu.memory_space<hbm>>
        tpu.wait_dma2 semaphore(%arg16 : memref<!tpu.dma_semaphore, #tpu.memory_space<semaphore_mem>>) src(%dma_wait3A_544 : memref<3x80xi32, #tpu.memory_space<hbm>>) dst(%arg5 : memref<3x80xi32, #tpu.memory_space<vmem>>)
        %dma_start3A_545 = arith.constant 0 : i32
        %dma_start3A_546 = arith.constant 0 : i32
        %dma_start3A_547 = tpu.memref_slice %arg5[%dma_start3A_545, %dma_start3A_546] : memref<3x80xi32, #tpu.memory_space<vmem>> -> memref<1x80xi32, #tpu.memory_space<vmem>>
        %dma_start3A_548 = tpu.memref_squeeze %dma_start3A_547 : memref<1x80xi32, #tpu.memory_space<vmem>> -> memref<80xi32, #tpu.memory_space<vmem>>
        %dma_start3A_549 = arith.constant 0 : i32
        %dma_start3A_550 = arith.constant 0 : i32
        %dma_start3A_551 = tpu.memref_slice %arg3[%dma_start3A_549, %dma_start3A_550] : memref<10000x128xf32, #tpu.memory_space<hbm>> -> memref<10000x128xf32, #tpu.memory_space<hbm>>
        tpu.enqueue_indirect_dma source(%dma_start3A_551 : memref<10000x128xf32, #tpu.memory_space<hbm>>) target(%arg13 : memref<80x128xf32, #tpu.memory_space<vmem>>) offsets(%dma_start3A_548 : memref<80xi32, #tpu.memory_space<vmem>>) semaphore(%arg24 : memref<!tpu.dma_semaphore, #tpu.memory_space<semaphore_mem>>)
      } else {
      }
      %add3A_272 = arith.constant 5 : i32
      %add3A_273 = arith.addi %add3A_256, %add3A_272 : i32
      %lt3A_274 = arith.constant 125 : i32
      %lt3A_275 = arith.cmpi slt, %add3A_273, %lt3A_274 : i32
      %convert_element_type3A_276 = arith.extui %lt3A_275 : i1 to i32
      %cond3A_277 = arith.constant 0 : i32
      %cond3A_278 = arith.cmpi ne, %convert_element_type3A_276, %cond3A_277 : i32
      scf.if %cond3A_278 {
        %add3A_532 = arith.constant 5 : i32
        %add3A_533 = arith.addi %add3A_256, %add3A_532 : i32
        %mul3A_534 = arith.constant 32 : i32
        %mul3A_535 = arith.muli %add3A_533, %mul3A_534 : i32
        %add3A_536 = arith.addi %add3A, %mul3A_535 : i32
        %dma_start3A_537 = arith.constant 0 : i32
        %dma_start3A_538 = arith.constant 0 : i32
        %dma_start3A_539 = tpu.memref_slice %arg2[%add3A_536, %dma_start3A_537, %dma_start3A_538] : memref<4000x3x80xi32, #tpu.memory_space<hbm>> -> memref<1x3x80xi32, #tpu.memory_space<hbm>>
        %dma_start3A_540 = tpu.memref_squeeze %dma_start3A_539 : memref<1x3x80xi32, #tpu.memory_space<hbm>> -> memref<3x80xi32, #tpu.memory_space<hbm>>
        %dma_start3A_541 = arith.constant 0 : i32
        %dma_start3A_542 = arith.constant 0 : i32
        %dma_start3A_543 = tpu.memref_slice %arg2[%add3A_536, %dma_start3A_541, %dma_start3A_542] : memref<4000x3x80xi32, #tpu.memory_space<hbm>> -> memref<1x3x80xi32, #tpu.memory_space<hbm>>
        %dma_start3A_544 = tpu.memref_squeeze %dma_start3A_543 : memref<1x3x80xi32, #tpu.memory_space<hbm>> -> memref<3x80xi32, #tpu.memory_space<hbm>>
        tpu.enqueue_dma source(%dma_start3A_544 : memref<3x80xi32, #tpu.memory_space<hbm>>) target(%arg7 : memref<3x80xi32, #tpu.memory_space<vmem>>) target_semaphore(%arg18 : memref<!tpu.dma_semaphore, #tpu.memory_space<semaphore_mem>>)
      } else {
      }
      %lt3A_279 = arith.constant 125 : i32
      %lt3A_280 = arith.cmpi slt, %add3A_256, %lt3A_279 : i32
      %convert_element_type3A_281 = arith.extui %lt3A_280 : i1 to i32
      %cond3A_282 = arith.constant 0 : i32
      %cond3A_283 = arith.cmpi ne, %convert_element_type3A_281, %cond3A_282 : i32
      scf.if %cond3A_283 {
        %dma_wait3A_532 = arith.constant 0 : i32
        %dma_wait3A_533 = arith.constant 0 : i32
        %dma_wait3A_534 = tpu.memref_slice %arg8[%dma_wait3A_532, %dma_wait3A_533] : memref<3x80xi32, #tpu.memory_space<vmem>> -> memref<1x80xi32, #tpu.memory_space<vmem>>
        %dma_wait3A_535 = tpu.memref_squeeze %dma_wait3A_534 : memref<1x80xi32, #tpu.memory_space<vmem>> -> memref<80xi32, #tpu.memory_space<vmem>>
        %dma_wait3A_536 = arith.constant 0 : i32
        %dma_wait3A_537 = arith.constant 0 : i32
        %dma_wait3A_538 = tpu.memref_slice %arg3[%dma_wait3A_536, %dma_wait3A_537] : memref<10000x128xf32, #tpu.memory_space<hbm>> -> memref<10000x128xf32, #tpu.memory_space<hbm>>
        tpu.wait_indirect_dma semaphore(%arg25 : memref<!tpu.dma_semaphore, #tpu.memory_space<semaphore_mem>>) src(%dma_wait3A_538 : memref<10000x128xf32, #tpu.memory_space<hbm>>) dst(%arg14 : memref<80x128xf32, #tpu.memory_space<vmem>>)
        %scan3A_539 = arith.constant 0 : i32
        %scan3A_540 = arith.constant 0 : i32
        %scan3A_541 = arith.constant 80 : i32
        %scan3A_542 = arith.addi %scan3A_540, %scan3A_541 : i32
        %scan3A_543 = arith.constant 1 : i32
        scf.for %scan3A_552 = %scan3A_540 to %scan3A_542 step %scan3A_543  : i32 {
          %broadcast_in_dim3A_553 = vector.broadcast %scan3A_552 : i32 to vector<16xi32>
          %gather3A = tpu.vector_load_idx %arg8[%broadcast_in_dim3A_1, %broadcast_in_dim3A_553] : memref<3x80xi32, #tpu.memory_space<vmem>>[vector<16xi32>, vector<16xi32>], vector<16xi32>,
          %bitcast3A = vector.bitcast %gather3A : vector<16xi32> to vector<16xf32>
          %get3A = arith.index_cast %scan3A_552 : i32 to index
          %get3A_554 = arith.constant 0 : index
          %get3A_555 = tpu.vector_load %arg14[%get3A, %get3A_554] {strides = array<i32>} : memref<80x128xf32, #tpu.memory_space<vmem>>, vector<16xf32>,
          %mul3A_556 = arith.mulf %get3A_555, %bitcast3A : vector<16xf32>
          %swap3A = arith.index_cast %scan3A_552 : i32 to index
          %swap3A_557 = arith.constant 0 : index
          %swap3A_558 = tpu.vector_load %arg14[%swap3A, %swap3A_557] {strides = array<i32>} : memref<80x128xf32, #tpu.memory_space<vmem>>, vector<16xf32>,
          tpu.vector_store %arg14[%swap3A, %swap3A_557], %mul3A_556 {strides = array<i32>} : memref<80x128xf32, #tpu.memory_space<vmem>>, vector<16xf32>,
          %get3A_559 = arith.index_cast %scan3A_552 : i32 to index
          %get3A_560 = arith.constant 16 : index
          %get3A_561 = tpu.vector_load %arg14[%get3A_559, %get3A_560] {strides = array<i32>} : memref<80x128xf32, #tpu.memory_space<vmem>>, vector<16xf32>,
          %mul3A_562 = arith.mulf %get3A_561, %bitcast3A : vector<16xf32>
          %swap3A_563 = arith.index_cast %scan3A_552 : i32 to index
          %swap3A_564 = arith.constant 16 : index
          %swap3A_565 = tpu.vector_load %arg14[%swap3A_563, %swap3A_564] {strides = array<i32>} : memref<80x128xf32, #tpu.memory_space<vmem>>, vector<16xf32>,
          tpu.vector_store %arg14[%swap3A_563, %swap3A_564], %mul3A_562 {strides = array<i32>} : memref<80x128xf32, #tpu.memory_space<vmem>>, vector<16xf32>,
          %get3A_566 = arith.index_cast %scan3A_552 : i32 to index
          %get3A_567 = arith.constant 32 : index
          %get3A_568 = tpu.vector_load %arg14[%get3A_566, %get3A_567] {strides = array<i32>} : memref<80x128xf32, #tpu.memory_space<vmem>>, vector<16xf32>,
          %mul3A_569 = arith.mulf %get3A_568, %bitcast3A : vector<16xf32>
          %swap3A_570 = arith.index_cast %scan3A_552 : i32 to index
          %swap3A_571 = arith.constant 32 : index
          %swap3A_572 = tpu.vector_load %arg14[%swap3A_570, %swap3A_571] {strides = array<i32>} : memref<80x128xf32, #tpu.memory_space<vmem>>, vector<16xf32>,
          tpu.vector_store %arg14[%swap3A_570, %swap3A_571], %mul3A_569 {strides = array<i32>} : memref<80x128xf32, #tpu.memory_space<vmem>>, vector<16xf32>,
          %get3A_573 = arith.index_cast %scan3A_552 : i32 to index
          %get3A_574 = arith.constant 48 : index
          %get3A_575 = tpu.vector_load %arg14[%get3A_573, %get3A_574] {strides = array<i32>} : memref<80x128xf32, #tpu.memory_space<vmem>>, vector<16xf32>,
          %mul3A_576 = arith.mulf %get3A_575, %bitcast3A : vector<16xf32>
          %swap3A_577 = arith.index_cast %scan3A_552 : i32 to index
          %swap3A_578 = arith.constant 48 : index
          %swap3A_579 = tpu.vector_load %arg14[%swap3A_577, %swap3A_578] {strides = array<i32>} : memref<80x128xf32, #tpu.memory_space<vmem>>, vector<16xf32>,
          tpu.vector_store %arg14[%swap3A_577, %swap3A_578], %mul3A_576 {strides = array<i32>} : memref<80x128xf32, #tpu.memory_space<vmem>>, vector<16xf32>,
          %get3A_580 = arith.index_cast %scan3A_552 : i32 to index
          %get3A_581 = arith.constant 64 : index
          %get3A_582 = tpu.vector_load %arg14[%get3A_580, %get3A_581] {strides = array<i32>} : memref<80x128xf32, #tpu.memory_space<vmem>>, vector<16xf32>,
          %mul3A_583 = arith.mulf %get3A_582, %bitcast3A : vector<16xf32>
          %swap3A_584 = arith.index_cast %scan3A_552 : i32 to index
          %swap3A_585 = arith.constant 64 : index
          %swap3A_586 = tpu.vector_load %arg14[%swap3A_584, %swap3A_585] {strides = array<i32>} : memref<80x128xf32, #tpu.memory_space<vmem>>, vector<16xf32>,
          tpu.vector_store %arg14[%swap3A_584, %swap3A_585], %mul3A_583 {strides = array<i32>} : memref<80x128xf32, #tpu.memory_space<vmem>>, vector<16xf32>,
          %get3A_587 = arith.index_cast %scan3A_552 : i32 to index
          %get3A_588 = arith.constant 80 : index
          %get3A_589 = tpu.vector_load %arg14[%get3A_587, %get3A_588] {strides = array<i32>} : memref<80x128xf32, #tpu.memory_space<vmem>>, vector<16xf32>,
          %mul3A_590 = arith.mulf %get3A_589, %bitcast3A : vector<16xf32>
          %swap3A_591 = arith.index_cast %scan3A_552 : i32 to index
          %swap3A_592 = arith.constant 80 : index
          %swap3A_593 = tpu.vector_load %arg14[%swap3A_591, %swap3A_592] {strides = array<i32>} : memref<80x128xf32, #tpu.memory_space<vmem>>, vector<16xf32>,
          tpu.vector_store %arg14[%swap3A_591, %swap3A_592], %mul3A_590 {strides = array<i32>} : memref<80x128xf32, #tpu.memory_space<vmem>>, vector<16xf32>,
          %get3A_594 = arith.index_cast %scan3A_552 : i32 to index
          %get3A_595 = arith.constant 96 : index
          %get3A_596 = tpu.vector_load %arg14[%get3A_594, %get3A_595] {strides = array<i32>} : memref<80x128xf32, #tpu.memory_space<vmem>>, vector<16xf32>,
          %mul3A_597 = arith.mulf %get3A_596, %bitcast3A : vector<16xf32>
          %swap3A_598 = arith.index_cast %scan3A_552 : i32 to index
          %swap3A_599 = arith.constant 96 : index
          %swap3A_600 = tpu.vector_load %arg14[%swap3A_598, %swap3A_599] {strides = array<i32>} : memref<80x128xf32, #tpu.memory_space<vmem>>, vector<16xf32>,
          tpu.vector_store %arg14[%swap3A_598, %swap3A_599], %mul3A_597 {strides = array<i32>} : memref<80x128xf32, #tpu.memory_space<vmem>>, vector<16xf32>,
          %get3A_601 = arith.index_cast %scan3A_552 : i32 to index
          %get3A_602 = arith.constant 112 : index
          %get3A_603 = tpu.vector_load %arg14[%get3A_601, %get3A_602] {strides = array<i32>} : memref<80x128xf32, #tpu.memory_space<vmem>>, vector<16xf32>,
          %mul3A_604 = arith.mulf %get3A_603, %bitcast3A : vector<16xf32>
          %swap3A_605 = arith.index_cast %scan3A_552 : i32 to index
          %swap3A_606 = arith.constant 112 : index
          %swap3A_607 = tpu.vector_load %arg14[%swap3A_605, %swap3A_606] {strides = array<i32>} : memref<80x128xf32, #tpu.memory_space<vmem>>, vector<16xf32>,
          tpu.vector_store %arg14[%swap3A_605, %swap3A_606], %mul3A_604 {strides = array<i32>} : memref<80x128xf32, #tpu.memory_space<vmem>>, vector<16xf32>,
        }
        %scan3A_544 = arith.constant 80 : i32
        %dma_start3A_545 = arith.constant 1 : i32
        %dma_start3A_546 = arith.constant 0 : i32
        %dma_start3A_547 = tpu.memref_slice %arg8[%dma_start3A_545, %dma_start3A_546] : memref<3x80xi32, #tpu.memory_space<vmem>> -> memref<1x80xi32, #tpu.memory_space<vmem>>
        %dma_start3A_548 = tpu.memref_squeeze %dma_start3A_547 : memref<1x80xi32, #tpu.memory_space<vmem>> -> memref<80xi32, #tpu.memory_space<vmem>>
        %dma_start3A_549 = arith.constant 0 : i32
        %dma_start3A_550 = arith.constant 0 : i32
        %dma_start3A_551 = tpu.memref_slice %arg15[%dma_start3A_549, %dma_start3A_550] : memref<10000x128xf32, #tpu.memory_space<vmem_shared>> -> memref<10000x128xf32, #tpu.memory_space<vmem_shared>>
        tpu.enqueue_indirect_dma source(%arg14 : memref<80x128xf32, #tpu.memory_space<vmem>>) target(%dma_start3A_551 : memref<10000x128xf32, #tpu.memory_space<vmem_shared>>) offsets(%dma_start3A_548 : memref<80xi32, #tpu.memory_space<vmem>>) semaphore(%arg29 : memref<!tpu.dma_semaphore, #tpu.memory_space<semaphore_mem>>) {add = true}
      } else {
      }
      %mul3A_284 = arith.constant 12 : i32
      %mul3A_285 = arith.muli %scan3A_162, %mul3A_284 : i32
      %add3A_286 = arith.constant 4 : i32
      %add3A_287 = arith.addi %mul3A_285, %add3A_286 : i32
      %ge3A_288 = arith.constant 1 : i32
      %ge3A_289 = arith.cmpi sge, %add3A_287, %ge3A_288 : i32
      %le3A_290 = arith.constant 125 : i32
      %le3A_291 = arith.cmpi sle, %add3A_287, %le3A_290 : i32
      %and3A_292 = arith.andi %ge3A_289, %le3A_291 : i1
      %convert_element_type3A_293 = arith.extui %and3A_292 : i1 to i32
      %cond3A_294 = arith.constant 0 : i32
      %cond3A_295 = arith.cmpi ne, %convert_element_type3A_293, %cond3A_294 : i32
      scf.if %cond3A_295 {
        %dma_wait3A_532 = arith.constant 1 : i32
        %dma_wait3A_533 = arith.constant 0 : i32
        %dma_wait3A_534 = tpu.memref_slice %arg8[%dma_wait3A_532, %dma_wait3A_533] : memref<3x80xi32, #tpu.memory_space<vmem>> -> memref<1x80xi32, #tpu.memory_space<vmem>>
        %dma_wait3A_535 = tpu.memref_squeeze %dma_wait3A_534 : memref<1x80xi32, #tpu.memory_space<vmem>> -> memref<80xi32, #tpu.memory_space<vmem>>
        %dma_wait3A_536 = arith.constant 0 : i32
        %dma_wait3A_537 = arith.constant 0 : i32
        %dma_wait3A_538 = tpu.memref_slice %arg15[%dma_wait3A_536, %dma_wait3A_537] : memref<10000x128xf32, #tpu.memory_space<vmem_shared>> -> memref<10000x128xf32, #tpu.memory_space<vmem_shared>>
        tpu.wait_indirect_dma semaphore(%arg29 : memref<!tpu.dma_semaphore, #tpu.memory_space<semaphore_mem>>) src(%arg14 : memref<80x128xf32, #tpu.memory_space<vmem>>) dst(%dma_wait3A_538 : memref<10000x128xf32, #tpu.memory_space<vmem_shared>>)
      } else {
      }
      %add3A_296 = arith.constant 3 : i32
      %add3A_297 = arith.addi %add3A_287, %add3A_296 : i32
      %lt3A_298 = arith.constant 125 : i32
      %lt3A_299 = arith.cmpi slt, %add3A_297, %lt3A_298 : i32
      %convert_element_type3A_300 = arith.extui %lt3A_299 : i1 to i32
      %cond3A_301 = arith.constant 0 : i32
      %cond3A_302 = arith.cmpi ne, %convert_element_type3A_300, %cond3A_301 : i32
      scf.if %cond3A_302 {
        %add3A_532 = arith.constant 3 : i32
        %add3A_533 = arith.addi %add3A_287, %add3A_532 : i32
        %mul3A_534 = arith.constant 32 : i32
        %mul3A_535 = arith.muli %add3A_533, %mul3A_534 : i32
        %add3A_536 = arith.addi %add3A, %mul3A_535 : i32
        %dma_wait3A_537 = arith.constant 0 : i32
        %dma_wait3A_538 = arith.constant 0 : i32
        %dma_wait3A_539 = tpu.memref_slice %arg2[%add3A_536, %dma_wait3A_537, %dma_wait3A_538] : memref<4000x3x80xi32, #tpu.memory_space<hbm>> -> memref<1x3x80xi32, #tpu.memory_space<hbm>>
        %dma_wait3A_540 = tpu.memref_squeeze %dma_wait3A_539 : memref<1x3x80xi32, #tpu.memory_space<hbm>> -> memref<3x80xi32, #tpu.memory_space<hbm>>
        %dma_wait3A_541 = arith.constant 0 : i32
        %dma_wait3A_542 = arith.constant 0 : i32
        %dma_wait3A_543 = tpu.memref_slice %arg2[%add3A_536, %dma_wait3A_541, %dma_wait3A_542] : memref<4000x3x80xi32, #tpu.memory_space<hbm>> -> memref<1x3x80xi32, #tpu.memory_space<hbm>>
        %dma_wait3A_544 = tpu.memref_squeeze %dma_wait3A_543 : memref<1x3x80xi32, #tpu.memory_space<hbm>> -> memref<3x80xi32, #tpu.memory_space<hbm>>
        tpu.wait_dma2 semaphore(%arg17 : memref<!tpu.dma_semaphore, #tpu.memory_space<semaphore_mem>>) src(%dma_wait3A_544 : memref<3x80xi32, #tpu.memory_space<hbm>>) dst(%arg6 : memref<3x80xi32, #tpu.memory_space<vmem>>)
        %dma_start3A_545 = arith.constant 0 : i32
        %dma_start3A_546 = arith.constant 0 : i32
        %dma_start3A_547 = tpu.memref_slice %arg6[%dma_start3A_545, %dma_start3A_546] : memref<3x80xi32, #tpu.memory_space<vmem>> -> memref<1x80xi32, #tpu.memory_space<vmem>>
        %dma_start3A_548 = tpu.memref_squeeze %dma_start3A_547 : memref<1x80xi32, #tpu.memory_space<vmem>> -> memref<80xi32, #tpu.memory_space<vmem>>
        %dma_start3A_549 = arith.constant 0 : i32
        %dma_start3A_550 = arith.constant 0 : i32
        %dma_start3A_551 = tpu.memref_slice %arg3[%dma_start3A_549, %dma_start3A_550] : memref<10000x128xf32, #tpu.memory_space<hbm>> -> memref<10000x128xf32, #tpu.memory_space<hbm>>
        tpu.enqueue_indirect_dma source(%dma_start3A_551 : memref<10000x128xf32, #tpu.memory_space<hbm>>) target(%arg14 : memref<80x128xf32, #tpu.memory_space<vmem>>) offsets(%dma_start3A_548 : memref<80xi32, #tpu.memory_space<vmem>>) semaphore(%arg25 : memref<!tpu.dma_semaphore, #tpu.memory_space<semaphore_mem>>)
      } else {
      }
      %add3A_303 = arith.constant 5 : i32
      %add3A_304 = arith.addi %add3A_287, %add3A_303 : i32
      %lt3A_305 = arith.constant 125 : i32
      %lt3A_306 = arith.cmpi slt, %add3A_304, %lt3A_305 : i32
      %convert_element_type3A_307 = arith.extui %lt3A_306 : i1 to i32
      %cond3A_308 = arith.constant 0 : i32
      %cond3A_309 = arith.cmpi ne, %convert_element_type3A_307, %cond3A_308 : i32
      scf.if %cond3A_309 {
        %add3A_532 = arith.constant 5 : i32
        %add3A_533 = arith.addi %add3A_287, %add3A_532 : i32
        %mul3A_534 = arith.constant 32 : i32
        %mul3A_535 = arith.muli %add3A_533, %mul3A_534 : i32
        %add3A_536 = arith.addi %add3A, %mul3A_535 : i32
        %dma_start3A_537 = arith.constant 0 : i32
        %dma_start3A_538 = arith.constant 0 : i32
        %dma_start3A_539 = tpu.memref_slice %arg2[%add3A_536, %dma_start3A_537, %dma_start3A_538] : memref<4000x3x80xi32, #tpu.memory_space<hbm>> -> memref<1x3x80xi32, #tpu.memory_space<hbm>>
        %dma_start3A_540 = tpu.memref_squeeze %dma_start3A_539 : memref<1x3x80xi32, #tpu.memory_space<hbm>> -> memref<3x80xi32, #tpu.memory_space<hbm>>
        %dma_start3A_541 = arith.constant 0 : i32
        %dma_start3A_542 = arith.constant 0 : i32
        %dma_start3A_543 = tpu.memref_slice %arg2[%add3A_536, %dma_start3A_541, %dma_start3A_542] : memref<4000x3x80xi32, #tpu.memory_space<hbm>> -> memref<1x3x80xi32, #tpu.memory_space<hbm>>
        %dma_start3A_544 = tpu.memref_squeeze %dma_start3A_543 : memref<1x3x80xi32, #tpu.memory_space<hbm>> -> memref<3x80xi32, #tpu.memory_space<hbm>>
        tpu.enqueue_dma source(%dma_start3A_544 : memref<3x80xi32, #tpu.memory_space<hbm>>) target(%arg8 : memref<3x80xi32, #tpu.memory_space<vmem>>) target_semaphore(%arg19 : memref<!tpu.dma_semaphore, #tpu.memory_space<semaphore_mem>>)
      } else {
      }
      %lt3A_310 = arith.constant 125 : i32
      %lt3A_311 = arith.cmpi slt, %add3A_287, %lt3A_310 : i32
      %convert_element_type3A_312 = arith.extui %lt3A_311 : i1 to i32
      %cond3A_313 = arith.constant 0 : i32
      %cond3A_314 = arith.cmpi ne, %convert_element_type3A_312, %cond3A_313 : i32
      scf.if %cond3A_314 {
        %dma_wait3A_532 = arith.constant 0 : i32
        %dma_wait3A_533 = arith.constant 0 : i32
        %dma_wait3A_534 = tpu.memref_slice %arg9[%dma_wait3A_532, %dma_wait3A_533] : memref<3x80xi32, #tpu.memory_space<vmem>> -> memref<1x80xi32, #tpu.memory_space<vmem>>
        %dma_wait3A_535 = tpu.memref_squeeze %dma_wait3A_534 : memref<1x80xi32, #tpu.memory_space<vmem>> -> memref<80xi32, #tpu.memory_space<vmem>>
        %dma_wait3A_536 = arith.constant 0 : i32
        %dma_wait3A_537 = arith.constant 0 : i32
        %dma_wait3A_538 = tpu.memref_slice %arg3[%dma_wait3A_536, %dma_wait3A_537] : memref<10000x128xf32, #tpu.memory_space<hbm>> -> memref<10000x128xf32, #tpu.memory_space<hbm>>
        tpu.wait_indirect_dma semaphore(%arg22 : memref<!tpu.dma_semaphore, #tpu.memory_space<semaphore_mem>>) src(%dma_wait3A_538 : memref<10000x128xf32, #tpu.memory_space<hbm>>) dst(%arg11 : memref<80x128xf32, #tpu.memory_space<vmem>>)
        %scan3A_539 = arith.constant 0 : i32
        %scan3A_540 = arith.constant 0 : i32
        %scan3A_541 = arith.constant 80 : i32
        %scan3A_542 = arith.addi %scan3A_540, %scan3A_541 : i32
        %scan3A_543 = arith.constant 1 : i32
        scf.for %scan3A_552 = %scan3A_540 to %scan3A_542 step %scan3A_543  : i32 {
          %broadcast_in_dim3A_553 = vector.broadcast %scan3A_552 : i32 to vector<16xi32>
          %gather3A = tpu.vector_load_idx %arg9[%broadcast_in_dim3A_1, %broadcast_in_dim3A_553] : memref<3x80xi32, #tpu.memory_space<vmem>>[vector<16xi32>, vector<16xi32>], vector<16xi32>,
          %bitcast3A = vector.bitcast %gather3A : vector<16xi32> to vector<16xf32>
          %get3A = arith.index_cast %scan3A_552 : i32 to index
          %get3A_554 = arith.constant 0 : index
          %get3A_555 = tpu.vector_load %arg11[%get3A, %get3A_554] {strides = array<i32>} : memref<80x128xf32, #tpu.memory_space<vmem>>, vector<16xf32>,
          %mul3A_556 = arith.mulf %get3A_555, %bitcast3A : vector<16xf32>
          %swap3A = arith.index_cast %scan3A_552 : i32 to index
          %swap3A_557 = arith.constant 0 : index
          %swap3A_558 = tpu.vector_load %arg11[%swap3A, %swap3A_557] {strides = array<i32>} : memref<80x128xf32, #tpu.memory_space<vmem>>, vector<16xf32>,
          tpu.vector_store %arg11[%swap3A, %swap3A_557], %mul3A_556 {strides = array<i32>} : memref<80x128xf32, #tpu.memory_space<vmem>>, vector<16xf32>,
          %get3A_559 = arith.index_cast %scan3A_552 : i32 to index
          %get3A_560 = arith.constant 16 : index
          %get3A_561 = tpu.vector_load %arg11[%get3A_559, %get3A_560] {strides = array<i32>} : memref<80x128xf32, #tpu.memory_space<vmem>>, vector<16xf32>,
          %mul3A_562 = arith.mulf %get3A_561, %bitcast3A : vector<16xf32>
          %swap3A_563 = arith.index_cast %scan3A_552 : i32 to index
          %swap3A_564 = arith.constant 16 : index
          %swap3A_565 = tpu.vector_load %arg11[%swap3A_563, %swap3A_564] {strides = array<i32>} : memref<80x128xf32, #tpu.memory_space<vmem>>, vector<16xf32>,
          tpu.vector_store %arg11[%swap3A_563, %swap3A_564], %mul3A_562 {strides = array<i32>} : memref<80x128xf32, #tpu.memory_space<vmem>>, vector<16xf32>,
          %get3A_566 = arith.index_cast %scan3A_552 : i32 to index
          %get3A_567 = arith.constant 32 : index
          %get3A_568 = tpu.vector_load %arg11[%get3A_566, %get3A_567] {strides = array<i32>} : memref<80x128xf32, #tpu.memory_space<vmem>>, vector<16xf32>,
          %mul3A_569 = arith.mulf %get3A_568, %bitcast3A : vector<16xf32>
          %swap3A_570 = arith.index_cast %scan3A_552 : i32 to index
          %swap3A_571 = arith.constant 32 : index
          %swap3A_572 = tpu.vector_load %arg11[%swap3A_570, %swap3A_571] {strides = array<i32>} : memref<80x128xf32, #tpu.memory_space<vmem>>, vector<16xf32>,
          tpu.vector_store %arg11[%swap3A_570, %swap3A_571], %mul3A_569 {strides = array<i32>} : memref<80x128xf32, #tpu.memory_space<vmem>>, vector<16xf32>,
          %get3A_573 = arith.index_cast %scan3A_552 : i32 to index
          %get3A_574 = arith.constant 48 : index
          %get3A_575 = tpu.vector_load %arg11[%get3A_573, %get3A_574] {strides = array<i32>} : memref<80x128xf32, #tpu.memory_space<vmem>>, vector<16xf32>,
          %mul3A_576 = arith.mulf %get3A_575, %bitcast3A : vector<16xf32>
          %swap3A_577 = arith.index_cast %scan3A_552 : i32 to index
          %swap3A_578 = arith.constant 48 : index
          %swap3A_579 = tpu.vector_load %arg11[%swap3A_577, %swap3A_578] {strides = array<i32>} : memref<80x128xf32, #tpu.memory_space<vmem>>, vector<16xf32>,
          tpu.vector_store %arg11[%swap3A_577, %swap3A_578], %mul3A_576 {strides = array<i32>} : memref<80x128xf32, #tpu.memory_space<vmem>>, vector<16xf32>,
          %get3A_580 = arith.index_cast %scan3A_552 : i32 to index
          %get3A_581 = arith.constant 64 : index
          %get3A_582 = tpu.vector_load %arg11[%get3A_580, %get3A_581] {strides = array<i32>} : memref<80x128xf32, #tpu.memory_space<vmem>>, vector<16xf32>,
          %mul3A_583 = arith.mulf %get3A_582, %bitcast3A : vector<16xf32>
          %swap3A_584 = arith.index_cast %scan3A_552 : i32 to index
          %swap3A_585 = arith.constant 64 : index
          %swap3A_586 = tpu.vector_load %arg11[%swap3A_584, %swap3A_585] {strides = array<i32>} : memref<80x128xf32, #tpu.memory_space<vmem>>, vector<16xf32>,
          tpu.vector_store %arg11[%swap3A_584, %swap3A_585], %mul3A_583 {strides = array<i32>} : memref<80x128xf32, #tpu.memory_space<vmem>>, vector<16xf32>,
          %get3A_587 = arith.index_cast %scan3A_552 : i32 to index
          %get3A_588 = arith.constant 80 : index
          %get3A_589 = tpu.vector_load %arg11[%get3A_587, %get3A_588] {strides = array<i32>} : memref<80x128xf32, #tpu.memory_space<vmem>>, vector<16xf32>,
          %mul3A_590 = arith.mulf %get3A_589, %bitcast3A : vector<16xf32>
          %swap3A_591 = arith.index_cast %scan3A_552 : i32 to index
          %swap3A_592 = arith.constant 80 : index
          %swap3A_593 = tpu.vector_load %arg11[%swap3A_591, %swap3A_592] {strides = array<i32>} : memref<80x128xf32, #tpu.memory_space<vmem>>, vector<16xf32>,
          tpu.vector_store %arg11[%swap3A_591, %swap3A_592], %mul3A_590 {strides = array<i32>} : memref<80x128xf32, #tpu.memory_space<vmem>>, vector<16xf32>,
          %get3A_594 = arith.index_cast %scan3A_552 : i32 to index
          %get3A_595 = arith.constant 96 : index
          %get3A_596 = tpu.vector_load %arg11[%get3A_594, %get3A_595] {strides = array<i32>} : memref<80x128xf32, #tpu.memory_space<vmem>>, vector<16xf32>,
          %mul3A_597 = arith.mulf %get3A_596, %bitcast3A : vector<16xf32>
          %swap3A_598 = arith.index_cast %scan3A_552 : i32 to index
          %swap3A_599 = arith.constant 96 : index
          %swap3A_600 = tpu.vector_load %arg11[%swap3A_598, %swap3A_599] {strides = array<i32>} : memref<80x128xf32, #tpu.memory_space<vmem>>, vector<16xf32>,
          tpu.vector_store %arg11[%swap3A_598, %swap3A_599], %mul3A_597 {strides = array<i32>} : memref<80x128xf32, #tpu.memory_space<vmem>>, vector<16xf32>,
          %get3A_601 = arith.index_cast %scan3A_552 : i32 to index
          %get3A_602 = arith.constant 112 : index
          %get3A_603 = tpu.vector_load %arg11[%get3A_601, %get3A_602] {strides = array<i32>} : memref<80x128xf32, #tpu.memory_space<vmem>>, vector<16xf32>,
          %mul3A_604 = arith.mulf %get3A_603, %bitcast3A : vector<16xf32>
          %swap3A_605 = arith.index_cast %scan3A_552 : i32 to index
          %swap3A_606 = arith.constant 112 : index
          %swap3A_607 = tpu.vector_load %arg11[%swap3A_605, %swap3A_606] {strides = array<i32>} : memref<80x128xf32, #tpu.memory_space<vmem>>, vector<16xf32>,
          tpu.vector_store %arg11[%swap3A_605, %swap3A_606], %mul3A_604 {strides = array<i32>} : memref<80x128xf32, #tpu.memory_space<vmem>>, vector<16xf32>,
        }
        %scan3A_544 = arith.constant 80 : i32
        %dma_start3A_545 = arith.constant 1 : i32
        %dma_start3A_546 = arith.constant 0 : i32
        %dma_start3A_547 = tpu.memref_slice %arg9[%dma_start3A_545, %dma_start3A_546] : memref<3x80xi32, #tpu.memory_space<vmem>> -> memref<1x80xi32, #tpu.memory_space<vmem>>
        %dma_start3A_548 = tpu.memref_squeeze %dma_start3A_547 : memref<1x80xi32, #tpu.memory_space<vmem>> -> memref<80xi32, #tpu.memory_space<vmem>>
        %dma_start3A_549 = arith.constant 0 : i32
        %dma_start3A_550 = arith.constant 0 : i32
        %dma_start3A_551 = tpu.memref_slice %arg15[%dma_start3A_549, %dma_start3A_550] : memref<10000x128xf32, #tpu.memory_space<vmem_shared>> -> memref<10000x128xf32, #tpu.memory_space<vmem_shared>>
        tpu.enqueue_indirect_dma source(%arg11 : memref<80x128xf32, #tpu.memory_space<vmem>>) target(%dma_start3A_551 : memref<10000x128xf32, #tpu.memory_space<vmem_shared>>) offsets(%dma_start3A_548 : memref<80xi32, #tpu.memory_space<vmem>>) semaphore(%arg26 : memref<!tpu.dma_semaphore, #tpu.memory_space<semaphore_mem>>) {add = true}
      } else {
      }
      %mul3A_315 = arith.constant 12 : i32
      %mul3A_316 = arith.muli %scan3A_162, %mul3A_315 : i32
      %add3A_317 = arith.constant 5 : i32
      %add3A_318 = arith.addi %mul3A_316, %add3A_317 : i32
      %ge3A_319 = arith.constant 1 : i32
      %ge3A_320 = arith.cmpi sge, %add3A_318, %ge3A_319 : i32
      %le3A_321 = arith.constant 125 : i32
      %le3A_322 = arith.cmpi sle, %add3A_318, %le3A_321 : i32
      %and3A_323 = arith.andi %ge3A_320, %le3A_322 : i1
      %convert_element_type3A_324 = arith.extui %and3A_323 : i1 to i32
      %cond3A_325 = arith.constant 0 : i32
      %cond3A_326 = arith.cmpi ne, %convert_element_type3A_324, %cond3A_325 : i32
      scf.if %cond3A_326 {
        %dma_wait3A_532 = arith.constant 1 : i32
        %dma_wait3A_533 = arith.constant 0 : i32
        %dma_wait3A_534 = tpu.memref_slice %arg9[%dma_wait3A_532, %dma_wait3A_533] : memref<3x80xi32, #tpu.memory_space<vmem>> -> memref<1x80xi32, #tpu.memory_space<vmem>>
        %dma_wait3A_535 = tpu.memref_squeeze %dma_wait3A_534 : memref<1x80xi32, #tpu.memory_space<vmem>> -> memref<80xi32, #tpu.memory_space<vmem>>
        %dma_wait3A_536 = arith.constant 0 : i32
        %dma_wait3A_537 = arith.constant 0 : i32
        %dma_wait3A_538 = tpu.memref_slice %arg15[%dma_wait3A_536, %dma_wait3A_537] : memref<10000x128xf32, #tpu.memory_space<vmem_shared>> -> memref<10000x128xf32, #tpu.memory_space<vmem_shared>>
        tpu.wait_indirect_dma semaphore(%arg26 : memref<!tpu.dma_semaphore, #tpu.memory_space<semaphore_mem>>) src(%arg11 : memref<80x128xf32, #tpu.memory_space<vmem>>) dst(%dma_wait3A_538 : memref<10000x128xf32, #tpu.memory_space<vmem_shared>>)
      } else {
      }
      %add3A_327 = arith.constant 3 : i32
      %add3A_328 = arith.addi %add3A_318, %add3A_327 : i32
      %lt3A_329 = arith.constant 125 : i32
      %lt3A_330 = arith.cmpi slt, %add3A_328, %lt3A_329 : i32
      %convert_element_type3A_331 = arith.extui %lt3A_330 : i1 to i32
      %cond3A_332 = arith.constant 0 : i32
      %cond3A_333 = arith.cmpi ne, %convert_element_type3A_331, %cond3A_332 : i32
      scf.if %cond3A_333 {
        %add3A_532 = arith.constant 3 : i32
        %add3A_533 = arith.addi %add3A_318, %add3A_532 : i32
        %mul3A_534 = arith.constant 32 : i32
        %mul3A_535 = arith.muli %add3A_533, %mul3A_534 : i32
        %add3A_536 = arith.addi %add3A, %mul3A_535 : i32
        %dma_wait3A_537 = arith.constant 0 : i32
        %dma_wait3A_538 = arith.constant 0 : i32
        %dma_wait3A_539 = tpu.memref_slice %arg2[%add3A_536, %dma_wait3A_537, %dma_wait3A_538] : memref<4000x3x80xi32, #tpu.memory_space<hbm>> -> memref<1x3x80xi32, #tpu.memory_space<hbm>>
        %dma_wait3A_540 = tpu.memref_squeeze %dma_wait3A_539 : memref<1x3x80xi32, #tpu.memory_space<hbm>> -> memref<3x80xi32, #tpu.memory_space<hbm>>
        %dma_wait3A_541 = arith.constant 0 : i32
        %dma_wait3A_542 = arith.constant 0 : i32
        %dma_wait3A_543 = tpu.memref_slice %arg2[%add3A_536, %dma_wait3A_541, %dma_wait3A_542] : memref<4000x3x80xi32, #tpu.memory_space<hbm>> -> memref<1x3x80xi32, #tpu.memory_space<hbm>>
        %dma_wait3A_544 = tpu.memref_squeeze %dma_wait3A_543 : memref<1x3x80xi32, #tpu.memory_space<hbm>> -> memref<3x80xi32, #tpu.memory_space<hbm>>
        tpu.wait_dma2 semaphore(%arg18 : memref<!tpu.dma_semaphore, #tpu.memory_space<semaphore_mem>>) src(%dma_wait3A_544 : memref<3x80xi32, #tpu.memory_space<hbm>>) dst(%arg7 : memref<3x80xi32, #tpu.memory_space<vmem>>)
        %dma_start3A_545 = arith.constant 0 : i32
        %dma_start3A_546 = arith.constant 0 : i32
        %dma_start3A_547 = tpu.memref_slice %arg7[%dma_start3A_545, %dma_start3A_546] : memref<3x80xi32, #tpu.memory_space<vmem>> -> memref<1x80xi32, #tpu.memory_space<vmem>>
        %dma_start3A_548 = tpu.memref_squeeze %dma_start3A_547 : memref<1x80xi32, #tpu.memory_space<vmem>> -> memref<80xi32, #tpu.memory_space<vmem>>
        %dma_start3A_549 = arith.constant 0 : i32
        %dma_start3A_550 = arith.constant 0 : i32
        %dma_start3A_551 = tpu.memref_slice %arg3[%dma_start3A_549, %dma_start3A_550] : memref<10000x128xf32, #tpu.memory_space<hbm>> -> memref<10000x128xf32, #tpu.memory_space<hbm>>
        tpu.enqueue_indirect_dma source(%dma_start3A_551 : memref<10000x128xf32, #tpu.memory_space<hbm>>) target(%arg11 : memref<80x128xf32, #tpu.memory_space<vmem>>) offsets(%dma_start3A_548 : memref<80xi32, #tpu.memory_space<vmem>>) semaphore(%arg22 : memref<!tpu.dma_semaphore, #tpu.memory_space<semaphore_mem>>)
      } else {
      }
      %add3A_334 = arith.constant 5 : i32
      %add3A_335 = arith.addi %add3A_318, %add3A_334 : i32
      %lt3A_336 = arith.constant 125 : i32
      %lt3A_337 = arith.cmpi slt, %add3A_335, %lt3A_336 : i32
      %convert_element_type3A_338 = arith.extui %lt3A_337 : i1 to i32
      %cond3A_339 = arith.constant 0 : i32
      %cond3A_340 = arith.cmpi ne, %convert_element_type3A_338, %cond3A_339 : i32
      scf.if %cond3A_340 {
        %add3A_532 = arith.constant 5 : i32
        %add3A_533 = arith.addi %add3A_318, %add3A_532 : i32
        %mul3A_534 = arith.constant 32 : i32
        %mul3A_535 = arith.muli %add3A_533, %mul3A_534 : i32
        %add3A_536 = arith.addi %add3A, %mul3A_535 : i32
        %dma_start3A_537 = arith.constant 0 : i32
        %dma_start3A_538 = arith.constant 0 : i32
        %dma_start3A_539 = tpu.memref_slice %arg2[%add3A_536, %dma_start3A_537, %dma_start3A_538] : memref<4000x3x80xi32, #tpu.memory_space<hbm>> -> memref<1x3x80xi32, #tpu.memory_space<hbm>>
        %dma_start3A_540 = tpu.memref_squeeze %dma_start3A_539 : memref<1x3x80xi32, #tpu.memory_space<hbm>> -> memref<3x80xi32, #tpu.memory_space<hbm>>
        %dma_start3A_541 = arith.constant 0 : i32
        %dma_start3A_542 = arith.constant 0 : i32
        %dma_start3A_543 = tpu.memref_slice %arg2[%add3A_536, %dma_start3A_541, %dma_start3A_542] : memref<4000x3x80xi32, #tpu.memory_space<hbm>> -> memref<1x3x80xi32, #tpu.memory_space<hbm>>
        %dma_start3A_544 = tpu.memref_squeeze %dma_start3A_543 : memref<1x3x80xi32, #tpu.memory_space<hbm>> -> memref<3x80xi32, #tpu.memory_space<hbm>>
        tpu.enqueue_dma source(%dma_start3A_544 : memref<3x80xi32, #tpu.memory_space<hbm>>) target(%arg9 : memref<3x80xi32, #tpu.memory_space<vmem>>) target_semaphore(%arg20 : memref<!tpu.dma_semaphore, #tpu.memory_space<semaphore_mem>>)
      } else {
      }
      %lt3A_341 = arith.constant 125 : i32
      %lt3A_342 = arith.cmpi slt, %add3A_318, %lt3A_341 : i32
      %convert_element_type3A_343 = arith.extui %lt3A_342 : i1 to i32
      %cond3A_344 = arith.constant 0 : i32
      %cond3A_345 = arith.cmpi ne, %convert_element_type3A_343, %cond3A_344 : i32
      scf.if %cond3A_345 {
        %dma_wait3A_532 = arith.constant 0 : i32
        %dma_wait3A_533 = arith.constant 0 : i32
        %dma_wait3A_534 = tpu.memref_slice %arg10[%dma_wait3A_532, %dma_wait3A_533] : memref<3x80xi32, #tpu.memory_space<vmem>> -> memref<1x80xi32, #tpu.memory_space<vmem>>
        %dma_wait3A_535 = tpu.memref_squeeze %dma_wait3A_534 : memref<1x80xi32, #tpu.memory_space<vmem>> -> memref<80xi32, #tpu.memory_space<vmem>>
        %dma_wait3A_536 = arith.constant 0 : i32
        %dma_wait3A_537 = arith.constant 0 : i32
        %dma_wait3A_538 = tpu.memref_slice %arg3[%dma_wait3A_536, %dma_wait3A_537] : memref<10000x128xf32, #tpu.memory_space<hbm>> -> memref<10000x128xf32, #tpu.memory_space<hbm>>
        tpu.wait_indirect_dma semaphore(%arg23 : memref<!tpu.dma_semaphore, #tpu.memory_space<semaphore_mem>>) src(%dma_wait3A_538 : memref<10000x128xf32, #tpu.memory_space<hbm>>) dst(%arg12 : memref<80x128xf32, #tpu.memory_space<vmem>>)
        %scan3A_539 = arith.constant 0 : i32
        %scan3A_540 = arith.constant 0 : i32
        %scan3A_541 = arith.constant 80 : i32
        %scan3A_542 = arith.addi %scan3A_540, %scan3A_541 : i32
        %scan3A_543 = arith.constant 1 : i32
        scf.for %scan3A_552 = %scan3A_540 to %scan3A_542 step %scan3A_543  : i32 {
          %broadcast_in_dim3A_553 = vector.broadcast %scan3A_552 : i32 to vector<16xi32>
          %gather3A = tpu.vector_load_idx %arg10[%broadcast_in_dim3A_1, %broadcast_in_dim3A_553] : memref<3x80xi32, #tpu.memory_space<vmem>>[vector<16xi32>, vector<16xi32>], vector<16xi32>,
          %bitcast3A = vector.bitcast %gather3A : vector<16xi32> to vector<16xf32>
          %get3A = arith.index_cast %scan3A_552 : i32 to index
          %get3A_554 = arith.constant 0 : index
          %get3A_555 = tpu.vector_load %arg12[%get3A, %get3A_554] {strides = array<i32>} : memref<80x128xf32, #tpu.memory_space<vmem>>, vector<16xf32>,
          %mul3A_556 = arith.mulf %get3A_555, %bitcast3A : vector<16xf32>
          %swap3A = arith.index_cast %scan3A_552 : i32 to index
          %swap3A_557 = arith.constant 0 : index
          %swap3A_558 = tpu.vector_load %arg12[%swap3A, %swap3A_557] {strides = array<i32>} : memref<80x128xf32, #tpu.memory_space<vmem>>, vector<16xf32>,
          tpu.vector_store %arg12[%swap3A, %swap3A_557], %mul3A_556 {strides = array<i32>} : memref<80x128xf32, #tpu.memory_space<vmem>>, vector<16xf32>,
          %get3A_559 = arith.index_cast %scan3A_552 : i32 to index
          %get3A_560 = arith.constant 16 : index
          %get3A_561 = tpu.vector_load %arg12[%get3A_559, %get3A_560] {strides = array<i32>} : memref<80x128xf32, #tpu.memory_space<vmem>>, vector<16xf32>,
          %mul3A_562 = arith.mulf %get3A_561, %bitcast3A : vector<16xf32>
          %swap3A_563 = arith.index_cast %scan3A_552 : i32 to index
          %swap3A_564 = arith.constant 16 : index
          %swap3A_565 = tpu.vector_load %arg12[%swap3A_563, %swap3A_564] {strides = array<i32>} : memref<80x128xf32, #tpu.memory_space<vmem>>, vector<16xf32>,
          tpu.vector_store %arg12[%swap3A_563, %swap3A_564], %mul3A_562 {strides = array<i32>} : memref<80x128xf32, #tpu.memory_space<vmem>>, vector<16xf32>,
          %get3A_566 = arith.index_cast %scan3A_552 : i32 to index
          %get3A_567 = arith.constant 32 : index
          %get3A_568 = tpu.vector_load %arg12[%get3A_566, %get3A_567] {strides = array<i32>} : memref<80x128xf32, #tpu.memory_space<vmem>>, vector<16xf32>,
          %mul3A_569 = arith.mulf %get3A_568, %bitcast3A : vector<16xf32>
          %swap3A_570 = arith.index_cast %scan3A_552 : i32 to index
          %swap3A_571 = arith.constant 32 : index
          %swap3A_572 = tpu.vector_load %arg12[%swap3A_570, %swap3A_571] {strides = array<i32>} : memref<80x128xf32, #tpu.memory_space<vmem>>, vector<16xf32>,
          tpu.vector_store %arg12[%swap3A_570, %swap3A_571], %mul3A_569 {strides = array<i32>} : memref<80x128xf32, #tpu.memory_space<vmem>>, vector<16xf32>,
          %get3A_573 = arith.index_cast %scan3A_552 : i32 to index
          %get3A_574 = arith.constant 48 : index
          %get3A_575 = tpu.vector_load %arg12[%get3A_573, %get3A_574] {strides = array<i32>} : memref<80x128xf32, #tpu.memory_space<vmem>>, vector<16xf32>,
          %mul3A_576 = arith.mulf %get3A_575, %bitcast3A : vector<16xf32>
          %swap3A_577 = arith.index_cast %scan3A_552 : i32 to index
          %swap3A_578 = arith.constant 48 : index
          %swap3A_579 = tpu.vector_load %arg12[%swap3A_577, %swap3A_578] {strides = array<i32>} : memref<80x128xf32, #tpu.memory_space<vmem>>, vector<16xf32>,
          tpu.vector_store %arg12[%swap3A_577, %swap3A_578], %mul3A_576 {strides = array<i32>} : memref<80x128xf32, #tpu.memory_space<vmem>>, vector<16xf32>,
          %get3A_580 = arith.index_cast %scan3A_552 : i32 to index
          %get3A_581 = arith.constant 64 : index
          %get3A_582 = tpu.vector_load %arg12[%get3A_580, %get3A_581] {strides = array<i32>} : memref<80x128xf32, #tpu.memory_space<vmem>>, vector<16xf32>,
          %mul3A_583 = arith.mulf %get3A_582, %bitcast3A : vector<16xf32>
          %swap3A_584 = arith.index_cast %scan3A_552 : i32 to index
          %swap3A_585 = arith.constant 64 : index
          %swap3A_586 = tpu.vector_load %arg12[%swap3A_584, %swap3A_585] {strides = array<i32>} : memref<80x128xf32, #tpu.memory_space<vmem>>, vector<16xf32>,
          tpu.vector_store %arg12[%swap3A_584, %swap3A_585], %mul3A_583 {strides = array<i32>} : memref<80x128xf32, #tpu.memory_space<vmem>>, vector<16xf32>,
          %get3A_587 = arith.index_cast %scan3A_552 : i32 to index
          %get3A_588 = arith.constant 80 : index
          %get3A_589 = tpu.vector_load %arg12[%get3A_587, %get3A_588] {strides = array<i32>} : memref<80x128xf32, #tpu.memory_space<vmem>>, vector<16xf32>,
          %mul3A_590 = arith.mulf %get3A_589, %bitcast3A : vector<16xf32>
          %swap3A_591 = arith.index_cast %scan3A_552 : i32 to index
          %swap3A_592 = arith.constant 80 : index
          %swap3A_593 = tpu.vector_load %arg12[%swap3A_591, %swap3A_592] {strides = array<i32>} : memref<80x128xf32, #tpu.memory_space<vmem>>, vector<16xf32>,
          tpu.vector_store %arg12[%swap3A_591, %swap3A_592], %mul3A_590 {strides = array<i32>} : memref<80x128xf32, #tpu.memory_space<vmem>>, vector<16xf32>,
          %get3A_594 = arith.index_cast %scan3A_552 : i32 to index
          %get3A_595 = arith.constant 96 : index
          %get3A_596 = tpu.vector_load %arg12[%get3A_594, %get3A_595] {strides = array<i32>} : memref<80x128xf32, #tpu.memory_space<vmem>>, vector<16xf32>,
          %mul3A_597 = arith.mulf %get3A_596, %bitcast3A : vector<16xf32>
          %swap3A_598 = arith.index_cast %scan3A_552 : i32 to index
          %swap3A_599 = arith.constant 96 : index
          %swap3A_600 = tpu.vector_load %arg12[%swap3A_598, %swap3A_599] {strides = array<i32>} : memref<80x128xf32, #tpu.memory_space<vmem>>, vector<16xf32>,
          tpu.vector_store %arg12[%swap3A_598, %swap3A_599], %mul3A_597 {strides = array<i32>} : memref<80x128xf32, #tpu.memory_space<vmem>>, vector<16xf32>,
          %get3A_601 = arith.index_cast %scan3A_552 : i32 to index
          %get3A_602 = arith.constant 112 : index
          %get3A_603 = tpu.vector_load %arg12[%get3A_601, %get3A_602] {strides = array<i32>} : memref<80x128xf32, #tpu.memory_space<vmem>>, vector<16xf32>,
          %mul3A_604 = arith.mulf %get3A_603, %bitcast3A : vector<16xf32>
          %swap3A_605 = arith.index_cast %scan3A_552 : i32 to index
          %swap3A_606 = arith.constant 112 : index
          %swap3A_607 = tpu.vector_load %arg12[%swap3A_605, %swap3A_606] {strides = array<i32>} : memref<80x128xf32, #tpu.memory_space<vmem>>, vector<16xf32>,
          tpu.vector_store %arg12[%swap3A_605, %swap3A_606], %mul3A_604 {strides = array<i32>} : memref<80x128xf32, #tpu.memory_space<vmem>>, vector<16xf32>,
        }
        %scan3A_544 = arith.constant 80 : i32
        %dma_start3A_545 = arith.constant 1 : i32
        %dma_start3A_546 = arith.constant 0 : i32
        %dma_start3A_547 = tpu.memref_slice %arg10[%dma_start3A_545, %dma_start3A_546] : memref<3x80xi32, #tpu.memory_space<vmem>> -> memref<1x80xi32, #tpu.memory_space<vmem>>
        %dma_start3A_548 = tpu.memref_squeeze %dma_start3A_547 : memref<1x80xi32, #tpu.memory_space<vmem>> -> memref<80xi32, #tpu.memory_space<vmem>>
        %dma_start3A_549 = arith.constant 0 : i32
        %dma_start3A_550 = arith.constant 0 : i32
        %dma_start3A_551 = tpu.memref_slice %arg15[%dma_start3A_549, %dma_start3A_550] : memref<10000x128xf32, #tpu.memory_space<vmem_shared>> -> memref<10000x128xf32, #tpu.memory_space<vmem_shared>>
        tpu.enqueue_indirect_dma source(%arg12 : memref<80x128xf32, #tpu.memory_space<vmem>>) target(%dma_start3A_551 : memref<10000x128xf32, #tpu.memory_space<vmem_shared>>) offsets(%dma_start3A_548 : memref<80xi32, #tpu.memory_space<vmem>>) semaphore(%arg27 : memref<!tpu.dma_semaphore, #tpu.memory_space<semaphore_mem>>) {add = true}
      } else {
      }
      %mul3A_346 = arith.constant 12 : i32
      %mul3A_347 = arith.muli %scan3A_162, %mul3A_346 : i32
      %add3A_348 = arith.constant 6 : i32
      %add3A_349 = arith.addi %mul3A_347, %add3A_348 : i32
      %ge3A_350 = arith.constant 1 : i32
      %ge3A_351 = arith.cmpi sge, %add3A_349, %ge3A_350 : i32
      %le3A_352 = arith.constant 125 : i32
      %le3A_353 = arith.cmpi sle, %add3A_349, %le3A_352 : i32
      %and3A_354 = arith.andi %ge3A_351, %le3A_353 : i1
      %convert_element_type3A_355 = arith.extui %and3A_354 : i1 to i32
      %cond3A_356 = arith.constant 0 : i32
      %cond3A_357 = arith.cmpi ne, %convert_element_type3A_355, %cond3A_356 : i32
      scf.if %cond3A_357 {
        %dma_wait3A_532 = arith.constant 1 : i32
        %dma_wait3A_533 = arith.constant 0 : i32
        %dma_wait3A_534 = tpu.memref_slice %arg10[%dma_wait3A_532, %dma_wait3A_533] : memref<3x80xi32, #tpu.memory_space<vmem>> -> memref<1x80xi32, #tpu.memory_space<vmem>>
        %dma_wait3A_535 = tpu.memref_squeeze %dma_wait3A_534 : memref<1x80xi32, #tpu.memory_space<vmem>> -> memref<80xi32, #tpu.memory_space<vmem>>
        %dma_wait3A_536 = arith.constant 0 : i32
        %dma_wait3A_537 = arith.constant 0 : i32
        %dma_wait3A_538 = tpu.memref_slice %arg15[%dma_wait3A_536, %dma_wait3A_537] : memref<10000x128xf32, #tpu.memory_space<vmem_shared>> -> memref<10000x128xf32, #tpu.memory_space<vmem_shared>>
        tpu.wait_indirect_dma semaphore(%arg27 : memref<!tpu.dma_semaphore, #tpu.memory_space<semaphore_mem>>) src(%arg12 : memref<80x128xf32, #tpu.memory_space<vmem>>) dst(%dma_wait3A_538 : memref<10000x128xf32, #tpu.memory_space<vmem_shared>>)
      } else {
      }
      %add3A_358 = arith.constant 3 : i32
      %add3A_359 = arith.addi %add3A_349, %add3A_358 : i32
      %lt3A_360 = arith.constant 125 : i32
      %lt3A_361 = arith.cmpi slt, %add3A_359, %lt3A_360 : i32
      %convert_element_type3A_362 = arith.extui %lt3A_361 : i1 to i32
      %cond3A_363 = arith.constant 0 : i32
      %cond3A_364 = arith.cmpi ne, %convert_element_type3A_362, %cond3A_363 : i32
      scf.if %cond3A_364 {
        %add3A_532 = arith.constant 3 : i32
        %add3A_533 = arith.addi %add3A_349, %add3A_532 : i32
        %mul3A_534 = arith.constant 32 : i32
        %mul3A_535 = arith.muli %add3A_533, %mul3A_534 : i32
        %add3A_536 = arith.addi %add3A, %mul3A_535 : i32
        %dma_wait3A_537 = arith.constant 0 : i32
        %dma_wait3A_538 = arith.constant 0 : i32
        %dma_wait3A_539 = tpu.memref_slice %arg2[%add3A_536, %dma_wait3A_537, %dma_wait3A_538] : memref<4000x3x80xi32, #tpu.memory_space<hbm>> -> memref<1x3x80xi32, #tpu.memory_space<hbm>>
        %dma_wait3A_540 = tpu.memref_squeeze %dma_wait3A_539 : memref<1x3x80xi32, #tpu.memory_space<hbm>> -> memref<3x80xi32, #tpu.memory_space<hbm>>
        %dma_wait3A_541 = arith.constant 0 : i32
        %dma_wait3A_542 = arith.constant 0 : i32
        %dma_wait3A_543 = tpu.memref_slice %arg2[%add3A_536, %dma_wait3A_541, %dma_wait3A_542] : memref<4000x3x80xi32, #tpu.memory_space<hbm>> -> memref<1x3x80xi32, #tpu.memory_space<hbm>>
        %dma_wait3A_544 = tpu.memref_squeeze %dma_wait3A_543 : memref<1x3x80xi32, #tpu.memory_space<hbm>> -> memref<3x80xi32, #tpu.memory_space<hbm>>
        tpu.wait_dma2 semaphore(%arg19 : memref<!tpu.dma_semaphore, #tpu.memory_space<semaphore_mem>>) src(%dma_wait3A_544 : memref<3x80xi32, #tpu.memory_space<hbm>>) dst(%arg8 : memref<3x80xi32, #tpu.memory_space<vmem>>)
        %dma_start3A_545 = arith.constant 0 : i32
        %dma_start3A_546 = arith.constant 0 : i32
        %dma_start3A_547 = tpu.memref_slice %arg8[%dma_start3A_545, %dma_start3A_546] : memref<3x80xi32, #tpu.memory_space<vmem>> -> memref<1x80xi32, #tpu.memory_space<vmem>>
        %dma_start3A_548 = tpu.memref_squeeze %dma_start3A_547 : memref<1x80xi32, #tpu.memory_space<vmem>> -> memref<80xi32, #tpu.memory_space<vmem>>
        %dma_start3A_549 = arith.constant 0 : i32
        %dma_start3A_550 = arith.constant 0 : i32
        %dma_start3A_551 = tpu.memref_slice %arg3[%dma_start3A_549, %dma_start3A_550] : memref<10000x128xf32, #tpu.memory_space<hbm>> -> memref<10000x128xf32, #tpu.memory_space<hbm>>
        tpu.enqueue_indirect_dma source(%dma_start3A_551 : memref<10000x128xf32, #tpu.memory_space<hbm>>) target(%arg12 : memref<80x128xf32, #tpu.memory_space<vmem>>) offsets(%dma_start3A_548 : memref<80xi32, #tpu.memory_space<vmem>>) semaphore(%arg23 : memref<!tpu.dma_semaphore, #tpu.memory_space<semaphore_mem>>)
      } else {
      }
      %add3A_365 = arith.constant 5 : i32
      %add3A_366 = arith.addi %add3A_349, %add3A_365 : i32
      %lt3A_367 = arith.constant 125 : i32
      %lt3A_368 = arith.cmpi slt, %add3A_366, %lt3A_367 : i32
      %convert_element_type3A_369 = arith.extui %lt3A_368 : i1 to i32
      %cond3A_370 = arith.constant 0 : i32
      %cond3A_371 = arith.cmpi ne, %convert_element_type3A_369, %cond3A_370 : i32
      scf.if %cond3A_371 {
        %add3A_532 = arith.constant 5 : i32
        %add3A_533 = arith.addi %add3A_349, %add3A_532 : i32
        %mul3A_534 = arith.constant 32 : i32
        %mul3A_535 = arith.muli %add3A_533, %mul3A_534 : i32
        %add3A_536 = arith.addi %add3A, %mul3A_535 : i32
        %dma_start3A_537 = arith.constant 0 : i32
        %dma_start3A_538 = arith.constant 0 : i32
        %dma_start3A_539 = tpu.memref_slice %arg2[%add3A_536, %dma_start3A_537, %dma_start3A_538] : memref<4000x3x80xi32, #tpu.memory_space<hbm>> -> memref<1x3x80xi32, #tpu.memory_space<hbm>>
        %dma_start3A_540 = tpu.memref_squeeze %dma_start3A_539 : memref<1x3x80xi32, #tpu.memory_space<hbm>> -> memref<3x80xi32, #tpu.memory_space<hbm>>
        %dma_start3A_541 = arith.constant 0 : i32
        %dma_start3A_542 = arith.constant 0 : i32
        %dma_start3A_543 = tpu.memref_slice %arg2[%add3A_536, %dma_start3A_541, %dma_start3A_542] : memref<4000x3x80xi32, #tpu.memory_space<hbm>> -> memref<1x3x80xi32, #tpu.memory_space<hbm>>
        %dma_start3A_544 = tpu.memref_squeeze %dma_start3A_543 : memref<1x3x80xi32, #tpu.memory_space<hbm>> -> memref<3x80xi32, #tpu.memory_space<hbm>>
        tpu.enqueue_dma source(%dma_start3A_544 : memref<3x80xi32, #tpu.memory_space<hbm>>) target(%arg10 : memref<3x80xi32, #tpu.memory_space<vmem>>) target_semaphore(%arg21 : memref<!tpu.dma_semaphore, #tpu.memory_space<semaphore_mem>>)
      } else {
      }
      %lt3A_372 = arith.constant 125 : i32
      %lt3A_373 = arith.cmpi slt, %add3A_349, %lt3A_372 : i32
      %convert_element_type3A_374 = arith.extui %lt3A_373 : i1 to i32
      %cond3A_375 = arith.constant 0 : i32
      %cond3A_376 = arith.cmpi ne, %convert_element_type3A_374, %cond3A_375 : i32
      scf.if %cond3A_376 {
        %dma_wait3A_532 = arith.constant 0 : i32
        %dma_wait3A_533 = arith.constant 0 : i32
        %dma_wait3A_534 = tpu.memref_slice %arg5[%dma_wait3A_532, %dma_wait3A_533] : memref<3x80xi32, #tpu.memory_space<vmem>> -> memref<1x80xi32, #tpu.memory_space<vmem>>
        %dma_wait3A_535 = tpu.memref_squeeze %dma_wait3A_534 : memref<1x80xi32, #tpu.memory_space<vmem>> -> memref<80xi32, #tpu.memory_space<vmem>>
        %dma_wait3A_536 = arith.constant 0 : i32
        %dma_wait3A_537 = arith.constant 0 : i32
        %dma_wait3A_538 = tpu.memref_slice %arg3[%dma_wait3A_536, %dma_wait3A_537] : memref<10000x128xf32, #tpu.memory_space<hbm>> -> memref<10000x128xf32, #tpu.memory_space<hbm>>
        tpu.wait_indirect_dma semaphore(%arg24 : memref<!tpu.dma_semaphore, #tpu.memory_space<semaphore_mem>>) src(%dma_wait3A_538 : memref<10000x128xf32, #tpu.memory_space<hbm>>) dst(%arg13 : memref<80x128xf32, #tpu.memory_space<vmem>>)
        %scan3A_539 = arith.constant 0 : i32
        %scan3A_540 = arith.constant 0 : i32
        %scan3A_541 = arith.constant 80 : i32
        %scan3A_542 = arith.addi %scan3A_540, %scan3A_541 : i32
        %scan3A_543 = arith.constant 1 : i32
        scf.for %scan3A_552 = %scan3A_540 to %scan3A_542 step %scan3A_543  : i32 {
          %broadcast_in_dim3A_553 = vector.broadcast %scan3A_552 : i32 to vector<16xi32>
          %gather3A = tpu.vector_load_idx %arg5[%broadcast_in_dim3A_1, %broadcast_in_dim3A_553] : memref<3x80xi32, #tpu.memory_space<vmem>>[vector<16xi32>, vector<16xi32>], vector<16xi32>,
          %bitcast3A = vector.bitcast %gather3A : vector<16xi32> to vector<16xf32>
          %get3A = arith.index_cast %scan3A_552 : i32 to index
          %get3A_554 = arith.constant 0 : index
          %get3A_555 = tpu.vector_load %arg13[%get3A, %get3A_554] {strides = array<i32>} : memref<80x128xf32, #tpu.memory_space<vmem>>, vector<16xf32>,
          %mul3A_556 = arith.mulf %get3A_555, %bitcast3A : vector<16xf32>
          %swap3A = arith.index_cast %scan3A_552 : i32 to index
          %swap3A_557 = arith.constant 0 : index
          %swap3A_558 = tpu.vector_load %arg13[%swap3A, %swap3A_557] {strides = array<i32>} : memref<80x128xf32, #tpu.memory_space<vmem>>, vector<16xf32>,
          tpu.vector_store %arg13[%swap3A, %swap3A_557], %mul3A_556 {strides = array<i32>} : memref<80x128xf32, #tpu.memory_space<vmem>>, vector<16xf32>,
          %get3A_559 = arith.index_cast %scan3A_552 : i32 to index
          %get3A_560 = arith.constant 16 : index
          %get3A_561 = tpu.vector_load %arg13[%get3A_559, %get3A_560] {strides = array<i32>} : memref<80x128xf32, #tpu.memory_space<vmem>>, vector<16xf32>,
          %mul3A_562 = arith.mulf %get3A_561, %bitcast3A : vector<16xf32>
          %swap3A_563 = arith.index_cast %scan3A_552 : i32 to index
          %swap3A_564 = arith.constant 16 : index
          %swap3A_565 = tpu.vector_load %arg13[%swap3A_563, %swap3A_564] {strides = array<i32>} : memref<80x128xf32, #tpu.memory_space<vmem>>, vector<16xf32>,
          tpu.vector_store %arg13[%swap3A_563, %swap3A_564], %mul3A_562 {strides = array<i32>} : memref<80x128xf32, #tpu.memory_space<vmem>>, vector<16xf32>,
          %get3A_566 = arith.index_cast %scan3A_552 : i32 to index
          %get3A_567 = arith.constant 32 : index
          %get3A_568 = tpu.vector_load %arg13[%get3A_566, %get3A_567] {strides = array<i32>} : memref<80x128xf32, #tpu.memory_space<vmem>>, vector<16xf32>,
          %mul3A_569 = arith.mulf %get3A_568, %bitcast3A : vector<16xf32>
          %swap3A_570 = arith.index_cast %scan3A_552 : i32 to index
          %swap3A_571 = arith.constant 32 : index
          %swap3A_572 = tpu.vector_load %arg13[%swap3A_570, %swap3A_571] {strides = array<i32>} : memref<80x128xf32, #tpu.memory_space<vmem>>, vector<16xf32>,
          tpu.vector_store %arg13[%swap3A_570, %swap3A_571], %mul3A_569 {strides = array<i32>} : memref<80x128xf32, #tpu.memory_space<vmem>>, vector<16xf32>,
          %get3A_573 = arith.index_cast %scan3A_552 : i32 to index
          %get3A_574 = arith.constant 48 : index
          %get3A_575 = tpu.vector_load %arg13[%get3A_573, %get3A_574] {strides = array<i32>} : memref<80x128xf32, #tpu.memory_space<vmem>>, vector<16xf32>,
          %mul3A_576 = arith.mulf %get3A_575, %bitcast3A : vector<16xf32>
          %swap3A_577 = arith.index_cast %scan3A_552 : i32 to index
          %swap3A_578 = arith.constant 48 : index
          %swap3A_579 = tpu.vector_load %arg13[%swap3A_577, %swap3A_578] {strides = array<i32>} : memref<80x128xf32, #tpu.memory_space<vmem>>, vector<16xf32>,
          tpu.vector_store %arg13[%swap3A_577, %swap3A_578], %mul3A_576 {strides = array<i32>} : memref<80x128xf32, #tpu.memory_space<vmem>>, vector<16xf32>,
          %get3A_580 = arith.index_cast %scan3A_552 : i32 to index
          %get3A_581 = arith.constant 64 : index
          %get3A_582 = tpu.vector_load %arg13[%get3A_580, %get3A_581] {strides = array<i32>} : memref<80x128xf32, #tpu.memory_space<vmem>>, vector<16xf32>,
          %mul3A_583 = arith.mulf %get3A_582, %bitcast3A : vector<16xf32>
          %swap3A_584 = arith.index_cast %scan3A_552 : i32 to index
          %swap3A_585 = arith.constant 64 : index
          %swap3A_586 = tpu.vector_load %arg13[%swap3A_584, %swap3A_585] {strides = array<i32>} : memref<80x128xf32, #tpu.memory_space<vmem>>, vector<16xf32>,
          tpu.vector_store %arg13[%swap3A_584, %swap3A_585], %mul3A_583 {strides = array<i32>} : memref<80x128xf32, #tpu.memory_space<vmem>>, vector<16xf32>,
          %get3A_587 = arith.index_cast %scan3A_552 : i32 to index
          %get3A_588 = arith.constant 80 : index
          %get3A_589 = tpu.vector_load %arg13[%get3A_587, %get3A_588] {strides = array<i32>} : memref<80x128xf32, #tpu.memory_space<vmem>>, vector<16xf32>,
          %mul3A_590 = arith.mulf %get3A_589, %bitcast3A : vector<16xf32>
          %swap3A_591 = arith.index_cast %scan3A_552 : i32 to index
          %swap3A_592 = arith.constant 80 : index
          %swap3A_593 = tpu.vector_load %arg13[%swap3A_591, %swap3A_592] {strides = array<i32>} : memref<80x128xf32, #tpu.memory_space<vmem>>, vector<16xf32>,
          tpu.vector_store %arg13[%swap3A_591, %swap3A_592], %mul3A_590 {strides = array<i32>} : memref<80x128xf32, #tpu.memory_space<vmem>>, vector<16xf32>,
          %get3A_594 = arith.index_cast %scan3A_552 : i32 to index
          %get3A_595 = arith.constant 96 : index
          %get3A_596 = tpu.vector_load %arg13[%get3A_594, %get3A_595] {strides = array<i32>} : memref<80x128xf32, #tpu.memory_space<vmem>>, vector<16xf32>,
          %mul3A_597 = arith.mulf %get3A_596, %bitcast3A : vector<16xf32>
          %swap3A_598 = arith.index_cast %scan3A_552 : i32 to index
          %swap3A_599 = arith.constant 96 : index
          %swap3A_600 = tpu.vector_load %arg13[%swap3A_598, %swap3A_599] {strides = array<i32>} : memref<80x128xf32, #tpu.memory_space<vmem>>, vector<16xf32>,
          tpu.vector_store %arg13[%swap3A_598, %swap3A_599], %mul3A_597 {strides = array<i32>} : memref<80x128xf32, #tpu.memory_space<vmem>>, vector<16xf32>,
          %get3A_601 = arith.index_cast %scan3A_552 : i32 to index
          %get3A_602 = arith.constant 112 : index
          %get3A_603 = tpu.vector_load %arg13[%get3A_601, %get3A_602] {strides = array<i32>} : memref<80x128xf32, #tpu.memory_space<vmem>>, vector<16xf32>,
          %mul3A_604 = arith.mulf %get3A_603, %bitcast3A : vector<16xf32>
          %swap3A_605 = arith.index_cast %scan3A_552 : i32 to index
          %swap3A_606 = arith.constant 112 : index
          %swap3A_607 = tpu.vector_load %arg13[%swap3A_605, %swap3A_606] {strides = array<i32>} : memref<80x128xf32, #tpu.memory_space<vmem>>, vector<16xf32>,
          tpu.vector_store %arg13[%swap3A_605, %swap3A_606], %mul3A_604 {strides = array<i32>} : memref<80x128xf32, #tpu.memory_space<vmem>>, vector<16xf32>,
        }
        %scan3A_544 = arith.constant 80 : i32
        %dma_start3A_545 = arith.constant 1 : i32
        %dma_start3A_546 = arith.constant 0 : i32
        %dma_start3A_547 = tpu.memref_slice %arg5[%dma_start3A_545, %dma_start3A_546] : memref<3x80xi32, #tpu.memory_space<vmem>> -> memref<1x80xi32, #tpu.memory_space<vmem>>
        %dma_start3A_548 = tpu.memref_squeeze %dma_start3A_547 : memref<1x80xi32, #tpu.memory_space<vmem>> -> memref<80xi32, #tpu.memory_space<vmem>>
        %dma_start3A_549 = arith.constant 0 : i32
        %dma_start3A_550 = arith.constant 0 : i32
        %dma_start3A_551 = tpu.memref_slice %arg15[%dma_start3A_549, %dma_start3A_550] : memref<10000x128xf32, #tpu.memory_space<vmem_shared>> -> memref<10000x128xf32, #tpu.memory_space<vmem_shared>>
        tpu.enqueue_indirect_dma source(%arg13 : memref<80x128xf32, #tpu.memory_space<vmem>>) target(%dma_start3A_551 : memref<10000x128xf32, #tpu.memory_space<vmem_shared>>) offsets(%dma_start3A_548 : memref<80xi32, #tpu.memory_space<vmem>>) semaphore(%arg28 : memref<!tpu.dma_semaphore, #tpu.memory_space<semaphore_mem>>) {add = true}
      } else {
      }
      %mul3A_377 = arith.constant 12 : i32
      %mul3A_378 = arith.muli %scan3A_162, %mul3A_377 : i32
      %add3A_379 = arith.constant 7 : i32
      %add3A_380 = arith.addi %mul3A_378, %add3A_379 : i32
      %ge3A_381 = arith.constant 1 : i32
      %ge3A_382 = arith.cmpi sge, %add3A_380, %ge3A_381 : i32
      %le3A_383 = arith.constant 125 : i32
      %le3A_384 = arith.cmpi sle, %add3A_380, %le3A_383 : i32
      %and3A_385 = arith.andi %ge3A_382, %le3A_384 : i1
      %convert_element_type3A_386 = arith.extui %and3A_385 : i1 to i32
      %cond3A_387 = arith.constant 0 : i32
      %cond3A_388 = arith.cmpi ne, %convert_element_type3A_386, %cond3A_387 : i32
      scf.if %cond3A_388 {
        %dma_wait3A_532 = arith.constant 1 : i32
        %dma_wait3A_533 = arith.constant 0 : i32
        %dma_wait3A_534 = tpu.memref_slice %arg5[%dma_wait3A_532, %dma_wait3A_533] : memref<3x80xi32, #tpu.memory_space<vmem>> -> memref<1x80xi32, #tpu.memory_space<vmem>>
        %dma_wait3A_535 = tpu.memref_squeeze %dma_wait3A_534 : memref<1x80xi32, #tpu.memory_space<vmem>> -> memref<80xi32, #tpu.memory_space<vmem>>
        %dma_wait3A_536 = arith.constant 0 : i32
        %dma_wait3A_537 = arith.constant 0 : i32
        %dma_wait3A_538 = tpu.memref_slice %arg15[%dma_wait3A_536, %dma_wait3A_537] : memref<10000x128xf32, #tpu.memory_space<vmem_shared>> -> memref<10000x128xf32, #tpu.memory_space<vmem_shared>>
        tpu.wait_indirect_dma semaphore(%arg28 : memref<!tpu.dma_semaphore, #tpu.memory_space<semaphore_mem>>) src(%arg13 : memref<80x128xf32, #tpu.memory_space<vmem>>) dst(%dma_wait3A_538 : memref<10000x128xf32, #tpu.memory_space<vmem_shared>>)
      } else {
      }
      %add3A_389 = arith.constant 3 : i32
      %add3A_390 = arith.addi %add3A_380, %add3A_389 : i32
      %lt3A_391 = arith.constant 125 : i32
      %lt3A_392 = arith.cmpi slt, %add3A_390, %lt3A_391 : i32
      %convert_element_type3A_393 = arith.extui %lt3A_392 : i1 to i32
      %cond3A_394 = arith.constant 0 : i32
      %cond3A_395 = arith.cmpi ne, %convert_element_type3A_393, %cond3A_394 : i32
      scf.if %cond3A_395 {
        %add3A_532 = arith.constant 3 : i32
        %add3A_533 = arith.addi %add3A_380, %add3A_532 : i32
        %mul3A_534 = arith.constant 32 : i32
        %mul3A_535 = arith.muli %add3A_533, %mul3A_534 : i32
        %add3A_536 = arith.addi %add3A, %mul3A_535 : i32
        %dma_wait3A_537 = arith.constant 0 : i32
        %dma_wait3A_538 = arith.constant 0 : i32
        %dma_wait3A_539 = tpu.memref_slice %arg2[%add3A_536, %dma_wait3A_537, %dma_wait3A_538] : memref<4000x3x80xi32, #tpu.memory_space<hbm>> -> memref<1x3x80xi32, #tpu.memory_space<hbm>>
        %dma_wait3A_540 = tpu.memref_squeeze %dma_wait3A_539 : memref<1x3x80xi32, #tpu.memory_space<hbm>> -> memref<3x80xi32, #tpu.memory_space<hbm>>
        %dma_wait3A_541 = arith.constant 0 : i32
        %dma_wait3A_542 = arith.constant 0 : i32
        %dma_wait3A_543 = tpu.memref_slice %arg2[%add3A_536, %dma_wait3A_541, %dma_wait3A_542] : memref<4000x3x80xi32, #tpu.memory_space<hbm>> -> memref<1x3x80xi32, #tpu.memory_space<hbm>>
        %dma_wait3A_544 = tpu.memref_squeeze %dma_wait3A_543 : memref<1x3x80xi32, #tpu.memory_space<hbm>> -> memref<3x80xi32, #tpu.memory_space<hbm>>
        tpu.wait_dma2 semaphore(%arg20 : memref<!tpu.dma_semaphore, #tpu.memory_space<semaphore_mem>>) src(%dma_wait3A_544 : memref<3x80xi32, #tpu.memory_space<hbm>>) dst(%arg9 : memref<3x80xi32, #tpu.memory_space<vmem>>)
        %dma_start3A_545 = arith.constant 0 : i32
        %dma_start3A_546 = arith.constant 0 : i32
        %dma_start3A_547 = tpu.memref_slice %arg9[%dma_start3A_545, %dma_start3A_546] : memref<3x80xi32, #tpu.memory_space<vmem>> -> memref<1x80xi32, #tpu.memory_space<vmem>>
        %dma_start3A_548 = tpu.memref_squeeze %dma_start3A_547 : memref<1x80xi32, #tpu.memory_space<vmem>> -> memref<80xi32, #tpu.memory_space<vmem>>
        %dma_start3A_549 = arith.constant 0 : i32
        %dma_start3A_550 = arith.constant 0 : i32
        %dma_start3A_551 = tpu.memref_slice %arg3[%dma_start3A_549, %dma_start3A_550] : memref<10000x128xf32, #tpu.memory_space<hbm>> -> memref<10000x128xf32, #tpu.memory_space<hbm>>
        tpu.enqueue_indirect_dma source(%dma_start3A_551 : memref<10000x128xf32, #tpu.memory_space<hbm>>) target(%arg13 : memref<80x128xf32, #tpu.memory_space<vmem>>) offsets(%dma_start3A_548 : memref<80xi32, #tpu.memory_space<vmem>>) semaphore(%arg24 : memref<!tpu.dma_semaphore, #tpu.memory_space<semaphore_mem>>)
      } else {
      }
      %add3A_396 = arith.constant 5 : i32
      %add3A_397 = arith.addi %add3A_380, %add3A_396 : i32
      %lt3A_398 = arith.constant 125 : i32
      %lt3A_399 = arith.cmpi slt, %add3A_397, %lt3A_398 : i32
      %convert_element_type3A_400 = arith.extui %lt3A_399 : i1 to i32
      %cond3A_401 = arith.constant 0 : i32
      %cond3A_402 = arith.cmpi ne, %convert_element_type3A_400, %cond3A_401 : i32
      scf.if %cond3A_402 {
        %add3A_532 = arith.constant 5 : i32
        %add3A_533 = arith.addi %add3A_380, %add3A_532 : i32
        %mul3A_534 = arith.constant 32 : i32
        %mul3A_535 = arith.muli %add3A_533, %mul3A_534 : i32
        %add3A_536 = arith.addi %add3A, %mul3A_535 : i32
        %dma_start3A_537 = arith.constant 0 : i32
        %dma_start3A_538 = arith.constant 0 : i32
        %dma_start3A_539 = tpu.memref_slice %arg2[%add3A_536, %dma_start3A_537, %dma_start3A_538] : memref<4000x3x80xi32, #tpu.memory_space<hbm>> -> memref<1x3x80xi32, #tpu.memory_space<hbm>>
        %dma_start3A_540 = tpu.memref_squeeze %dma_start3A_539 : memref<1x3x80xi32, #tpu.memory_space<hbm>> -> memref<3x80xi32, #tpu.memory_space<hbm>>
        %dma_start3A_541 = arith.constant 0 : i32
        %dma_start3A_542 = arith.constant 0 : i32
        %dma_start3A_543 = tpu.memref_slice %arg2[%add3A_536, %dma_start3A_541, %dma_start3A_542] : memref<4000x3x80xi32, #tpu.memory_space<hbm>> -> memref<1x3x80xi32, #tpu.memory_space<hbm>>
        %dma_start3A_544 = tpu.memref_squeeze %dma_start3A_543 : memref<1x3x80xi32, #tpu.memory_space<hbm>> -> memref<3x80xi32, #tpu.memory_space<hbm>>
        tpu.enqueue_dma source(%dma_start3A_544 : memref<3x80xi32, #tpu.memory_space<hbm>>) target(%arg5 : memref<3x80xi32, #tpu.memory_space<vmem>>) target_semaphore(%arg16 : memref<!tpu.dma_semaphore, #tpu.memory_space<semaphore_mem>>)
      } else {
      }
      %lt3A_403 = arith.constant 125 : i32
      %lt3A_404 = arith.cmpi slt, %add3A_380, %lt3A_403 : i32
      %convert_element_type3A_405 = arith.extui %lt3A_404 : i1 to i32
      %cond3A_406 = arith.constant 0 : i32
      %cond3A_407 = arith.cmpi ne, %convert_element_type3A_405, %cond3A_406 : i32
      scf.if %cond3A_407 {
        %dma_wait3A_532 = arith.constant 0 : i32
        %dma_wait3A_533 = arith.constant 0 : i32
        %dma_wait3A_534 = tpu.memref_slice %arg6[%dma_wait3A_532, %dma_wait3A_533] : memref<3x80xi32, #tpu.memory_space<vmem>> -> memref<1x80xi32, #tpu.memory_space<vmem>>
        %dma_wait3A_535 = tpu.memref_squeeze %dma_wait3A_534 : memref<1x80xi32, #tpu.memory_space<vmem>> -> memref<80xi32, #tpu.memory_space<vmem>>
        %dma_wait3A_536 = arith.constant 0 : i32
        %dma_wait3A_537 = arith.constant 0 : i32
        %dma_wait3A_538 = tpu.memref_slice %arg3[%dma_wait3A_536, %dma_wait3A_537] : memref<10000x128xf32, #tpu.memory_space<hbm>> -> memref<10000x128xf32, #tpu.memory_space<hbm>>
        tpu.wait_indirect_dma semaphore(%arg25 : memref<!tpu.dma_semaphore, #tpu.memory_space<semaphore_mem>>) src(%dma_wait3A_538 : memref<10000x128xf32, #tpu.memory_space<hbm>>) dst(%arg14 : memref<80x128xf32, #tpu.memory_space<vmem>>)
        %scan3A_539 = arith.constant 0 : i32
        %scan3A_540 = arith.constant 0 : i32
        %scan3A_541 = arith.constant 80 : i32
        %scan3A_542 = arith.addi %scan3A_540, %scan3A_541 : i32
        %scan3A_543 = arith.constant 1 : i32
        scf.for %scan3A_552 = %scan3A_540 to %scan3A_542 step %scan3A_543  : i32 {
          %broadcast_in_dim3A_553 = vector.broadcast %scan3A_552 : i32 to vector<16xi32>
          %gather3A = tpu.vector_load_idx %arg6[%broadcast_in_dim3A_1, %broadcast_in_dim3A_553] : memref<3x80xi32, #tpu.memory_space<vmem>>[vector<16xi32>, vector<16xi32>], vector<16xi32>,
          %bitcast3A = vector.bitcast %gather3A : vector<16xi32> to vector<16xf32>
          %get3A = arith.index_cast %scan3A_552 : i32 to index
          %get3A_554 = arith.constant 0 : index
          %get3A_555 = tpu.vector_load %arg14[%get3A, %get3A_554] {strides = array<i32>} : memref<80x128xf32, #tpu.memory_space<vmem>>, vector<16xf32>,
          %mul3A_556 = arith.mulf %get3A_555, %bitcast3A : vector<16xf32>
          %swap3A = arith.index_cast %scan3A_552 : i32 to index
          %swap3A_557 = arith.constant 0 : index
          %swap3A_558 = tpu.vector_load %arg14[%swap3A, %swap3A_557] {strides = array<i32>} : memref<80x128xf32, #tpu.memory_space<vmem>>, vector<16xf32>,
          tpu.vector_store %arg14[%swap3A, %swap3A_557], %mul3A_556 {strides = array<i32>} : memref<80x128xf32, #tpu.memory_space<vmem>>, vector<16xf32>,
          %get3A_559 = arith.index_cast %scan3A_552 : i32 to index
          %get3A_560 = arith.constant 16 : index
          %get3A_561 = tpu.vector_load %arg14[%get3A_559, %get3A_560] {strides = array<i32>} : memref<80x128xf32, #tpu.memory_space<vmem>>, vector<16xf32>,
          %mul3A_562 = arith.mulf %get3A_561, %bitcast3A : vector<16xf32>
          %swap3A_563 = arith.index_cast %scan3A_552 : i32 to index
          %swap3A_564 = arith.constant 16 : index
          %swap3A_565 = tpu.vector_load %arg14[%swap3A_563, %swap3A_564] {strides = array<i32>} : memref<80x128xf32, #tpu.memory_space<vmem>>, vector<16xf32>,
          tpu.vector_store %arg14[%swap3A_563, %swap3A_564], %mul3A_562 {strides = array<i32>} : memref<80x128xf32, #tpu.memory_space<vmem>>, vector<16xf32>,
          %get3A_566 = arith.index_cast %scan3A_552 : i32 to index
          %get3A_567 = arith.constant 32 : index
          %get3A_568 = tpu.vector_load %arg14[%get3A_566, %get3A_567] {strides = array<i32>} : memref<80x128xf32, #tpu.memory_space<vmem>>, vector<16xf32>,
          %mul3A_569 = arith.mulf %get3A_568, %bitcast3A : vector<16xf32>
          %swap3A_570 = arith.index_cast %scan3A_552 : i32 to index
          %swap3A_571 = arith.constant 32 : index
          %swap3A_572 = tpu.vector_load %arg14[%swap3A_570, %swap3A_571] {strides = array<i32>} : memref<80x128xf32, #tpu.memory_space<vmem>>, vector<16xf32>,
          tpu.vector_store %arg14[%swap3A_570, %swap3A_571], %mul3A_569 {strides = array<i32>} : memref<80x128xf32, #tpu.memory_space<vmem>>, vector<16xf32>,
          %get3A_573 = arith.index_cast %scan3A_552 : i32 to index
          %get3A_574 = arith.constant 48 : index
          %get3A_575 = tpu.vector_load %arg14[%get3A_573, %get3A_574] {strides = array<i32>} : memref<80x128xf32, #tpu.memory_space<vmem>>, vector<16xf32>,
          %mul3A_576 = arith.mulf %get3A_575, %bitcast3A : vector<16xf32>
          %swap3A_577 = arith.index_cast %scan3A_552 : i32 to index
          %swap3A_578 = arith.constant 48 : index
          %swap3A_579 = tpu.vector_load %arg14[%swap3A_577, %swap3A_578] {strides = array<i32>} : memref<80x128xf32, #tpu.memory_space<vmem>>, vector<16xf32>,
          tpu.vector_store %arg14[%swap3A_577, %swap3A_578], %mul3A_576 {strides = array<i32>} : memref<80x128xf32, #tpu.memory_space<vmem>>, vector<16xf32>,
          %get3A_580 = arith.index_cast %scan3A_552 : i32 to index
          %get3A_581 = arith.constant 64 : index
          %get3A_582 = tpu.vector_load %arg14[%get3A_580, %get3A_581] {strides = array<i32>} : memref<80x128xf32, #tpu.memory_space<vmem>>, vector<16xf32>,
          %mul3A_583 = arith.mulf %get3A_582, %bitcast3A : vector<16xf32>
          %swap3A_584 = arith.index_cast %scan3A_552 : i32 to index
          %swap3A_585 = arith.constant 64 : index
          %swap3A_586 = tpu.vector_load %arg14[%swap3A_584, %swap3A_585] {strides = array<i32>} : memref<80x128xf32, #tpu.memory_space<vmem>>, vector<16xf32>,
          tpu.vector_store %arg14[%swap3A_584, %swap3A_585], %mul3A_583 {strides = array<i32>} : memref<80x128xf32, #tpu.memory_space<vmem>>, vector<16xf32>,
          %get3A_587 = arith.index_cast %scan3A_552 : i32 to index
          %get3A_588 = arith.constant 80 : index
          %get3A_589 = tpu.vector_load %arg14[%get3A_587, %get3A_588] {strides = array<i32>} : memref<80x128xf32, #tpu.memory_space<vmem>>, vector<16xf32>,
          %mul3A_590 = arith.mulf %get3A_589, %bitcast3A : vector<16xf32>
          %swap3A_591 = arith.index_cast %scan3A_552 : i32 to index
          %swap3A_592 = arith.constant 80 : index
          %swap3A_593 = tpu.vector_load %arg14[%swap3A_591, %swap3A_592] {strides = array<i32>} : memref<80x128xf32, #tpu.memory_space<vmem>>, vector<16xf32>,
          tpu.vector_store %arg14[%swap3A_591, %swap3A_592], %mul3A_590 {strides = array<i32>} : memref<80x128xf32, #tpu.memory_space<vmem>>, vector<16xf32>,
          %get3A_594 = arith.index_cast %scan3A_552 : i32 to index
          %get3A_595 = arith.constant 96 : index
          %get3A_596 = tpu.vector_load %arg14[%get3A_594, %get3A_595] {strides = array<i32>} : memref<80x128xf32, #tpu.memory_space<vmem>>, vector<16xf32>,
          %mul3A_597 = arith.mulf %get3A_596, %bitcast3A : vector<16xf32>
          %swap3A_598 = arith.index_cast %scan3A_552 : i32 to index
          %swap3A_599 = arith.constant 96 : index
          %swap3A_600 = tpu.vector_load %arg14[%swap3A_598, %swap3A_599] {strides = array<i32>} : memref<80x128xf32, #tpu.memory_space<vmem>>, vector<16xf32>,
          tpu.vector_store %arg14[%swap3A_598, %swap3A_599], %mul3A_597 {strides = array<i32>} : memref<80x128xf32, #tpu.memory_space<vmem>>, vector<16xf32>,
          %get3A_601 = arith.index_cast %scan3A_552 : i32 to index
          %get3A_602 = arith.constant 112 : index
          %get3A_603 = tpu.vector_load %arg14[%get3A_601, %get3A_602] {strides = array<i32>} : memref<80x128xf32, #tpu.memory_space<vmem>>, vector<16xf32>,
          %mul3A_604 = arith.mulf %get3A_603, %bitcast3A : vector<16xf32>
          %swap3A_605 = arith.index_cast %scan3A_552 : i32 to index
          %swap3A_606 = arith.constant 112 : index
          %swap3A_607 = tpu.vector_load %arg14[%swap3A_605, %swap3A_606] {strides = array<i32>} : memref<80x128xf32, #tpu.memory_space<vmem>>, vector<16xf32>,
          tpu.vector_store %arg14[%swap3A_605, %swap3A_606], %mul3A_604 {strides = array<i32>} : memref<80x128xf32, #tpu.memory_space<vmem>>, vector<16xf32>,
        }
        %scan3A_544 = arith.constant 80 : i32
        %dma_start3A_545 = arith.constant 1 : i32
        %dma_start3A_546 = arith.constant 0 : i32
        %dma_start3A_547 = tpu.memref_slice %arg6[%dma_start3A_545, %dma_start3A_546] : memref<3x80xi32, #tpu.memory_space<vmem>> -> memref<1x80xi32, #tpu.memory_space<vmem>>
        %dma_start3A_548 = tpu.memref_squeeze %dma_start3A_547 : memref<1x80xi32, #tpu.memory_space<vmem>> -> memref<80xi32, #tpu.memory_space<vmem>>
        %dma_start3A_549 = arith.constant 0 : i32
        %dma_start3A_550 = arith.constant 0 : i32
        %dma_start3A_551 = tpu.memref_slice %arg15[%dma_start3A_549, %dma_start3A_550] : memref<10000x128xf32, #tpu.memory_space<vmem_shared>> -> memref<10000x128xf32, #tpu.memory_space<vmem_shared>>
        tpu.enqueue_indirect_dma source(%arg14 : memref<80x128xf32, #tpu.memory_space<vmem>>) target(%dma_start3A_551 : memref<10000x128xf32, #tpu.memory_space<vmem_shared>>) offsets(%dma_start3A_548 : memref<80xi32, #tpu.memory_space<vmem>>) semaphore(%arg29 : memref<!tpu.dma_semaphore, #tpu.memory_space<semaphore_mem>>) {add = true}
      } else {
      }
      %mul3A_408 = arith.constant 12 : i32
      %mul3A_409 = arith.muli %scan3A_162, %mul3A_408 : i32
      %add3A_410 = arith.constant 8 : i32
      %add3A_411 = arith.addi %mul3A_409, %add3A_410 : i32
      %ge3A_412 = arith.constant 1 : i32
      %ge3A_413 = arith.cmpi sge, %add3A_411, %ge3A_412 : i32
      %le3A_414 = arith.constant 125 : i32
      %le3A_415 = arith.cmpi sle, %add3A_411, %le3A_414 : i32
      %and3A_416 = arith.andi %ge3A_413, %le3A_415 : i1
      %convert_element_type3A_417 = arith.extui %and3A_416 : i1 to i32
      %cond3A_418 = arith.constant 0 : i32
      %cond3A_419 = arith.cmpi ne, %convert_element_type3A_417, %cond3A_418 : i32
      scf.if %cond3A_419 {
        %dma_wait3A_532 = arith.constant 1 : i32
        %dma_wait3A_533 = arith.constant 0 : i32
        %dma_wait3A_534 = tpu.memref_slice %arg6[%dma_wait3A_532, %dma_wait3A_533] : memref<3x80xi32, #tpu.memory_space<vmem>> -> memref<1x80xi32, #tpu.memory_space<vmem>>
        %dma_wait3A_535 = tpu.memref_squeeze %dma_wait3A_534 : memref<1x80xi32, #tpu.memory_space<vmem>> -> memref<80xi32, #tpu.memory_space<vmem>>
        %dma_wait3A_536 = arith.constant 0 : i32
        %dma_wait3A_537 = arith.constant 0 : i32
        %dma_wait3A_538 = tpu.memref_slice %arg15[%dma_wait3A_536, %dma_wait3A_537] : memref<10000x128xf32, #tpu.memory_space<vmem_shared>> -> memref<10000x128xf32, #tpu.memory_space<vmem_shared>>
        tpu.wait_indirect_dma semaphore(%arg29 : memref<!tpu.dma_semaphore, #tpu.memory_space<semaphore_mem>>) src(%arg14 : memref<80x128xf32, #tpu.memory_space<vmem>>) dst(%dma_wait3A_538 : memref<10000x128xf32, #tpu.memory_space<vmem_shared>>)
      } else {
      }
      %add3A_420 = arith.constant 3 : i32
      %add3A_421 = arith.addi %add3A_411, %add3A_420 : i32
      %lt3A_422 = arith.constant 125 : i32
      %lt3A_423 = arith.cmpi slt, %add3A_421, %lt3A_422 : i32
      %convert_element_type3A_424 = arith.extui %lt3A_423 : i1 to i32
      %cond3A_425 = arith.constant 0 : i32
      %cond3A_426 = arith.cmpi ne, %convert_element_type3A_424, %cond3A_425 : i32
      scf.if %cond3A_426 {
        %add3A_532 = arith.constant 3 : i32
        %add3A_533 = arith.addi %add3A_411, %add3A_532 : i32
        %mul3A_534 = arith.constant 32 : i32
        %mul3A_535 = arith.muli %add3A_533, %mul3A_534 : i32
        %add3A_536 = arith.addi %add3A, %mul3A_535 : i32
        %dma_wait3A_537 = arith.constant 0 : i32
        %dma_wait3A_538 = arith.constant 0 : i32
        %dma_wait3A_539 = tpu.memref_slice %arg2[%add3A_536, %dma_wait3A_537, %dma_wait3A_538] : memref<4000x3x80xi32, #tpu.memory_space<hbm>> -> memref<1x3x80xi32, #tpu.memory_space<hbm>>
        %dma_wait3A_540 = tpu.memref_squeeze %dma_wait3A_539 : memref<1x3x80xi32, #tpu.memory_space<hbm>> -> memref<3x80xi32, #tpu.memory_space<hbm>>
        %dma_wait3A_541 = arith.constant 0 : i32
        %dma_wait3A_542 = arith.constant 0 : i32
        %dma_wait3A_543 = tpu.memref_slice %arg2[%add3A_536, %dma_wait3A_541, %dma_wait3A_542] : memref<4000x3x80xi32, #tpu.memory_space<hbm>> -> memref<1x3x80xi32, #tpu.memory_space<hbm>>
        %dma_wait3A_544 = tpu.memref_squeeze %dma_wait3A_543 : memref<1x3x80xi32, #tpu.memory_space<hbm>> -> memref<3x80xi32, #tpu.memory_space<hbm>>
        tpu.wait_dma2 semaphore(%arg21 : memref<!tpu.dma_semaphore, #tpu.memory_space<semaphore_mem>>) src(%dma_wait3A_544 : memref<3x80xi32, #tpu.memory_space<hbm>>) dst(%arg10 : memref<3x80xi32, #tpu.memory_space<vmem>>)
        %dma_start3A_545 = arith.constant 0 : i32
        %dma_start3A_546 = arith.constant 0 : i32
        %dma_start3A_547 = tpu.memref_slice %arg10[%dma_start3A_545, %dma_start3A_546] : memref<3x80xi32, #tpu.memory_space<vmem>> -> memref<1x80xi32, #tpu.memory_space<vmem>>
        %dma_start3A_548 = tpu.memref_squeeze %dma_start3A_547 : memref<1x80xi32, #tpu.memory_space<vmem>> -> memref<80xi32, #tpu.memory_space<vmem>>
        %dma_start3A_549 = arith.constant 0 : i32
        %dma_start3A_550 = arith.constant 0 : i32
        %dma_start3A_551 = tpu.memref_slice %arg3[%dma_start3A_549, %dma_start3A_550] : memref<10000x128xf32, #tpu.memory_space<hbm>> -> memref<10000x128xf32, #tpu.memory_space<hbm>>
        tpu.enqueue_indirect_dma source(%dma_start3A_551 : memref<10000x128xf32, #tpu.memory_space<hbm>>) target(%arg14 : memref<80x128xf32, #tpu.memory_space<vmem>>) offsets(%dma_start3A_548 : memref<80xi32, #tpu.memory_space<vmem>>) semaphore(%arg25 : memref<!tpu.dma_semaphore, #tpu.memory_space<semaphore_mem>>)
      } else {
      }
      %add3A_427 = arith.constant 5 : i32
      %add3A_428 = arith.addi %add3A_411, %add3A_427 : i32
      %lt3A_429 = arith.constant 125 : i32
      %lt3A_430 = arith.cmpi slt, %add3A_428, %lt3A_429 : i32
      %convert_element_type3A_431 = arith.extui %lt3A_430 : i1 to i32
      %cond3A_432 = arith.constant 0 : i32
      %cond3A_433 = arith.cmpi ne, %convert_element_type3A_431, %cond3A_432 : i32
      scf.if %cond3A_433 {
        %add3A_532 = arith.constant 5 : i32
        %add3A_533 = arith.addi %add3A_411, %add3A_532 : i32
        %mul3A_534 = arith.constant 32 : i32
        %mul3A_535 = arith.muli %add3A_533, %mul3A_534 : i32
        %add3A_536 = arith.addi %add3A, %mul3A_535 : i32
        %dma_start3A_537 = arith.constant 0 : i32
        %dma_start3A_538 = arith.constant 0 : i32
        %dma_start3A_539 = tpu.memref_slice %arg2[%add3A_536, %dma_start3A_537, %dma_start3A_538] : memref<4000x3x80xi32, #tpu.memory_space<hbm>> -> memref<1x3x80xi32, #tpu.memory_space<hbm>>
        %dma_start3A_540 = tpu.memref_squeeze %dma_start3A_539 : memref<1x3x80xi32, #tpu.memory_space<hbm>> -> memref<3x80xi32, #tpu.memory_space<hbm>>
        %dma_start3A_541 = arith.constant 0 : i32
        %dma_start3A_542 = arith.constant 0 : i32
        %dma_start3A_543 = tpu.memref_slice %arg2[%add3A_536, %dma_start3A_541, %dma_start3A_542] : memref<4000x3x80xi32, #tpu.memory_space<hbm>> -> memref<1x3x80xi32, #tpu.memory_space<hbm>>
        %dma_start3A_544 = tpu.memref_squeeze %dma_start3A_543 : memref<1x3x80xi32, #tpu.memory_space<hbm>> -> memref<3x80xi32, #tpu.memory_space<hbm>>
        tpu.enqueue_dma source(%dma_start3A_544 : memref<3x80xi32, #tpu.memory_space<hbm>>) target(%arg6 : memref<3x80xi32, #tpu.memory_space<vmem>>) target_semaphore(%arg17 : memref<!tpu.dma_semaphore, #tpu.memory_space<semaphore_mem>>)
      } else {
      }
      %lt3A_434 = arith.constant 125 : i32
      %lt3A_435 = arith.cmpi slt, %add3A_411, %lt3A_434 : i32
      %convert_element_type3A_436 = arith.extui %lt3A_435 : i1 to i32
      %cond3A_437 = arith.constant 0 : i32
      %cond3A_438 = arith.cmpi ne, %convert_element_type3A_436, %cond3A_437 : i32
      scf.if %cond3A_438 {
        %dma_wait3A_532 = arith.constant 0 : i32
        %dma_wait3A_533 = arith.constant 0 : i32
        %dma_wait3A_534 = tpu.memref_slice %arg7[%dma_wait3A_532, %dma_wait3A_533] : memref<3x80xi32, #tpu.memory_space<vmem>> -> memref<1x80xi32, #tpu.memory_space<vmem>>
        %dma_wait3A_535 = tpu.memref_squeeze %dma_wait3A_534 : memref<1x80xi32, #tpu.memory_space<vmem>> -> memref<80xi32, #tpu.memory_space<vmem>>
        %dma_wait3A_536 = arith.constant 0 : i32
        %dma_wait3A_537 = arith.constant 0 : i32
        %dma_wait3A_538 = tpu.memref_slice %arg3[%dma_wait3A_536, %dma_wait3A_537] : memref<10000x128xf32, #tpu.memory_space<hbm>> -> memref<10000x128xf32, #tpu.memory_space<hbm>>
        tpu.wait_indirect_dma semaphore(%arg22 : memref<!tpu.dma_semaphore, #tpu.memory_space<semaphore_mem>>) src(%dma_wait3A_538 : memref<10000x128xf32, #tpu.memory_space<hbm>>) dst(%arg11 : memref<80x128xf32, #tpu.memory_space<vmem>>)
        %scan3A_539 = arith.constant 0 : i32
        %scan3A_540 = arith.constant 0 : i32
        %scan3A_541 = arith.constant 80 : i32
        %scan3A_542 = arith.addi %scan3A_540, %scan3A_541 : i32
        %scan3A_543 = arith.constant 1 : i32
        scf.for %scan3A_552 = %scan3A_540 to %scan3A_542 step %scan3A_543  : i32 {
          %broadcast_in_dim3A_553 = vector.broadcast %scan3A_552 : i32 to vector<16xi32>
          %gather3A = tpu.vector_load_idx %arg7[%broadcast_in_dim3A_1, %broadcast_in_dim3A_553] : memref<3x80xi32, #tpu.memory_space<vmem>>[vector<16xi32>, vector<16xi32>], vector<16xi32>,
          %bitcast3A = vector.bitcast %gather3A : vector<16xi32> to vector<16xf32>
          %get3A = arith.index_cast %scan3A_552 : i32 to index
          %get3A_554 = arith.constant 0 : index
          %get3A_555 = tpu.vector_load %arg11[%get3A, %get3A_554] {strides = array<i32>} : memref<80x128xf32, #tpu.memory_space<vmem>>, vector<16xf32>,
          %mul3A_556 = arith.mulf %get3A_555, %bitcast3A : vector<16xf32>
          %swap3A = arith.index_cast %scan3A_552 : i32 to index
          %swap3A_557 = arith.constant 0 : index
          %swap3A_558 = tpu.vector_load %arg11[%swap3A, %swap3A_557] {strides = array<i32>} : memref<80x128xf32, #tpu.memory_space<vmem>>, vector<16xf32>,
          tpu.vector_store %arg11[%swap3A, %swap3A_557], %mul3A_556 {strides = array<i32>} : memref<80x128xf32, #tpu.memory_space<vmem>>, vector<16xf32>,
          %get3A_559 = arith.index_cast %scan3A_552 : i32 to index
          %get3A_560 = arith.constant 16 : index
          %get3A_561 = tpu.vector_load %arg11[%get3A_559, %get3A_560] {strides = array<i32>} : memref<80x128xf32, #tpu.memory_space<vmem>>, vector<16xf32>,
          %mul3A_562 = arith.mulf %get3A_561, %bitcast3A : vector<16xf32>
          %swap3A_563 = arith.index_cast %scan3A_552 : i32 to index
          %swap3A_564 = arith.constant 16 : index
          %swap3A_565 = tpu.vector_load %arg11[%swap3A_563, %swap3A_564] {strides = array<i32>} : memref<80x128xf32, #tpu.memory_space<vmem>>, vector<16xf32>,
          tpu.vector_store %arg11[%swap3A_563, %swap3A_564], %mul3A_562 {strides = array<i32>} : memref<80x128xf32, #tpu.memory_space<vmem>>, vector<16xf32>,
          %get3A_566 = arith.index_cast %scan3A_552 : i32 to index
          %get3A_567 = arith.constant 32 : index
          %get3A_568 = tpu.vector_load %arg11[%get3A_566, %get3A_567] {strides = array<i32>} : memref<80x128xf32, #tpu.memory_space<vmem>>, vector<16xf32>,
          %mul3A_569 = arith.mulf %get3A_568, %bitcast3A : vector<16xf32>
          %swap3A_570 = arith.index_cast %scan3A_552 : i32 to index
          %swap3A_571 = arith.constant 32 : index
          %swap3A_572 = tpu.vector_load %arg11[%swap3A_570, %swap3A_571] {strides = array<i32>} : memref<80x128xf32, #tpu.memory_space<vmem>>, vector<16xf32>,
          tpu.vector_store %arg11[%swap3A_570, %swap3A_571], %mul3A_569 {strides = array<i32>} : memref<80x128xf32, #tpu.memory_space<vmem>>, vector<16xf32>,
          %get3A_573 = arith.index_cast %scan3A_552 : i32 to index
          %get3A_574 = arith.constant 48 : index
          %get3A_575 = tpu.vector_load %arg11[%get3A_573, %get3A_574] {strides = array<i32>} : memref<80x128xf32, #tpu.memory_space<vmem>>, vector<16xf32>,
          %mul3A_576 = arith.mulf %get3A_575, %bitcast3A : vector<16xf32>
          %swap3A_577 = arith.index_cast %scan3A_552 : i32 to index
          %swap3A_578 = arith.constant 48 : index
          %swap3A_579 = tpu.vector_load %arg11[%swap3A_577, %swap3A_578] {strides = array<i32>} : memref<80x128xf32, #tpu.memory_space<vmem>>, vector<16xf32>,
          tpu.vector_store %arg11[%swap3A_577, %swap3A_578], %mul3A_576 {strides = array<i32>} : memref<80x128xf32, #tpu.memory_space<vmem>>, vector<16xf32>,
          %get3A_580 = arith.index_cast %scan3A_552 : i32 to index
          %get3A_581 = arith.constant 64 : index
          %get3A_582 = tpu.vector_load %arg11[%get3A_580, %get3A_581] {strides = array<i32>} : memref<80x128xf32, #tpu.memory_space<vmem>>, vector<16xf32>,
          %mul3A_583 = arith.mulf %get3A_582, %bitcast3A : vector<16xf32>
          %swap3A_584 = arith.index_cast %scan3A_552 : i32 to index
          %swap3A_585 = arith.constant 64 : index
          %swap3A_586 = tpu.vector_load %arg11[%swap3A_584, %swap3A_585] {strides = array<i32>} : memref<80x128xf32, #tpu.memory_space<vmem>>, vector<16xf32>,
          tpu.vector_store %arg11[%swap3A_584, %swap3A_585], %mul3A_583 {strides = array<i32>} : memref<80x128xf32, #tpu.memory_space<vmem>>, vector<16xf32>,
          %get3A_587 = arith.index_cast %scan3A_552 : i32 to index
          %get3A_588 = arith.constant 80 : index
          %get3A_589 = tpu.vector_load %arg11[%get3A_587, %get3A_588] {strides = array<i32>} : memref<80x128xf32, #tpu.memory_space<vmem>>, vector<16xf32>,
          %mul3A_590 = arith.mulf %get3A_589, %bitcast3A : vector<16xf32>
          %swap3A_591 = arith.index_cast %scan3A_552 : i32 to index
          %swap3A_592 = arith.constant 80 : index
          %swap3A_593 = tpu.vector_load %arg11[%swap3A_591, %swap3A_592] {strides = array<i32>} : memref<80x128xf32, #tpu.memory_space<vmem>>, vector<16xf32>,
          tpu.vector_store %arg11[%swap3A_591, %swap3A_592], %mul3A_590 {strides = array<i32>} : memref<80x128xf32, #tpu.memory_space<vmem>>, vector<16xf32>,
          %get3A_594 = arith.index_cast %scan3A_552 : i32 to index
          %get3A_595 = arith.constant 96 : index
          %get3A_596 = tpu.vector_load %arg11[%get3A_594, %get3A_595] {strides = array<i32>} : memref<80x128xf32, #tpu.memory_space<vmem>>, vector<16xf32>,
          %mul3A_597 = arith.mulf %get3A_596, %bitcast3A : vector<16xf32>
          %swap3A_598 = arith.index_cast %scan3A_552 : i32 to index
          %swap3A_599 = arith.constant 96 : index
          %swap3A_600 = tpu.vector_load %arg11[%swap3A_598, %swap3A_599] {strides = array<i32>} : memref<80x128xf32, #tpu.memory_space<vmem>>, vector<16xf32>,
          tpu.vector_store %arg11[%swap3A_598, %swap3A_599], %mul3A_597 {strides = array<i32>} : memref<80x128xf32, #tpu.memory_space<vmem>>, vector<16xf32>,
          %get3A_601 = arith.index_cast %scan3A_552 : i32 to index
          %get3A_602 = arith.constant 112 : index
          %get3A_603 = tpu.vector_load %arg11[%get3A_601, %get3A_602] {strides = array<i32>} : memref<80x128xf32, #tpu.memory_space<vmem>>, vector<16xf32>,
          %mul3A_604 = arith.mulf %get3A_603, %bitcast3A : vector<16xf32>
          %swap3A_605 = arith.index_cast %scan3A_552 : i32 to index
          %swap3A_606 = arith.constant 112 : index
          %swap3A_607 = tpu.vector_load %arg11[%swap3A_605, %swap3A_606] {strides = array<i32>} : memref<80x128xf32, #tpu.memory_space<vmem>>, vector<16xf32>,
          tpu.vector_store %arg11[%swap3A_605, %swap3A_606], %mul3A_604 {strides = array<i32>} : memref<80x128xf32, #tpu.memory_space<vmem>>, vector<16xf32>,
        }
        %scan3A_544 = arith.constant 80 : i32
        %dma_start3A_545 = arith.constant 1 : i32
        %dma_start3A_546 = arith.constant 0 : i32
        %dma_start3A_547 = tpu.memref_slice %arg7[%dma_start3A_545, %dma_start3A_546] : memref<3x80xi32, #tpu.memory_space<vmem>> -> memref<1x80xi32, #tpu.memory_space<vmem>>
        %dma_start3A_548 = tpu.memref_squeeze %dma_start3A_547 : memref<1x80xi32, #tpu.memory_space<vmem>> -> memref<80xi32, #tpu.memory_space<vmem>>
        %dma_start3A_549 = arith.constant 0 : i32
        %dma_start3A_550 = arith.constant 0 : i32
        %dma_start3A_551 = tpu.memref_slice %arg15[%dma_start3A_549, %dma_start3A_550] : memref<10000x128xf32, #tpu.memory_space<vmem_shared>> -> memref<10000x128xf32, #tpu.memory_space<vmem_shared>>
        tpu.enqueue_indirect_dma source(%arg11 : memref<80x128xf32, #tpu.memory_space<vmem>>) target(%dma_start3A_551 : memref<10000x128xf32, #tpu.memory_space<vmem_shared>>) offsets(%dma_start3A_548 : memref<80xi32, #tpu.memory_space<vmem>>) semaphore(%arg26 : memref<!tpu.dma_semaphore, #tpu.memory_space<semaphore_mem>>) {add = true}
      } else {
      }
      %mul3A_439 = arith.constant 12 : i32
      %mul3A_440 = arith.muli %scan3A_162, %mul3A_439 : i32
      %add3A_441 = arith.constant 9 : i32
      %add3A_442 = arith.addi %mul3A_440, %add3A_441 : i32
      %ge3A_443 = arith.constant 1 : i32
      %ge3A_444 = arith.cmpi sge, %add3A_442, %ge3A_443 : i32
      %le3A_445 = arith.constant 125 : i32
      %le3A_446 = arith.cmpi sle, %add3A_442, %le3A_445 : i32
      %and3A_447 = arith.andi %ge3A_444, %le3A_446 : i1
      %convert_element_type3A_448 = arith.extui %and3A_447 : i1 to i32
      %cond3A_449 = arith.constant 0 : i32
      %cond3A_450 = arith.cmpi ne, %convert_element_type3A_448, %cond3A_449 : i32
      scf.if %cond3A_450 {
        %dma_wait3A_532 = arith.constant 1 : i32
        %dma_wait3A_533 = arith.constant 0 : i32
        %dma_wait3A_534 = tpu.memref_slice %arg7[%dma_wait3A_532, %dma_wait3A_533] : memref<3x80xi32, #tpu.memory_space<vmem>> -> memref<1x80xi32, #tpu.memory_space<vmem>>
        %dma_wait3A_535 = tpu.memref_squeeze %dma_wait3A_534 : memref<1x80xi32, #tpu.memory_space<vmem>> -> memref<80xi32, #tpu.memory_space<vmem>>
        %dma_wait3A_536 = arith.constant 0 : i32
        %dma_wait3A_537 = arith.constant 0 : i32
        %dma_wait3A_538 = tpu.memref_slice %arg15[%dma_wait3A_536, %dma_wait3A_537] : memref<10000x128xf32, #tpu.memory_space<vmem_shared>> -> memref<10000x128xf32, #tpu.memory_space<vmem_shared>>
        tpu.wait_indirect_dma semaphore(%arg26 : memref<!tpu.dma_semaphore, #tpu.memory_space<semaphore_mem>>) src(%arg11 : memref<80x128xf32, #tpu.memory_space<vmem>>) dst(%dma_wait3A_538 : memref<10000x128xf32, #tpu.memory_space<vmem_shared>>)
      } else {
      }
      %add3A_451 = arith.constant 3 : i32
      %add3A_452 = arith.addi %add3A_442, %add3A_451 : i32
      %lt3A_453 = arith.constant 125 : i32
      %lt3A_454 = arith.cmpi slt, %add3A_452, %lt3A_453 : i32
      %convert_element_type3A_455 = arith.extui %lt3A_454 : i1 to i32
      %cond3A_456 = arith.constant 0 : i32
      %cond3A_457 = arith.cmpi ne, %convert_element_type3A_455, %cond3A_456 : i32
      scf.if %cond3A_457 {
        %add3A_532 = arith.constant 3 : i32
        %add3A_533 = arith.addi %add3A_442, %add3A_532 : i32
        %mul3A_534 = arith.constant 32 : i32
        %mul3A_535 = arith.muli %add3A_533, %mul3A_534 : i32
        %add3A_536 = arith.addi %add3A, %mul3A_535 : i32
        %dma_wait3A_537 = arith.constant 0 : i32
        %dma_wait3A_538 = arith.constant 0 : i32
        %dma_wait3A_539 = tpu.memref_slice %arg2[%add3A_536, %dma_wait3A_537, %dma_wait3A_538] : memref<4000x3x80xi32, #tpu.memory_space<hbm>> -> memref<1x3x80xi32, #tpu.memory_space<hbm>>
        %dma_wait3A_540 = tpu.memref_squeeze %dma_wait3A_539 : memref<1x3x80xi32, #tpu.memory_space<hbm>> -> memref<3x80xi32, #tpu.memory_space<hbm>>
        %dma_wait3A_541 = arith.constant 0 : i32
        %dma_wait3A_542 = arith.constant 0 : i32
        %dma_wait3A_543 = tpu.memref_slice %arg2[%add3A_536, %dma_wait3A_541, %dma_wait3A_542] : memref<4000x3x80xi32, #tpu.memory_space<hbm>> -> memref<1x3x80xi32, #tpu.memory_space<hbm>>
        %dma_wait3A_544 = tpu.memref_squeeze %dma_wait3A_543 : memref<1x3x80xi32, #tpu.memory_space<hbm>> -> memref<3x80xi32, #tpu.memory_space<hbm>>
        tpu.wait_dma2 semaphore(%arg16 : memref<!tpu.dma_semaphore, #tpu.memory_space<semaphore_mem>>) src(%dma_wait3A_544 : memref<3x80xi32, #tpu.memory_space<hbm>>) dst(%arg5 : memref<3x80xi32, #tpu.memory_space<vmem>>)
        %dma_start3A_545 = arith.constant 0 : i32
        %dma_start3A_546 = arith.constant 0 : i32
        %dma_start3A_547 = tpu.memref_slice %arg5[%dma_start3A_545, %dma_start3A_546] : memref<3x80xi32, #tpu.memory_space<vmem>> -> memref<1x80xi32, #tpu.memory_space<vmem>>
        %dma_start3A_548 = tpu.memref_squeeze %dma_start3A_547 : memref<1x80xi32, #tpu.memory_space<vmem>> -> memref<80xi32, #tpu.memory_space<vmem>>
        %dma_start3A_549 = arith.constant 0 : i32
        %dma_start3A_550 = arith.constant 0 : i32
        %dma_start3A_551 = tpu.memref_slice %arg3[%dma_start3A_549, %dma_start3A_550] : memref<10000x128xf32, #tpu.memory_space<hbm>> -> memref<10000x128xf32, #tpu.memory_space<hbm>>
        tpu.enqueue_indirect_dma source(%dma_start3A_551 : memref<10000x128xf32, #tpu.memory_space<hbm>>) target(%arg11 : memref<80x128xf32, #tpu.memory_space<vmem>>) offsets(%dma_start3A_548 : memref<80xi32, #tpu.memory_space<vmem>>) semaphore(%arg22 : memref<!tpu.dma_semaphore, #tpu.memory_space<semaphore_mem>>)
      } else {
      }
      %add3A_458 = arith.constant 5 : i32
      %add3A_459 = arith.addi %add3A_442, %add3A_458 : i32
      %lt3A_460 = arith.constant 125 : i32
      %lt3A_461 = arith.cmpi slt, %add3A_459, %lt3A_460 : i32
      %convert_element_type3A_462 = arith.extui %lt3A_461 : i1 to i32
      %cond3A_463 = arith.constant 0 : i32
      %cond3A_464 = arith.cmpi ne, %convert_element_type3A_462, %cond3A_463 : i32
      scf.if %cond3A_464 {
        %add3A_532 = arith.constant 5 : i32
        %add3A_533 = arith.addi %add3A_442, %add3A_532 : i32
        %mul3A_534 = arith.constant 32 : i32
        %mul3A_535 = arith.muli %add3A_533, %mul3A_534 : i32
        %add3A_536 = arith.addi %add3A, %mul3A_535 : i32
        %dma_start3A_537 = arith.constant 0 : i32
        %dma_start3A_538 = arith.constant 0 : i32
        %dma_start3A_539 = tpu.memref_slice %arg2[%add3A_536, %dma_start3A_537, %dma_start3A_538] : memref<4000x3x80xi32, #tpu.memory_space<hbm>> -> memref<1x3x80xi32, #tpu.memory_space<hbm>>
        %dma_start3A_540 = tpu.memref_squeeze %dma_start3A_539 : memref<1x3x80xi32, #tpu.memory_space<hbm>> -> memref<3x80xi32, #tpu.memory_space<hbm>>
        %dma_start3A_541 = arith.constant 0 : i32
        %dma_start3A_542 = arith.constant 0 : i32
        %dma_start3A_543 = tpu.memref_slice %arg2[%add3A_536, %dma_start3A_541, %dma_start3A_542] : memref<4000x3x80xi32, #tpu.memory_space<hbm>> -> memref<1x3x80xi32, #tpu.memory_space<hbm>>
        %dma_start3A_544 = tpu.memref_squeeze %dma_start3A_543 : memref<1x3x80xi32, #tpu.memory_space<hbm>> -> memref<3x80xi32, #tpu.memory_space<hbm>>
        tpu.enqueue_dma source(%dma_start3A_544 : memref<3x80xi32, #tpu.memory_space<hbm>>) target(%arg7 : memref<3x80xi32, #tpu.memory_space<vmem>>) target_semaphore(%arg18 : memref<!tpu.dma_semaphore, #tpu.memory_space<semaphore_mem>>)
      } else {
      }
      %lt3A_465 = arith.constant 125 : i32
      %lt3A_466 = arith.cmpi slt, %add3A_442, %lt3A_465 : i32
      %convert_element_type3A_467 = arith.extui %lt3A_466 : i1 to i32
      %cond3A_468 = arith.constant 0 : i32
      %cond3A_469 = arith.cmpi ne, %convert_element_type3A_467, %cond3A_468 : i32
      scf.if %cond3A_469 {
        %dma_wait3A_532 = arith.constant 0 : i32
        %dma_wait3A_533 = arith.constant 0 : i32
        %dma_wait3A_534 = tpu.memref_slice %arg8[%dma_wait3A_532, %dma_wait3A_533] : memref<3x80xi32, #tpu.memory_space<vmem>> -> memref<1x80xi32, #tpu.memory_space<vmem>>
        %dma_wait3A_535 = tpu.memref_squeeze %dma_wait3A_534 : memref<1x80xi32, #tpu.memory_space<vmem>> -> memref<80xi32, #tpu.memory_space<vmem>>
        %dma_wait3A_536 = arith.constant 0 : i32
        %dma_wait3A_537 = arith.constant 0 : i32
        %dma_wait3A_538 = tpu.memref_slice %arg3[%dma_wait3A_536, %dma_wait3A_537] : memref<10000x128xf32, #tpu.memory_space<hbm>> -> memref<10000x128xf32, #tpu.memory_space<hbm>>
        tpu.wait_indirect_dma semaphore(%arg23 : memref<!tpu.dma_semaphore, #tpu.memory_space<semaphore_mem>>) src(%dma_wait3A_538 : memref<10000x128xf32, #tpu.memory_space<hbm>>) dst(%arg12 : memref<80x128xf32, #tpu.memory_space<vmem>>)
        %scan3A_539 = arith.constant 0 : i32
        %scan3A_540 = arith.constant 0 : i32
        %scan3A_541 = arith.constant 80 : i32
        %scan3A_542 = arith.addi %scan3A_540, %scan3A_541 : i32
        %scan3A_543 = arith.constant 1 : i32
        scf.for %scan3A_552 = %scan3A_540 to %scan3A_542 step %scan3A_543  : i32 {
          %broadcast_in_dim3A_553 = vector.broadcast %scan3A_552 : i32 to vector<16xi32>
          %gather3A = tpu.vector_load_idx %arg8[%broadcast_in_dim3A_1, %broadcast_in_dim3A_553] : memref<3x80xi32, #tpu.memory_space<vmem>>[vector<16xi32>, vector<16xi32>], vector<16xi32>,
          %bitcast3A = vector.bitcast %gather3A : vector<16xi32> to vector<16xf32>
          %get3A = arith.index_cast %scan3A_552 : i32 to index
          %get3A_554 = arith.constant 0 : index
          %get3A_555 = tpu.vector_load %arg12[%get3A, %get3A_554] {strides = array<i32>} : memref<80x128xf32, #tpu.memory_space<vmem>>, vector<16xf32>,
          %mul3A_556 = arith.mulf %get3A_555, %bitcast3A : vector<16xf32>
          %swap3A = arith.index_cast %scan3A_552 : i32 to index
          %swap3A_557 = arith.constant 0 : index
          %swap3A_558 = tpu.vector_load %arg12[%swap3A, %swap3A_557] {strides = array<i32>} : memref<80x128xf32, #tpu.memory_space<vmem>>, vector<16xf32>,
          tpu.vector_store %arg12[%swap3A, %swap3A_557], %mul3A_556 {strides = array<i32>} : memref<80x128xf32, #tpu.memory_space<vmem>>, vector<16xf32>,
          %get3A_559 = arith.index_cast %scan3A_552 : i32 to index
          %get3A_560 = arith.constant 16 : index
          %get3A_561 = tpu.vector_load %arg12[%get3A_559, %get3A_560] {strides = array<i32>} : memref<80x128xf32, #tpu.memory_space<vmem>>, vector<16xf32>,
          %mul3A_562 = arith.mulf %get3A_561, %bitcast3A : vector<16xf32>
          %swap3A_563 = arith.index_cast %scan3A_552 : i32 to index
          %swap3A_564 = arith.constant 16 : index
          %swap3A_565 = tpu.vector_load %arg12[%swap3A_563, %swap3A_564] {strides = array<i32>} : memref<80x128xf32, #tpu.memory_space<vmem>>, vector<16xf32>,
          tpu.vector_store %arg12[%swap3A_563, %swap3A_564], %mul3A_562 {strides = array<i32>} : memref<80x128xf32, #tpu.memory_space<vmem>>, vector<16xf32>,
          %get3A_566 = arith.index_cast %scan3A_552 : i32 to index
          %get3A_567 = arith.constant 32 : index
          %get3A_568 = tpu.vector_load %arg12[%get3A_566, %get3A_567] {strides = array<i32>} : memref<80x128xf32, #tpu.memory_space<vmem>>, vector<16xf32>,
          %mul3A_569 = arith.mulf %get3A_568, %bitcast3A : vector<16xf32>
          %swap3A_570 = arith.index_cast %scan3A_552 : i32 to index
          %swap3A_571 = arith.constant 32 : index
          %swap3A_572 = tpu.vector_load %arg12[%swap3A_570, %swap3A_571] {strides = array<i32>} : memref<80x128xf32, #tpu.memory_space<vmem>>, vector<16xf32>,
          tpu.vector_store %arg12[%swap3A_570, %swap3A_571], %mul3A_569 {strides = array<i32>} : memref<80x128xf32, #tpu.memory_space<vmem>>, vector<16xf32>,
          %get3A_573 = arith.index_cast %scan3A_552 : i32 to index
          %get3A_574 = arith.constant 48 : index
          %get3A_575 = tpu.vector_load %arg12[%get3A_573, %get3A_574] {strides = array<i32>} : memref<80x128xf32, #tpu.memory_space<vmem>>, vector<16xf32>,
          %mul3A_576 = arith.mulf %get3A_575, %bitcast3A : vector<16xf32>
          %swap3A_577 = arith.index_cast %scan3A_552 : i32 to index
          %swap3A_578 = arith.constant 48 : index
          %swap3A_579 = tpu.vector_load %arg12[%swap3A_577, %swap3A_578] {strides = array<i32>} : memref<80x128xf32, #tpu.memory_space<vmem>>, vector<16xf32>,
          tpu.vector_store %arg12[%swap3A_577, %swap3A_578], %mul3A_576 {strides = array<i32>} : memref<80x128xf32, #tpu.memory_space<vmem>>, vector<16xf32>,
          %get3A_580 = arith.index_cast %scan3A_552 : i32 to index
          %get3A_581 = arith.constant 64 : index
          %get3A_582 = tpu.vector_load %arg12[%get3A_580, %get3A_581] {strides = array<i32>} : memref<80x128xf32, #tpu.memory_space<vmem>>, vector<16xf32>,
          %mul3A_583 = arith.mulf %get3A_582, %bitcast3A : vector<16xf32>
          %swap3A_584 = arith.index_cast %scan3A_552 : i32 to index
          %swap3A_585 = arith.constant 64 : index
          %swap3A_586 = tpu.vector_load %arg12[%swap3A_584, %swap3A_585] {strides = array<i32>} : memref<80x128xf32, #tpu.memory_space<vmem>>, vector<16xf32>,
          tpu.vector_store %arg12[%swap3A_584, %swap3A_585], %mul3A_583 {strides = array<i32>} : memref<80x128xf32, #tpu.memory_space<vmem>>, vector<16xf32>,
          %get3A_587 = arith.index_cast %scan3A_552 : i32 to index
          %get3A_588 = arith.constant 80 : index
          %get3A_589 = tpu.vector_load %arg12[%get3A_587, %get3A_588] {strides = array<i32>} : memref<80x128xf32, #tpu.memory_space<vmem>>, vector<16xf32>,
          %mul3A_590 = arith.mulf %get3A_589, %bitcast3A : vector<16xf32>
          %swap3A_591 = arith.index_cast %scan3A_552 : i32 to index
          %swap3A_592 = arith.constant 80 : index
          %swap3A_593 = tpu.vector_load %arg12[%swap3A_591, %swap3A_592] {strides = array<i32>} : memref<80x128xf32, #tpu.memory_space<vmem>>, vector<16xf32>,
          tpu.vector_store %arg12[%swap3A_591, %swap3A_592], %mul3A_590 {strides = array<i32>} : memref<80x128xf32, #tpu.memory_space<vmem>>, vector<16xf32>,
          %get3A_594 = arith.index_cast %scan3A_552 : i32 to index
          %get3A_595 = arith.constant 96 : index
          %get3A_596 = tpu.vector_load %arg12[%get3A_594, %get3A_595] {strides = array<i32>} : memref<80x128xf32, #tpu.memory_space<vmem>>, vector<16xf32>,
          %mul3A_597 = arith.mulf %get3A_596, %bitcast3A : vector<16xf32>
          %swap3A_598 = arith.index_cast %scan3A_552 : i32 to index
          %swap3A_599 = arith.constant 96 : index
          %swap3A_600 = tpu.vector_load %arg12[%swap3A_598, %swap3A_599] {strides = array<i32>} : memref<80x128xf32, #tpu.memory_space<vmem>>, vector<16xf32>,
          tpu.vector_store %arg12[%swap3A_598, %swap3A_599], %mul3A_597 {strides = array<i32>} : memref<80x128xf32, #tpu.memory_space<vmem>>, vector<16xf32>,
          %get3A_601 = arith.index_cast %scan3A_552 : i32 to index
          %get3A_602 = arith.constant 112 : index
          %get3A_603 = tpu.vector_load %arg12[%get3A_601, %get3A_602] {strides = array<i32>} : memref<80x128xf32, #tpu.memory_space<vmem>>, vector<16xf32>,
          %mul3A_604 = arith.mulf %get3A_603, %bitcast3A : vector<16xf32>
          %swap3A_605 = arith.index_cast %scan3A_552 : i32 to index
          %swap3A_606 = arith.constant 112 : index
          %swap3A_607 = tpu.vector_load %arg12[%swap3A_605, %swap3A_606] {strides = array<i32>} : memref<80x128xf32, #tpu.memory_space<vmem>>, vector<16xf32>,
          tpu.vector_store %arg12[%swap3A_605, %swap3A_606], %mul3A_604 {strides = array<i32>} : memref<80x128xf32, #tpu.memory_space<vmem>>, vector<16xf32>,
        }
        %scan3A_544 = arith.constant 80 : i32
        %dma_start3A_545 = arith.constant 1 : i32
        %dma_start3A_546 = arith.constant 0 : i32
        %dma_start3A_547 = tpu.memref_slice %arg8[%dma_start3A_545, %dma_start3A_546] : memref<3x80xi32, #tpu.memory_space<vmem>> -> memref<1x80xi32, #tpu.memory_space<vmem>>
        %dma_start3A_548 = tpu.memref_squeeze %dma_start3A_547 : memref<1x80xi32, #tpu.memory_space<vmem>> -> memref<80xi32, #tpu.memory_space<vmem>>
        %dma_start3A_549 = arith.constant 0 : i32
        %dma_start3A_550 = arith.constant 0 : i32
        %dma_start3A_551 = tpu.memref_slice %arg15[%dma_start3A_549, %dma_start3A_550] : memref<10000x128xf32, #tpu.memory_space<vmem_shared>> -> memref<10000x128xf32, #tpu.memory_space<vmem_shared>>
        tpu.enqueue_indirect_dma source(%arg12 : memref<80x128xf32, #tpu.memory_space<vmem>>) target(%dma_start3A_551 : memref<10000x128xf32, #tpu.memory_space<vmem_shared>>) offsets(%dma_start3A_548 : memref<80xi32, #tpu.memory_space<vmem>>) semaphore(%arg27 : memref<!tpu.dma_semaphore, #tpu.memory_space<semaphore_mem>>) {add = true}
      } else {
      }
      %mul3A_470 = arith.constant 12 : i32
      %mul3A_471 = arith.muli %scan3A_162, %mul3A_470 : i32
      %add3A_472 = arith.constant 10 : i32
      %add3A_473 = arith.addi %mul3A_471, %add3A_472 : i32
      %ge3A_474 = arith.constant 1 : i32
      %ge3A_475 = arith.cmpi sge, %add3A_473, %ge3A_474 : i32
      %le3A_476 = arith.constant 125 : i32
      %le3A_477 = arith.cmpi sle, %add3A_473, %le3A_476 : i32
      %and3A_478 = arith.andi %ge3A_475, %le3A_477 : i1
      %convert_element_type3A_479 = arith.extui %and3A_478 : i1 to i32
      %cond3A_480 = arith.constant 0 : i32
      %cond3A_481 = arith.cmpi ne, %convert_element_type3A_479, %cond3A_480 : i32
      scf.if %cond3A_481 {
        %dma_wait3A_532 = arith.constant 1 : i32
        %dma_wait3A_533 = arith.constant 0 : i32
        %dma_wait3A_534 = tpu.memref_slice %arg8[%dma_wait3A_532, %dma_wait3A_533] : memref<3x80xi32, #tpu.memory_space<vmem>> -> memref<1x80xi32, #tpu.memory_space<vmem>>
        %dma_wait3A_535 = tpu.memref_squeeze %dma_wait3A_534 : memref<1x80xi32, #tpu.memory_space<vmem>> -> memref<80xi32, #tpu.memory_space<vmem>>
        %dma_wait3A_536 = arith.constant 0 : i32
        %dma_wait3A_537 = arith.constant 0 : i32
        %dma_wait3A_538 = tpu.memref_slice %arg15[%dma_wait3A_536, %dma_wait3A_537] : memref<10000x128xf32, #tpu.memory_space<vmem_shared>> -> memref<10000x128xf32, #tpu.memory_space<vmem_shared>>
        tpu.wait_indirect_dma semaphore(%arg27 : memref<!tpu.dma_semaphore, #tpu.memory_space<semaphore_mem>>) src(%arg12 : memref<80x128xf32, #tpu.memory_space<vmem>>) dst(%dma_wait3A_538 : memref<10000x128xf32, #tpu.memory_space<vmem_shared>>)
      } else {
      }
      %add3A_482 = arith.constant 3 : i32
      %add3A_483 = arith.addi %add3A_473, %add3A_482 : i32
      %lt3A_484 = arith.constant 125 : i32
      %lt3A_485 = arith.cmpi slt, %add3A_483, %lt3A_484 : i32
      %convert_element_type3A_486 = arith.extui %lt3A_485 : i1 to i32
      %cond3A_487 = arith.constant 0 : i32
      %cond3A_488 = arith.cmpi ne, %convert_element_type3A_486, %cond3A_487 : i32
      scf.if %cond3A_488 {
        %add3A_532 = arith.constant 3 : i32
        %add3A_533 = arith.addi %add3A_473, %add3A_532 : i32
        %mul3A_534 = arith.constant 32 : i32
        %mul3A_535 = arith.muli %add3A_533, %mul3A_534 : i32
        %add3A_536 = arith.addi %add3A, %mul3A_535 : i32
        %dma_wait3A_537 = arith.constant 0 : i32
        %dma_wait3A_538 = arith.constant 0 : i32
        %dma_wait3A_539 = tpu.memref_slice %arg2[%add3A_536, %dma_wait3A_537, %dma_wait3A_538] : memref<4000x3x80xi32, #tpu.memory_space<hbm>> -> memref<1x3x80xi32, #tpu.memory_space<hbm>>
        %dma_wait3A_540 = tpu.memref_squeeze %dma_wait3A_539 : memref<1x3x80xi32, #tpu.memory_space<hbm>> -> memref<3x80xi32, #tpu.memory_space<hbm>>
        %dma_wait3A_541 = arith.constant 0 : i32
        %dma_wait3A_542 = arith.constant 0 : i32
        %dma_wait3A_543 = tpu.memref_slice %arg2[%add3A_536, %dma_wait3A_541, %dma_wait3A_542] : memref<4000x3x80xi32, #tpu.memory_space<hbm>> -> memref<1x3x80xi32, #tpu.memory_space<hbm>>
        %dma_wait3A_544 = tpu.memref_squeeze %dma_wait3A_543 : memref<1x3x80xi32, #tpu.memory_space<hbm>> -> memref<3x80xi32, #tpu.memory_space<hbm>>
        tpu.wait_dma2 semaphore(%arg17 : memref<!tpu.dma_semaphore, #tpu.memory_space<semaphore_mem>>) src(%dma_wait3A_544 : memref<3x80xi32, #tpu.memory_space<hbm>>) dst(%arg6 : memref<3x80xi32, #tpu.memory_space<vmem>>)
        %dma_start3A_545 = arith.constant 0 : i32
        %dma_start3A_546 = arith.constant 0 : i32
        %dma_start3A_547 = tpu.memref_slice %arg6[%dma_start3A_545, %dma_start3A_546] : memref<3x80xi32, #tpu.memory_space<vmem>> -> memref<1x80xi32, #tpu.memory_space<vmem>>
        %dma_start3A_548 = tpu.memref_squeeze %dma_start3A_547 : memref<1x80xi32, #tpu.memory_space<vmem>> -> memref<80xi32, #tpu.memory_space<vmem>>
        %dma_start3A_549 = arith.constant 0 : i32
        %dma_start3A_550 = arith.constant 0 : i32
        %dma_start3A_551 = tpu.memref_slice %arg3[%dma_start3A_549, %dma_start3A_550] : memref<10000x128xf32, #tpu.memory_space<hbm>> -> memref<10000x128xf32, #tpu.memory_space<hbm>>
        tpu.enqueue_indirect_dma source(%dma_start3A_551 : memref<10000x128xf32, #tpu.memory_space<hbm>>) target(%arg12 : memref<80x128xf32, #tpu.memory_space<vmem>>) offsets(%dma_start3A_548 : memref<80xi32, #tpu.memory_space<vmem>>) semaphore(%arg23 : memref<!tpu.dma_semaphore, #tpu.memory_space<semaphore_mem>>)
      } else {
      }
      %add3A_489 = arith.constant 5 : i32
      %add3A_490 = arith.addi %add3A_473, %add3A_489 : i32
      %lt3A_491 = arith.constant 125 : i32
      %lt3A_492 = arith.cmpi slt, %add3A_490, %lt3A_491 : i32
      %convert_element_type3A_493 = arith.extui %lt3A_492 : i1 to i32
      %cond3A_494 = arith.constant 0 : i32
      %cond3A_495 = arith.cmpi ne, %convert_element_type3A_493, %cond3A_494 : i32
      scf.if %cond3A_495 {
        %add3A_532 = arith.constant 5 : i32
        %add3A_533 = arith.addi %add3A_473, %add3A_532 : i32
        %mul3A_534 = arith.constant 32 : i32
        %mul3A_535 = arith.muli %add3A_533, %mul3A_534 : i32
        %add3A_536 = arith.addi %add3A, %mul3A_535 : i32
        %dma_start3A_537 = arith.constant 0 : i32
        %dma_start3A_538 = arith.constant 0 : i32
        %dma_start3A_539 = tpu.memref_slice %arg2[%add3A_536, %dma_start3A_537, %dma_start3A_538] : memref<4000x3x80xi32, #tpu.memory_space<hbm>> -> memref<1x3x80xi32, #tpu.memory_space<hbm>>
        %dma_start3A_540 = tpu.memref_squeeze %dma_start3A_539 : memref<1x3x80xi32, #tpu.memory_space<hbm>> -> memref<3x80xi32, #tpu.memory_space<hbm>>
        %dma_start3A_541 = arith.constant 0 : i32
        %dma_start3A_542 = arith.constant 0 : i32
        %dma_start3A_543 = tpu.memref_slice %arg2[%add3A_536, %dma_start3A_541, %dma_start3A_542] : memref<4000x3x80xi32, #tpu.memory_space<hbm>> -> memref<1x3x80xi32, #tpu.memory_space<hbm>>
        %dma_start3A_544 = tpu.memref_squeeze %dma_start3A_543 : memref<1x3x80xi32, #tpu.memory_space<hbm>> -> memref<3x80xi32, #tpu.memory_space<hbm>>
        tpu.enqueue_dma source(%dma_start3A_544 : memref<3x80xi32, #tpu.memory_space<hbm>>) target(%arg8 : memref<3x80xi32, #tpu.memory_space<vmem>>) target_semaphore(%arg19 : memref<!tpu.dma_semaphore, #tpu.memory_space<semaphore_mem>>)
      } else {
      }
      %lt3A_496 = arith.constant 125 : i32
      %lt3A_497 = arith.cmpi slt, %add3A_473, %lt3A_496 : i32
      %convert_element_type3A_498 = arith.extui %lt3A_497 : i1 to i32
      %cond3A_499 = arith.constant 0 : i32
      %cond3A_500 = arith.cmpi ne, %convert_element_type3A_498, %cond3A_499 : i32
      scf.if %cond3A_500 {
        %dma_wait3A_532 = arith.constant 0 : i32
        %dma_wait3A_533 = arith.constant 0 : i32
        %dma_wait3A_534 = tpu.memref_slice %arg9[%dma_wait3A_532, %dma_wait3A_533] : memref<3x80xi32, #tpu.memory_space<vmem>> -> memref<1x80xi32, #tpu.memory_space<vmem>>
        %dma_wait3A_535 = tpu.memref_squeeze %dma_wait3A_534 : memref<1x80xi32, #tpu.memory_space<vmem>> -> memref<80xi32, #tpu.memory_space<vmem>>
        %dma_wait3A_536 = arith.constant 0 : i32
        %dma_wait3A_537 = arith.constant 0 : i32
        %dma_wait3A_538 = tpu.memref_slice %arg3[%dma_wait3A_536, %dma_wait3A_537] : memref<10000x128xf32, #tpu.memory_space<hbm>> -> memref<10000x128xf32, #tpu.memory_space<hbm>>
        tpu.wait_indirect_dma semaphore(%arg24 : memref<!tpu.dma_semaphore, #tpu.memory_space<semaphore_mem>>) src(%dma_wait3A_538 : memref<10000x128xf32, #tpu.memory_space<hbm>>) dst(%arg13 : memref<80x128xf32, #tpu.memory_space<vmem>>)
        %scan3A_539 = arith.constant 0 : i32
        %scan3A_540 = arith.constant 0 : i32
        %scan3A_541 = arith.constant 80 : i32
        %scan3A_542 = arith.addi %scan3A_540, %scan3A_541 : i32
        %scan3A_543 = arith.constant 1 : i32
        scf.for %scan3A_552 = %scan3A_540 to %scan3A_542 step %scan3A_543  : i32 {
          %broadcast_in_dim3A_553 = vector.broadcast %scan3A_552 : i32 to vector<16xi32>
          %gather3A = tpu.vector_load_idx %arg9[%broadcast_in_dim3A_1, %broadcast_in_dim3A_553] : memref<3x80xi32, #tpu.memory_space<vmem>>[vector<16xi32>, vector<16xi32>], vector<16xi32>,
          %bitcast3A = vector.bitcast %gather3A : vector<16xi32> to vector<16xf32>
          %get3A = arith.index_cast %scan3A_552 : i32 to index
          %get3A_554 = arith.constant 0 : index
          %get3A_555 = tpu.vector_load %arg13[%get3A, %get3A_554] {strides = array<i32>} : memref<80x128xf32, #tpu.memory_space<vmem>>, vector<16xf32>,
          %mul3A_556 = arith.mulf %get3A_555, %bitcast3A : vector<16xf32>
          %swap3A = arith.index_cast %scan3A_552 : i32 to index
          %swap3A_557 = arith.constant 0 : index
          %swap3A_558 = tpu.vector_load %arg13[%swap3A, %swap3A_557] {strides = array<i32>} : memref<80x128xf32, #tpu.memory_space<vmem>>, vector<16xf32>,
          tpu.vector_store %arg13[%swap3A, %swap3A_557], %mul3A_556 {strides = array<i32>} : memref<80x128xf32, #tpu.memory_space<vmem>>, vector<16xf32>,
          %get3A_559 = arith.index_cast %scan3A_552 : i32 to index
          %get3A_560 = arith.constant 16 : index
          %get3A_561 = tpu.vector_load %arg13[%get3A_559, %get3A_560] {strides = array<i32>} : memref<80x128xf32, #tpu.memory_space<vmem>>, vector<16xf32>,
          %mul3A_562 = arith.mulf %get3A_561, %bitcast3A : vector<16xf32>
          %swap3A_563 = arith.index_cast %scan3A_552 : i32 to index
          %swap3A_564 = arith.constant 16 : index
          %swap3A_565 = tpu.vector_load %arg13[%swap3A_563, %swap3A_564] {strides = array<i32>} : memref<80x128xf32, #tpu.memory_space<vmem>>, vector<16xf32>,
          tpu.vector_store %arg13[%swap3A_563, %swap3A_564], %mul3A_562 {strides = array<i32>} : memref<80x128xf32, #tpu.memory_space<vmem>>, vector<16xf32>,
          %get3A_566 = arith.index_cast %scan3A_552 : i32 to index
          %get3A_567 = arith.constant 32 : index
          %get3A_568 = tpu.vector_load %arg13[%get3A_566, %get3A_567] {strides = array<i32>} : memref<80x128xf32, #tpu.memory_space<vmem>>, vector<16xf32>,
          %mul3A_569 = arith.mulf %get3A_568, %bitcast3A : vector<16xf32>
          %swap3A_570 = arith.index_cast %scan3A_552 : i32 to index
          %swap3A_571 = arith.constant 32 : index
          %swap3A_572 = tpu.vector_load %arg13[%swap3A_570, %swap3A_571] {strides = array<i32>} : memref<80x128xf32, #tpu.memory_space<vmem>>, vector<16xf32>,
          tpu.vector_store %arg13[%swap3A_570, %swap3A_571], %mul3A_569 {strides = array<i32>} : memref<80x128xf32, #tpu.memory_space<vmem>>, vector<16xf32>,
          %get3A_573 = arith.index_cast %scan3A_552 : i32 to index
          %get3A_574 = arith.constant 48 : index
          %get3A_575 = tpu.vector_load %arg13[%get3A_573, %get3A_574] {strides = array<i32>} : memref<80x128xf32, #tpu.memory_space<vmem>>, vector<16xf32>,
          %mul3A_576 = arith.mulf %get3A_575, %bitcast3A : vector<16xf32>
          %swap3A_577 = arith.index_cast %scan3A_552 : i32 to index
          %swap3A_578 = arith.constant 48 : index
          %swap3A_579 = tpu.vector_load %arg13[%swap3A_577, %swap3A_578] {strides = array<i32>} : memref<80x128xf32, #tpu.memory_space<vmem>>, vector<16xf32>,
          tpu.vector_store %arg13[%swap3A_577, %swap3A_578], %mul3A_576 {strides = array<i32>} : memref<80x128xf32, #tpu.memory_space<vmem>>, vector<16xf32>,
          %get3A_580 = arith.index_cast %scan3A_552 : i32 to index
          %get3A_581 = arith.constant 64 : index
          %get3A_582 = tpu.vector_load %arg13[%get3A_580, %get3A_581] {strides = array<i32>} : memref<80x128xf32, #tpu.memory_space<vmem>>, vector<16xf32>,
          %mul3A_583 = arith.mulf %get3A_582, %bitcast3A : vector<16xf32>
          %swap3A_584 = arith.index_cast %scan3A_552 : i32 to index
          %swap3A_585 = arith.constant 64 : index
          %swap3A_586 = tpu.vector_load %arg13[%swap3A_584, %swap3A_585] {strides = array<i32>} : memref<80x128xf32, #tpu.memory_space<vmem>>, vector<16xf32>,
          tpu.vector_store %arg13[%swap3A_584, %swap3A_585], %mul3A_583 {strides = array<i32>} : memref<80x128xf32, #tpu.memory_space<vmem>>, vector<16xf32>,
          %get3A_587 = arith.index_cast %scan3A_552 : i32 to index
          %get3A_588 = arith.constant 80 : index
          %get3A_589 = tpu.vector_load %arg13[%get3A_587, %get3A_588] {strides = array<i32>} : memref<80x128xf32, #tpu.memory_space<vmem>>, vector<16xf32>,
          %mul3A_590 = arith.mulf %get3A_589, %bitcast3A : vector<16xf32>
          %swap3A_591 = arith.index_cast %scan3A_552 : i32 to index
          %swap3A_592 = arith.constant 80 : index
          %swap3A_593 = tpu.vector_load %arg13[%swap3A_591, %swap3A_592] {strides = array<i32>} : memref<80x128xf32, #tpu.memory_space<vmem>>, vector<16xf32>,
          tpu.vector_store %arg13[%swap3A_591, %swap3A_592], %mul3A_590 {strides = array<i32>} : memref<80x128xf32, #tpu.memory_space<vmem>>, vector<16xf32>,
          %get3A_594 = arith.index_cast %scan3A_552 : i32 to index
          %get3A_595 = arith.constant 96 : index
          %get3A_596 = tpu.vector_load %arg13[%get3A_594, %get3A_595] {strides = array<i32>} : memref<80x128xf32, #tpu.memory_space<vmem>>, vector<16xf32>,
          %mul3A_597 = arith.mulf %get3A_596, %bitcast3A : vector<16xf32>
          %swap3A_598 = arith.index_cast %scan3A_552 : i32 to index
          %swap3A_599 = arith.constant 96 : index
          %swap3A_600 = tpu.vector_load %arg13[%swap3A_598, %swap3A_599] {strides = array<i32>} : memref<80x128xf32, #tpu.memory_space<vmem>>, vector<16xf32>,
          tpu.vector_store %arg13[%swap3A_598, %swap3A_599], %mul3A_597 {strides = array<i32>} : memref<80x128xf32, #tpu.memory_space<vmem>>, vector<16xf32>,
          %get3A_601 = arith.index_cast %scan3A_552 : i32 to index
          %get3A_602 = arith.constant 112 : index
          %get3A_603 = tpu.vector_load %arg13[%get3A_601, %get3A_602] {strides = array<i32>} : memref<80x128xf32, #tpu.memory_space<vmem>>, vector<16xf32>,
          %mul3A_604 = arith.mulf %get3A_603, %bitcast3A : vector<16xf32>
          %swap3A_605 = arith.index_cast %scan3A_552 : i32 to index
          %swap3A_606 = arith.constant 112 : index
          %swap3A_607 = tpu.vector_load %arg13[%swap3A_605, %swap3A_606] {strides = array<i32>} : memref<80x128xf32, #tpu.memory_space<vmem>>, vector<16xf32>,
          tpu.vector_store %arg13[%swap3A_605, %swap3A_606], %mul3A_604 {strides = array<i32>} : memref<80x128xf32, #tpu.memory_space<vmem>>, vector<16xf32>,
        }
        %scan3A_544 = arith.constant 80 : i32
        %dma_start3A_545 = arith.constant 1 : i32
        %dma_start3A_546 = arith.constant 0 : i32
        %dma_start3A_547 = tpu.memref_slice %arg9[%dma_start3A_545, %dma_start3A_546] : memref<3x80xi32, #tpu.memory_space<vmem>> -> memref<1x80xi32, #tpu.memory_space<vmem>>
        %dma_start3A_548 = tpu.memref_squeeze %dma_start3A_547 : memref<1x80xi32, #tpu.memory_space<vmem>> -> memref<80xi32, #tpu.memory_space<vmem>>
        %dma_start3A_549 = arith.constant 0 : i32
        %dma_start3A_550 = arith.constant 0 : i32
        %dma_start3A_551 = tpu.memref_slice %arg15[%dma_start3A_549, %dma_start3A_550] : memref<10000x128xf32, #tpu.memory_space<vmem_shared>> -> memref<10000x128xf32, #tpu.memory_space<vmem_shared>>
        tpu.enqueue_indirect_dma source(%arg13 : memref<80x128xf32, #tpu.memory_space<vmem>>) target(%dma_start3A_551 : memref<10000x128xf32, #tpu.memory_space<vmem_shared>>) offsets(%dma_start3A_548 : memref<80xi32, #tpu.memory_space<vmem>>) semaphore(%arg28 : memref<!tpu.dma_semaphore, #tpu.memory_space<semaphore_mem>>) {add = true}
      } else {
      }
      %mul3A_501 = arith.constant 12 : i32
      %mul3A_502 = arith.muli %scan3A_162, %mul3A_501 : i32
      %add3A_503 = arith.constant 11 : i32
      %add3A_504 = arith.addi %mul3A_502, %add3A_503 : i32
      %ge3A_505 = arith.constant 1 : i32
      %ge3A_506 = arith.cmpi sge, %add3A_504, %ge3A_505 : i32
      %le3A_507 = arith.constant 125 : i32
      %le3A_508 = arith.cmpi sle, %add3A_504, %le3A_507 : i32
      %and3A_509 = arith.andi %ge3A_506, %le3A_508 : i1
      %convert_element_type3A_510 = arith.extui %and3A_509 : i1 to i32
      %cond3A_511 = arith.constant 0 : i32
      %cond3A_512 = arith.cmpi ne, %convert_element_type3A_510, %cond3A_511 : i32
      scf.if %cond3A_512 {
        %dma_wait3A_532 = arith.constant 1 : i32
        %dma_wait3A_533 = arith.constant 0 : i32
        %dma_wait3A_534 = tpu.memref_slice %arg9[%dma_wait3A_532, %dma_wait3A_533] : memref<3x80xi32, #tpu.memory_space<vmem>> -> memref<1x80xi32, #tpu.memory_space<vmem>>
        %dma_wait3A_535 = tpu.memref_squeeze %dma_wait3A_534 : memref<1x80xi32, #tpu.memory_space<vmem>> -> memref<80xi32, #tpu.memory_space<vmem>>
        %dma_wait3A_536 = arith.constant 0 : i32
        %dma_wait3A_537 = arith.constant 0 : i32
        %dma_wait3A_538 = tpu.memref_slice %arg15[%dma_wait3A_536, %dma_wait3A_537] : memref<10000x128xf32, #tpu.memory_space<vmem_shared>> -> memref<10000x128xf32, #tpu.memory_space<vmem_shared>>
        tpu.wait_indirect_dma semaphore(%arg28 : memref<!tpu.dma_semaphore, #tpu.memory_space<semaphore_mem>>) src(%arg13 : memref<80x128xf32, #tpu.memory_space<vmem>>) dst(%dma_wait3A_538 : memref<10000x128xf32, #tpu.memory_space<vmem_shared>>)
      } else {
      }
      %add3A_513 = arith.constant 3 : i32
      %add3A_514 = arith.addi %add3A_504, %add3A_513 : i32
      %lt3A_515 = arith.constant 125 : i32
      %lt3A_516 = arith.cmpi slt, %add3A_514, %lt3A_515 : i32
      %convert_element_type3A_517 = arith.extui %lt3A_516 : i1 to i32
      %cond3A_518 = arith.constant 0 : i32
      %cond3A_519 = arith.cmpi ne, %convert_element_type3A_517, %cond3A_518 : i32
      scf.if %cond3A_519 {
        %add3A_532 = arith.constant 3 : i32
        %add3A_533 = arith.addi %add3A_504, %add3A_532 : i32
        %mul3A_534 = arith.constant 32 : i32
        %mul3A_535 = arith.muli %add3A_533, %mul3A_534 : i32
        %add3A_536 = arith.addi %add3A, %mul3A_535 : i32
        %dma_wait3A_537 = arith.constant 0 : i32
        %dma_wait3A_538 = arith.constant 0 : i32
        %dma_wait3A_539 = tpu.memref_slice %arg2[%add3A_536, %dma_wait3A_537, %dma_wait3A_538] : memref<4000x3x80xi32, #tpu.memory_space<hbm>> -> memref<1x3x80xi32, #tpu.memory_space<hbm>>
        %dma_wait3A_540 = tpu.memref_squeeze %dma_wait3A_539 : memref<1x3x80xi32, #tpu.memory_space<hbm>> -> memref<3x80xi32, #tpu.memory_space<hbm>>
        %dma_wait3A_541 = arith.constant 0 : i32
        %dma_wait3A_542 = arith.constant 0 : i32
        %dma_wait3A_543 = tpu.memref_slice %arg2[%add3A_536, %dma_wait3A_541, %dma_wait3A_542] : memref<4000x3x80xi32, #tpu.memory_space<hbm>> -> memref<1x3x80xi32, #tpu.memory_space<hbm>>
        %dma_wait3A_544 = tpu.memref_squeeze %dma_wait3A_543 : memref<1x3x80xi32, #tpu.memory_space<hbm>> -> memref<3x80xi32, #tpu.memory_space<hbm>>
        tpu.wait_dma2 semaphore(%arg18 : memref<!tpu.dma_semaphore, #tpu.memory_space<semaphore_mem>>) src(%dma_wait3A_544 : memref<3x80xi32, #tpu.memory_space<hbm>>) dst(%arg7 : memref<3x80xi32, #tpu.memory_space<vmem>>)
        %dma_start3A_545 = arith.constant 0 : i32
        %dma_start3A_546 = arith.constant 0 : i32
        %dma_start3A_547 = tpu.memref_slice %arg7[%dma_start3A_545, %dma_start3A_546] : memref<3x80xi32, #tpu.memory_space<vmem>> -> memref<1x80xi32, #tpu.memory_space<vmem>>
        %dma_start3A_548 = tpu.memref_squeeze %dma_start3A_547 : memref<1x80xi32, #tpu.memory_space<vmem>> -> memref<80xi32, #tpu.memory_space<vmem>>
        %dma_start3A_549 = arith.constant 0 : i32
        %dma_start3A_550 = arith.constant 0 : i32
        %dma_start3A_551 = tpu.memref_slice %arg3[%dma_start3A_549, %dma_start3A_550] : memref<10000x128xf32, #tpu.memory_space<hbm>> -> memref<10000x128xf32, #tpu.memory_space<hbm>>
        tpu.enqueue_indirect_dma source(%dma_start3A_551 : memref<10000x128xf32, #tpu.memory_space<hbm>>) target(%arg13 : memref<80x128xf32, #tpu.memory_space<vmem>>) offsets(%dma_start3A_548 : memref<80xi32, #tpu.memory_space<vmem>>) semaphore(%arg24 : memref<!tpu.dma_semaphore, #tpu.memory_space<semaphore_mem>>)
      } else {
      }
      %add3A_520 = arith.constant 5 : i32
      %add3A_521 = arith.addi %add3A_504, %add3A_520 : i32
      %lt3A_522 = arith.constant 125 : i32
      %lt3A_523 = arith.cmpi slt, %add3A_521, %lt3A_522 : i32
      %convert_element_type3A_524 = arith.extui %lt3A_523 : i1 to i32
      %cond3A_525 = arith.constant 0 : i32
      %cond3A_526 = arith.cmpi ne, %convert_element_type3A_524, %cond3A_525 : i32
      scf.if %cond3A_526 {
        %add3A_532 = arith.constant 5 : i32
        %add3A_533 = arith.addi %add3A_504, %add3A_532 : i32
        %mul3A_534 = arith.constant 32 : i32
        %mul3A_535 = arith.muli %add3A_533, %mul3A_534 : i32
        %add3A_536 = arith.addi %add3A, %mul3A_535 : i32
        %dma_start3A_537 = arith.constant 0 : i32
        %dma_start3A_538 = arith.constant 0 : i32
        %dma_start3A_539 = tpu.memref_slice %arg2[%add3A_536, %dma_start3A_537, %dma_start3A_538] : memref<4000x3x80xi32, #tpu.memory_space<hbm>> -> memref<1x3x80xi32, #tpu.memory_space<hbm>>
        %dma_start3A_540 = tpu.memref_squeeze %dma_start3A_539 : memref<1x3x80xi32, #tpu.memory_space<hbm>> -> memref<3x80xi32, #tpu.memory_space<hbm>>
        %dma_start3A_541 = arith.constant 0 : i32
        %dma_start3A_542 = arith.constant 0 : i32
        %dma_start3A_543 = tpu.memref_slice %arg2[%add3A_536, %dma_start3A_541, %dma_start3A_542] : memref<4000x3x80xi32, #tpu.memory_space<hbm>> -> memref<1x3x80xi32, #tpu.memory_space<hbm>>
        %dma_start3A_544 = tpu.memref_squeeze %dma_start3A_543 : memref<1x3x80xi32, #tpu.memory_space<hbm>> -> memref<3x80xi32, #tpu.memory_space<hbm>>
        tpu.enqueue_dma source(%dma_start3A_544 : memref<3x80xi32, #tpu.memory_space<hbm>>) target(%arg9 : memref<3x80xi32, #tpu.memory_space<vmem>>) target_semaphore(%arg20 : memref<!tpu.dma_semaphore, #tpu.memory_space<semaphore_mem>>)
      } else {
      }
      %lt3A_527 = arith.constant 125 : i32
      %lt3A_528 = arith.cmpi slt, %add3A_504, %lt3A_527 : i32
      %convert_element_type3A_529 = arith.extui %lt3A_528 : i1 to i32
      %cond3A_530 = arith.constant 0 : i32
      %cond3A_531 = arith.cmpi ne, %convert_element_type3A_529, %cond3A_530 : i32
      scf.if %cond3A_531 {
        %dma_wait3A_532 = arith.constant 0 : i32
        %dma_wait3A_533 = arith.constant 0 : i32
        %dma_wait3A_534 = tpu.memref_slice %arg10[%dma_wait3A_532, %dma_wait3A_533] : memref<3x80xi32, #tpu.memory_space<vmem>> -> memref<1x80xi32, #tpu.memory_space<vmem>>
        %dma_wait3A_535 = tpu.memref_squeeze %dma_wait3A_534 : memref<1x80xi32, #tpu.memory_space<vmem>> -> memref<80xi32, #tpu.memory_space<vmem>>
        %dma_wait3A_536 = arith.constant 0 : i32
        %dma_wait3A_537 = arith.constant 0 : i32
        %dma_wait3A_538 = tpu.memref_slice %arg3[%dma_wait3A_536, %dma_wait3A_537] : memref<10000x128xf32, #tpu.memory_space<hbm>> -> memref<10000x128xf32, #tpu.memory_space<hbm>>
        tpu.wait_indirect_dma semaphore(%arg25 : memref<!tpu.dma_semaphore, #tpu.memory_space<semaphore_mem>>) src(%dma_wait3A_538 : memref<10000x128xf32, #tpu.memory_space<hbm>>) dst(%arg14 : memref<80x128xf32, #tpu.memory_space<vmem>>)
        %scan3A_539 = arith.constant 0 : i32
        %scan3A_540 = arith.constant 0 : i32
        %scan3A_541 = arith.constant 80 : i32
        %scan3A_542 = arith.addi %scan3A_540, %scan3A_541 : i32
        %scan3A_543 = arith.constant 1 : i32
        scf.for %scan3A_552 = %scan3A_540 to %scan3A_542 step %scan3A_543  : i32 {
          %broadcast_in_dim3A_553 = vector.broadcast %scan3A_552 : i32 to vector<16xi32>
          %gather3A = tpu.vector_load_idx %arg10[%broadcast_in_dim3A_1, %broadcast_in_dim3A_553] : memref<3x80xi32, #tpu.memory_space<vmem>>[vector<16xi32>, vector<16xi32>], vector<16xi32>,
          %bitcast3A = vector.bitcast %gather3A : vector<16xi32> to vector<16xf32>
          %get3A = arith.index_cast %scan3A_552 : i32 to index
          %get3A_554 = arith.constant 0 : index
          %get3A_555 = tpu.vector_load %arg14[%get3A, %get3A_554] {strides = array<i32>} : memref<80x128xf32, #tpu.memory_space<vmem>>, vector<16xf32>,
          %mul3A_556 = arith.mulf %get3A_555, %bitcast3A : vector<16xf32>
          %swap3A = arith.index_cast %scan3A_552 : i32 to index
          %swap3A_557 = arith.constant 0 : index
          %swap3A_558 = tpu.vector_load %arg14[%swap3A, %swap3A_557] {strides = array<i32>} : memref<80x128xf32, #tpu.memory_space<vmem>>, vector<16xf32>,
          tpu.vector_store %arg14[%swap3A, %swap3A_557], %mul3A_556 {strides = array<i32>} : memref<80x128xf32, #tpu.memory_space<vmem>>, vector<16xf32>,
          %get3A_559 = arith.index_cast %scan3A_552 : i32 to index
          %get3A_560 = arith.constant 16 : index
          %get3A_561 = tpu.vector_load %arg14[%get3A_559, %get3A_560] {strides = array<i32>} : memref<80x128xf32, #tpu.memory_space<vmem>>, vector<16xf32>,
          %mul3A_562 = arith.mulf %get3A_561, %bitcast3A : vector<16xf32>
          %swap3A_563 = arith.index_cast %scan3A_552 : i32 to index
          %swap3A_564 = arith.constant 16 : index
          %swap3A_565 = tpu.vector_load %arg14[%swap3A_563, %swap3A_564] {strides = array<i32>} : memref<80x128xf32, #tpu.memory_space<vmem>>, vector<16xf32>,
          tpu.vector_store %arg14[%swap3A_563, %swap3A_564], %mul3A_562 {strides = array<i32>} : memref<80x128xf32, #tpu.memory_space<vmem>>, vector<16xf32>,
          %get3A_566 = arith.index_cast %scan3A_552 : i32 to index
          %get3A_567 = arith.constant 32 : index
          %get3A_568 = tpu.vector_load %arg14[%get3A_566, %get3A_567] {strides = array<i32>} : memref<80x128xf32, #tpu.memory_space<vmem>>, vector<16xf32>,
          %mul3A_569 = arith.mulf %get3A_568, %bitcast3A : vector<16xf32>
          %swap3A_570 = arith.index_cast %scan3A_552 : i32 to index
          %swap3A_571 = arith.constant 32 : index
          %swap3A_572 = tpu.vector_load %arg14[%swap3A_570, %swap3A_571] {strides = array<i32>} : memref<80x128xf32, #tpu.memory_space<vmem>>, vector<16xf32>,
          tpu.vector_store %arg14[%swap3A_570, %swap3A_571], %mul3A_569 {strides = array<i32>} : memref<80x128xf32, #tpu.memory_space<vmem>>, vector<16xf32>,
          %get3A_573 = arith.index_cast %scan3A_552 : i32 to index
          %get3A_574 = arith.constant 48 : index
          %get3A_575 = tpu.vector_load %arg14[%get3A_573, %get3A_574] {strides = array<i32>} : memref<80x128xf32, #tpu.memory_space<vmem>>, vector<16xf32>,
          %mul3A_576 = arith.mulf %get3A_575, %bitcast3A : vector<16xf32>
          %swap3A_577 = arith.index_cast %scan3A_552 : i32 to index
          %swap3A_578 = arith.constant 48 : index
          %swap3A_579 = tpu.vector_load %arg14[%swap3A_577, %swap3A_578] {strides = array<i32>} : memref<80x128xf32, #tpu.memory_space<vmem>>, vector<16xf32>,
          tpu.vector_store %arg14[%swap3A_577, %swap3A_578], %mul3A_576 {strides = array<i32>} : memref<80x128xf32, #tpu.memory_space<vmem>>, vector<16xf32>,
          %get3A_580 = arith.index_cast %scan3A_552 : i32 to index
          %get3A_581 = arith.constant 64 : index
          %get3A_582 = tpu.vector_load %arg14[%get3A_580, %get3A_581] {strides = array<i32>} : memref<80x128xf32, #tpu.memory_space<vmem>>, vector<16xf32>,
          %mul3A_583 = arith.mulf %get3A_582, %bitcast3A : vector<16xf32>
          %swap3A_584 = arith.index_cast %scan3A_552 : i32 to index
          %swap3A_585 = arith.constant 64 : index
          %swap3A_586 = tpu.vector_load %arg14[%swap3A_584, %swap3A_585] {strides = array<i32>} : memref<80x128xf32, #tpu.memory_space<vmem>>, vector<16xf32>,
          tpu.vector_store %arg14[%swap3A_584, %swap3A_585], %mul3A_583 {strides = array<i32>} : memref<80x128xf32, #tpu.memory_space<vmem>>, vector<16xf32>,
          %get3A_587 = arith.index_cast %scan3A_552 : i32 to index
          %get3A_588 = arith.constant 80 : index
          %get3A_589 = tpu.vector_load %arg14[%get3A_587, %get3A_588] {strides = array<i32>} : memref<80x128xf32, #tpu.memory_space<vmem>>, vector<16xf32>,
          %mul3A_590 = arith.mulf %get3A_589, %bitcast3A : vector<16xf32>
          %swap3A_591 = arith.index_cast %scan3A_552 : i32 to index
          %swap3A_592 = arith.constant 80 : index
          %swap3A_593 = tpu.vector_load %arg14[%swap3A_591, %swap3A_592] {strides = array<i32>} : memref<80x128xf32, #tpu.memory_space<vmem>>, vector<16xf32>,
          tpu.vector_store %arg14[%swap3A_591, %swap3A_592], %mul3A_590 {strides = array<i32>} : memref<80x128xf32, #tpu.memory_space<vmem>>, vector<16xf32>,
          %get3A_594 = arith.index_cast %scan3A_552 : i32 to index
          %get3A_595 = arith.constant 96 : index
          %get3A_596 = tpu.vector_load %arg14[%get3A_594, %get3A_595] {strides = array<i32>} : memref<80x128xf32, #tpu.memory_space<vmem>>, vector<16xf32>,
          %mul3A_597 = arith.mulf %get3A_596, %bitcast3A : vector<16xf32>
          %swap3A_598 = arith.index_cast %scan3A_552 : i32 to index
          %swap3A_599 = arith.constant 96 : index
          %swap3A_600 = tpu.vector_load %arg14[%swap3A_598, %swap3A_599] {strides = array<i32>} : memref<80x128xf32, #tpu.memory_space<vmem>>, vector<16xf32>,
          tpu.vector_store %arg14[%swap3A_598, %swap3A_599], %mul3A_597 {strides = array<i32>} : memref<80x128xf32, #tpu.memory_space<vmem>>, vector<16xf32>,
          %get3A_601 = arith.index_cast %scan3A_552 : i32 to index
          %get3A_602 = arith.constant 112 : index
          %get3A_603 = tpu.vector_load %arg14[%get3A_601, %get3A_602] {strides = array<i32>} : memref<80x128xf32, #tpu.memory_space<vmem>>, vector<16xf32>,
          %mul3A_604 = arith.mulf %get3A_603, %bitcast3A : vector<16xf32>
          %swap3A_605 = arith.index_cast %scan3A_552 : i32 to index
          %swap3A_606 = arith.constant 112 : index
          %swap3A_607 = tpu.vector_load %arg14[%swap3A_605, %swap3A_606] {strides = array<i32>} : memref<80x128xf32, #tpu.memory_space<vmem>>, vector<16xf32>,
          tpu.vector_store %arg14[%swap3A_605, %swap3A_606], %mul3A_604 {strides = array<i32>} : memref<80x128xf32, #tpu.memory_space<vmem>>, vector<16xf32>,
        }
        %scan3A_544 = arith.constant 80 : i32
        %dma_start3A_545 = arith.constant 1 : i32
        %dma_start3A_546 = arith.constant 0 : i32
        %dma_start3A_547 = tpu.memref_slice %arg10[%dma_start3A_545, %dma_start3A_546] : memref<3x80xi32, #tpu.memory_space<vmem>> -> memref<1x80xi32, #tpu.memory_space<vmem>>
        %dma_start3A_548 = tpu.memref_squeeze %dma_start3A_547 : memref<1x80xi32, #tpu.memory_space<vmem>> -> memref<80xi32, #tpu.memory_space<vmem>>
        %dma_start3A_549 = arith.constant 0 : i32
        %dma_start3A_550 = arith.constant 0 : i32
        %dma_start3A_551 = tpu.memref_slice %arg15[%dma_start3A_549, %dma_start3A_550] : memref<10000x128xf32, #tpu.memory_space<vmem_shared>> -> memref<10000x128xf32, #tpu.memory_space<vmem_shared>>
        tpu.enqueue_indirect_dma source(%arg14 : memref<80x128xf32, #tpu.memory_space<vmem>>) target(%dma_start3A_551 : memref<10000x128xf32, #tpu.memory_space<vmem_shared>>) offsets(%dma_start3A_548 : memref<80xi32, #tpu.memory_space<vmem>>) semaphore(%arg29 : memref<!tpu.dma_semaphore, #tpu.memory_space<semaphore_mem>>) {add = true}
      } else {
      }
    }
    %scan3A_149 = arith.constant 11 : i32
    %barrier3A_150 = arith.constant 0 : index
    tpu.barrier barrier_id(%barrier3A_150)
    %mul3A_151 = arith.constant 624 : i32
    %mul3A_152 = arith.muli %arg1, %mul3A_151 : i32
    %mul3A_153 = arith.constant 624 : i32
    %mul3A_154 = arith.muli %arg1, %mul3A_153 : i32
    "tpu.region"() ({
      %run_scoped3A = tpu.sem_alloc : memref<!tpu.dma_semaphore, #tpu.memory_space<semaphore_mem>>
      %dma_start3A_162 = arith.constant 0 : i32
      %dma_start3A_163 = tpu.memref_slice %arg4[%arg0, %mul3A_154, %dma_start3A_162] : memref<2x10000x128xf32, #tpu.memory_space<hbm>> -> memref<1x624x128xf32, #tpu.memory_space<hbm>>
      %dma_start3A_164 = tpu.memref_squeeze %dma_start3A_163 : memref<1x624x128xf32, #tpu.memory_space<hbm>> -> memref<624x128xf32, #tpu.memory_space<hbm>>
      %dma_start3A_165 = arith.constant 0 : i32
      %dma_start3A_166 = tpu.memref_slice %arg15[%mul3A_152, %dma_start3A_165] : memref<10000x128xf32, #tpu.memory_space<vmem_shared>> -> memref<624x128xf32, #tpu.memory_space<vmem_shared>>
      tpu.enqueue_dma source(%dma_start3A_166 : memref<624x128xf32, #tpu.memory_space<vmem_shared>>) target(%dma_start3A_164 : memref<624x128xf32, #tpu.memory_space<hbm>>) target_semaphore(%run_scoped3A : memref<!tpu.dma_semaphore, #tpu.memory_space<semaphore_mem>>)
      %dma_wait3A_167 = arith.constant 0 : i32
      %dma_wait3A_168 = tpu.memref_slice %arg4[%arg0, %mul3A_154, %dma_wait3A_167] : memref<2x10000x128xf32, #tpu.memory_space<hbm>> -> memref<1x624x128xf32, #tpu.memory_space<hbm>>
      %dma_wait3A_169 = tpu.memref_squeeze %dma_wait3A_168 : memref<1x624x128xf32, #tpu.memory_space<hbm>> -> memref<624x128xf32, #tpu.memory_space<hbm>>
      %dma_wait3A_170 = arith.constant 0 : i32
      %dma_wait3A_171 = tpu.memref_slice %arg15[%mul3A_152, %dma_wait3A_170] : memref<10000x128xf32, #tpu.memory_space<vmem_shared>> -> memref<624x128xf32, #tpu.memory_space<vmem_shared>>
      tpu.wait_dma2 semaphore(%run_scoped3A : memref<!tpu.dma_semaphore, #tpu.memory_space<semaphore_mem>>) src(%dma_wait3A_171 : memref<624x128xf32, #tpu.memory_space<vmem_shared>>) dst(%dma_wait3A_169 : memref<624x128xf32, #tpu.memory_space<hbm>>)
      tpu.yield
    }) : () -> ()
    %mul3A_155 = arith.constant 8 : i32
    %mul3A_156 = arith.muli %arg1, %mul3A_155 : i32
    %lt3A_157 = arith.constant 16 : i32
    %lt3A_158 = arith.cmpi slt, %mul3A_156, %lt3A_157 : i32
    %convert_element_type3A_159 = arith.extui %lt3A_158 : i1 to i32
    %cond3A_160 = arith.constant 0 : i32
    %cond3A_161 = arith.cmpi ne, %convert_element_type3A_159, %cond3A_160 : i32
    scf.if %cond3A_161 {
      %mul3A_162 = arith.constant 8 : i32
      %mul3A_163 = arith.muli %arg1, %mul3A_162 : i32
      %add3A_164 = arith.constant 9984 : i32
      %add3A_165 = arith.addi %add3A_164, %mul3A_163 : i32
      %mul3A_166 = arith.constant 8 : i32
      %mul3A_167 = arith.muli %arg1, %mul3A_166 : i32
      %add3A_168 = arith.constant 9984 : i32
      %add3A_169 = arith.addi %add3A_168, %mul3A_167 : i32
      "tpu.region"() ({
        %run_scoped3A = tpu.sem_alloc : memref<!tpu.dma_semaphore, #tpu.memory_space<semaphore_mem>>
        %dma_start3A_170 = arith.constant 0 : i32
        %dma_start3A_171 = tpu.memref_slice %arg4[%arg0, %add3A_169, %dma_start3A_170] : memref<2x10000x128xf32, #tpu.memory_space<hbm>> -> memref<1x8x128xf32, #tpu.memory_space<hbm>>
        %dma_start3A_172 = tpu.memref_squeeze %dma_start3A_171 : memref<1x8x128xf32, #tpu.memory_space<hbm>> -> memref<8x128xf32, #tpu.memory_space<hbm>>
        %dma_start3A_173 = arith.constant 0 : i32
        %dma_start3A_174 = tpu.memref_slice %arg15[%add3A_165, %dma_start3A_173] : memref<10000x128xf32, #tpu.memory_space<vmem_shared>> -> memref<8x128xf32, #tpu.memory_space<vmem_shared>>
        tpu.enqueue_dma source(%dma_start3A_174 : memref<8x128xf32, #tpu.memory_space<vmem_shared>>) target(%dma_start3A_172 : memref<8x128xf32, #tpu.memory_space<hbm>>) target_semaphore(%run_scoped3A : memref<!tpu.dma_semaphore, #tpu.memory_space<semaphore_mem>>)
        %dma_wait3A_175 = arith.constant 0 : i32
        %dma_wait3A_176 = tpu.memref_slice %arg4[%arg0, %add3A_169, %dma_wait3A_175] : memref<2x10000x128xf32, #tpu.memory_space<hbm>> -> memref<1x8x128xf32, #tpu.memory_space<hbm>>
        %dma_wait3A_177 = tpu.memref_squeeze %dma_wait3A_176 : memref<1x8x128xf32, #tpu.memory_space<hbm>> -> memref<8x128xf32, #tpu.memory_space<hbm>>
        %dma_wait3A_178 = arith.constant 0 : i32
        %dma_wait3A_179 = tpu.memref_slice %arg15[%add3A_165, %dma_wait3A_178] : memref<10000x128xf32, #tpu.memory_space<vmem_shared>> -> memref<8x128xf32, #tpu.memory_space<vmem_shared>>
        tpu.wait_dma2 semaphore(%run_scoped3A : memref<!tpu.dma_semaphore, #tpu.memory_space<semaphore_mem>>) src(%dma_wait3A_179 : memref<8x128xf32, #tpu.memory_space<vmem_shared>>) dst(%dma_wait3A_177 : memref<8x128xf32, #tpu.memory_space<hbm>>)
        tpu.yield
      }) : () -> ()
    } else {
    }
    return
  }
}

module attributes {stable_mosaic.version = 14 : i64} {
  func.func @_combine_body(%arg0: i32, %arg1: memref<2x2000x128xf32, #tpu.memory_space<vmem>>, %arg2: memref<2000x1xf32, #tpu.memory_space<vmem>>, %arg3: memref<2000x128xf32, #tpu.memory_space<vmem>>) attributes {dimension_semantics = [#tpu.dimension_semantics<arbitrary>], iteration_bounds = array<i64: 5>, scalar_prefetch = 0 : i64, scratch_operands = 0 : i64, tpu.core_type = #tpu.core_type<tc>, window_params = [{transform_indices = @transform_0, window_bounds = array<i64: 2, 2000, 128>}, {transform_indices = @transform_1, window_bounds = array<i64: 2000, 1>}, {transform_indices = @transform_2, window_bounds = array<i64: 2000, 128>}]} {
    %get3A = arith.constant 0 : index
    %get3A_0 = arith.constant 0 : index
    %get3A_1 = arith.constant 0 : index
    %get3A_2 = vector.load %arg1[%get3A, %get3A_0, %get3A_1] : memref<2x2000x128xf32, #tpu.memory_space<vmem>>, vector<1x2000x128xf32>
    %get3A_3 = vector.shape_cast %get3A_2 : vector<1x2000x128xf32> to vector<2000x128xf32>
    %get3A_4 = arith.constant 1 : index
    %get3A_5 = arith.constant 0 : index
    %get3A_6 = arith.constant 0 : index
    %get3A_7 = vector.load %arg1[%get3A_4, %get3A_5, %get3A_6] : memref<2x2000x128xf32, #tpu.memory_space<vmem>>, vector<1x2000x128xf32>
    %get3A_8 = vector.shape_cast %get3A_7 : vector<1x2000x128xf32> to vector<2000x128xf32>
    %add3A = arith.addf %get3A_3, %get3A_8 : vector<2000x128xf32>
    %get3A_9 = arith.constant 0 : index
    %get3A_10 = arith.constant 0 : index
    %get3A_11 = vector.load %arg2[%get3A_9, %get3A_10] : memref<2000x1xf32, #tpu.memory_space<vmem>>, vector<2000x1xf32>
    %mul3A = vector.broadcast %get3A_11 : vector<2000x1xf32> to vector<2000x128xf32>
    %mul3A_12 = arith.mulf %add3A, %mul3A : vector<2000x128xf32>
    %swap3A = arith.constant 0 : index
    %swap3A_13 = arith.constant 0 : index
    %swap3A_14 = vector.load %arg3[%swap3A, %swap3A_13] : memref<2000x128xf32, #tpu.memory_space<vmem>>, vector<2000x128xf32>
    tpu.vector_store %arg3[%swap3A, %swap3A_13], %mul3A_12 {strides = array<i32>} : memref<2000x128xf32, #tpu.memory_space<vmem>>, vector<2000x128xf32>,
    return
  }
  func.func @transform_0(%arg0: i32) -> (i32, i32, i32) {
    %c0_i32 = arith.constant 0 : i32
    %c0_i32_0 = arith.constant 0 : i32
    %c0_i32_1 = arith.constant 0 : i32
    return %c0_i32, %arg0, %c0_i32_0 : i32, i32, i32
  }
  func.func @transform_1(%arg0: i32) -> (i32, i32) {
    %c0_i32 = arith.constant 0 : i32
    %c0_i32_0 = arith.constant 0 : i32
    return %arg0, %c0_i32 : i32, i32
  }
  func.func @transform_2(%arg0: i32) -> (i32, i32) {
    %c0_i32 = arith.constant 0 : i32
    %c0_i32_0 = arith.constant 0 : i32
    return %arg0, %c0_i32 : i32, i32
  }
}

</mosaic_0001>

<sc_bundles>
// kernel: kernel.4.cloned.1.call-start
scs
__scs_entry_jumppad:
0x0: {  	(pc) =	sbr.rel $0x88, $3  }
0x1: {  	(tag) =	ssettag $0x0;
	lr =	simm.s32 $0x1  }
0x2: {  	[smem:$0x3F9D] =	sst lr;
	_ =	strace $0xD0000000  }
0x3: {  	_ = 	snop  }
0x4: {  	_ = 	snop  }
0x5: {  	_ = 	snop  }
0x6: {  	_ = 	snop  }
0x7: {  	_ = 	snop  }
__scs_overlays_trampoline_lowered:
0x8: {  	[smem:$0x3FAC] =	sst s0  }
0x9: {  	[smem:$0x3FAD] =	sst s1  }
0xa: {  	[smem:$0x3FAE] =	sst s2  }
0xb: {  	[smem:$0x3FAF] =	sst s3  }
0xc: {  	[smem:$0x3FB0] =	sst s4  }
0xd: {  	[smem:$0x3FB1] =	sst s5  }
0xe: {  	[smem:$0x3FB2] =	sst s6  }
0xf: {  	[smem:$0x3FB3] =	sst s7  }
0x10: {  	[smem:$0x3FB4] =	sst s8  }
0x11: {  	[smem:$0x3FB5] =	sst s9;
	s0 =	simm.s32 @!p0 $0x0  }
0x12: {  	s1 =	sld [smem:$0x3F9B];
	s0 =	simm.s32 @p0 $0x1  }
0x13: {  	[smem:$0x3FB6] =	sst s0;
	s0 =	simm.s32 @!p1 $0x0  }
0x14: {  	s2 =	sld [smem:$0x3F9A];
	s0 =	simm.s32 @p1 $0x1  }
0x15: {  	[smem:$0x3FB7] =	sst s0;
	s0 =	simm.s32 @!p2 $0x0  }
0x16: {  	s3 =	sld [smem:$0x3FDB];
	s0 =	simm.s32 @p2 $0x1  }
0x17: {  	s4 =	simm.s32 $0x1BF5;
	[smem:$0x3FB9] =	sst s0  }
0x18: {  	s0 =	sld [smem:$0x3F9C];
	_ =	swait.ge [sflag:s4], $0x0  }
0x19: {  	s7 =	sld [smem:$0x3F9D]  }
0x1a: {  	s8 =	sadd.s32 $0xFFFFE003, lr  }
0x1b: {  	s9 =	sadd.s32 $0xFFFFFEF7, lr;
	s5 =	simm.s32 $0xFFFFFFFF;
	p2 =	slt.u32 s8, $0xFFFFF086  }
0x1c: {  	p1 =	slt.u32 s9, $0xF7A;
	s5 =	simm.s32 @!p2 $0x0  }
0x1d: {  	s5 =	simm.s32 @p1 $0x1;
	p0 =	seq.s32 s7, s2  }
0x1e: {  	s7 =	smul.u32 @!p0 $0xF7A, s2;
	p2 =	seq.s32 @!p0 s5, $0x0  }
0x1f: {  	s9 =	smul.u32 $0xF7A, s1;
	s8 =	simm.s32 @!p0 $0x1BF5;
	p2 =	por !p2, p0  }
0x20: {  	[sflag:s8] =	ssyncset.s32 @!p0 $0xFFFFF086;
	s6 =	sadd.s32 @!p0 s3, s7;
	s7 =	simm.s32 @!p0 $0x108  }
0x21: {  	s3 =	sadd.s32 s3, s9;
	s6 =	sadd.s32 @!p0 $0x88, s6;
	s7 =	simm.s32 @p2 $0x1082  }
0x22: {  	[simem:s7], [sflag:s8] =	dma.local @!p0 [hbm:s6], $0xF7A  }
0x23: {  	s9 =	sor.u32 $0xD0000000, s2;
	s6 =	simm.s32 $0x108;
	_ =	swait.ge @!p0 [sflag:s8], $0x0  }
0x24: {  	s3 =	sadd.s32 $0x88, s3;
	s6 =	simm.s32 @!p1 $0x1082;
	[sflag:s4] =	ssyncset.s32 $0xFFFFF086  }
0x25: {  	[simem:s6], [sflag:s4] =	dma.local [hbm:s3], $0xF7A  }
0x26: {  	[smem:$0x3F9D] =	sst s1;
	(tag) =	ssettag s2;
	_ =	strace s9  }
0x27: {  	s1 =	sld [smem:$0x3FAD]  }
0x28: {  	s2 =	sld [smem:$0x3FAE]  }
0x29: {  	s4 =	sld [smem:$0x3FB0]  }
0x2a: {  	p0 =	seq.s32 s5, $0x0;
	s5 =	sld [smem:$0x3FB1]  }
0x2b: {  	s6 =	sld [smem:$0x3FB2]  }
0x2c: {  	s7 =	sld [smem:$0x3FB3]  }
0x2d: {  	s3 =	simm.s32 $0x108;
	s8 =	sld [smem:$0x3FB4]  }
0x2e: {  	s3 =	simm.s32 @!p0 $0x1082;
	s9 =	sld [smem:$0x3FB5]  }
0x2f: {  	lr =	sadd.s32 s0, s3;
	s0 =	sld [smem:$0x3FAC]  }
0x30: {  	s3 =	sld [smem:$0x3FAF]  }
0x31: {  	[smem:$0x3FB8] =	sst s10  }
0x32: {  	s10 =	sld [smem:$0x3FB6];
	_ =	sdelay $0x3  }
0x33: {  	p0 =	seq.s32 s10, $0x1;
	s10 =	sld [smem:$0x3FB8];
	_ =	sdelay $0x3  }
0x34: {  	[smem:$0x3FB8] =	sst s10  }
0x35: {  	s10 =	sld [smem:$0x3FB7];
	_ =	sdelay $0x3  }
0x36: {  	p1 =	seq.s32 s10, $0x1;
	s10 =	sld [smem:$0x3FB8];
	_ =	sdelay $0x3  }
0x37: {  	[smem:$0x3FB8] =	sst s10  }
0x38: {  	s10 =	sld [smem:$0x3FB9]  }
0x39: {  	_ = 	snop;
	(pc) =	sbr.ind lr, $3  }
0x3a: {  	_ = 	snop  }
0x3b: {  	_ = 	snop  }
0x3c: {  	p2 =	seq.s32 s10, $0x1;
	s10 =	sld [smem:$0x3FB8]  }
0x3d: {  	_ =	shalt  }
0x3e: {  	_ =	shalt  }
0x3f: {  	_ =	shalt  }
0x40: {  	_ =	shalt  }
0x41: {  	_ =	shalt  }
0x42: {  	_ =	shalt  }
0x43: {  	_ =	shalt  }
0x44: {  	_ =	shalt  }
0x45: {  	_ =	shalt  }
0x46: {  	_ =	shalt  }
0x47: {  	_ =	shalt  }
0x48: {  	_ =	shalt  }
0x49: {  	_ =	shalt  }
0x4a: {  	_ =	shalt  }
0x4b: {  	_ =	shalt  }
0x4c: {  	_ =	shalt  }
0x4d: {  	_ =	shalt  }
0x4e: {  	_ =	shalt  }
0x4f: {  	_ =	shalt  }
0x50: {  	_ =	shalt  }
0x51: {  	_ =	shalt  }
0x52: {  	_ =	shalt  }
0x53: {  	_ =	shalt  }
0x54: {  	_ =	shalt  }
0x55: {  	_ =	shalt  }
0x56: {  	_ =	shalt  }
0x57: {  	_ =	shalt  }
0x58: {  	_ =	shalt  }
0x59: {  	_ =	shalt  }
0x5a: {  	_ =	shalt  }
0x5b: {  	_ =	shalt  }
0x5c: {  	_ =	shalt  }
0x5d: {  	_ =	shalt  }
0x5e: {  	_ =	shalt  }
0x5f: {  	_ =	shalt  }
0x60: {  	_ =	shalt  }
0x61: {  	_ =	shalt  }
0x62: {  	_ =	shalt  }
0x63: {  	_ =	shalt  }
0x64: {  	_ =	shalt  }
0x65: {  	_ =	shalt  }
0x66: {  	_ =	shalt  }
0x67: {  	_ =	shalt  }
0x68: {  	_ =	shalt  }
0x69: {  	_ =	shalt  }
0x6a: {  	_ =	shalt  }
0x6b: {  	_ =	shalt  }
0x6c: {  	_ =	shalt  }
0x6d: {  	_ =	shalt  }
0x6e: {  	_ =	shalt  }
0x6f: {  	_ =	shalt  }
0x70: {  	_ =	shalt  }
0x71: {  	_ =	shalt  }
0x72: {  	_ =	shalt  }
0x73: {  	_ =	shalt  }
0x74: {  	_ =	shalt  }
0x75: {  	_ =	shalt  }
0x76: {  	_ =	shalt  }
0x77: {  	_ =	shalt  }
0x78: {  	_ =	shalt  }
0x79: {  	_ =	shalt  }
0x7a: {  	_ =	shalt  }
0x7b: {  	_ =	shalt  }
0x7c: {  	_ =	shalt  }
0x7d: {  	_ =	shalt  }
0x7e: {  	_ =	shalt  }
0x7f: {  	_ =	shalt  }
0x80: {  	_ =	shalt  }
0x81: {  	_ =	shalt  }
0x82: {  	_ =	shalt  }
0x83: {  	_ =	shalt  }
0x84: {  	_ =	shalt  }
0x85: {  	_ =	shalt  }
0x86: {  	_ =	shalt  }
0x87: {  	_ =	shalt  }
.Lfunc_end0:
.L_simem_size_0:
called_computation_lowered:
.L_overlay_start_0:
0x88: {  	s2 =	sld [smem:$0x3FD9]  }
0x89: {  	s3 =	sld [smem:$0x3FFE];
	_ =	sdelay $0x1  }
0x8a: {  	s1 =	srdreg.scid  }
0x8b: {  	s0 =	sand.u32 $0x1, s1  }
0x8c: {  	s17 =	sshll.u32 s0, $0xA;
	s2 =	sadd.s32 s3, s2  }
0x8d: {  	s2 =	sadd.s32 s2, s17  }
0x8e: {  	[smem:$0x3FC4] =	sst s2  }
0x8f: {  	_ = 	snop  }
0x90: {  	s2 =	sld [smem:$0x3FC7];
	(tm) =	ssettm $0x1  }
0x91: {  	s18 =	sld [smem:$0x3FFB];
	_ =	sdelay $0x3  }
0x92: {  	_ =	strace s18  }
0x93: {  	s3 =	sld [smem:$0x3FFC];
	_ =	sdelay $0x3  }
0x94: {  	_ =	strace s3  }
0x95: {  	s3 =	sld [smem:$0x3FFD];
	_ =	sdelay $0x3  }
0x96: {  	_ =	strace s3  }
0x97: {  	_ =	strace $0x8FFFFFFF  }
0x98: {  	s19 =	sld [smem:$0x3FDB];
	_ =	sdelay $0x1  }
0x99: {  	s4 =	simm.s32 $_scs_section_size  }
0x9a: {  	s5 =	simm.s32 $_size__tile_overlayer_lowered;
	s6 =	simm.s32 $_tile_overlayer_lowered  }
0x9b: {  	s22 =	simm.s32 $0x1BFF;
	s21 =	sshll.u32 s6, $0x1;
	s3 =	sadd.s32 s4, s19  }
0x9c: {  	s7 =	simm.s32 $0x0;
	s20 =	sshll.u32 s5, $0x1;
	s5 =	sadd.s32 s21, s3  }
0x9d: {  	[timem:s7], [sflag:s22] =	dma.local [hbm:s5], s20  }
0x9e: {  	_ =	swait.ge [sflag:s22], s20  }
0x9f: {  	s4 =	ssub.s32 $0x0, s20;
	[sflag:s22] =	ssyncset.done $0x0  }
0xa0: {  	[sflag:s22] =	ssyncadd.s32 s4;
	_ =	sdelay $0x1  }
0xa1: {  	s23 =	simm.s32 $0x1B8B  }
0xa2: {  	_ =	swait.ge [sflag:s23], $0x1  }
0xa3: {  	[sflag:s23] =	ssyncset.done $0x0  }
0xa4: {  	s25 =	simm.s32 $0x1B8E;
	s24 =	sld [smem:$0x3FFE];
	[sflag:s23] =	ssyncadd.s32 $0xFFFFFFFF  }
0xa5: {  	s26 =	simm.s32 $execute0_lowered;
	[smem:$0x3FD2] =	sst s25  }
0xa6: {  	s5 =	sshll.u32 s26, $0x1;
	_ =	strace $0x80000046;
	[dreg:$0x1] =	wrdreg $0xFFFFFFFF  }
0xa7: {  	s28 =	simm.s32 $_size_execute0_lowered;
	s3 =	sadd.s32 s3, s5;
	[dreg:$0x0] =	wrdreg $0x0  }
0xa8: {  	s5 =	sshll.u32 s28, $0x1;
	[dreg:$0x2] =	wrdreg s3  }
0xa9: {  	[dreg:$0x3] =	wrdreg s5  }
0xaa: {  	[dreg:$0x4] =	wrdreg $0xC0  }
0xab: {  	_ =	task [dreg:s7], $0x5FFFF  }
0xac: {  	[dreg:$0x1] =	wrdreg $0xFFFFFFFF  }
0xad: {  	[dreg:$0x0] =	wrdreg $0x60  }
0xae: {  	[dreg:$0x2] =	wrdreg s24  }
0xaf: {  	[dreg:$0x3] =	wrdreg s2  }
0xb0: {  	[dreg:$0x4] =	wrdreg $0xAC000  }
0xb1: {  	[dreg:$0x5] =	wrdreg $0x9  }
0xb2: {  	_ =	task.clear_ibuf [dreg:s7], $0x6FFFF;
	_ =	strace $0x90000046  }
0xb3: {  	s29 =	simm.s32 $0x9;
	_ =	strace $0x80000048  }
0xb4: {  	_ =	swait.ge [sflag:s29], $0x1  }
0xb5: {  	[sflag:s29] =	ssyncadd.s32 $0xFFFFFFFF  }
0xb6: {  	_ =	strace $0x90000048  }
0xb7: {  	_ =	sfence  }
0xb8: {  	s30 =	sld [smem:$0x0];
	_ =	sdelay $0x2  }
0xb9: {  	s31 =	sshll.u32 s1, $0xD;
	s1 =	sshrl.u32 s1, $0x2  }
0xba: {  	s3 =	sand.u32 $0x4000, s31;
	s1 =	sadd.s32 s1, s30  }
0xbb: {  	s0 =	sor.u32 s3, s0;
	s1 =	sshll.u32 s1, $0x11  }
0xbc: {  	s0 =	sor.u32 s1, s0  }
0xbd: {  	s0 =	sadd.s32 $0x8F2B, s0  }
0xbe: {  	[sflag:s0] =	ssyncadd.remote.s32 $0x1  }
0xbf: {  	_ =	sfence.sel $0xFFFF  }
0xc0: {  	[dreg:$0x0] =	wrdreg $0xFFFFFFFF;
	(pc) =	sbr.abs _section_cstart, $3  }
0xc1: {  	[dreg:$0x1] =	wrdreg $0xFFFFFFFF  }
0xc2: {  	_ =	task.clear_ibuf [dreg:s7], $0x2FFFF;
	_ =	strace $0x9FFFFFFF  }
0xc3: {  	(tm) =	ssettm $0x7FFFFFFF  }
tec
execute0_lowered:
.L_overlay_start_1:
0x0: {  	(tag) =	ssettag $0x1  }
0x1: {  	s0 =	rddreg [dreg:$0x0]  }
0x2: {  	s1 =	rddreg [dreg:$0x1]  }
0x3: {  	s2 =	rddreg [dreg:$0x2];
	s3 =	simm.s32 $0x0;
	s4 =	srdreg.scid  }
0x4: {  	s11 =	stileid.u32;
	[smem:$0x7FF] =	sst s3;
	s4 =	sand.u32 $0x1, s4  }
0x5: {  	s9 =	smul.u32 $0x4E000, s11;
	s14 =	sshll.u32 s11, $0xA;
	s7 =	sshll.u32 s4, $0x4  }
0x6: {  	_ =	strace $0x80000047;
	s15 =	sadd.s32 s14, s2;
	s7 =	sor.u32 s11, s7  }
0x7: {  	s9 =	sshrl.u32 s9, $0x2;
	s16 =	sadd.s32 $0x138000, s15;
	s13 =	sshll.u32 s7, $0x6  }
0x8: {  	s7 =	sshll.u32 s7, $0x9;
	s18 =	sadd.s32 s9, s2;
	[dreg:$0x7] =	wrdreg s16  }
0x9: {  	s17 =	sor.u32 $0x14000, s7;
	[dreg:$0x6] =	wrdreg s18  }
0xa: {  	s19 =	sor.u32 $0x18000, s7;
	[dreg:$0x8] =	wrdreg s17  }
0xb: {  	s20 =	sor.u32 $0x1C000, s7;
	[dreg:$0x9] =	wrdreg s19  }
0xc: {  	s21 =	sor.u32 $0x20000, s7;
	[dreg:$0xa] =	wrdreg s20  }
0xd: {  	s29 =	simm.s32 $0x50;
	s22 =	sor.u32 $0x24000, s7;
	[dreg:$0xb] =	wrdreg s21  }
0xe: {  	s5 =	sadd.s32 $0x200, s0;
	s24 =	sor.u32 $0x28000, s7;
	[dreg:$0xc] =	wrdreg s22  }
0xf: {  	s6 =	ssub.s32 $0x2, s4;
	s25 =	sor.u32 $0x2C000, s7;
	[dreg:$0xd] =	wrdreg s24  }
0x10: {  	s8 =	sshrl.u32 s6, $0x1;
	s26 =	sor.u32 $0x30000, s7;
	[dreg:$0xe] =	wrdreg s25  }
0x11: {  	s6 =	ssub.s32 s6, s8;
	s31 =	sor.u32 $0x34000, s7;
	[dreg:$0xf] =	wrdreg s26  }
0x12: {  	s12 =	sadd.s32 s5, s13;
	s13 =	sor.u32 $0x38000, s7;
	[dreg:$0x10] =	wrdreg s31  }
0x13: {  	s8 =	sor.u32 $0x138000, s14;
	s14 =	sor.u32 $0x3C000, s7;
	[dreg:$0x11] =	wrdreg s13  }
0x14: {  	s23 =	smul.u32 $0x13800, s11;
	s15 =	sor.u32 $0x40000, s7;
	[dreg:$0x14] =	wrdreg s14  }
0x15: {  	s4 =	smul.u32 $0x138800, s4;
	s16 =	smax.u32 s6, $0x1;
	[dreg:$0x15] =	wrdreg s15  }
0x16: {  	s30 =	simm.s32 $0xC00;
	s0 =	sadd.s32 $0x3EA00, s0;
	[dreg:$0x16] =	wrdreg s16  }
0x17: {  	s9 =	sadd.s32 s23, s4;
	s23 =	sadd.s32 $0x7800, s18;
	[dreg:$0x4] =	wrdreg s12  }
0x18: {  	s9 =	sshrl.u32 s9, $0x3;
	s10 =	sadd.s32 $0x800, s12;
	[dreg:$0x1d] =	wrdreg s23  }
0x19: {  	s28 =	simm.s32 $0xF;
	s9 =	sadd.s32 s0, s9;
	[dreg:$0x5] =	wrdreg s10  }
0x1a: {  	p0 =	sgt.u32 s11, $0x1;
	s17 =	sadd.s32 $0x1000, s12;
	[dreg:$0x12] =	wrdreg s9  }
0x1b: {  	s11 =	simm.s32 $0xA;
	s19 =	sadd.s32 $0x1800, s12;
	[dreg:$0x18] =	wrdreg s17  }
0x1c: {  	s4 =	sadd.s32 s4, s8;
	s20 =	sadd.s32 $0x2000, s12;
	[dreg:$0x19] =	wrdreg s19  }
0x1d: {  	s7 =	simm.s32 $0x5C00;
	s21 =	sadd.s32 $0x2800, s18;
	[dreg:$0x1a] =	wrdreg s20  }
0x1e: {  	s6 =	simm.s32 $0x4;
	s22 =	sadd.s32 $0x5000, s18;
	[dreg:$0x1b] =	wrdreg s21  }
0x1f: {  	s4 =	sshrl.u32 s4, $0x3;
	s24 =	sadd.s32 $0xA000, s18;
	[dreg:$0x1c] =	wrdreg s22  }
0x20: {  	s25 =	sadd.s32 $0xC800, s18;
	s26 =	sadd.s32 $0xF000, s18;
	[dreg:$0x1e] =	wrdreg s24  }
0x21: {  	s31 =	sadd.s32 $0x11800, s18;
	s15 =	simm.s32 $0xB;
	[dreg:$0x1f] =	wrdreg s25  }
0x22: {  	s16 =	simm.s32 $0x5;
	s13 =	simm.s32 $0xE;
	[smem:$0x7FC] =	sst s26  }
0x23: {  	s23 =	simm.s32 $0x0;
	s0 =	sadd.s32 s0, s4;
	[smem:$0x7FD] =	sst s31  }
0x24: {  	s21 =	simm.s32 $0x200;
	s24 =	simm.s32 $0x400;
	s25 =	simm.s32 $0x600  }
.Ltmp0:
0x25: {  	s26 =	simm.s32 $0x800;
	s4 =	simm.s32 $0x3;
	(pc) =	sbr.rel .LBB2_1-.Ltmp0, $4  }
0x26: {  	s9 =	simm.s32 $0x8400;
	s17 =	simm.s32 $0x8;
	s19 =	simm.s32 $0xC  }
0x27: {  	s22 =	simm.s32 $0x9;
	[dreg:$0x13] =	wrdreg s0;
	s0 =	sadd.s32 s8, s2  }
0x28: {  	s10 =	simm.s32 $0xD;
	s20 =	simm.s32 $0xA00;
	s0 =	sshrl.u32 @!p0 s0, $0x3  }
0x29: {  	v0 =	vimm.f32 $0.0e+00;
	s8 =	simm.s32 $0x7;
	[dreg:$0x17] =	wrdreg s0;
	s0 =	simm.s32 $0x3400  }
.LBB2_30:
0x2a: {  	s12 =	stileid.u32;
	[bflag:$0x0] =	sbarrier.arrive $0xFFFF  }
0x2b: {  	s28 =	simm.s32 $0xF;
	s12 =	sshll.u32 s12, $0x6;
	s18 =	rddreg [dreg:$0x6]  }
0x2c: {  	s23 =	rddreg [dreg:$0x12];
	s12 =	sor.u32 $0x1C0F, s12;
	s14 =	sshrl.u32 s18, $0x3  }
0x2d: {  	[hbm:s23], [sflag:s12] =	dma.local [spmem:s14], $0x2700  }
0x2e: {  	_ =	swait.ge [sflag:s28], $0x2700  }
0x2f: {  	[sflag:s28] =	ssyncset.done $0x0;
	s14 =	rddreg [dreg:$0x13]  }
0x30: {  	s23 =	rddreg [dreg:$0x17];
	[sflag:s28] =	ssyncadd.s32 $0xFFFFD900  }
0x31: {  	[hbm:s14], [sflag:s12] =	dma.local @!p0 [spmem:s23], $0x80  }
0x32: {  	s12 =	simm.s32 @!p0 $0xF  }
0x33: {  	_ =	swait.ge @!p0 [sflag:s12], $0x80  }
0x34: {  	s14 =	sld [smem:$0x7FB];
	_ =	sdelay $0x2  }
0x35: {  	s31 =	rddreg [dreg:$0x16];
	s23 =	sadd.s32 $0x1, s14  }
0x36: {  	p1 =	sne.s32 s23, s31  }
.Ltmp1:
0x37: {  	_ = 	snop;
	(pc) =	sbr.rel @!p1 .LBB2_31-.Ltmp1, $3  }
0x38: {  	_ =	sdelay $0x1  }
0x39: {  	[sflag:s12] =	ssyncset.done @!p0 $0x0  }
0x3a: {  	[sflag:s12] =	ssyncadd.s32 @!p0 $0xFFFFFF80  }
.LBB2_1:
0x3b: {  	[smem:$0x7FB] =	sst s23  }
0x3c: {  	s12 =	rddreg [dreg:$0x4]  }
0x3d: {  	[tilespmem:s3], [sflag:$0x1] =	stream.linear.gather [hbm4b:s12+s3], $0x180, $0x38;
	[tilespmem:$0x1E480] =	vst v63  }
0x3e: {  	s14 =	rddreg [dreg:$0x5]  }
0x3f: {  	[tilespmem:s21], [sflag:$0x2] =	stream.linear.gather [hbm4b:s14+s3], $0x180, $0x38;
	[tilespmem:$0x1E480] =	vst v63  }
0x40: {  	s23 =	rddreg [dreg:$0x18]  }
0x41: {  	[tilespmem:s24], [sflag:$0x3] =	stream.linear.gather [hbm4b:s23+s3], $0x180, $0x38;
	[tilespmem:$0x1E480] =	vst v63  }
0x42: {  	s31 =	rddreg [dreg:$0x19]  }
0x43: {  	[tilespmem:s25], [sflag:$0x4] =	stream.linear.gather [hbm4b:s31+s3], $0x180, $0x38;
	[tilespmem:$0x1E480] =	vst v63  }
0x44: {  	s14 =	rddreg [dreg:$0x1a];
	s23 =	simm.s32 $0x1  }
0x45: {  	[tilespmem:s26], [sflag:$0x5] =	stream.linear.gather [hbm4b:s14+s3], $0x180, $0x38;
	[tilespmem:$0x1E480] =	vst v63  }
0x46: {  	_ =	swait.ge [sflag:s23], $0x180  }
0x47: {  	[sflag:s23] =	ssyncset.done $0x0  }
0x48: {  	s31 =	simm.s32 $0x2;
	[sflag:s23] =	ssyncadd.s32 $0xFFFFFE80  }
0x49: {  	[tilespmem:s30], [sflag:$0x7] =	stream.indirect.gather [hbm4b:s1+s29], $0x80, s3, s29, $0xb8;
	[tilespmem:$0x1E480] =	vst v63  }
0x4a: {  	_ =	swait.ge [sflag:s31], $0x180  }
0x4b: {  	[sflag:s31] =	ssyncset.done $0x0  }
0x4c: {  	[sflag:s31] =	ssyncadd.s32 $0xFFFFFE80  }
0x4d: {  	[tilespmem:s0], [sflag:$0x8] =	stream.indirect.gather [hbm4b:s1+s29], $0x80, s21, s29, $0xb8;
	[tilespmem:$0x1E480] =	vst v63  }
0x4e: {  	_ =	swait.ge [sflag:s4], $0x180  }
0x4f: {  	[sflag:s4] =	ssyncset.done $0x0  }
0x50: {  	s12 =	simm.s32 $0x0;
	s14 =	simm.s32 $0x200;
	[sflag:s4] =	ssyncadd.s32 $0xFFFFFE80  }
0x51: {  	[tilespmem:s7], [sflag:$0x9] =	stream.indirect.gather [hbm4b:s1+s29], $0x80, s24, s29, $0xb8;
	[tilespmem:$0x1E480] =	vst v63  }
.LBB2_2:
0x52: {  	p1 =	sne.s32 s14, $0x9E00;
	[tilespmem:s12+$0x8470] =	vst v0  }
0x53: {  	[tilespmem:s12+$0x8400] =	vst v0  }
0x54: {  	[tilespmem:s12+$0x8410] =	vst v0  }
.Ltmp2:
0x55: {  	[tilespmem:s12+$0x8420] =	vst v0;
	(pc) =	sbr.rel @p1 .LBB2_2-.Ltmp2, $4  }
0x56: {  	[tilespmem:s12+$0x8430] =	vst v0  }
0x57: {  	[tilespmem:s12+$0x8440] =	vst v0  }
0x58: {  	[tilespmem:s12+$0x8450] =	vst v0  }
0x59: {  	[tilespmem:s12+$0x8460] =	vst v0;
	s12 =	sshra.s32 s14, $0x2;
	s14 =	sadd.s32 $0x200, s14  }
0x5a: {  	[tilespmem:s12+$0x8470] =	vst v0  }
0x5b: {  	[tilespmem:s12+$0x8400] =	vst v0  }
0x5c: {  	[tilespmem:s12+$0x8410] =	vst v0  }
0x5d: {  	[tilespmem:s12+$0x8420] =	vst v0  }
0x5e: {  	[tilespmem:s12+$0x8430] =	vst v0  }
0x5f: {  	[tilespmem:s12+$0x8440] =	vst v0  }
0x60: {  	[tilespmem:s12+$0x8450] =	vst v0  }
0x61: {  	[tilespmem:s12+$0x8460] =	vst v0  }
0x62: {  	[spmem:s18] =	stream.linear.scatter [tilespmem:s9], [sflag:$0xF], $0x2800, $0x38;
	[tilespmem:$0x1E480] =	vst v63  }
0x63: {  	_ =	swait.ge [sflag:s28], $0x2800  }
0x64: {  	[sflag:s28] =	ssyncset.done $0x0  }
0x65: {  	s18 =	rddreg [dreg:$0x1b];
	[sflag:s28] =	ssyncadd.s32 $0xFFFFD800  }
0x66: {  	[spmem:s18] =	stream.linear.scatter [tilespmem:s9], [sflag:$0xF], $0x2800, $0x38;
	[tilespmem:$0x1E480] =	vst v63  }
0x67: {  	_ =	swait.ge [sflag:s28], $0x2800  }
0x68: {  	[sflag:s28] =	ssyncset.done $0x0  }
0x69: {  	s23 =	rddreg [dreg:$0x1c];
	[sflag:s28] =	ssyncadd.s32 $0xFFFFD800  }
0x6a: {  	[spmem:s23] =	stream.linear.scatter [tilespmem:s9], [sflag:$0xF], $0x2800, $0x38;
	[tilespmem:$0x1E480] =	vst v63  }
0x6b: {  	_ =	swait.ge [sflag:s28], $0x2800  }
0x6c: {  	[sflag:s28] =	ssyncset.done $0x0  }
0x6d: {  	s31 =	rddreg [dreg:$0x1d];
	[sflag:s28] =	ssyncadd.s32 $0xFFFFD800  }
0x6e: {  	[spmem:s31] =	stream.linear.scatter [tilespmem:s9], [sflag:$0xF], $0x2800, $0x38;
	[tilespmem:$0x1E480] =	vst v63  }
0x6f: {  	_ =	swait.ge [sflag:s28], $0x2800  }
0x70: {  	[sflag:s28] =	ssyncset.done $0x0  }
0x71: {  	s14 =	rddreg [dreg:$0x1e];
	[sflag:s28] =	ssyncadd.s32 $0xFFFFD800  }
0x72: {  	[spmem:s14] =	stream.linear.scatter [tilespmem:s9], [sflag:$0xF], $0x2800, $0x38;
	[tilespmem:$0x1E480] =	vst v63  }
0x73: {  	_ =	swait.ge [sflag:s28], $0x2800  }
0x74: {  	[sflag:s28] =	ssyncset.done $0x0  }
0x75: {  	s18 =	rddreg [dreg:$0x1f];
	[sflag:s28] =	ssyncadd.s32 $0xFFFFD800  }
0x76: {  	[spmem:s18] =	stream.linear.scatter [tilespmem:s9], [sflag:$0xF], $0x2800, $0x38;
	[tilespmem:$0x1E480] =	vst v63  }
0x77: {  	_ =	swait.ge [sflag:s28], $0x2800  }
0x78: {  	s23 =	sld [smem:$0x7FC]  }
0x79: {  	[sflag:s28] =	ssyncset.done $0x0  }
0x7a: {  	[sflag:s28] =	ssyncadd.s32 $0xFFFFD800  }
0x7b: {  	[spmem:s23] =	stream.linear.scatter [tilespmem:s9], [sflag:$0xF], $0x2800, $0x38;
	[tilespmem:$0x1E480] =	vst v63  }
0x7c: {  	_ =	swait.ge [sflag:s28], $0x2800  }
0x7d: {  	s31 =	sld [smem:$0x7FD]  }
0x7e: {  	[sflag:s28] =	ssyncset.done $0x0  }
0x7f: {  	[sflag:s28] =	ssyncadd.s32 $0xFFFFD800  }
0x80: {  	[spmem:s31] =	stream.linear.scatter [tilespmem:s9], [sflag:$0xF], $0x2000, $0x38;
	[tilespmem:$0x1E480] =	vst v63  }
0x81: {  	_ =	swait.ge [sflag:s28], $0x2000  }
0x82: {  	[sflag:s28] =	ssyncset.done $0x0  }
0x83: {  	s12 =	simm.s32 @!p0 $0x8400;
	s14 =	rddreg [dreg:$0x7];
	[sflag:s28] =	ssyncadd.s32 $0xFFFFE000  }
0x84: {  	[spmem:s14] =	stream.linear.scatter @!p0 [tilespmem:s12], [sflag:$0xF], $0x400, $0x38;
	[tilespmem:$0x1E480] =	vst v63  }
0x85: {  	s12 =	simm.s32 @!p0 $0xF  }
0x86: {  	_ =	swait.ge @!p0 [sflag:s12], $0x400  }
0x87: {  	[sflag:s12] =	ssyncset.done @!p0 $0x0  }
0x88: {  	[sflag:s12] =	ssyncadd.s32 @!p0 $0xFFFFFC00  }
0x89: {  	s23 =	simm.s32 $0x0;
	[bflag:$0x0] =	sbarrier.arrive $0xFFFF  }
.LBB2_4:
0x8a: {  	s12 =	smul.u32 $0xC, s23;
	_ =	sdelay $0x1  }
0x8b: {  	s12 =	sadd.s32 $0xFFFFFFFF, s12  }
0x8c: {  	p1 =	sgt.u32 s12, $0x7C  }
0x8d: {  	s12 =	simm.s32 @!p1 $0xE  }
0x8e: {  	_ =	swait.ge @!p1 [sflag:s12], $0x2800  }
0x8f: {  	[sflag:s12] =	ssyncset.done @!p1 $0x0  }
0x90: {  	[sflag:s12] =	ssyncadd.s32 @!p1 $0xFFFFD800;
	p1 =	seq.s32 s23, $0xA  }
0x91: {  	_ =	swait.ge [sflag:s6], $0x180;
	s12 =	smul.u32 @!p1 $0x30000, s23  }
0x92: {  	[sflag:s6] =	ssyncset.done $0x0;
	s14 =	rddreg [dreg:$0x8]  }
0x93: {  	s18 =	simm.s32 $0x0;
	[sflag:s6] =	ssyncadd.s32 $0xFFFFFE80;
	s14 =	sadd.s32 @!p1 s14, s12  }
0x94: {  	[tilespmem:s9], [sflag:$0xA] =	stream.indirect.gather [hbm4b:s1+s29], $0x80, s25, s29, $0xb8;
	[tilespmem:$0x1E480] =	vst v63  }
0x95: {  	v1 =	vmov s18;
	s14 =	sshrl.u32 @!p1 s14, $0x3  }
0x96: {  	v1 =	vand.u32 $0x7F, v1;
	s18 =	simm.s32 @!p1 $0x0;
	s28 =	simm.s32 @!p1 $0xA00;
	s14 =	sadd.s32 @!p1 s5, s14  }
0x97: {  	v1 =	vor.u32 $0x100, v1;
	[tilespmem:s28], [sflag:$0x6] =	stream.linear.gather @!p1 [hbm4b:s14+s18], $0x180, $0x38;
	[tilespmem:$0x1E480] =	vst v63  }
0x98: {  	v1 =	vbroadcast v1, $0x0;
	_ =	swait.ge [sflag:s8], $0x2800  }
0x99: {  	[sflag:s8] =	ssyncset.done $0x0  }
0x9a: {  	s14 =	simm.s32 $0xC40;
	[sflag:s8] =	ssyncadd.s32 $0xFFFFD800  }
0x9b: {  	v5 =	vld [tilespmem:s14+$0x30]  }
0x9c: {  	v8 =	vld [tilespmem:s14+$0x10]  }
0x9d: {  	v6 =	vld [tilespmem:s14+$0xFFFFFFC0]  }
0x9e: {  	v2 =	vld.idx.msk [tilespmem:v1+s3+$0x0], $0xffff  }
0x9f: {  	v11 =	vld [tilespmem:s14+$0xFFFFFFE0]  }
0xa0: {  	v1 =	vld [tilespmem:s14+$0xFFFFFFF0]  }
0xa1: {  	v3 =	vld [tilespmem:s14+$0x20]  }
0xa2: {  	v4 =	vld [tilespmem:s14+$0xFFFFFFD0]  }
0xa3: {  	v9 =	vmul.f32 v2, v5;
	v5 =	vld [tilespmem:s14+$0x0]  }
0xa4: {  	s31 =	simm.s32 $0x1;
	v7 =	vmul.f32 v2, v6  }
0xa5: {  	v10 =	vmov s31;
	s28 =	simm.s32 $0x2;
	s18 =	simm.s32 $0xC40;
	v6 =	vmul.f32 v2, v11;
	v8 =	vmul.f32 v2, v8  }
.LBB2_5:
0xa6: {  	p2 =	sne.s32 s28, $0x4F  }
0xa7: {  	v10 =	vand.u32 $0x7F, v10;
	v4 =	vmul.f32 v2, v4;
	v3 =	vmul.f32 v2, v3;
	[tilespmem:s14+$0x30] =	vst v9;
	s18 =	sadd.s32 $0x80, s18;
	s31 =	smov.u32 s28;
	s28 =	sadd.s32 $0x1, s28  }
0xa8: {  	v9 =	vor.u32 $0x100, v10;
	[tilespmem:s14+$0xFFFFFFC0] =	vst v7;
	v7 =	vmul.f32 v2, v1;
	v2 =	vmul.f32 v2, v5  }
0xa9: {  	v5 =	vbroadcast v9, $0x0;
	[tilespmem:s14+$0x10] =	vst v8  }
0xaa: {  	[tilespmem:s14+$0xFFFFFFE0] =	vst v6  }
0xab: {  	v1 =	vld [tilespmem:s18+$0xFFFFFFF0];
	[tilespmem:s14+$0xFFFFFFF0] =	vst v7  }
0xac: {  	v6 =	vld [tilespmem:s18+$0x30];
	[tilespmem:s14+$0x0] =	vst v2  }
0xad: {  	v8 =	vld [tilespmem:s18+$0x10];
	[tilespmem:s14+$0x20] =	vst v3  }
0xae: {  	v7 =	vld [tilespmem:s18+$0xFFFFFFC0];
	[tilespmem:s14+$0xFFFFFFD0] =	vst v4;
	s14 =	smov.u32 s18  }
0xaf: {  	v2 =	vld.idx.msk [tilespmem:v5+s3+$0x0], $0xffff  }
0xb0: {  	v11 =	vld [tilespmem:s18+$0xFFFFFFE0]  }
0xb1: {  	v3 =	vld [tilespmem:s18+$0x20]  }
.Ltmp3:
0xb2: {  	v4 =	vld [tilespmem:s18+$0xFFFFFFD0];
	(pc) =	sbr.rel @p2 .LBB2_5-.Ltmp3, $3  }
0xb3: {  	v5 =	vld [tilespmem:s18+$0x0];
	_ =	sdelay $0x1  }
0xb4: {  	v7 =	vmul.f32 v2, v7;
	v9 =	vmul.f32 v2, v6  }
0xb5: {  	v10 =	vmov s31;
	v8 =	vmul.f32 v2, v8;
	v6 =	vmul.f32 v2, v11  }
0xb6: {  	[tilespmem:s14+$0xFFFFFFC0] =	vst v7;
	v7 =	vand.u32 $0x7F, v10  }
0xb7: {  	[tilespmem:s14+$0x30] =	vst v9;
	v7 =	vor.u32 $0x100, v7  }
0xb8: {  	v1 =	vmul.f32 v2, v1;
	[tilespmem:s14+$0xFFFFFFE0] =	vst v6;
	v6 =	vbroadcast v7, $0x0  }
0xb9: {  	s18 =	sadd.s32 $0x80, s18;
	[tilespmem:s14+$0x10] =	vst v8;
	v5 =	vmul.f32 v2, v5  }
0xba: {  	v3 =	vmul.f32 v2, v3;
	v7 =	vld [tilespmem:s18+$0xFFFFFFF0];
	[tilespmem:s14+$0xFFFFFFF0] =	vst v1  }
0xbb: {  	v2 =	vmul.f32 v2, v4;
	v1 =	vld [tilespmem:s18+$0x30];
	[tilespmem:s14+$0x0] =	vst v5  }
0xbc: {  	v4 =	vld [tilespmem:s18+$0x10];
	[tilespmem:s14+$0x20] =	vst v3  }
0xbd: {  	v3 =	vld [tilespmem:s18+$0xFFFFFFC0];
	[tilespmem:s14+$0xFFFFFFD0] =	vst v2  }
0xbe: {  	v2 =	vld.idx.msk [tilespmem:v6+s3+$0x0], $0xffff;
	_ =	sdelay $0x2  }
0xbf: {  	v5 =	vld [tilespmem:s18+$0xFFFFFFE0];
	_ =	sdelay $0x1  }
0xc0: {  	v6 =	vld [tilespmem:s18+$0x0];
	v1 =	vmul.f32 v2, v1  }
0xc1: {  	v8 =	vld [tilespmem:s18+$0x20];
	v3 =	vmul.f32 v2, v3  }
0xc2: {  	v9 =	vld [tilespmem:s18+$0xFFFFFFD0];
	v4 =	vmul.f32 v2, v4;
	[tilespmem:s18+$0x30] =	vst v1  }
0xc3: {  	v1 =	vmul.f32 v2, v5;
	[tilespmem:s18+$0xFFFFFFC0] =	vst v3  }
0xc4: {  	v3 =	vmul.f32 v2, v7;
	[tilespmem:s18+$0x10] =	vst v4  }
0xc5: {  	v4 =	vmul.f32 v2, v6;
	[tilespmem:s18+$0xFFFFFFE0] =	vst v1  }
0xc6: {  	v1 =	vmul.f32 v2, v8;
	[tilespmem:s18+$0xFFFFFFF0] =	vst v3  }
0xc7: {  	v2 =	vmul.f32 v2, v9;
	[tilespmem:s18+$0x0] =	vst v4  }
0xc8: {  	[tilespmem:s18+$0x20] =	vst v1  }
0xc9: {  	[tilespmem:s18+$0xFFFFFFD0] =	vst v2;
	s18 =	simm.s32 $0x80  }
0xca: {  	[spmem:s2] =	stream.indirect.scatter.add.f32 [tilespmem:s30], [sflag:$0xB], $0x80, s18, s29, $0xb8;
	[tilespmem:$0x1E480] =	vst v63  }
0xcb: {  	_ =	swait.ge [sflag:s15], $0x2800  }
0xcc: {  	[sflag:s15] =	ssyncset.done $0x0  }
0xcd: {  	[sflag:s15] =	ssyncadd.s32 $0xFFFFD800  }
0xce: {  	_ =	swait.ge [sflag:s16], $0x180  }
0xcf: {  	[sflag:s16] =	ssyncset.done $0x0;
	s14 =	rddreg [dreg:$0x9]  }
0xd0: {  	s31 =	simm.s32 $0x0;
	[sflag:s16] =	ssyncadd.s32 $0xFFFFFE80;
	s14 =	sadd.s32 @!p1 s14, s12  }
0xd1: {  	[tilespmem:s30], [sflag:$0x7] =	stream.indirect.gather [hbm4b:s1+s29], $0x80, s26, s29, $0xb8;
	[tilespmem:$0x1E480] =	vst v63  }
0xd2: {  	v1 =	vmov s31;
	s14 =	sshrl.u32 @!p1 s14, $0x3  }
0xd3: {  	s18 =	simm.s32 @!p1 $0x0;
	v1 =	vand.u32 $0x7F, v1;
	s14 =	sadd.s32 @!p1 s5, s14  }
0xd4: {  	v1 =	vor.u32 $0x100, v1;
	[tilespmem:s18], [sflag:$0x1] =	stream.linear.gather @!p1 [hbm4b:s14+s18], $0x180, $0x38;
	[tilespmem:$0x1E480] =	vst v63  }
0xd5: {  	v1 =	vbroadcast v1, $0x0;
	_ =	swait.ge [sflag:s17], $0x2800  }
0xd6: {  	[sflag:s17] =	ssyncset.done $0x0  }
0xd7: {  	s14 =	simm.s32 $0x3440;
	[sflag:s17] =	ssyncadd.s32 $0xFFFFD800  }
0xd8: {  	v5 =	vld [tilespmem:s14+$0x30]  }
0xd9: {  	v8 =	vld [tilespmem:s14+$0x10]  }
0xda: {  	v6 =	vld [tilespmem:s14+$0xFFFFFFC0]  }
0xdb: {  	v2 =	vld.idx.msk [tilespmem:v1+s21+$0x0], $0xffff  }
0xdc: {  	v11 =	vld [tilespmem:s14+$0xFFFFFFE0]  }
0xdd: {  	v1 =	vld [tilespmem:s14+$0xFFFFFFF0]  }
0xde: {  	v3 =	vld [tilespmem:s14+$0x20]  }
0xdf: {  	v4 =	vld [tilespmem:s14+$0xFFFFFFD0]  }
0xe0: {  	v9 =	vmul.f32 v2, v5;
	v5 =	vld [tilespmem:s14+$0x0]  }
0xe1: {  	s31 =	simm.s32 $0x1;
	v7 =	vmul.f32 v2, v6  }
0xe2: {  	s28 =	simm.s32 $0x2;
	v10 =	vmov s31;
	s18 =	simm.s32 $0x3440;
	v6 =	vmul.f32 v2, v11;
	v8 =	vmul.f32 v2, v8  }
.LBB2_7:
0xe3: {  	p2 =	sne.s32 s28, $0x4F  }
0xe4: {  	v10 =	vand.u32 $0x7F, v10;
	v4 =	vmul.f32 v2, v4;
	v3 =	vmul.f32 v2, v3;
	[tilespmem:s14+$0x30] =	vst v9;
	s18 =	sadd.s32 $0x80, s18;
	s31 =	smov.u32 s28;
	s28 =	sadd.s32 $0x1, s28  }
0xe5: {  	v9 =	vor.u32 $0x100, v10;
	[tilespmem:s14+$0xFFFFFFC0] =	vst v7;
	v7 =	vmul.f32 v2, v1;
	v2 =	vmul.f32 v2, v5  }
0xe6: {  	v5 =	vbroadcast v9, $0x0;
	[tilespmem:s14+$0x10] =	vst v8  }
0xe7: {  	[tilespmem:s14+$0xFFFFFFE0] =	vst v6  }
0xe8: {  	v1 =	vld [tilespmem:s18+$0xFFFFFFF0];
	[tilespmem:s14+$0xFFFFFFF0] =	vst v7  }
0xe9: {  	v6 =	vld [tilespmem:s18+$0x30];
	[tilespmem:s14+$0x0] =	vst v2  }
0xea: {  	v8 =	vld [tilespmem:s18+$0x10];
	[tilespmem:s14+$0x20] =	vst v3  }
0xeb: {  	v7 =	vld [tilespmem:s18+$0xFFFFFFC0];
	[tilespmem:s14+$0xFFFFFFD0] =	vst v4;
	s14 =	smov.u32 s18  }
0xec: {  	v2 =	vld.idx.msk [tilespmem:v5+s21+$0x0], $0xffff  }
0xed: {  	v11 =	vld [tilespmem:s18+$0xFFFFFFE0]  }
0xee: {  	v3 =	vld [tilespmem:s18+$0x20]  }
.Ltmp4:
0xef: {  	v4 =	vld [tilespmem:s18+$0xFFFFFFD0];
	(pc) =	sbr.rel @p2 .LBB2_7-.Ltmp4, $3  }
0xf0: {  	v5 =	vld [tilespmem:s18+$0x0];
	_ =	sdelay $0x1  }
0xf1: {  	v7 =	vmul.f32 v2, v7;
	v9 =	vmul.f32 v2, v6  }
0xf2: {  	v10 =	vmov s31;
	v8 =	vmul.f32 v2, v8;
	v6 =	vmul.f32 v2, v11  }
0xf3: {  	[tilespmem:s14+$0xFFFFFFC0] =	vst v7;
	v7 =	vand.u32 $0x7F, v10  }
0xf4: {  	[tilespmem:s14+$0x30] =	vst v9;
	v7 =	vor.u32 $0x100, v7  }
0xf5: {  	v1 =	vmul.f32 v2, v1;
	[tilespmem:s14+$0xFFFFFFE0] =	vst v6;
	v6 =	vbroadcast v7, $0x0  }
0xf6: {  	s18 =	sadd.s32 $0x80, s18;
	[tilespmem:s14+$0x10] =	vst v8;
	v5 =	vmul.f32 v2, v5  }
0xf7: {  	v3 =	vmul.f32 v2, v3;
	v7 =	vld [tilespmem:s18+$0xFFFFFFF0];
	[tilespmem:s14+$0xFFFFFFF0] =	vst v1  }
0xf8: {  	v2 =	vmul.f32 v2, v4;
	v1 =	vld [tilespmem:s18+$0x30];
	[tilespmem:s14+$0x0] =	vst v5  }
0xf9: {  	v4 =	vld [tilespmem:s18+$0x10];
	[tilespmem:s14+$0x20] =	vst v3  }
0xfa: {  	v3 =	vld [tilespmem:s18+$0xFFFFFFC0];
	[tilespmem:s14+$0xFFFFFFD0] =	vst v2  }
0xfb: {  	v2 =	vld.idx.msk [tilespmem:v6+s21+$0x0], $0xffff;
	_ =	sdelay $0x2  }
0xfc: {  	v5 =	vld [tilespmem:s18+$0xFFFFFFE0];
	_ =	sdelay $0x1  }
0xfd: {  	v6 =	vld [tilespmem:s18+$0x0];
	v1 =	vmul.f32 v2, v1  }
0xfe: {  	v8 =	vld [tilespmem:s18+$0x20];
	v3 =	vmul.f32 v2, v3  }
0xff: {  	v9 =	vld [tilespmem:s18+$0xFFFFFFD0];
	v4 =	vmul.f32 v2, v4;
	[tilespmem:s18+$0x30] =	vst v1  }
0x100: {  	v1 =	vmul.f32 v2, v5;
	[tilespmem:s18+$0xFFFFFFC0] =	vst v3  }
0x101: {  	v3 =	vmul.f32 v2, v7;
	[tilespmem:s18+$0x10] =	vst v4  }
0x102: {  	v4 =	vmul.f32 v2, v6;
	[tilespmem:s18+$0xFFFFFFE0] =	vst v1  }
0x103: {  	v1 =	vmul.f32 v2, v8;
	[tilespmem:s18+$0xFFFFFFF0] =	vst v3  }
0x104: {  	v2 =	vmul.f32 v2, v9;
	[tilespmem:s18+$0x0] =	vst v4  }
0x105: {  	[tilespmem:s18+$0x20] =	vst v1  }
0x106: {  	[tilespmem:s18+$0xFFFFFFD0] =	vst v2;
	s18 =	simm.s32 $0x280  }
0x107: {  	[spmem:s2] =	stream.indirect.scatter.add.f32 [tilespmem:s0], [sflag:$0xC], $0x80, s18, s29, $0xb8;
	[tilespmem:$0x1E480] =	vst v63  }
0x108: {  	_ =	swait.ge [sflag:s19], $0x2800  }
0x109: {  	[sflag:s19] =	ssyncset.done $0x0  }
0x10a: {  	s14 =	simm.s32 @!p1 $0x6;
	[sflag:s19] =	ssyncadd.s32 $0xFFFFD800  }
0x10b: {  	_ =	swait.ge @!p1 [sflag:s14], $0x180  }
0x10c: {  	s28 =	simm.s32 @!p1 $0x3400;
	[sflag:s14] =	ssyncset.done @!p1 $0x0  }
0x10d: {  	s18 =	simm.s32 @!p1 $0xA00;
	[sflag:s14] =	ssyncadd.s32 @!p1 $0xFFFFFE80;
	s14 =	simm.s32 @!p1 $0x50  }
0x10e: {  	[tilespmem:s28], [sflag:$0x8] =	stream.indirect.gather @!p1 [hbm4b:s1+s14], $0x80, s18, s14, $0xb8;
	[tilespmem:$0x1E480] =	vst v63  }
0x10f: {  	s14 =	rddreg [dreg:$0xa]  }
0x110: {  	s31 =	simm.s32 $0x0;
	s14 =	sadd.s32 @!p1 s14, s12  }
0x111: {  	v1 =	vmov s31;
	s14 =	sshrl.u32 @!p1 s14, $0x3  }
0x112: {  	v1 =	vand.u32 $0x7F, v1;
	s18 =	simm.s32 @!p1 $0x0;
	s28 =	simm.s32 @!p1 $0x200;
	s14 =	sadd.s32 @!p1 s5, s14  }
0x113: {  	v1 =	vor.u32 $0x100, v1;
	[tilespmem:s28], [sflag:$0x2] =	stream.linear.gather @!p1 [hbm4b:s14+s18], $0x180, $0x38;
	[tilespmem:$0x1E480] =	vst v63  }
0x114: {  	v1 =	vbroadcast v1, $0x0;
	_ =	swait.ge [sflag:s22], $0x2800  }
0x115: {  	[sflag:s22] =	ssyncset.done $0x0  }
0x116: {  	s14 =	simm.s32 $0x5C40;
	[sflag:s22] =	ssyncadd.s32 $0xFFFFD800  }
0x117: {  	v5 =	vld [tilespmem:s14+$0x30]  }
0x118: {  	v8 =	vld [tilespmem:s14+$0x10]  }
0x119: {  	v6 =	vld [tilespmem:s14+$0xFFFFFFC0]  }
0x11a: {  	v2 =	vld.idx.msk [tilespmem:v1+s24+$0x0], $0xffff  }
0x11b: {  	v11 =	vld [tilespmem:s14+$0xFFFFFFE0]  }
0x11c: {  	v1 =	vld [tilespmem:s14+$0xFFFFFFF0]  }
0x11d: {  	v3 =	vld [tilespmem:s14+$0x20]  }
0x11e: {  	v4 =	vld [tilespmem:s14+$0xFFFFFFD0]  }
0x11f: {  	v9 =	vmul.f32 v2, v5;
	v5 =	vld [tilespmem:s14+$0x0]  }
0x120: {  	s31 =	simm.s32 $0x1;
	v7 =	vmul.f32 v2, v6  }
0x121: {  	v10 =	vmov s31;
	s28 =	simm.s32 $0x2;
	s18 =	simm.s32 $0x5C40;
	v6 =	vmul.f32 v2, v11;
	v8 =	vmul.f32 v2, v8  }
.LBB2_9:
0x122: {  	p2 =	sne.s32 s28, $0x4F  }
0x123: {  	v10 =	vand.u32 $0x7F, v10;
	v4 =	vmul.f32 v2, v4;
	v3 =	vmul.f32 v2, v3;
	[tilespmem:s14+$0x30] =	vst v9;
	s18 =	sadd.s32 $0x80, s18;
	s31 =	smov.u32 s28;
	s28 =	sadd.s32 $0x1, s28  }
0x124: {  	v9 =	vor.u32 $0x100, v10;
	[tilespmem:s14+$0xFFFFFFC0] =	vst v7;
	v7 =	vmul.f32 v2, v1;
	v2 =	vmul.f32 v2, v5  }
0x125: {  	v5 =	vbroadcast v9, $0x0;
	[tilespmem:s14+$0x10] =	vst v8  }
0x126: {  	[tilespmem:s14+$0xFFFFFFE0] =	vst v6  }
0x127: {  	v1 =	vld [tilespmem:s18+$0xFFFFFFF0];
	[tilespmem:s14+$0xFFFFFFF0] =	vst v7  }
0x128: {  	v6 =	vld [tilespmem:s18+$0x30];
	[tilespmem:s14+$0x0] =	vst v2  }
0x129: {  	v8 =	vld [tilespmem:s18+$0x10];
	[tilespmem:s14+$0x20] =	vst v3  }
0x12a: {  	v7 =	vld [tilespmem:s18+$0xFFFFFFC0];
	[tilespmem:s14+$0xFFFFFFD0] =	vst v4;
	s14 =	smov.u32 s18  }
0x12b: {  	v2 =	vld.idx.msk [tilespmem:v5+s24+$0x0], $0xffff  }
0x12c: {  	v11 =	vld [tilespmem:s18+$0xFFFFFFE0]  }
0x12d: {  	v3 =	vld [tilespmem:s18+$0x20]  }
.Ltmp5:
0x12e: {  	v4 =	vld [tilespmem:s18+$0xFFFFFFD0];
	(pc) =	sbr.rel @p2 .LBB2_9-.Ltmp5, $3  }
0x12f: {  	v5 =	vld [tilespmem:s18+$0x0];
	_ =	sdelay $0x1  }
0x130: {  	v7 =	vmul.f32 v2, v7;
	v9 =	vmul.f32 v2, v6  }
0x131: {  	v10 =	vmov s31;
	v8 =	vmul.f32 v2, v8;
	v6 =	vmul.f32 v2, v11  }
0x132: {  	[tilespmem:s14+$0xFFFFFFC0] =	vst v7;
	v7 =	vand.u32 $0x7F, v10  }
0x133: {  	[tilespmem:s14+$0x30] =	vst v9;
	v7 =	vor.u32 $0x100, v7  }
0x134: {  	v1 =	vmul.f32 v2, v1;
	[tilespmem:s14+$0xFFFFFFE0] =	vst v6;
	v6 =	vbroadcast v7, $0x0  }
0x135: {  	s18 =	sadd.s32 $0x80, s18;
	[tilespmem:s14+$0x10] =	vst v8;
	v5 =	vmul.f32 v2, v5  }
0x136: {  	v3 =	vmul.f32 v2, v3;
	v7 =	vld [tilespmem:s18+$0xFFFFFFF0];
	[tilespmem:s14+$0xFFFFFFF0] =	vst v1  }
0x137: {  	v2 =	vmul.f32 v2, v4;
	v1 =	vld [tilespmem:s18+$0x30];
	[tilespmem:s14+$0x0] =	vst v5  }
0x138: {  	v4 =	vld [tilespmem:s18+$0x10];
	[tilespmem:s14+$0x20] =	vst v3  }
0x139: {  	v3 =	vld [tilespmem:s18+$0xFFFFFFC0];
	[tilespmem:s14+$0xFFFFFFD0] =	vst v2  }
0x13a: {  	v2 =	vld.idx.msk [tilespmem:v6+s24+$0x0], $0xffff;
	_ =	sdelay $0x2  }
0x13b: {  	v5 =	vld [tilespmem:s18+$0xFFFFFFE0];
	_ =	sdelay $0x1  }
0x13c: {  	v6 =	vld [tilespmem:s18+$0x0];
	v1 =	vmul.f32 v2, v1  }
0x13d: {  	v8 =	vld [tilespmem:s18+$0x20];
	v3 =	vmul.f32 v2, v3  }
0x13e: {  	v9 =	vld [tilespmem:s18+$0xFFFFFFD0];
	v4 =	vmul.f32 v2, v4;
	[tilespmem:s18+$0x30] =	vst v1  }
0x13f: {  	v1 =	vmul.f32 v2, v5;
	[tilespmem:s18+$0xFFFFFFC0] =	vst v3  }
0x140: {  	v3 =	vmul.f32 v2, v7;
	[tilespmem:s18+$0x10] =	vst v4  }
0x141: {  	v4 =	vmul.f32 v2, v6;
	[tilespmem:s18+$0xFFFFFFE0] =	vst v1  }
0x142: {  	v1 =	vmul.f32 v2, v8;
	[tilespmem:s18+$0xFFFFFFF0] =	vst v3  }
0x143: {  	v2 =	vmul.f32 v2, v9;
	[tilespmem:s18+$0x0] =	vst v4  }
0x144: {  	[tilespmem:s18+$0x20] =	vst v1  }
0x145: {  	[tilespmem:s18+$0xFFFFFFD0] =	vst v2;
	s18 =	simm.s32 $0x480  }
0x146: {  	[spmem:s2] =	stream.indirect.scatter.add.f32 [tilespmem:s7], [sflag:$0xD], $0x80, s18, s29, $0xb8;
	[tilespmem:$0x1E480] =	vst v63  }
0x147: {  	_ =	swait.ge [sflag:s10], $0x2800  }
0x148: {  	[sflag:s10] =	ssyncset.done $0x0  }
0x149: {  	s14 =	simm.s32 @!p1 $0x1;
	[sflag:s10] =	ssyncadd.s32 $0xFFFFD800  }
0x14a: {  	_ =	swait.ge @!p1 [sflag:s14], $0x180  }
0x14b: {  	s28 =	simm.s32 @!p1 $0x5C00;
	[sflag:s14] =	ssyncset.done @!p1 $0x0  }
0x14c: {  	s18 =	simm.s32 @!p1 $0x0;
	[sflag:s14] =	ssyncadd.s32 @!p1 $0xFFFFFE80;
	s14 =	simm.s32 @!p1 $0x50  }
0x14d: {  	[tilespmem:s28], [sflag:$0x9] =	stream.indirect.gather @!p1 [hbm4b:s1+s14], $0x80, s18, s14, $0xb8;
	[tilespmem:$0x1E480] =	vst v63  }
0x14e: {  	s14 =	rddreg [dreg:$0xb]  }
0x14f: {  	s28 =	simm.s32 $0x0;
	s14 =	sadd.s32 @!p1 s14, s12  }
0x150: {  	v1 =	vmov s28;
	s14 =	sshrl.u32 @!p1 s14, $0x3  }
0x151: {  	s28 =	simm.s32 @!p1 $0x400;
	v1 =	vand.u32 $0x7F, v1;
	s14 =	sadd.s32 @!p1 s5, s14  }
0x152: {  	v1 =	vor.u32 $0x100, v1;
	[tilespmem:s28], [sflag:$0x3] =	stream.linear.gather @!p1 [hbm4b:s14+s18], $0x180, $0x38;
	[tilespmem:$0x1E480] =	vst v63  }
0x153: {  	v1 =	vbroadcast v1, $0x0;
	_ =	swait.ge [sflag:s11], $0x2800  }
0x154: {  	[sflag:s11] =	ssyncset.done $0x0  }
0x155: {  	s14 =	simm.s32 $0x8440;
	[sflag:s11] =	ssyncadd.s32 $0xFFFFD800  }
0x156: {  	v5 =	vld [tilespmem:s14+$0x30]  }
0x157: {  	v8 =	vld [tilespmem:s14+$0x10]  }
0x158: {  	v6 =	vld [tilespmem:s14+$0xFFFFFFC0]  }
0x159: {  	v2 =	vld.idx.msk [tilespmem:v1+s25+$0x0], $0xffff  }
0x15a: {  	v11 =	vld [tilespmem:s14+$0xFFFFFFE0]  }
0x15b: {  	v3 =	vld [tilespmem:s14+$0x20]  }
0x15c: {  	v4 =	vld [tilespmem:s14+$0xFFFFFFD0]  }
0x15d: {  	v1 =	vld [tilespmem:s14+$0xFFFFFFF0]  }
0x15e: {  	v9 =	vmul.f32 v2, v5;
	v5 =	vld [tilespmem:s14+$0x0]  }
0x15f: {  	s31 =	simm.s32 $0x1;
	v7 =	vmul.f32 v2, v6  }
0x160: {  	v10 =	vmov s31;
	s28 =	simm.s32 $0x2;
	s18 =	simm.s32 $0x8440;
	v6 =	vmul.f32 v2, v11;
	v8 =	vmul.f32 v2, v8  }
.LBB2_11:
0x161: {  	p2 =	sne.s32 s28, $0x4F  }
0x162: {  	v10 =	vand.u32 $0x7F, v10;
	v4 =	vmul.f32 v2, v4;
	v3 =	vmul.f32 v2, v3;
	[tilespmem:s14+$0x30] =	vst v9;
	s18 =	sadd.s32 $0x80, s18;
	s31 =	smov.u32 s28;
	s28 =	sadd.s32 $0x1, s28  }
0x163: {  	v9 =	vor.u32 $0x100, v10;
	[tilespmem:s14+$0xFFFFFFC0] =	vst v7;
	v7 =	vmul.f32 v2, v1;
	v2 =	vmul.f32 v2, v5  }
0x164: {  	v5 =	vbroadcast v9, $0x0;
	[tilespmem:s14+$0x10] =	vst v8  }
0x165: {  	[tilespmem:s14+$0xFFFFFFE0] =	vst v6  }
0x166: {  	v1 =	vld [tilespmem:s18+$0xFFFFFFF0];
	[tilespmem:s14+$0xFFFFFFF0] =	vst v7  }
0x167: {  	v6 =	vld [tilespmem:s18+$0x30];
	[tilespmem:s14+$0x0] =	vst v2  }
0x168: {  	v8 =	vld [tilespmem:s18+$0x10];
	[tilespmem:s14+$0x20] =	vst v3  }
0x169: {  	v7 =	vld [tilespmem:s18+$0xFFFFFFC0];
	[tilespmem:s14+$0xFFFFFFD0] =	vst v4;
	s14 =	smov.u32 s18  }
0x16a: {  	v2 =	vld.idx.msk [tilespmem:v5+s25+$0x0], $0xffff  }
0x16b: {  	v11 =	vld [tilespmem:s18+$0xFFFFFFE0]  }
0x16c: {  	v3 =	vld [tilespmem:s18+$0x20]  }
.Ltmp6:
0x16d: {  	v4 =	vld [tilespmem:s18+$0xFFFFFFD0];
	(pc) =	sbr.rel @p2 .LBB2_11-.Ltmp6, $3  }
0x16e: {  	v5 =	vld [tilespmem:s18+$0x0];
	_ =	sdelay $0x1  }
0x16f: {  	v7 =	vmul.f32 v2, v7;
	v9 =	vmul.f32 v2, v6  }
0x170: {  	v10 =	vmov s31;
	v8 =	vmul.f32 v2, v8;
	v6 =	vmul.f32 v2, v11  }
0x171: {  	[tilespmem:s14+$0xFFFFFFC0] =	vst v7;
	v7 =	vand.u32 $0x7F, v10  }
0x172: {  	[tilespmem:s14+$0x30] =	vst v9;
	v7 =	vor.u32 $0x100, v7  }
0x173: {  	v1 =	vmul.f32 v2, v1;
	[tilespmem:s14+$0xFFFFFFE0] =	vst v6;
	v6 =	vbroadcast v7, $0x0  }
0x174: {  	s18 =	sadd.s32 $0x80, s18;
	[tilespmem:s14+$0x10] =	vst v8;
	v5 =	vmul.f32 v2, v5  }
0x175: {  	v3 =	vmul.f32 v2, v3;
	v7 =	vld [tilespmem:s18+$0xFFFFFFF0];
	[tilespmem:s14+$0xFFFFFFF0] =	vst v1  }
0x176: {  	v2 =	vmul.f32 v2, v4;
	v1 =	vld [tilespmem:s18+$0x30];
	[tilespmem:s14+$0x0] =	vst v5  }
0x177: {  	v4 =	vld [tilespmem:s18+$0x10];
	[tilespmem:s14+$0x20] =	vst v3  }
0x178: {  	v3 =	vld [tilespmem:s18+$0xFFFFFFC0];
	[tilespmem:s14+$0xFFFFFFD0] =	vst v2  }
0x179: {  	v2 =	vld.idx.msk [tilespmem:v6+s25+$0x0], $0xffff;
	_ =	sdelay $0x2  }
0x17a: {  	v5 =	vld [tilespmem:s18+$0xFFFFFFE0];
	_ =	sdelay $0x1  }
0x17b: {  	v6 =	vld [tilespmem:s18+$0x0];
	v1 =	vmul.f32 v2, v1  }
0x17c: {  	v8 =	vld [tilespmem:s18+$0x20];
	v3 =	vmul.f32 v2, v3  }
0x17d: {  	v9 =	vld [tilespmem:s18+$0xFFFFFFD0];
	v4 =	vmul.f32 v2, v4;
	[tilespmem:s18+$0x30] =	vst v1  }
0x17e: {  	v1 =	vmul.f32 v2, v5;
	[tilespmem:s18+$0xFFFFFFC0] =	vst v3  }
0x17f: {  	v3 =	vmul.f32 v2, v7;
	[tilespmem:s18+$0x10] =	vst v4  }
0x180: {  	v4 =	vmul.f32 v2, v6;
	[tilespmem:s18+$0xFFFFFFE0] =	vst v1  }
0x181: {  	v1 =	vmul.f32 v2, v8;
	[tilespmem:s18+$0xFFFFFFF0] =	vst v3  }
0x182: {  	v2 =	vmul.f32 v2, v9;
	[tilespmem:s18+$0x0] =	vst v4  }
0x183: {  	[tilespmem:s18+$0x20] =	vst v1  }
0x184: {  	[tilespmem:s18+$0xFFFFFFD0] =	vst v2;
	s18 =	simm.s32 $0x680  }
0x185: {  	[spmem:s2] =	stream.indirect.scatter.add.f32 [tilespmem:s9], [sflag:$0xE], $0x80, s18, s29, $0xb8;
	[tilespmem:$0x1E480] =	vst v63  }
0x186: {  	_ =	swait.ge [sflag:s13], $0x2800  }
0x187: {  	[sflag:s13] =	ssyncset.done $0x0  }
0x188: {  	s14 =	simm.s32 @!p1 $0x2;
	[sflag:s13] =	ssyncadd.s32 $0xFFFFD800  }
0x189: {  	_ =	swait.ge @!p1 [sflag:s14], $0x180  }
0x18a: {  	s28 =	simm.s32 @!p1 $0x8400;
	[sflag:s14] =	ssyncset.done @!p1 $0x0  }
0x18b: {  	s18 =	simm.s32 @!p1 $0x200;
	[sflag:s14] =	ssyncadd.s32 @!p1 $0xFFFFFE80;
	s14 =	simm.s32 @!p1 $0x50  }
0x18c: {  	[tilespmem:s28], [sflag:$0xA] =	stream.indirect.gather @!p1 [hbm4b:s1+s14], $0x80, s18, s14, $0xb8;
	[tilespmem:$0x1E480] =	vst v63  }
0x18d: {  	s14 =	rddreg [dreg:$0xc]  }
0x18e: {  	s28 =	simm.s32 $0x0;
	s12 =	sadd.s32 @!p1 s14, s12  }
0x18f: {  	v1 =	vmov s28;
	s12 =	sshrl.u32 @!p1 s12, $0x3  }
0x190: {  	s18 =	simm.s32 @!p1 $0x600;
	s14 =	simm.s32 @!p1 $0x0;
	v1 =	vand.u32 $0x7F, v1;
	s12 =	sadd.s32 @!p1 s5, s12  }
0x191: {  	v1 =	vor.u32 $0x100, v1;
	[tilespmem:s18], [sflag:$0x4] =	stream.linear.gather @!p1 [hbm4b:s12+s14], $0x180, $0x38;
	[tilespmem:$0x1E480] =	vst v63  }
0x192: {  	v1 =	vbroadcast v1, $0x0;
	_ =	swait.ge [sflag:s8], $0x2800  }
0x193: {  	[sflag:s8] =	ssyncset.done $0x0  }
0x194: {  	s12 =	simm.s32 $0xC40;
	[sflag:s8] =	ssyncadd.s32 $0xFFFFD800  }
0x195: {  	v5 =	vld [tilespmem:s12+$0x30]  }
0x196: {  	v8 =	vld [tilespmem:s12+$0x10]  }
0x197: {  	v6 =	vld [tilespmem:s12+$0xFFFFFFC0]  }
0x198: {  	v2 =	vld.idx.msk [tilespmem:v1+s26+$0x0], $0xffff  }
0x199: {  	v11 =	vld [tilespmem:s12+$0xFFFFFFE0]  }
0x19a: {  	v3 =	vld [tilespmem:s12+$0x20]  }
0x19b: {  	v4 =	vld [tilespmem:s12+$0xFFFFFFD0]  }
0x19c: {  	v1 =	vld [tilespmem:s12+$0xFFFFFFF0]  }
0x19d: {  	v9 =	vmul.f32 v2, v5;
	v5 =	vld [tilespmem:s12+$0x0]  }
0x19e: {  	s31 =	simm.s32 $0x1;
	v7 =	vmul.f32 v2, v6  }
0x19f: {  	v10 =	vmov s31;
	s18 =	simm.s32 $0x2;
	s14 =	simm.s32 $0xC40;
	v6 =	vmul.f32 v2, v11;
	v8 =	vmul.f32 v2, v8  }
.LBB2_13:
0x1a0: {  	p2 =	sne.s32 s18, $0x4F  }
0x1a1: {  	v10 =	vand.u32 $0x7F, v10;
	v4 =	vmul.f32 v2, v4;
	v3 =	vmul.f32 v2, v3;
	[tilespmem:s12+$0x30] =	vst v9;
	s14 =	sadd.s32 $0x80, s14;
	s28 =	smov.u32 s18;
	s18 =	sadd.s32 $0x1, s18  }
0x1a2: {  	v9 =	vor.u32 $0x100, v10;
	[tilespmem:s12+$0xFFFFFFC0] =	vst v7;
	v7 =	vmul.f32 v2, v1;
	v2 =	vmul.f32 v2, v5  }
0x1a3: {  	v5 =	vbroadcast v9, $0x0;
	[tilespmem:s12+$0x10] =	vst v8  }
0x1a4: {  	[tilespmem:s12+$0xFFFFFFE0] =	vst v6  }
0x1a5: {  	v1 =	vld [tilespmem:s14+$0xFFFFFFF0];
	[tilespmem:s12+$0xFFFFFFF0] =	vst v7  }
0x1a6: {  	v6 =	vld [tilespmem:s14+$0x30];
	[tilespmem:s12+$0x0] =	vst v2  }
0x1a7: {  	v8 =	vld [tilespmem:s14+$0x10];
	[tilespmem:s12+$0x20] =	vst v3  }
0x1a8: {  	v7 =	vld [tilespmem:s14+$0xFFFFFFC0];
	[tilespmem:s12+$0xFFFFFFD0] =	vst v4;
	s12 =	smov.u32 s14  }
0x1a9: {  	v2 =	vld.idx.msk [tilespmem:v5+s26+$0x0], $0xffff  }
0x1aa: {  	v11 =	vld [tilespmem:s14+$0xFFFFFFE0]  }
0x1ab: {  	v3 =	vld [tilespmem:s14+$0x20]  }
.Ltmp7:
0x1ac: {  	v4 =	vld [tilespmem:s14+$0xFFFFFFD0];
	(pc) =	sbr.rel @p2 .LBB2_13-.Ltmp7, $3  }
0x1ad: {  	v5 =	vld [tilespmem:s14+$0x0];
	_ =	sdelay $0x1  }
0x1ae: {  	v7 =	vmul.f32 v2, v7;
	v9 =	vmul.f32 v2, v6  }
0x1af: {  	v10 =	vmov s28;
	v8 =	vmul.f32 v2, v8;
	v6 =	vmul.f32 v2, v11  }
0x1b0: {  	[tilespmem:s12+$0x30] =	vst v9;
	v57 =	vand.u32 $0x7F, v10  }
0x1b1: {  	[tilespmem:s12+$0xFFFFFFC0] =	vst v7;
	v7 =	vor.u32 $0x100, v57  }
0x1b2: {  	v1 =	vmul.f32 v2, v1;
	[tilespmem:s12+$0x10] =	vst v8;
	v58 =	vbroadcast v7, $0x0  }
0x1b3: {  	s14 =	sadd.s32 $0x80, s14;
	[tilespmem:s12+$0xFFFFFFE0] =	vst v6;
	v5 =	vmul.f32 v2, v5  }
0x1b4: {  	v3 =	vmul.f32 v2, v3;
	v59 =	vld [tilespmem:s14+$0xFFFFFFF0];
	[tilespmem:s12+$0xFFFFFFF0] =	vst v1  }
0x1b5: {  	v2 =	vmul.f32 v2, v4;
	v1 =	vld [tilespmem:s14+$0x30];
	[tilespmem:s12+$0x0] =	vst v5  }
0x1b6: {  	v60 =	vld [tilespmem:s14+$0x10];
	[tilespmem:s12+$0x20] =	vst v3  }
0x1b7: {  	v3 =	vld [tilespmem:s14+$0xFFFFFFC0];
	[tilespmem:s12+$0xFFFFFFD0] =	vst v2  }
0x1b8: {  	v2 =	vld.idx.msk [tilespmem:v58+s26+$0x0], $0xffff;
	_ =	sdelay $0x2  }
0x1b9: {  	v61 =	vld [tilespmem:s14+$0x0]  }
0x1ba: {  	v5 =	vld [tilespmem:s14+$0xFFFFFFE0]  }
0x1bb: {  	v1 =	vmul.f32 v2, v1  }
0x1bc: {  	v8 =	vld [tilespmem:s14+$0x20];
	v3 =	vmul.f32 v2, v3  }
0x1bd: {  	v62 =	vld [tilespmem:s14+$0xFFFFFFD0];
	v4 =	vmul.f32 v2, v60;
	[tilespmem:s14+$0x30] =	vst v1  }
0x1be: {  	v63 =	vmul.f32 v2, v61;
	[tilespmem:s14+$0xFFFFFFC0] =	vst v3  }
0x1bf: {  	v1 =	vmul.f32 v2, v5;
	[tilespmem:s14+$0x10] =	vst v4  }
0x1c0: {  	v3 =	vmul.f32 v2, v59;
	[tilespmem:s14+$0x0] =	vst v63  }
0x1c1: {  	[tilespmem:s14+$0xFFFFFFE0] =	vst v1;
	v1 =	vmul.f32 v2, v8  }
0x1c2: {  	[tilespmem:s14+$0xFFFFFFF0] =	vst v3;
	v2 =	vmul.f32 v2, v62  }
0x1c3: {  	[tilespmem:s14+$0x20] =	vst v1  }
.Ltmp8:
0x1c4: {  	s31 =	simm.s32 $0x880;
	[tilespmem:s14+$0xFFFFFFD0] =	vst v2;
	(pc) =	sbr.rel @p1 .LBB2_30-.Ltmp8, $4  }
0x1c5: {  	[spmem:s2] =	stream.indirect.scatter.add.f32 [tilespmem:s30], [sflag:$0xB], $0x80, s31, s29, $0xb8;
	[tilespmem:$0x1E480] =	vst v63  }
0x1c6: {  	_ =	swait.ge [sflag:s15], $0x2800  }
0x1c7: {  	[sflag:s15] =	ssyncset.done $0x0  }
0x1c8: {  	[sflag:s15] =	ssyncadd.s32 $0xFFFFD800  }
0x1c9: {  	_ =	swait.ge [sflag:s4], $0x180;
	s12 =	smul.u32 $0x30000, s23  }
0x1ca: {  	[sflag:s4] =	ssyncset.done $0x0;
	s14 =	rddreg [dreg:$0xd]  }
0x1cb: {  	s18 =	simm.s32 $0x0;
	[sflag:s4] =	ssyncadd.s32 $0xFFFFFE80;
	s14 =	sadd.s32 s14, s12  }
0x1cc: {  	[tilespmem:s30], [sflag:$0x7] =	stream.indirect.gather [hbm4b:s1+s29], $0x80, s24, s29, $0xb8;
	[tilespmem:$0x1E480] =	vst v63  }
0x1cd: {  	v1 =	vmov s18;
	s14 =	sshrl.u32 s14, $0x3  }
0x1ce: {  	v1 =	vand.u32 $0x7F, v1;
	s14 =	sadd.s32 s5, s14  }
0x1cf: {  	v1 =	vor.u32 $0x100, v1;
	[tilespmem:s26], [sflag:$0x5] =	stream.linear.gather [hbm4b:s14+s18], $0x180, $0x38;
	[tilespmem:$0x1E480] =	vst v63  }
0x1d0: {  	v1 =	vbroadcast v1, $0x0;
	_ =	swait.ge [sflag:s17], $0x2800  }
0x1d1: {  	[sflag:s17] =	ssyncset.done $0x0  }
0x1d2: {  	s14 =	simm.s32 $0x3440;
	[sflag:s17] =	ssyncadd.s32 $0xFFFFD800  }
0x1d3: {  	v5 =	vld [tilespmem:s14+$0x30]  }
0x1d4: {  	v8 =	vld [tilespmem:s14+$0x10]  }
0x1d5: {  	v6 =	vld [tilespmem:s14+$0xFFFFFFC0]  }
0x1d6: {  	v2 =	vld.idx.msk [tilespmem:v1+s20+$0x0], $0xffff  }
0x1d7: {  	v11 =	vld [tilespmem:s14+$0xFFFFFFE0]  }
0x1d8: {  	v3 =	vld [tilespmem:s14+$0x20]  }
0x1d9: {  	v4 =	vld [tilespmem:s14+$0xFFFFFFD0]  }
0x1da: {  	v1 =	vld [tilespmem:s14+$0xFFFFFFF0]  }
0x1db: {  	v9 =	vmul.f32 v2, v5;
	v5 =	vld [tilespmem:s14+$0x0]  }
0x1dc: {  	s31 =	simm.s32 $0x1;
	v7 =	vmul.f32 v2, v6  }
0x1dd: {  	s28 =	simm.s32 $0x2;
	v10 =	vmov s31;
	s18 =	simm.s32 $0x3440;
	v6 =	vmul.f32 v2, v11;
	v8 =	vmul.f32 v2, v8  }
.LBB2_16:
0x1de: {  	p1 =	sne.s32 s28, $0x4F  }
0x1df: {  	v10 =	vand.u32 $0x7F, v10;
	v4 =	vmul.f32 v2, v4;
	v3 =	vmul.f32 v2, v3;
	[tilespmem:s14+$0x30] =	vst v9;
	s18 =	sadd.s32 $0x80, s18;
	s31 =	smov.u32 s28;
	s28 =	sadd.s32 $0x1, s28  }
0x1e0: {  	v9 =	vor.u32 $0x100, v10;
	[tilespmem:s14+$0xFFFFFFC0] =	vst v7;
	v7 =	vmul.f32 v2, v1;
	v2 =	vmul.f32 v2, v5  }
0x1e1: {  	v5 =	vbroadcast v9, $0x0;
	[tilespmem:s14+$0x10] =	vst v8  }
0x1e2: {  	[tilespmem:s14+$0xFFFFFFE0] =	vst v6  }
0x1e3: {  	v1 =	vld [tilespmem:s18+$0xFFFFFFF0];
	[tilespmem:s14+$0xFFFFFFF0] =	vst v7  }
0x1e4: {  	v6 =	vld [tilespmem:s18+$0x30];
	[tilespmem:s14+$0x0] =	vst v2  }
0x1e5: {  	v8 =	vld [tilespmem:s18+$0x10];
	[tilespmem:s14+$0x20] =	vst v3  }
0x1e6: {  	v7 =	vld [tilespmem:s18+$0xFFFFFFC0];
	[tilespmem:s14+$0xFFFFFFD0] =	vst v4;
	s14 =	smov.u32 s18  }
0x1e7: {  	v2 =	vld.idx.msk [tilespmem:v5+s20+$0x0], $0xffff  }
0x1e8: {  	v11 =	vld [tilespmem:s18+$0xFFFFFFE0]  }
0x1e9: {  	v3 =	vld [tilespmem:s18+$0x20]  }
.Ltmp9:
0x1ea: {  	v4 =	vld [tilespmem:s18+$0xFFFFFFD0];
	(pc) =	sbr.rel @p1 .LBB2_16-.Ltmp9, $3  }
0x1eb: {  	v5 =	vld [tilespmem:s18+$0x0];
	_ =	sdelay $0x1  }
0x1ec: {  	v7 =	vmul.f32 v2, v7;
	v9 =	vmul.f32 v2, v6  }
0x1ed: {  	v10 =	vmov s31;
	v8 =	vmul.f32 v2, v8;
	v6 =	vmul.f32 v2, v11  }
0x1ee: {  	[tilespmem:s14+$0xFFFFFFC0] =	vst v7;
	v7 =	vand.u32 $0x7F, v10  }
0x1ef: {  	[tilespmem:s14+$0x30] =	vst v9;
	v7 =	vor.u32 $0x100, v7  }
0x1f0: {  	v1 =	vmul.f32 v2, v1;
	[tilespmem:s14+$0xFFFFFFE0] =	vst v6;
	v6 =	vbroadcast v7, $0x0  }
0x1f1: {  	s18 =	sadd.s32 $0x80, s18;
	[tilespmem:s14+$0x10] =	vst v8;
	v5 =	vmul.f32 v2, v5  }
0x1f2: {  	v3 =	vmul.f32 v2, v3;
	v7 =	vld [tilespmem:s18+$0xFFFFFFF0];
	[tilespmem:s14+$0xFFFFFFF0] =	vst v1  }
0x1f3: {  	v2 =	vmul.f32 v2, v4;
	v1 =	vld [tilespmem:s18+$0x30];
	[tilespmem:s14+$0x0] =	vst v5  }
0x1f4: {  	v4 =	vld [tilespmem:s18+$0x10];
	[tilespmem:s14+$0x20] =	vst v3  }
0x1f5: {  	v3 =	vld [tilespmem:s18+$0xFFFFFFC0];
	[tilespmem:s14+$0xFFFFFFD0] =	vst v2  }
0x1f6: {  	v2 =	vld.idx.msk [tilespmem:v6+s20+$0x0], $0xffff;
	_ =	sdelay $0x2  }
0x1f7: {  	v5 =	vld [tilespmem:s18+$0xFFFFFFE0];
	_ =	sdelay $0x1  }
0x1f8: {  	v6 =	vld [tilespmem:s18+$0x0];
	v1 =	vmul.f32 v2, v1  }
0x1f9: {  	v8 =	vld [tilespmem:s18+$0x20];
	v3 =	vmul.f32 v2, v3  }
0x1fa: {  	v9 =	vld [tilespmem:s18+$0xFFFFFFD0];
	v4 =	vmul.f32 v2, v4;
	[tilespmem:s18+$0x30] =	vst v1  }
0x1fb: {  	v1 =	vmul.f32 v2, v5;
	[tilespmem:s18+$0xFFFFFFC0] =	vst v3  }
0x1fc: {  	v3 =	vmul.f32 v2, v7;
	[tilespmem:s18+$0x10] =	vst v4  }
0x1fd: {  	v4 =	vmul.f32 v2, v6;
	[tilespmem:s18+$0xFFFFFFE0] =	vst v1  }
0x1fe: {  	v1 =	vmul.f32 v2, v8;
	[tilespmem:s18+$0xFFFFFFF0] =	vst v3  }
0x1ff: {  	v2 =	vmul.f32 v2, v9;
	[tilespmem:s18+$0x0] =	vst v4  }
0x200: {  	[tilespmem:s18+$0x20] =	vst v1  }
0x201: {  	s31 =	simm.s32 $0xA80;
	[tilespmem:s18+$0xFFFFFFD0] =	vst v2  }
0x202: {  	[spmem:s2] =	stream.indirect.scatter.add.f32 [tilespmem:s0], [sflag:$0xC], $0x80, s31, s29, $0xb8;
	[tilespmem:$0x1E480] =	vst v63  }
0x203: {  	_ =	swait.ge [sflag:s19], $0x2800  }
0x204: {  	[sflag:s19] =	ssyncset.done $0x0  }
0x205: {  	[sflag:s19] =	ssyncadd.s32 $0xFFFFD800  }
0x206: {  	_ =	swait.ge [sflag:s6], $0x180  }
0x207: {  	[sflag:s6] =	ssyncset.done $0x0;
	s18 =	rddreg [dreg:$0xe]  }
0x208: {  	s31 =	simm.s32 $0x0;
	[sflag:s6] =	ssyncadd.s32 $0xFFFFFE80;
	s14 =	sadd.s32 s18, s12  }
0x209: {  	[tilespmem:s0], [sflag:$0x8] =	stream.indirect.gather [hbm4b:s1+s29], $0x80, s25, s29, $0xb8;
	[tilespmem:$0x1E480] =	vst v63  }
0x20a: {  	v1 =	vmov s31;
	s14 =	sshrl.u32 s14, $0x3  }
0x20b: {  	v1 =	vand.u32 $0x7F, v1;
	s14 =	sadd.s32 s5, s14  }
0x20c: {  	v1 =	vor.u32 $0x100, v1;
	[tilespmem:s20], [sflag:$0x6] =	stream.linear.gather [hbm4b:s14+s31], $0x180, $0x38;
	[tilespmem:$0x1E480] =	vst v63  }
0x20d: {  	v1 =	vbroadcast v1, $0x0;
	_ =	swait.ge [sflag:s22], $0x2800  }
0x20e: {  	[sflag:s22] =	ssyncset.done $0x0  }
0x20f: {  	s14 =	simm.s32 $0x5C40;
	[sflag:s22] =	ssyncadd.s32 $0xFFFFD800  }
0x210: {  	v5 =	vld [tilespmem:s14+$0x30]  }
0x211: {  	v8 =	vld [tilespmem:s14+$0x10]  }
0x212: {  	v6 =	vld [tilespmem:s14+$0xFFFFFFC0]  }
0x213: {  	v2 =	vld.idx.msk [tilespmem:v1+s3+$0x0], $0xffff  }
0x214: {  	v11 =	vld [tilespmem:s14+$0xFFFFFFE0]  }
0x215: {  	v1 =	vld [tilespmem:s14+$0xFFFFFFF0]  }
0x216: {  	v3 =	vld [tilespmem:s14+$0x20]  }
0x217: {  	v4 =	vld [tilespmem:s14+$0xFFFFFFD0]  }
0x218: {  	v9 =	vmul.f32 v2, v5;
	v5 =	vld [tilespmem:s14+$0x0]  }
0x219: {  	s31 =	simm.s32 $0x1;
	v7 =	vmul.f32 v2, v6  }
0x21a: {  	s28 =	simm.s32 $0x2;
	s18 =	simm.s32 $0x5C40;
	v10 =	vmov s31;
	v6 =	vmul.f32 v2, v11;
	v8 =	vmul.f32 v2, v8  }
.LBB2_18:
0x21b: {  	p1 =	sne.s32 s28, $0x4F  }
0x21c: {  	v10 =	vand.u32 $0x7F, v10;
	v4 =	vmul.f32 v2, v4;
	v3 =	vmul.f32 v2, v3;
	[tilespmem:s14+$0x30] =	vst v9;
	s18 =	sadd.s32 $0x80, s18;
	s31 =	smov.u32 s28;
	s28 =	sadd.s32 $0x1, s28  }
0x21d: {  	v9 =	vor.u32 $0x100, v10;
	[tilespmem:s14+$0xFFFFFFC0] =	vst v7;
	v7 =	vmul.f32 v2, v1;
	v2 =	vmul.f32 v2, v5  }
0x21e: {  	v5 =	vbroadcast v9, $0x0;
	[tilespmem:s14+$0x10] =	vst v8  }
0x21f: {  	[tilespmem:s14+$0xFFFFFFE0] =	vst v6  }
0x220: {  	v1 =	vld [tilespmem:s18+$0xFFFFFFF0];
	[tilespmem:s14+$0xFFFFFFF0] =	vst v7  }
0x221: {  	v6 =	vld [tilespmem:s18+$0x30];
	[tilespmem:s14+$0x0] =	vst v2  }
0x222: {  	v8 =	vld [tilespmem:s18+$0x10];
	[tilespmem:s14+$0x20] =	vst v3  }
0x223: {  	v7 =	vld [tilespmem:s18+$0xFFFFFFC0];
	[tilespmem:s14+$0xFFFFFFD0] =	vst v4;
	s14 =	smov.u32 s18  }
0x224: {  	v2 =	vld.idx.msk [tilespmem:v5+s3+$0x0], $0xffff  }
0x225: {  	v11 =	vld [tilespmem:s18+$0xFFFFFFE0]  }
0x226: {  	v3 =	vld [tilespmem:s18+$0x20]  }
.Ltmp10:
0x227: {  	v4 =	vld [tilespmem:s18+$0xFFFFFFD0];
	(pc) =	sbr.rel @p1 .LBB2_18-.Ltmp10, $3  }
0x228: {  	v5 =	vld [tilespmem:s18+$0x0];
	_ =	sdelay $0x1  }
0x229: {  	v7 =	vmul.f32 v2, v7;
	v9 =	vmul.f32 v2, v6  }
0x22a: {  	v10 =	vmov s31;
	v8 =	vmul.f32 v2, v8;
	v6 =	vmul.f32 v2, v11  }
0x22b: {  	[tilespmem:s14+$0xFFFFFFC0] =	vst v7;
	v7 =	vand.u32 $0x7F, v10  }
0x22c: {  	[tilespmem:s14+$0x30] =	vst v9;
	v7 =	vor.u32 $0x100, v7  }
0x22d: {  	v1 =	vmul.f32 v2, v1;
	[tilespmem:s14+$0xFFFFFFE0] =	vst v6;
	v6 =	vbroadcast v7, $0x0  }
0x22e: {  	s18 =	sadd.s32 $0x80, s18;
	[tilespmem:s14+$0x10] =	vst v8;
	v5 =	vmul.f32 v2, v5  }
0x22f: {  	v3 =	vmul.f32 v2, v3;
	v7 =	vld [tilespmem:s18+$0xFFFFFFF0];
	[tilespmem:s14+$0xFFFFFFF0] =	vst v1  }
0x230: {  	v2 =	vmul.f32 v2, v4;
	v1 =	vld [tilespmem:s18+$0x30];
	[tilespmem:s14+$0x0] =	vst v5  }
0x231: {  	v4 =	vld [tilespmem:s18+$0x10];
	[tilespmem:s14+$0x20] =	vst v3  }
0x232: {  	v3 =	vld [tilespmem:s18+$0xFFFFFFC0];
	[tilespmem:s14+$0xFFFFFFD0] =	vst v2  }
0x233: {  	v2 =	vld.idx.msk [tilespmem:v6+s3+$0x0], $0xffff;
	_ =	sdelay $0x2  }
0x234: {  	v5 =	vld [tilespmem:s18+$0xFFFFFFE0];
	_ =	sdelay $0x1  }
0x235: {  	v6 =	vld [tilespmem:s18+$0x0];
	v1 =	vmul.f32 v2, v1  }
0x236: {  	v8 =	vld [tilespmem:s18+$0x20];
	v3 =	vmul.f32 v2, v3  }
0x237: {  	v9 =	vld [tilespmem:s18+$0xFFFFFFD0];
	v4 =	vmul.f32 v2, v4;
	[tilespmem:s18+$0x30] =	vst v1  }
0x238: {  	v1 =	vmul.f32 v2, v5;
	[tilespmem:s18+$0xFFFFFFC0] =	vst v3  }
0x239: {  	v3 =	vmul.f32 v2, v7;
	[tilespmem:s18+$0x10] =	vst v4  }
0x23a: {  	v4 =	vmul.f32 v2, v6;
	[tilespmem:s18+$0xFFFFFFE0] =	vst v1  }
0x23b: {  	v1 =	vmul.f32 v2, v8;
	[tilespmem:s18+$0xFFFFFFF0] =	vst v3  }
0x23c: {  	v2 =	vmul.f32 v2, v9;
	[tilespmem:s18+$0x0] =	vst v4  }
0x23d: {  	[tilespmem:s18+$0x20] =	vst v1  }
0x23e: {  	s31 =	simm.s32 $0x80;
	[tilespmem:s18+$0xFFFFFFD0] =	vst v2  }
0x23f: {  	[spmem:s2] =	stream.indirect.scatter.add.f32 [tilespmem:s7], [sflag:$0xD], $0x80, s31, s29, $0xb8;
	[tilespmem:$0x1E480] =	vst v63  }
0x240: {  	_ =	swait.ge [sflag:s10], $0x2800  }
0x241: {  	[sflag:s10] =	ssyncset.done $0x0  }
0x242: {  	[sflag:s10] =	ssyncadd.s32 $0xFFFFD800  }
0x243: {  	_ =	swait.ge [sflag:s16], $0x180  }
0x244: {  	[sflag:s16] =	ssyncset.done $0x0;
	s18 =	rddreg [dreg:$0xf]  }
0x245: {  	s31 =	simm.s32 $0x0;
	[sflag:s16] =	ssyncadd.s32 $0xFFFFFE80;
	s14 =	sadd.s32 s18, s12  }
0x246: {  	[tilespmem:s7], [sflag:$0x9] =	stream.indirect.gather [hbm4b:s1+s29], $0x80, s26, s29, $0xb8;
	[tilespmem:$0x1E480] =	vst v63  }
0x247: {  	v1 =	vmov s31;
	s14 =	sshrl.u32 s14, $0x3  }
0x248: {  	v1 =	vand.u32 $0x7F, v1;
	s14 =	sadd.s32 s5, s14  }
0x249: {  	v1 =	vor.u32 $0x100, v1;
	[tilespmem:s31], [sflag:$0x1] =	stream.linear.gather [hbm4b:s14+s31], $0x180, $0x38;
	[tilespmem:$0x1E480] =	vst v63  }
0x24a: {  	v1 =	vbroadcast v1, $0x0;
	_ =	swait.ge [sflag:s11], $0x2800  }
0x24b: {  	[sflag:s11] =	ssyncset.done $0x0  }
0x24c: {  	s14 =	simm.s32 $0x8440;
	[sflag:s11] =	ssyncadd.s32 $0xFFFFD800  }
0x24d: {  	v5 =	vld [tilespmem:s14+$0x30]  }
0x24e: {  	v8 =	vld [tilespmem:s14+$0x10]  }
0x24f: {  	v6 =	vld [tilespmem:s14+$0xFFFFFFC0]  }
0x250: {  	v2 =	vld.idx.msk [tilespmem:v1+s21+$0x0], $0xffff  }
0x251: {  	v11 =	vld [tilespmem:s14+$0xFFFFFFE0]  }
0x252: {  	v1 =	vld [tilespmem:s14+$0xFFFFFFF0]  }
0x253: {  	v3 =	vld [tilespmem:s14+$0x20]  }
0x254: {  	v4 =	vld [tilespmem:s14+$0xFFFFFFD0]  }
0x255: {  	v9 =	vmul.f32 v2, v5;
	v5 =	vld [tilespmem:s14+$0x0]  }
0x256: {  	s31 =	simm.s32 $0x1;
	v7 =	vmul.f32 v2, v6  }
0x257: {  	s28 =	simm.s32 $0x2;
	s18 =	simm.s32 $0x8440;
	v10 =	vmov s31;
	v6 =	vmul.f32 v2, v11;
	v8 =	vmul.f32 v2, v8  }
.LBB2_20:
0x258: {  	p1 =	sne.s32 s28, $0x4F  }
0x259: {  	v10 =	vand.u32 $0x7F, v10;
	v4 =	vmul.f32 v2, v4;
	v3 =	vmul.f32 v2, v3;
	[tilespmem:s14+$0x30] =	vst v9;
	s18 =	sadd.s32 $0x80, s18;
	s31 =	smov.u32 s28;
	s28 =	sadd.s32 $0x1, s28  }
0x25a: {  	v9 =	vor.u32 $0x100, v10;
	[tilespmem:s14+$0xFFFFFFC0] =	vst v7;
	v7 =	vmul.f32 v2, v1;
	v2 =	vmul.f32 v2, v5  }
0x25b: {  	v5 =	vbroadcast v9, $0x0;
	[tilespmem:s14+$0x10] =	vst v8  }
0x25c: {  	[tilespmem:s14+$0xFFFFFFE0] =	vst v6  }
0x25d: {  	v1 =	vld [tilespmem:s18+$0xFFFFFFF0];
	[tilespmem:s14+$0xFFFFFFF0] =	vst v7  }
0x25e: {  	v6 =	vld [tilespmem:s18+$0x30];
	[tilespmem:s14+$0x0] =	vst v2  }
0x25f: {  	v8 =	vld [tilespmem:s18+$0x10];
	[tilespmem:s14+$0x20] =	vst v3  }
0x260: {  	v7 =	vld [tilespmem:s18+$0xFFFFFFC0];
	[tilespmem:s14+$0xFFFFFFD0] =	vst v4;
	s14 =	smov.u32 s18  }
0x261: {  	v2 =	vld.idx.msk [tilespmem:v5+s21+$0x0], $0xffff  }
0x262: {  	v11 =	vld [tilespmem:s18+$0xFFFFFFE0]  }
0x263: {  	v3 =	vld [tilespmem:s18+$0x20]  }
.Ltmp11:
0x264: {  	v4 =	vld [tilespmem:s18+$0xFFFFFFD0];
	(pc) =	sbr.rel @p1 .LBB2_20-.Ltmp11, $3  }
0x265: {  	v5 =	vld [tilespmem:s18+$0x0];
	_ =	sdelay $0x1  }
0x266: {  	v7 =	vmul.f32 v2, v7;
	v9 =	vmul.f32 v2, v6  }
0x267: {  	v10 =	vmov s31;
	v8 =	vmul.f32 v2, v8;
	v6 =	vmul.f32 v2, v11  }
0x268: {  	[tilespmem:s14+$0xFFFFFFC0] =	vst v7;
	v7 =	vand.u32 $0x7F, v10  }
0x269: {  	[tilespmem:s14+$0x30] =	vst v9;
	v7 =	vor.u32 $0x100, v7  }
0x26a: {  	v1 =	vmul.f32 v2, v1;
	[tilespmem:s14+$0xFFFFFFE0] =	vst v6;
	v6 =	vbroadcast v7, $0x0  }
0x26b: {  	s18 =	sadd.s32 $0x80, s18;
	[tilespmem:s14+$0x10] =	vst v8;
	v5 =	vmul.f32 v2, v5  }
0x26c: {  	v3 =	vmul.f32 v2, v3;
	v7 =	vld [tilespmem:s18+$0xFFFFFFF0];
	[tilespmem:s14+$0xFFFFFFF0] =	vst v1  }
0x26d: {  	v2 =	vmul.f32 v2, v4;
	v1 =	vld [tilespmem:s18+$0x30];
	[tilespmem:s14+$0x0] =	vst v5  }
0x26e: {  	v4 =	vld [tilespmem:s18+$0x10];
	[tilespmem:s14+$0x20] =	vst v3  }
0x26f: {  	v3 =	vld [tilespmem:s18+$0xFFFFFFC0];
	[tilespmem:s14+$0xFFFFFFD0] =	vst v2  }
0x270: {  	v2 =	vld.idx.msk [tilespmem:v6+s21+$0x0], $0xffff;
	_ =	sdelay $0x2  }
0x271: {  	v5 =	vld [tilespmem:s18+$0xFFFFFFE0];
	_ =	sdelay $0x1  }
0x272: {  	v6 =	vld [tilespmem:s18+$0x0];
	v1 =	vmul.f32 v2, v1  }
0x273: {  	v8 =	vld [tilespmem:s18+$0x20];
	v3 =	vmul.f32 v2, v3  }
0x274: {  	v9 =	vld [tilespmem:s18+$0xFFFFFFD0];
	v4 =	vmul.f32 v2, v4;
	[tilespmem:s18+$0x30] =	vst v1  }
0x275: {  	v1 =	vmul.f32 v2, v5;
	[tilespmem:s18+$0xFFFFFFC0] =	vst v3  }
0x276: {  	v3 =	vmul.f32 v2, v7;
	[tilespmem:s18+$0x10] =	vst v4  }
0x277: {  	v4 =	vmul.f32 v2, v6;
	[tilespmem:s18+$0xFFFFFFE0] =	vst v1  }
0x278: {  	v1 =	vmul.f32 v2, v8;
	[tilespmem:s18+$0xFFFFFFF0] =	vst v3  }
0x279: {  	v2 =	vmul.f32 v2, v9;
	[tilespmem:s18+$0x0] =	vst v4  }
0x27a: {  	[tilespmem:s18+$0x20] =	vst v1  }
0x27b: {  	[tilespmem:s18+$0xFFFFFFD0] =	vst v2;
	s18 =	simm.s32 $0x280  }
0x27c: {  	[spmem:s2] =	stream.indirect.scatter.add.f32 [tilespmem:s9], [sflag:$0xE], $0x80, s18, s29, $0xb8;
	[tilespmem:$0x1E480] =	vst v63  }
0x27d: {  	_ =	swait.ge [sflag:s13], $0x2800  }
0x27e: {  	[sflag:s13] =	ssyncset.done $0x0  }
0x27f: {  	s31 =	simm.s32 $0x6;
	[sflag:s13] =	ssyncadd.s32 $0xFFFFD800  }
0x280: {  	_ =	swait.ge [sflag:s31], $0x180  }
0x281: {  	[sflag:s31] =	ssyncset.done $0x0;
	s18 =	rddreg [dreg:$0x10]  }
0x282: {  	[sflag:s31] =	ssyncadd.s32 $0xFFFFFE80;
	s14 =	sadd.s32 s18, s12;
	s31 =	simm.s32 $0x0  }
0x283: {  	[tilespmem:s9], [sflag:$0xA] =	stream.indirect.gather [hbm4b:s1+s29], $0x80, s20, s29, $0xb8;
	[tilespmem:$0x1E480] =	vst v63  }
0x284: {  	s14 =	sshrl.u32 s14, $0x3;
	v1 =	vmov s31  }
0x285: {  	s14 =	sadd.s32 s5, s14;
	v1 =	vand.u32 $0x7F, v1  }
0x286: {  	[tilespmem:s21], [sflag:$0x2] =	stream.linear.gather [hbm4b:s14+s31], $0x180, $0x38;
	v1 =	vor.u32 $0x100, v1;
	[tilespmem:$0x1E480] =	vst v63  }
0x287: {  	_ =	swait.ge [sflag:s8], $0x2800;
	v1 =	vbroadcast v1, $0x0  }
0x288: {  	[sflag:s8] =	ssyncset.done $0x0  }
0x289: {  	s14 =	simm.s32 $0xC40;
	[sflag:s8] =	ssyncadd.s32 $0xFFFFD800  }
0x28a: {  	v5 =	vld [tilespmem:s14+$0x30]  }
0x28b: {  	v8 =	vld [tilespmem:s14+$0x10]  }
0x28c: {  	v6 =	vld [tilespmem:s14+$0xFFFFFFC0]  }
0x28d: {  	v2 =	vld.idx.msk [tilespmem:v1+s24+$0x0], $0xffff  }
0x28e: {  	v11 =	vld [tilespmem:s14+$0xFFFFFFE0]  }
0x28f: {  	v3 =	vld [tilespmem:s14+$0x20]  }
0x290: {  	v4 =	vld [tilespmem:s14+$0xFFFFFFD0]  }
0x291: {  	v1 =	vld [tilespmem:s14+$0xFFFFFFF0]  }
0x292: {  	v9 =	vmul.f32 v2, v5;
	v5 =	vld [tilespmem:s14+$0x0]  }
0x293: {  	s31 =	simm.s32 $0x1;
	v7 =	vmul.f32 v2, v6  }
0x294: {  	s28 =	simm.s32 $0x2;
	s18 =	simm.s32 $0xC40;
	v10 =	vmov s31;
	v6 =	vmul.f32 v2, v11;
	v8 =	vmul.f32 v2, v8  }
.LBB2_22:
0x295: {  	p1 =	sne.s32 s28, $0x4F  }
0x296: {  	v10 =	vand.u32 $0x7F, v10;
	v4 =	vmul.f32 v2, v4;
	v3 =	vmul.f32 v2, v3;
	[tilespmem:s14+$0x30] =	vst v9;
	s18 =	sadd.s32 $0x80, s18;
	s31 =	smov.u32 s28;
	s28 =	sadd.s32 $0x1, s28  }
0x297: {  	v9 =	vor.u32 $0x100, v10;
	[tilespmem:s14+$0xFFFFFFC0] =	vst v7;
	v7 =	vmul.f32 v2, v1;
	v2 =	vmul.f32 v2, v5  }
0x298: {  	v5 =	vbroadcast v9, $0x0;
	[tilespmem:s14+$0x10] =	vst v8  }
0x299: {  	[tilespmem:s14+$0xFFFFFFE0] =	vst v6  }
0x29a: {  	v1 =	vld [tilespmem:s18+$0xFFFFFFF0];
	[tilespmem:s14+$0xFFFFFFF0] =	vst v7  }
0x29b: {  	v6 =	vld [tilespmem:s18+$0x30];
	[tilespmem:s14+$0x0] =	vst v2  }
0x29c: {  	v8 =	vld [tilespmem:s18+$0x10];
	[tilespmem:s14+$0x20] =	vst v3  }
0x29d: {  	v7 =	vld [tilespmem:s18+$0xFFFFFFC0];
	[tilespmem:s14+$0xFFFFFFD0] =	vst v4;
	s14 =	smov.u32 s18  }
0x29e: {  	v2 =	vld.idx.msk [tilespmem:v5+s24+$0x0], $0xffff  }
0x29f: {  	v11 =	vld [tilespmem:s18+$0xFFFFFFE0]  }
0x2a0: {  	v3 =	vld [tilespmem:s18+$0x20]  }
.Ltmp12:
0x2a1: {  	v4 =	vld [tilespmem:s18+$0xFFFFFFD0];
	(pc) =	sbr.rel @p1 .LBB2_22-.Ltmp12, $3  }
0x2a2: {  	v5 =	vld [tilespmem:s18+$0x0];
	_ =	sdelay $0x1  }
0x2a3: {  	v7 =	vmul.f32 v2, v7;
	v9 =	vmul.f32 v2, v6  }
0x2a4: {  	v10 =	vmov s31;
	v8 =	vmul.f32 v2, v8;
	v6 =	vmul.f32 v2, v11  }
0x2a5: {  	[tilespmem:s14+$0xFFFFFFC0] =	vst v7;
	v7 =	vand.u32 $0x7F, v10  }
0x2a6: {  	[tilespmem:s14+$0x30] =	vst v9;
	v7 =	vor.u32 $0x100, v7  }
0x2a7: {  	v1 =	vmul.f32 v2, v1;
	[tilespmem:s14+$0xFFFFFFE0] =	vst v6;
	v6 =	vbroadcast v7, $0x0  }
0x2a8: {  	s18 =	sadd.s32 $0x80, s18;
	[tilespmem:s14+$0x10] =	vst v8;
	v5 =	vmul.f32 v2, v5  }
0x2a9: {  	v3 =	vmul.f32 v2, v3;
	v7 =	vld [tilespmem:s18+$0xFFFFFFF0];
	[tilespmem:s14+$0xFFFFFFF0] =	vst v1  }
0x2aa: {  	v2 =	vmul.f32 v2, v4;
	v1 =	vld [tilespmem:s18+$0x30];
	[tilespmem:s14+$0x0] =	vst v5  }
0x2ab: {  	v4 =	vld [tilespmem:s18+$0x10];
	[tilespmem:s14+$0x20] =	vst v3  }
0x2ac: {  	v3 =	vld [tilespmem:s18+$0xFFFFFFC0];
	[tilespmem:s14+$0xFFFFFFD0] =	vst v2  }
0x2ad: {  	v2 =	vld.idx.msk [tilespmem:v6+s24+$0x0], $0xffff;
	_ =	sdelay $0x2  }
0x2ae: {  	v5 =	vld [tilespmem:s18+$0xFFFFFFE0];
	_ =	sdelay $0x1  }
0x2af: {  	v6 =	vld [tilespmem:s18+$0x0];
	v1 =	vmul.f32 v2, v1  }
0x2b0: {  	v8 =	vld [tilespmem:s18+$0x20];
	v3 =	vmul.f32 v2, v3  }
0x2b1: {  	v9 =	vld [tilespmem:s18+$0xFFFFFFD0];
	v4 =	vmul.f32 v2, v4;
	[tilespmem:s18+$0x30] =	vst v1  }
0x2b2: {  	v1 =	vmul.f32 v2, v5;
	[tilespmem:s18+$0xFFFFFFC0] =	vst v3  }
0x2b3: {  	v3 =	vmul.f32 v2, v7;
	[tilespmem:s18+$0x10] =	vst v4  }
0x2b4: {  	v4 =	vmul.f32 v2, v6;
	[tilespmem:s18+$0xFFFFFFE0] =	vst v1  }
0x2b5: {  	v1 =	vmul.f32 v2, v8;
	[tilespmem:s18+$0xFFFFFFF0] =	vst v3  }
0x2b6: {  	v2 =	vmul.f32 v2, v9;
	[tilespmem:s18+$0x0] =	vst v4  }
0x2b7: {  	[tilespmem:s18+$0x20] =	vst v1  }
0x2b8: {  	s31 =	simm.s32 $0x480;
	[tilespmem:s18+$0xFFFFFFD0] =	vst v2  }
0x2b9: {  	[spmem:s2] =	stream.indirect.scatter.add.f32 [tilespmem:s30], [sflag:$0xB], $0x80, s31, s29, $0xb8;
	[tilespmem:$0x1E480] =	vst v63  }
0x2ba: {  	_ =	swait.ge [sflag:s15], $0x2800  }
0x2bb: {  	[sflag:s15] =	ssyncset.done $0x0  }
0x2bc: {  	s18 =	simm.s32 $0x1;
	[sflag:s15] =	ssyncadd.s32 $0xFFFFD800  }
0x2bd: {  	_ =	swait.ge [sflag:s18], $0x180  }
0x2be: {  	[sflag:s18] =	ssyncset.done $0x0;
	s31 =	rddreg [dreg:$0x11]  }
0x2bf: {  	s14 =	simm.s32 $0x0;
	[sflag:s18] =	ssyncadd.s32 $0xFFFFFE80;
	s18 =	sadd.s32 s31, s12  }
0x2c0: {  	[tilespmem:s30], [sflag:$0x7] =	stream.indirect.gather [hbm4b:s1+s29], $0x80, s14, s29, $0xb8;
	[tilespmem:$0x1E480] =	vst v63  }
0x2c1: {  	v1 =	vmov s14;
	s18 =	sshrl.u32 s18, $0x3  }
0x2c2: {  	v1 =	vand.u32 $0x7F, v1;
	s18 =	sadd.s32 s5, s18  }
0x2c3: {  	v1 =	vor.u32 $0x100, v1;
	[tilespmem:s24], [sflag:$0x3] =	stream.linear.gather [hbm4b:s18+s14], $0x180, $0x38;
	[tilespmem:$0x1E480] =	vst v63  }
0x2c4: {  	v1 =	vbroadcast v1, $0x0;
	_ =	swait.ge [sflag:s17], $0x2800  }
0x2c5: {  	[sflag:s17] =	ssyncset.done $0x0  }
0x2c6: {  	s14 =	simm.s32 $0x3440;
	[sflag:s17] =	ssyncadd.s32 $0xFFFFD800  }
0x2c7: {  	v5 =	vld [tilespmem:s14+$0x30]  }
0x2c8: {  	v8 =	vld [tilespmem:s14+$0x10]  }
0x2c9: {  	v6 =	vld [tilespmem:s14+$0xFFFFFFC0]  }
0x2ca: {  	v2 =	vld.idx.msk [tilespmem:v1+s25+$0x0], $0xffff  }
0x2cb: {  	v11 =	vld [tilespmem:s14+$0xFFFFFFE0]  }
0x2cc: {  	v1 =	vld [tilespmem:s14+$0xFFFFFFF0]  }
0x2cd: {  	v3 =	vld [tilespmem:s14+$0x20]  }
0x2ce: {  	v4 =	vld [tilespmem:s14+$0xFFFFFFD0]  }
0x2cf: {  	v9 =	vmul.f32 v2, v5;
	v5 =	vld [tilespmem:s14+$0x0]  }
0x2d0: {  	s31 =	simm.s32 $0x1;
	v7 =	vmul.f32 v2, v6  }
0x2d1: {  	s28 =	simm.s32 $0x2;
	v10 =	vmov s31;
	s18 =	simm.s32 $0x3440;
	v6 =	vmul.f32 v2, v11;
	v8 =	vmul.f32 v2, v8  }
.LBB2_24:
0x2d2: {  	p1 =	sne.s32 s28, $0x4F  }
0x2d3: {  	v10 =	vand.u32 $0x7F, v10;
	v4 =	vmul.f32 v2, v4;
	v3 =	vmul.f32 v2, v3;
	[tilespmem:s14+$0x30] =	vst v9;
	s18 =	sadd.s32 $0x80, s18;
	s31 =	smov.u32 s28;
	s28 =	sadd.s32 $0x1, s28  }
0x2d4: {  	v9 =	vor.u32 $0x100, v10;
	[tilespmem:s14+$0xFFFFFFC0] =	vst v7;
	v7 =	vmul.f32 v2, v1;
	v2 =	vmul.f32 v2, v5  }
0x2d5: {  	v5 =	vbroadcast v9, $0x0;
	[tilespmem:s14+$0x10] =	vst v8  }
0x2d6: {  	[tilespmem:s14+$0xFFFFFFE0] =	vst v6  }
0x2d7: {  	v1 =	vld [tilespmem:s18+$0xFFFFFFF0];
	[tilespmem:s14+$0xFFFFFFF0] =	vst v7  }
0x2d8: {  	v6 =	vld [tilespmem:s18+$0x30];
	[tilespmem:s14+$0x0] =	vst v2  }
0x2d9: {  	v8 =	vld [tilespmem:s18+$0x10];
	[tilespmem:s14+$0x20] =	vst v3  }
0x2da: {  	v7 =	vld [tilespmem:s18+$0xFFFFFFC0];
	[tilespmem:s14+$0xFFFFFFD0] =	vst v4;
	s14 =	smov.u32 s18  }
0x2db: {  	v2 =	vld.idx.msk [tilespmem:v5+s25+$0x0], $0xffff  }
0x2dc: {  	v11 =	vld [tilespmem:s18+$0xFFFFFFE0]  }
0x2dd: {  	v3 =	vld [tilespmem:s18+$0x20]  }
.Ltmp13:
0x2de: {  	v4 =	vld [tilespmem:s18+$0xFFFFFFD0];
	(pc) =	sbr.rel @p1 .LBB2_24-.Ltmp13, $3  }
0x2df: {  	v5 =	vld [tilespmem:s18+$0x0];
	_ =	sdelay $0x1  }
0x2e0: {  	v7 =	vmul.f32 v2, v7;
	v9 =	vmul.f32 v2, v6  }
0x2e1: {  	v10 =	vmov s31;
	v8 =	vmul.f32 v2, v8;
	v6 =	vmul.f32 v2, v11  }
0x2e2: {  	[tilespmem:s14+$0xFFFFFFC0] =	vst v7;
	v7 =	vand.u32 $0x7F, v10  }
0x2e3: {  	[tilespmem:s14+$0x30] =	vst v9;
	v7 =	vor.u32 $0x100, v7  }
0x2e4: {  	v1 =	vmul.f32 v2, v1;
	[tilespmem:s14+$0xFFFFFFE0] =	vst v6;
	v6 =	vbroadcast v7, $0x0  }
0x2e5: {  	s18 =	sadd.s32 $0x80, s18;
	[tilespmem:s14+$0x10] =	vst v8;
	v5 =	vmul.f32 v2, v5  }
0x2e6: {  	v3 =	vmul.f32 v2, v3;
	v7 =	vld [tilespmem:s18+$0xFFFFFFF0];
	[tilespmem:s14+$0xFFFFFFF0] =	vst v1  }
0x2e7: {  	v2 =	vmul.f32 v2, v4;
	v1 =	vld [tilespmem:s18+$0x30];
	[tilespmem:s14+$0x0] =	vst v5  }
0x2e8: {  	v4 =	vld [tilespmem:s18+$0x10];
	[tilespmem:s14+$0x20] =	vst v3  }
0x2e9: {  	v3 =	vld [tilespmem:s18+$0xFFFFFFC0];
	[tilespmem:s14+$0xFFFFFFD0] =	vst v2  }
0x2ea: {  	v2 =	vld.idx.msk [tilespmem:v6+s25+$0x0], $0xffff;
	_ =	sdelay $0x2  }
0x2eb: {  	v5 =	vld [tilespmem:s18+$0xFFFFFFE0];
	_ =	sdelay $0x1  }
0x2ec: {  	v6 =	vld [tilespmem:s18+$0x0];
	v1 =	vmul.f32 v2, v1  }
0x2ed: {  	v8 =	vld [tilespmem:s18+$0x20];
	v3 =	vmul.f32 v2, v3  }
0x2ee: {  	v9 =	vld [tilespmem:s18+$0xFFFFFFD0];
	v4 =	vmul.f32 v2, v4;
	[tilespmem:s18+$0x30] =	vst v1  }
0x2ef: {  	v1 =	vmul.f32 v2, v5;
	[tilespmem:s18+$0xFFFFFFC0] =	vst v3  }
0x2f0: {  	v3 =	vmul.f32 v2, v7;
	[tilespmem:s18+$0x10] =	vst v4  }
0x2f1: {  	v4 =	vmul.f32 v2, v6;
	[tilespmem:s18+$0xFFFFFFE0] =	vst v1  }
0x2f2: {  	v1 =	vmul.f32 v2, v8;
	[tilespmem:s18+$0xFFFFFFF0] =	vst v3  }
0x2f3: {  	v2 =	vmul.f32 v2, v9;
	[tilespmem:s18+$0x0] =	vst v4  }
0x2f4: {  	[tilespmem:s18+$0x20] =	vst v1  }
0x2f5: {  	[tilespmem:s18+$0xFFFFFFD0] =	vst v2;
	s18 =	simm.s32 $0x680  }
0x2f6: {  	[spmem:s2] =	stream.indirect.scatter.add.f32 [tilespmem:s0], [sflag:$0xC], $0x80, s18, s29, $0xb8;
	[tilespmem:$0x1E480] =	vst v63  }
0x2f7: {  	_ =	swait.ge [sflag:s19], $0x2800  }
0x2f8: {  	[sflag:s19] =	ssyncset.done $0x0  }
0x2f9: {  	s31 =	simm.s32 $0x2;
	[sflag:s19] =	ssyncadd.s32 $0xFFFFD800  }
0x2fa: {  	_ =	swait.ge [sflag:s31], $0x180  }
0x2fb: {  	[sflag:s31] =	ssyncset.done $0x0;
	s18 =	rddreg [dreg:$0x14]  }
0x2fc: {  	[sflag:s31] =	ssyncadd.s32 $0xFFFFFE80;
	s14 =	sadd.s32 s18, s12;
	s31 =	simm.s32 $0x0  }
0x2fd: {  	[tilespmem:s0], [sflag:$0x8] =	stream.indirect.gather [hbm4b:s1+s29], $0x80, s21, s29, $0xb8;
	[tilespmem:$0x1E480] =	vst v63  }
0x2fe: {  	s14 =	sshrl.u32 s14, $0x3;
	v1 =	vmov s31  }
0x2ff: {  	s14 =	sadd.s32 s5, s14;
	v1 =	vand.u32 $0x7F, v1  }
0x300: {  	[tilespmem:s25], [sflag:$0x4] =	stream.linear.gather [hbm4b:s14+s31], $0x180, $0x38;
	v1 =	vor.u32 $0x100, v1;
	[tilespmem:$0x1E480] =	vst v63  }
0x301: {  	_ =	swait.ge [sflag:s22], $0x2800;
	v1 =	vbroadcast v1, $0x0  }
0x302: {  	[sflag:s22] =	ssyncset.done $0x0  }
0x303: {  	s14 =	simm.s32 $0x5C40;
	[sflag:s22] =	ssyncadd.s32 $0xFFFFD800  }
0x304: {  	v5 =	vld [tilespmem:s14+$0x30]  }
0x305: {  	v8 =	vld [tilespmem:s14+$0x10]  }
0x306: {  	v6 =	vld [tilespmem:s14+$0xFFFFFFC0]  }
0x307: {  	v2 =	vld.idx.msk [tilespmem:v1+s26+$0x0], $0xffff  }
0x308: {  	v11 =	vld [tilespmem:s14+$0xFFFFFFE0]  }
0x309: {  	v3 =	vld [tilespmem:s14+$0x20]  }
0x30a: {  	v4 =	vld [tilespmem:s14+$0xFFFFFFD0]  }
0x30b: {  	v1 =	vld [tilespmem:s14+$0xFFFFFFF0]  }
0x30c: {  	v9 =	vmul.f32 v2, v5;
	v5 =	vld [tilespmem:s14+$0x0]  }
0x30d: {  	s31 =	simm.s32 $0x1;
	v7 =	vmul.f32 v2, v6  }
0x30e: {  	s28 =	simm.s32 $0x2;
	s18 =	simm.s32 $0x5C40;
	v10 =	vmov s31;
	v6 =	vmul.f32 v2, v11;
	v8 =	vmul.f32 v2, v8  }
.LBB2_26:
0x30f: {  	p1 =	sne.s32 s28, $0x4F  }
0x310: {  	v10 =	vand.u32 $0x7F, v10;
	v4 =	vmul.f32 v2, v4;
	v3 =	vmul.f32 v2, v3;
	[tilespmem:s14+$0x30] =	vst v9;
	s18 =	sadd.s32 $0x80, s18;
	s31 =	smov.u32 s28;
	s28 =	sadd.s32 $0x1, s28  }
0x311: {  	v9 =	vor.u32 $0x100, v10;
	[tilespmem:s14+$0xFFFFFFC0] =	vst v7;
	v7 =	vmul.f32 v2, v1;
	v2 =	vmul.f32 v2, v5  }
0x312: {  	v5 =	vbroadcast v9, $0x0;
	[tilespmem:s14+$0x10] =	vst v8  }
0x313: {  	[tilespmem:s14+$0xFFFFFFE0] =	vst v6  }
0x314: {  	v1 =	vld [tilespmem:s18+$0xFFFFFFF0];
	[tilespmem:s14+$0xFFFFFFF0] =	vst v7  }
0x315: {  	v6 =	vld [tilespmem:s18+$0x30];
	[tilespmem:s14+$0x0] =	vst v2  }
0x316: {  	v8 =	vld [tilespmem:s18+$0x10];
	[tilespmem:s14+$0x20] =	vst v3  }
0x317: {  	v7 =	vld [tilespmem:s18+$0xFFFFFFC0];
	[tilespmem:s14+$0xFFFFFFD0] =	vst v4;
	s14 =	smov.u32 s18  }
0x318: {  	v2 =	vld.idx.msk [tilespmem:v5+s26+$0x0], $0xffff  }
0x319: {  	v11 =	vld [tilespmem:s18+$0xFFFFFFE0]  }
0x31a: {  	v3 =	vld [tilespmem:s18+$0x20]  }
.Ltmp14:
0x31b: {  	v4 =	vld [tilespmem:s18+$0xFFFFFFD0];
	(pc) =	sbr.rel @p1 .LBB2_26-.Ltmp14, $3  }
0x31c: {  	v5 =	vld [tilespmem:s18+$0x0];
	_ =	sdelay $0x1  }
0x31d: {  	v7 =	vmul.f32 v2, v7;
	v9 =	vmul.f32 v2, v6  }
0x31e: {  	v10 =	vmov s31;
	v8 =	vmul.f32 v2, v8;
	v6 =	vmul.f32 v2, v11  }
0x31f: {  	[tilespmem:s14+$0xFFFFFFC0] =	vst v7;
	v7 =	vand.u32 $0x7F, v10  }
0x320: {  	[tilespmem:s14+$0x30] =	vst v9;
	v7 =	vor.u32 $0x100, v7  }
0x321: {  	v1 =	vmul.f32 v2, v1;
	[tilespmem:s14+$0xFFFFFFE0] =	vst v6;
	v6 =	vbroadcast v7, $0x0  }
0x322: {  	s18 =	sadd.s32 $0x80, s18;
	[tilespmem:s14+$0x10] =	vst v8;
	v5 =	vmul.f32 v2, v5  }
0x323: {  	v3 =	vmul.f32 v2, v3;
	v7 =	vld [tilespmem:s18+$0xFFFFFFF0];
	[tilespmem:s14+$0xFFFFFFF0] =	vst v1  }
0x324: {  	v2 =	vmul.f32 v2, v4;
	v1 =	vld [tilespmem:s18+$0x30];
	[tilespmem:s14+$0x0] =	vst v5  }
0x325: {  	v4 =	vld [tilespmem:s18+$0x10];
	[tilespmem:s14+$0x20] =	vst v3  }
0x326: {  	v3 =	vld [tilespmem:s18+$0xFFFFFFC0];
	[tilespmem:s14+$0xFFFFFFD0] =	vst v2  }
0x327: {  	v2 =	vld.idx.msk [tilespmem:v6+s26+$0x0], $0xffff;
	_ =	sdelay $0x2  }
0x328: {  	v5 =	vld [tilespmem:s18+$0xFFFFFFE0];
	_ =	sdelay $0x1  }
0x329: {  	v6 =	vld [tilespmem:s18+$0x0];
	v1 =	vmul.f32 v2, v1  }
0x32a: {  	v8 =	vld [tilespmem:s18+$0x20];
	v3 =	vmul.f32 v2, v3  }
0x32b: {  	v9 =	vld [tilespmem:s18+$0xFFFFFFD0];
	v4 =	vmul.f32 v2, v4;
	[tilespmem:s18+$0x30] =	vst v1  }
0x32c: {  	v1 =	vmul.f32 v2, v5;
	[tilespmem:s18+$0xFFFFFFC0] =	vst v3  }
0x32d: {  	v3 =	vmul.f32 v2, v7;
	[tilespmem:s18+$0x10] =	vst v4  }
0x32e: {  	v4 =	vmul.f32 v2, v6;
	[tilespmem:s18+$0xFFFFFFE0] =	vst v1  }
0x32f: {  	v1 =	vmul.f32 v2, v8;
	[tilespmem:s18+$0xFFFFFFF0] =	vst v3  }
0x330: {  	v2 =	vmul.f32 v2, v9;
	[tilespmem:s18+$0x0] =	vst v4  }
0x331: {  	[tilespmem:s18+$0x20] =	vst v1  }
0x332: {  	s31 =	simm.s32 $0x880;
	[tilespmem:s18+$0xFFFFFFD0] =	vst v2  }
0x333: {  	[spmem:s2] =	stream.indirect.scatter.add.f32 [tilespmem:s7], [sflag:$0xD], $0x80, s31, s29, $0xb8;
	[tilespmem:$0x1E480] =	vst v63  }
0x334: {  	_ =	swait.ge [sflag:s10], $0x2800  }
0x335: {  	[sflag:s10] =	ssyncset.done $0x0  }
0x336: {  	[sflag:s10] =	ssyncadd.s32 $0xFFFFD800  }
0x337: {  	_ =	swait.ge [sflag:s4], $0x180  }
0x338: {  	[sflag:s4] =	ssyncset.done $0x0;
	s18 =	rddreg [dreg:$0x15]  }
0x339: {  	s28 =	simm.s32 $0x0;
	[sflag:s4] =	ssyncadd.s32 $0xFFFFFE80;
	s12 =	sadd.s32 s18, s12  }
0x33a: {  	[tilespmem:s7], [sflag:$0x9] =	stream.indirect.gather [hbm4b:s1+s29], $0x80, s24, s29, $0xb8;
	[tilespmem:$0x1E480] =	vst v63  }
0x33b: {  	v1 =	vmov s28;
	s12 =	sshrl.u32 s12, $0x3  }
0x33c: {  	v1 =	vand.u32 $0x7F, v1;
	s12 =	sadd.s32 s5, s12  }
0x33d: {  	v1 =	vor.u32 $0x100, v1;
	[tilespmem:s26], [sflag:$0x5] =	stream.linear.gather [hbm4b:s12+s28], $0x180, $0x38;
	[tilespmem:$0x1E480] =	vst v63  }
0x33e: {  	v1 =	vbroadcast v1, $0x0;
	_ =	swait.ge [sflag:s11], $0x2800  }
0x33f: {  	[sflag:s11] =	ssyncset.done $0x0  }
0x340: {  	s12 =	simm.s32 $0x8440;
	[sflag:s11] =	ssyncadd.s32 $0xFFFFD800  }
0x341: {  	v5 =	vld [tilespmem:s12+$0x30]  }
0x342: {  	v8 =	vld [tilespmem:s12+$0x10]  }
0x343: {  	v6 =	vld [tilespmem:s12+$0xFFFFFFC0]  }
0x344: {  	v2 =	vld.idx.msk [tilespmem:v1+s20+$0x0], $0xffff  }
0x345: {  	v11 =	vld [tilespmem:s12+$0xFFFFFFE0]  }
0x346: {  	v1 =	vld [tilespmem:s12+$0xFFFFFFF0]  }
0x347: {  	v3 =	vld [tilespmem:s12+$0x20]  }
0x348: {  	v4 =	vld [tilespmem:s12+$0xFFFFFFD0]  }
0x349: {  	v9 =	vmul.f32 v2, v5;
	v5 =	vld [tilespmem:s12+$0x0]  }
0x34a: {  	s31 =	simm.s32 $0x1;
	v7 =	vmul.f32 v2, v6  }
0x34b: {  	s14 =	simm.s32 $0x8440;
	v10 =	vmov s31;
	s18 =	simm.s32 $0x2;
	v6 =	vmul.f32 v2, v11;
	v8 =	vmul.f32 v2, v8  }
.LBB2_28:
0x34c: {  	p1 =	sne.s32 s18, $0x4F  }
0x34d: {  	v10 =	vand.u32 $0x7F, v10;
	v4 =	vmul.f32 v2, v4;
	v3 =	vmul.f32 v2, v3;
	[tilespmem:s12+$0x30] =	vst v9;
	s14 =	sadd.s32 $0x80, s14;
	s28 =	smov.u32 s18;
	s18 =	sadd.s32 $0x1, s18  }
0x34e: {  	v9 =	vor.u32 $0x100, v10;
	[tilespmem:s12+$0xFFFFFFC0] =	vst v7;
	v7 =	vmul.f32 v2, v1;
	v2 =	vmul.f32 v2, v5  }
0x34f: {  	v5 =	vbroadcast v9, $0x0;
	[tilespmem:s12+$0x10] =	vst v8  }
0x350: {  	[tilespmem:s12+$0xFFFFFFE0] =	vst v6  }
0x351: {  	v1 =	vld [tilespmem:s14+$0xFFFFFFF0];
	[tilespmem:s12+$0xFFFFFFF0] =	vst v7  }
0x352: {  	v6 =	vld [tilespmem:s14+$0x30];
	[tilespmem:s12+$0x0] =	vst v2  }
0x353: {  	v8 =	vld [tilespmem:s14+$0x10];
	[tilespmem:s12+$0x20] =	vst v3  }
0x354: {  	v7 =	vld [tilespmem:s14+$0xFFFFFFC0];
	[tilespmem:s12+$0xFFFFFFD0] =	vst v4;
	s12 =	smov.u32 s14  }
0x355: {  	v2 =	vld.idx.msk [tilespmem:v5+s20+$0x0], $0xffff  }
0x356: {  	v11 =	vld [tilespmem:s14+$0xFFFFFFE0]  }
0x357: {  	v3 =	vld [tilespmem:s14+$0x20]  }
.Ltmp15:
0x358: {  	v4 =	vld [tilespmem:s14+$0xFFFFFFD0];
	(pc) =	sbr.rel @p1 .LBB2_28-.Ltmp15, $3  }
0x359: {  	v5 =	vld [tilespmem:s14+$0x0];
	_ =	sdelay $0x1  }
0x35a: {  	v7 =	vmul.f32 v2, v7;
	v9 =	vmul.f32 v2, v6  }
0x35b: {  	v10 =	vmov s28;
	v8 =	vmul.f32 v2, v8;
	v6 =	vmul.f32 v2, v11  }
0x35c: {  	[tilespmem:s12+$0x30] =	vst v9;
	v57 =	vand.u32 $0x7F, v10  }
0x35d: {  	[tilespmem:s12+$0xFFFFFFC0] =	vst v7;
	v7 =	vor.u32 $0x100, v57  }
0x35e: {  	v1 =	vmul.f32 v2, v1;
	[tilespmem:s12+$0x10] =	vst v8;
	v58 =	vbroadcast v7, $0x0  }
0x35f: {  	s14 =	sadd.s32 $0x80, s14;
	[tilespmem:s12+$0xFFFFFFE0] =	vst v6;
	v5 =	vmul.f32 v2, v5  }
0x360: {  	v3 =	vmul.f32 v2, v3;
	v59 =	vld [tilespmem:s14+$0xFFFFFFF0];
	[tilespmem:s12+$0xFFFFFFF0] =	vst v1  }
0x361: {  	v2 =	vmul.f32 v2, v4;
	v1 =	vld [tilespmem:s14+$0x30];
	[tilespmem:s12+$0x0] =	vst v5  }
0x362: {  	v60 =	vld [tilespmem:s14+$0x10];
	[tilespmem:s12+$0x20] =	vst v3  }
0x363: {  	v3 =	vld [tilespmem:s14+$0xFFFFFFC0];
	[tilespmem:s12+$0xFFFFFFD0] =	vst v2  }
0x364: {  	v2 =	vld.idx.msk [tilespmem:v58+s20+$0x0], $0xffff;
	_ =	sdelay $0x2  }
0x365: {  	v61 =	vld [tilespmem:s14+$0x0]  }
0x366: {  	v5 =	vld [tilespmem:s14+$0xFFFFFFE0]  }
0x367: {  	v1 =	vmul.f32 v2, v1  }
0x368: {  	v8 =	vld [tilespmem:s14+$0x20];
	v3 =	vmul.f32 v2, v3  }
0x369: {  	v62 =	vld [tilespmem:s14+$0xFFFFFFD0];
	v4 =	vmul.f32 v2, v60;
	[tilespmem:s14+$0x30] =	vst v1  }
0x36a: {  	v63 =	vmul.f32 v2, v61;
	[tilespmem:s14+$0xFFFFFFC0] =	vst v3  }
0x36b: {  	v1 =	vmul.f32 v2, v5;
	[tilespmem:s14+$0x10] =	vst v4  }
0x36c: {  	v3 =	vmul.f32 v2, v59;
	[tilespmem:s14+$0x0] =	vst v63  }
.Ltmp16:
0x36d: {  	[tilespmem:s14+$0xFFFFFFE0] =	vst v1;
	v1 =	vmul.f32 v2, v8;
	(pc) =	sbr.rel .LBB2_4-.Ltmp16, $4  }
0x36e: {  	[tilespmem:s14+$0xFFFFFFF0] =	vst v3;
	v2 =	vmul.f32 v2, v62  }
0x36f: {  	[tilespmem:s14+$0x20] =	vst v1  }
0x370: {  	s31 =	simm.s32 $0xA80;
	s23 =	sadd.s32 $0x1, s23;
	[tilespmem:s14+$0xFFFFFFD0] =	vst v2  }
0x371: {  	[spmem:s2] =	stream.indirect.scatter.add.f32 [tilespmem:s9], [sflag:$0xE], $0x80, s31, s29, $0xb8;
	[tilespmem:$0x1E480] =	vst v63  }
.LBB2_31:
0x372: {  	_ =	sfence.sel $0x180000  }
0x373: {  	[bflag:$0x0] =	sbarrier.arrive $0xFFFF  }
0x374: {  	_ =	strace $0x90000047  }
0x375: {  	s0 =	stileid.u32;
	[bflag:$0x2] =	sbarrier.arrive $0xFFFF  }
0x376: {  	p0 =	sne.s32 s0, $0x0;
	s0 =	rddreg [dreg:$0x3]  }
0x377: {  	s0 =	sadd.s32 @!p0 $0x100000, s0  }
0x378: {  	[sflag:s0] =	ssyncadd.tile.s32 @!p0 $0x1;
	_ =	shalt  }
.Lfunc_end2:
_tile_overlayer_lowered:
.L_overlay_start_2:
0x379: {  	(tag) =	ssettag $0x2  }
0x37a: {  	s0 =	rddreg [dreg:$0x0];
	s2 =	stileid.u32  }
0x37b: {  	s1 =	rddreg [dreg:$0x1];
	p0 =	sne.s32 s2, $0x0  }
0x37c: {  	s3 =	rddreg [dreg:$0x2];
	[bflag:$0x3] =	sbarrier.arrive $0xFFFF;
	s2 =	simm.s32 @!p0 $0x1C0F  }
0x37d: {  	[timem:s3], [sflag:s2] =	dma.local @!p0 [hbm:s0], s1  }
0x37e: {  	s0 =	simm.s32 @!p0 $0xF  }
0x37f: {  	_ =	swait.ge @!p0 [sflag:s0], s1  }
0x380: {  	s1 =	ssub.s32 @!p0 $0x0, s1;
	[sflag:s0] =	ssyncset.done @!p0 $0x0  }
0x381: {  	[sflag:s0] =	ssyncadd.s32 @!p0 s1  }
0x382: {  	[bflag:$0x3] =	sbarrier.arrive $0xFFFF  }
0x383: {  	_ =	shalt  }

</sc_bundles>
